<compile_context>
chip_gen: v7x
topology: tpu7x:2x2x1
jax: 0.10.2.dev20260603
libtpu: 0.0.44.dev20260713+nightly
codegen_flags: <defaults>
</compile_context>

<pallas_src>
import jax
import jax.numpy as jnp
from jax import lax
from jax.experimental import pallas as pl
from jax.experimental.pallas import tpu as pltpu
from jax.experimental.pallas import tpu_sc as plsc

NC = 2
NS = 16
NW = NC * NS

CHUNK = 64
N_PAD = 10112
ROWS_PER_TILE = N_PAD // NS

NBUF = 4
PHASE = 40
Q_BIG = 160
Q_SMALL = 152
N_BIG = 17


def _prenorm_body(feat_ref, onorm_ref, o_ref):
    o_ref[...] = feat_ref[...] / onorm_ref[...]


def _postnorm_matmul_body(parts_ref, inorm_ref, w_ref, b_ref, o_ref):
    n = o_ref.shape[0]
    h2 = (parts_ref[0, :n, :] + parts_ref[1, :n, :]) / inorm_ref[...]
    o_ref[...] = jax.lax.dot_general(
        h2, w_ref[...], (((1,), (1,)), ((), ())),
        preferred_element_type=jnp.float32) + b_ref[...]


def _edge_agg_body(src_hbm, dst_hbm, hp_hbm, zero_hbm,
                   part_hbm, src_v, dst_v, rows_v, agg_sh, *sems):
    c = lax.axis_index("c")
    s = lax.axis_index("s")
    w = c * NS + s

    t0 = s * ROWS_PER_TILE
    pltpu.sync_copy(zero_hbm, agg_sh.at[pl.ds(t0, ROWS_PER_TILE)])

    def pipeline(start, q):
        pltpu.sync_copy(src_hbm.at[pl.ds(start, q)], src_v.at[pl.ds(0, q)])
        pltpu.sync_copy(dst_hbm.at[pl.ds(start, q)], dst_v.at[pl.ds(0, q)])

        for b in range(NBUF):
            pltpu.async_copy(hp_hbm.at[src_v.at[b]], rows_v.at[b], sems[b])

        def body(i, carry):
            j = i * NBUF
            for b in range(NBUF):
                m = j + b
                pltpu.make_async_copy(hp_hbm.at[src_v.at[m]], rows_v.at[b],
                                      sems[b]).wait()
                pltpu.sync_copy(rows_v.at[b], agg_sh.at[dst_v.at[m]],
                                add=True)
                nm = m + NBUF

                @pl.when(nm < q)
                def _():
                    pltpu.async_copy(hp_hbm.at[src_v.at[nm]], rows_v.at[b],
                                     sems[b])
            return carry

        lax.fori_loop(0, q // NBUF, body, 0)

    def process(start, q_total):
        for p in range(0, q_total, PHASE):
            pipeline(start + p, min(PHASE, q_total - p))

    @pl.when(w < N_BIG)
    def _():
        process(w * Q_BIG, Q_BIG)

    @pl.when(w >= N_BIG)
    def _():
        process(N_BIG * Q_BIG + (w - N_BIG) * Q_SMALL, Q_SMALL)

    plsc.subcore_barrier()
    pltpu.sync_copy(agg_sh.at[pl.ds(t0, ROWS_PER_TILE)],
                    part_hbm.at[c, pl.ds(t0, ROWS_PER_TILE)])


def _edge_aggregate(src2, dst2, hp, zero):
    mesh = plsc.VectorSubcoreMesh(core_axis_name="c", subcore_axis_name="s")
    return pl.kernel(
        _edge_agg_body,
        out_type=jax.ShapeDtypeStruct((NC, N_PAD, 128), jnp.float32),
        mesh=mesh,
        scratch_types=[
            pltpu.VMEM((PHASE, CHUNK), jnp.int32),
            pltpu.VMEM((PHASE, CHUNK), jnp.int32),
            pltpu.VMEM((NBUF, CHUNK, 128), jnp.float32),
            pltpu.VMEM_SHARED((N_PAD, 128), jnp.float32),
        ] + [pltpu.SemaphoreType.DMA] * NBUF,
    )(src2, dst2, hp, zero)


@jax.jit
def kernel(feat, edge_index, in_norm, out_norm, W, b):
    n, d_in = feat.shape
    e = edge_index.shape[1]

    src2 = edge_index[0].reshape(-1, CHUNK)
    dst2 = edge_index[1].reshape(-1, CHUNK)

    zero = jnp.zeros((ROWS_PER_TILE, 128), jnp.float32)

    hp = pl.pallas_call(
        _prenorm_body,
        out_shape=jax.ShapeDtypeStruct((n, 128), jnp.float32),
    )(feat, out_norm[:, None])

    parts = _edge_aggregate(src2, dst2, hp, zero)

    out = pl.pallas_call(
        _postnorm_matmul_body,
        out_shape=jax.ShapeDtypeStruct((n, 128), jnp.float32),
    )(parts, in_norm[:, None], W, b[None, :])

    return out

# --- scband reference (transcript-rebuilt; emitter-appended) ---
"""Pipeline reference for scband-gcnlayer-39694087750353 (READ-ONLY COPY).

The authoritative reference and input builder live on the scoring server;
editing this copy changes nothing except your own understanding.
"""

import jax, jax.numpy as jnp
import numpy as np
import math

N = 10000
E = 320000
D_IN = 128
D_OUT = 128

def setup_inputs(seed: int = 0) -> dict:
    key = jax.random.key(seed)
    k1, k2, k3, k4, k5, k6 = jax.random.split(key, 6)
    feat = jax.random.normal(k1, (N, D_IN), dtype=jnp.float32)
    edge_index = jax.random.randint(k2, (2, E), 0, N, dtype=jnp.int32)
    # degree-norm vectors (sqrt of degrees in real usage); keep strictly positive
    in_norm = jax.random.uniform(k3, (N,), dtype=jnp.float32, minval=1.0, maxval=8.0)
    out_norm = jax.random.uniform(k4, (N,), dtype=jnp.float32, minval=1.0, maxval=8.0)
    stdv = 1.0 / math.sqrt(D_IN)
    W = jax.random.uniform(k5, (D_OUT, D_IN), dtype=jnp.float32, minval=-stdv, maxval=stdv)
    b = jax.random.uniform(k6, (D_OUT,), dtype=jnp.float32, minval=-stdv, maxval=stdv)
    return {"feat": feat, "edge_index": edge_index, "in_norm": in_norm, "out_norm": out_norm, "W": W, "b": b}

def reference(feat, edge_index, in_norm, out_norm, W, b):
    # GCNLayer forward, training path with use_pp=False:
    #   h = feat / out_norm ; aggregate copy_u->sum over edges ; h = agg / in_norm ; linear
    src = edge_index[0]
    dst = edge_index[1]
    h = feat / out_norm[:, None]
    msgs = jnp.take(h, src, axis=0)                     # gather source features per edge
    agg = jax.ops.segment_sum(msgs, dst, num_segments=feat.shape[0])  # scatter-add to dst
    h2 = agg / in_norm[:, None]
    out = h2 @ W.T + b
    return out

if __name__ == "__main__":
    import jax
    _d = setup_inputs()
    print(jax.jit(kernel)(*tuple(_d.values())))

</pallas_src>

<mosaic_0001>
#map = affine_map<(d0, d1) -> (0, 0)>
#map1 = affine_map<(d0, d1) -> (0, 0, 0)>
module attributes {stable_mosaic.version = 14 : i64} {
  func.func @_edge_agg_body(%arg0: i32, %arg1: i32, %arg2: memref<5000x64xi32, #tpu.memory_space<hbm>>, %arg3: memref<5000x64xi32, #tpu.memory_space<hbm>>, %arg4: memref<10000x128xf32, #tpu.memory_space<hbm>>, %arg5: memref<632x128xf32, #tpu.memory_space<hbm>>, %arg6: memref<2x10112x128xf32, #tpu.memory_space<hbm>>, %arg7: memref<40x64xi32, #tpu.memory_space<vmem>>, %arg8: memref<40x64xi32, #tpu.memory_space<vmem>>, %arg9: memref<4x64x128xf32, #tpu.memory_space<vmem>>, %arg10: memref<10112x128xf32, #tpu.memory_space<vmem_shared>>, %arg11: memref<!tpu.dma_semaphore, #tpu.memory_space<semaphore_mem>>, %arg12: memref<!tpu.dma_semaphore, #tpu.memory_space<semaphore_mem>>, %arg13: memref<!tpu.dma_semaphore, #tpu.memory_space<semaphore_mem>>, %arg14: memref<!tpu.dma_semaphore, #tpu.memory_space<semaphore_mem>>) attributes {dimension_semantics = [#tpu.dimension_semantics<core_parallel>, #tpu.dimension_semantics<subcore_parallel>], iteration_bounds = array<i64: 2, 16>, scalar_prefetch = 0 : i64, scratch_operands = 8 : i64, tpu.core_type = #tpu.core_type<sc_vector_subcore>, window_params = [{transform_indices = #map}, {transform_indices = #map}, {transform_indices = #map}, {transform_indices = #map}, {transform_indices = #map1}]} {
    %mul3A = arith.constant 16 : i32
    %mul3A_0 = arith.muli %arg0, %mul3A : i32
    %add3A = arith.addi %mul3A_0, %arg1 : i32
    %mul3A_1 = arith.constant 632 : i32
    %mul3A_2 = arith.muli %arg1, %mul3A_1 : i32
    "tpu.region"() ({
      %run_scoped3A = tpu.sem_alloc : memref<!tpu.dma_semaphore, #tpu.memory_space<semaphore_mem>>
      %dma_start3A = arith.constant 0 : i32
      %dma_start3A_9 = tpu.memref_slice %arg10[%mul3A_2, %dma_start3A] : memref<10112x128xf32, #tpu.memory_space<vmem_shared>> -> memref<632x128xf32, #tpu.memory_space<vmem_shared>>
      tpu.enqueue_dma source(%arg5 : memref<632x128xf32, #tpu.memory_space<hbm>>) target(%dma_start3A_9 : memref<632x128xf32, #tpu.memory_space<vmem_shared>>) target_semaphore(%run_scoped3A : memref<!tpu.dma_semaphore, #tpu.memory_space<semaphore_mem>>)
      %dma_wait3A = arith.constant 0 : i32
      %dma_wait3A_10 = tpu.memref_slice %arg10[%mul3A_2, %dma_wait3A] : memref<10112x128xf32, #tpu.memory_space<vmem_shared>> -> memref<632x128xf32, #tpu.memory_space<vmem_shared>>
      tpu.wait_dma2 semaphore(%run_scoped3A : memref<!tpu.dma_semaphore, #tpu.memory_space<semaphore_mem>>) src(%arg5 : memref<632x128xf32, #tpu.memory_space<hbm>>) dst(%dma_wait3A_10 : memref<632x128xf32, #tpu.memory_space<vmem_shared>>)
      tpu.yield
    }) : () -> ()
    %lt3A = arith.constant 17 : i32
    %lt3A_3 = arith.cmpi slt, %add3A, %lt3A : i32
    %convert_element_type3A = arith.extui %lt3A_3 : i1 to i32
    %cond3A = arith.constant 0 : i32
    %cond3A_4 = arith.cmpi ne, %convert_element_type3A, %cond3A : i32
    scf.if %cond3A_4 {
      %mul3A_9 = arith.constant 160 : i32
      %mul3A_10 = arith.muli %add3A, %mul3A_9 : i32
      %add3A_11 = arith.constant 0 : i32
      %add3A_12 = arith.addi %mul3A_10, %add3A_11 : i32
      "tpu.region"() ({
        %run_scoped3A = tpu.sem_alloc : memref<!tpu.dma_semaphore, #tpu.memory_space<semaphore_mem>>
        %dma_start3A_233 = arith.constant 0 : i32
        %dma_start3A_234 = arith.constant 0 : i32
        %dma_start3A_235 = tpu.memref_slice %arg7[%dma_start3A_233, %dma_start3A_234] : memref<40x64xi32, #tpu.memory_space<vmem>> -> memref<40x64xi32, #tpu.memory_space<vmem>>
        %dma_start3A_236 = arith.constant 0 : i32
        %dma_start3A_237 = tpu.memref_slice %arg2[%add3A_12, %dma_start3A_236] : memref<5000x64xi32, #tpu.memory_space<hbm>> -> memref<40x64xi32, #tpu.memory_space<hbm>>
        %dma_start3A_238 = arith.constant 0 : i32
        %dma_start3A_239 = arith.constant 0 : i32
        %dma_start3A_240 = tpu.memref_slice %arg7[%dma_start3A_238, %dma_start3A_239] : memref<40x64xi32, #tpu.memory_space<vmem>> -> memref<40x64xi32, #tpu.memory_space<vmem>>
        %dma_start3A_241 = arith.constant 0 : i32
        %dma_start3A_242 = tpu.memref_slice %arg2[%add3A_12, %dma_start3A_241] : memref<5000x64xi32, #tpu.memory_space<hbm>> -> memref<40x64xi32, #tpu.memory_space<hbm>>
        tpu.enqueue_dma source(%dma_start3A_242 : memref<40x64xi32, #tpu.memory_space<hbm>>) target(%dma_start3A_240 : memref<40x64xi32, #tpu.memory_space<vmem>>) target_semaphore(%run_scoped3A : memref<!tpu.dma_semaphore, #tpu.memory_space<semaphore_mem>>)
        %dma_wait3A = arith.constant 0 : i32
        %dma_wait3A_243 = arith.constant 0 : i32
        %dma_wait3A_244 = tpu.memref_slice %arg7[%dma_wait3A, %dma_wait3A_243] : memref<40x64xi32, #tpu.memory_space<vmem>> -> memref<40x64xi32, #tpu.memory_space<vmem>>
        %dma_wait3A_245 = arith.constant 0 : i32
        %dma_wait3A_246 = tpu.memref_slice %arg2[%add3A_12, %dma_wait3A_245] : memref<5000x64xi32, #tpu.memory_space<hbm>> -> memref<40x64xi32, #tpu.memory_space<hbm>>
        %dma_wait3A_247 = arith.constant 0 : i32
        %dma_wait3A_248 = arith.constant 0 : i32
        %dma_wait3A_249 = tpu.memref_slice %arg7[%dma_wait3A_247, %dma_wait3A_248] : memref<40x64xi32, #tpu.memory_space<vmem>> -> memref<40x64xi32, #tpu.memory_space<vmem>>
        %dma_wait3A_250 = arith.constant 0 : i32
        %dma_wait3A_251 = tpu.memref_slice %arg2[%add3A_12, %dma_wait3A_250] : memref<5000x64xi32, #tpu.memory_space<hbm>> -> memref<40x64xi32, #tpu.memory_space<hbm>>
        tpu.wait_dma2 semaphore(%run_scoped3A : memref<!tpu.dma_semaphore, #tpu.memory_space<semaphore_mem>>) src(%dma_wait3A_251 : memref<40x64xi32, #tpu.memory_space<hbm>>) dst(%dma_wait3A_249 : memref<40x64xi32, #tpu.memory_space<vmem>>)
        tpu.yield
      }) : () -> ()
      "tpu.region"() ({
        %run_scoped3A = tpu.sem_alloc : memref<!tpu.dma_semaphore, #tpu.memory_space<semaphore_mem>>
        %dma_start3A_233 = arith.constant 0 : i32
        %dma_start3A_234 = arith.constant 0 : i32
        %dma_start3A_235 = tpu.memref_slice %arg8[%dma_start3A_233, %dma_start3A_234] : memref<40x64xi32, #tpu.memory_space<vmem>> -> memref<40x64xi32, #tpu.memory_space<vmem>>
        %dma_start3A_236 = arith.constant 0 : i32
        %dma_start3A_237 = tpu.memref_slice %arg3[%add3A_12, %dma_start3A_236] : memref<5000x64xi32, #tpu.memory_space<hbm>> -> memref<40x64xi32, #tpu.memory_space<hbm>>
        %dma_start3A_238 = arith.constant 0 : i32
        %dma_start3A_239 = arith.constant 0 : i32
        %dma_start3A_240 = tpu.memref_slice %arg8[%dma_start3A_238, %dma_start3A_239] : memref<40x64xi32, #tpu.memory_space<vmem>> -> memref<40x64xi32, #tpu.memory_space<vmem>>
        %dma_start3A_241 = arith.constant 0 : i32
        %dma_start3A_242 = tpu.memref_slice %arg3[%add3A_12, %dma_start3A_241] : memref<5000x64xi32, #tpu.memory_space<hbm>> -> memref<40x64xi32, #tpu.memory_space<hbm>>
        tpu.enqueue_dma source(%dma_start3A_242 : memref<40x64xi32, #tpu.memory_space<hbm>>) target(%dma_start3A_240 : memref<40x64xi32, #tpu.memory_space<vmem>>) target_semaphore(%run_scoped3A : memref<!tpu.dma_semaphore, #tpu.memory_space<semaphore_mem>>)
        %dma_wait3A = arith.constant 0 : i32
        %dma_wait3A_243 = arith.constant 0 : i32
        %dma_wait3A_244 = tpu.memref_slice %arg8[%dma_wait3A, %dma_wait3A_243] : memref<40x64xi32, #tpu.memory_space<vmem>> -> memref<40x64xi32, #tpu.memory_space<vmem>>
        %dma_wait3A_245 = arith.constant 0 : i32
        %dma_wait3A_246 = tpu.memref_slice %arg3[%add3A_12, %dma_wait3A_245] : memref<5000x64xi32, #tpu.memory_space<hbm>> -> memref<40x64xi32, #tpu.memory_space<hbm>>
        %dma_wait3A_247 = arith.constant 0 : i32
        %dma_wait3A_248 = arith.constant 0 : i32
        %dma_wait3A_249 = tpu.memref_slice %arg8[%dma_wait3A_247, %dma_wait3A_248] : memref<40x64xi32, #tpu.memory_space<vmem>> -> memref<40x64xi32, #tpu.memory_space<vmem>>
        %dma_wait3A_250 = arith.constant 0 : i32
        %dma_wait3A_251 = tpu.memref_slice %arg3[%add3A_12, %dma_wait3A_250] : memref<5000x64xi32, #tpu.memory_space<hbm>> -> memref<40x64xi32, #tpu.memory_space<hbm>>
        tpu.wait_dma2 semaphore(%run_scoped3A : memref<!tpu.dma_semaphore, #tpu.memory_space<semaphore_mem>>) src(%dma_wait3A_251 : memref<40x64xi32, #tpu.memory_space<hbm>>) dst(%dma_wait3A_249 : memref<40x64xi32, #tpu.memory_space<vmem>>)
        tpu.yield
      }) : () -> ()
      %dma_start3A = arith.constant 0 : i32
      %dma_start3A_13 = arith.constant 0 : i32
      %dma_start3A_14 = arith.constant 0 : i32
      %dma_start3A_15 = arith.constant 0 : i32
      %dma_start3A_16 = tpu.memref_slice %arg9[%dma_start3A_13, %dma_start3A_14, %dma_start3A_15] : memref<4x64x128xf32, #tpu.memory_space<vmem>> -> memref<1x64x128xf32, #tpu.memory_space<vmem>>
      %dma_start3A_17 = tpu.memref_squeeze %dma_start3A_16 : memref<1x64x128xf32, #tpu.memory_space<vmem>> -> memref<64x128xf32, #tpu.memory_space<vmem>>
      %dma_start3A_18 = arith.constant 0 : i32
      %dma_start3A_19 = tpu.memref_slice %arg7[%dma_start3A, %dma_start3A_18] : memref<40x64xi32, #tpu.memory_space<vmem>> -> memref<1x64xi32, #tpu.memory_space<vmem>>
      %dma_start3A_20 = tpu.memref_squeeze %dma_start3A_19 : memref<1x64xi32, #tpu.memory_space<vmem>> -> memref<64xi32, #tpu.memory_space<vmem>>
      %dma_start3A_21 = arith.constant 0 : i32
      %dma_start3A_22 = arith.constant 0 : i32
      %dma_start3A_23 = tpu.memref_slice %arg4[%dma_start3A_21, %dma_start3A_22] : memref<10000x128xf32, #tpu.memory_space<hbm>> -> memref<10000x128xf32, #tpu.memory_space<hbm>>
      tpu.enqueue_indirect_dma source(%dma_start3A_23 : memref<10000x128xf32, #tpu.memory_space<hbm>>) target(%dma_start3A_17 : memref<64x128xf32, #tpu.memory_space<vmem>>) offsets(%dma_start3A_20 : memref<64xi32, #tpu.memory_space<vmem>>) semaphore(%arg11 : memref<!tpu.dma_semaphore, #tpu.memory_space<semaphore_mem>>)
      %dma_start3A_24 = arith.constant 1 : i32
      %dma_start3A_25 = arith.constant 1 : i32
      %dma_start3A_26 = arith.constant 0 : i32
      %dma_start3A_27 = arith.constant 0 : i32
      %dma_start3A_28 = tpu.memref_slice %arg9[%dma_start3A_25, %dma_start3A_26, %dma_start3A_27] : memref<4x64x128xf32, #tpu.memory_space<vmem>> -> memref<1x64x128xf32, #tpu.memory_space<vmem>>
      %dma_start3A_29 = tpu.memref_squeeze %dma_start3A_28 : memref<1x64x128xf32, #tpu.memory_space<vmem>> -> memref<64x128xf32, #tpu.memory_space<vmem>>
      %dma_start3A_30 = arith.constant 0 : i32
      %dma_start3A_31 = tpu.memref_slice %arg7[%dma_start3A_24, %dma_start3A_30] : memref<40x64xi32, #tpu.memory_space<vmem>> -> memref<1x64xi32, #tpu.memory_space<vmem>>
      %dma_start3A_32 = tpu.memref_squeeze %dma_start3A_31 : memref<1x64xi32, #tpu.memory_space<vmem>> -> memref<64xi32, #tpu.memory_space<vmem>>
      %dma_start3A_33 = arith.constant 0 : i32
      %dma_start3A_34 = arith.constant 0 : i32
      %dma_start3A_35 = tpu.memref_slice %arg4[%dma_start3A_33, %dma_start3A_34] : memref<10000x128xf32, #tpu.memory_space<hbm>> -> memref<10000x128xf32, #tpu.memory_space<hbm>>
      tpu.enqueue_indirect_dma source(%dma_start3A_35 : memref<10000x128xf32, #tpu.memory_space<hbm>>) target(%dma_start3A_29 : memref<64x128xf32, #tpu.memory_space<vmem>>) offsets(%dma_start3A_32 : memref<64xi32, #tpu.memory_space<vmem>>) semaphore(%arg12 : memref<!tpu.dma_semaphore, #tpu.memory_space<semaphore_mem>>)
      %dma_start3A_36 = arith.constant 2 : i32
      %dma_start3A_37 = arith.constant 2 : i32
      %dma_start3A_38 = arith.constant 0 : i32
      %dma_start3A_39 = arith.constant 0 : i32
      %dma_start3A_40 = tpu.memref_slice %arg9[%dma_start3A_37, %dma_start3A_38, %dma_start3A_39] : memref<4x64x128xf32, #tpu.memory_space<vmem>> -> memref<1x64x128xf32, #tpu.memory_space<vmem>>
      %dma_start3A_41 = tpu.memref_squeeze %dma_start3A_40 : memref<1x64x128xf32, #tpu.memory_space<vmem>> -> memref<64x128xf32, #tpu.memory_space<vmem>>
      %dma_start3A_42 = arith.constant 0 : i32
      %dma_start3A_43 = tpu.memref_slice %arg7[%dma_start3A_36, %dma_start3A_42] : memref<40x64xi32, #tpu.memory_space<vmem>> -> memref<1x64xi32, #tpu.memory_space<vmem>>
      %dma_start3A_44 = tpu.memref_squeeze %dma_start3A_43 : memref<1x64xi32, #tpu.memory_space<vmem>> -> memref<64xi32, #tpu.memory_space<vmem>>
      %dma_start3A_45 = arith.constant 0 : i32
      %dma_start3A_46 = arith.constant 0 : i32
      %dma_start3A_47 = tpu.memref_slice %arg4[%dma_start3A_45, %dma_start3A_46] : memref<10000x128xf32, #tpu.memory_space<hbm>> -> memref<10000x128xf32, #tpu.memory_space<hbm>>
      tpu.enqueue_indirect_dma source(%dma_start3A_47 : memref<10000x128xf32, #tpu.memory_space<hbm>>) target(%dma_start3A_41 : memref<64x128xf32, #tpu.memory_space<vmem>>) offsets(%dma_start3A_44 : memref<64xi32, #tpu.memory_space<vmem>>) semaphore(%arg13 : memref<!tpu.dma_semaphore, #tpu.memory_space<semaphore_mem>>)
      %dma_start3A_48 = arith.constant 3 : i32
      %dma_start3A_49 = arith.constant 3 : i32
      %dma_start3A_50 = arith.constant 0 : i32
      %dma_start3A_51 = arith.constant 0 : i32
      %dma_start3A_52 = tpu.memref_slice %arg9[%dma_start3A_49, %dma_start3A_50, %dma_start3A_51] : memref<4x64x128xf32, #tpu.memory_space<vmem>> -> memref<1x64x128xf32, #tpu.memory_space<vmem>>
      %dma_start3A_53 = tpu.memref_squeeze %dma_start3A_52 : memref<1x64x128xf32, #tpu.memory_space<vmem>> -> memref<64x128xf32, #tpu.memory_space<vmem>>
      %dma_start3A_54 = arith.constant 0 : i32
      %dma_start3A_55 = tpu.memref_slice %arg7[%dma_start3A_48, %dma_start3A_54] : memref<40x64xi32, #tpu.memory_space<vmem>> -> memref<1x64xi32, #tpu.memory_space<vmem>>
      %dma_start3A_56 = tpu.memref_squeeze %dma_start3A_55 : memref<1x64xi32, #tpu.memory_space<vmem>> -> memref<64xi32, #tpu.memory_space<vmem>>
      %dma_start3A_57 = arith.constant 0 : i32
      %dma_start3A_58 = arith.constant 0 : i32
      %dma_start3A_59 = tpu.memref_slice %arg4[%dma_start3A_57, %dma_start3A_58] : memref<10000x128xf32, #tpu.memory_space<hbm>> -> memref<10000x128xf32, #tpu.memory_space<hbm>>
      tpu.enqueue_indirect_dma source(%dma_start3A_59 : memref<10000x128xf32, #tpu.memory_space<hbm>>) target(%dma_start3A_53 : memref<64x128xf32, #tpu.memory_space<vmem>>) offsets(%dma_start3A_56 : memref<64xi32, #tpu.memory_space<vmem>>) semaphore(%arg14 : memref<!tpu.dma_semaphore, #tpu.memory_space<semaphore_mem>>)
      %scan3A = arith.constant 0 : i32
      %scan3A_60 = arith.constant 0 : i32
      %scan3A_61 = arith.constant 10 : i32
      %scan3A_62 = arith.addi %scan3A_60, %scan3A_61 : i32
      %scan3A_63 = arith.constant 1 : i32
      scf.for %scan3A_233 = %scan3A_60 to %scan3A_62 step %scan3A_63  : i32 {
        %mul3A_234 = arith.constant 4 : i32
        %mul3A_235 = arith.muli %scan3A_233, %mul3A_234 : i32
        %add3A_236 = arith.constant 0 : i32
        %add3A_237 = arith.addi %mul3A_235, %add3A_236 : i32
        %dma_wait3A = arith.constant 0 : i32
        %dma_wait3A_238 = arith.constant 0 : i32
        %dma_wait3A_239 = arith.constant 0 : i32
        %dma_wait3A_240 = tpu.memref_slice %arg9[%dma_wait3A, %dma_wait3A_238, %dma_wait3A_239] : memref<4x64x128xf32, #tpu.memory_space<vmem>> -> memref<1x64x128xf32, #tpu.memory_space<vmem>>
        %dma_wait3A_241 = tpu.memref_squeeze %dma_wait3A_240 : memref<1x64x128xf32, #tpu.memory_space<vmem>> -> memref<64x128xf32, #tpu.memory_space<vmem>>
        %dma_wait3A_242 = arith.constant 0 : i32
        %dma_wait3A_243 = tpu.memref_slice %arg7[%add3A_237, %dma_wait3A_242] : memref<40x64xi32, #tpu.memory_space<vmem>> -> memref<1x64xi32, #tpu.memory_space<vmem>>
        %dma_wait3A_244 = tpu.memref_squeeze %dma_wait3A_243 : memref<1x64xi32, #tpu.memory_space<vmem>> -> memref<64xi32, #tpu.memory_space<vmem>>
        %dma_wait3A_245 = arith.constant 0 : i32
        %dma_wait3A_246 = arith.constant 0 : i32
        %dma_wait3A_247 = tpu.memref_slice %arg4[%dma_wait3A_245, %dma_wait3A_246] : memref<10000x128xf32, #tpu.memory_space<hbm>> -> memref<10000x128xf32, #tpu.memory_space<hbm>>
        tpu.wait_indirect_dma semaphore(%arg11 : memref<!tpu.dma_semaphore, #tpu.memory_space<semaphore_mem>>) src(%dma_wait3A_247 : memref<10000x128xf32, #tpu.memory_space<hbm>>) dst(%dma_wait3A_241 : memref<64x128xf32, #tpu.memory_space<vmem>>)
        %run_scoped3A = arith.constant 0 : i32
        "tpu.region"() ({
          %run_scoped3A_318 = tpu.sem_alloc : memref<!tpu.dma_semaphore, #tpu.memory_space<semaphore_mem>>
          %dma_start3A_319 = arith.constant 0 : i32
          %dma_start3A_320 = arith.constant 0 : i32
          %dma_start3A_321 = tpu.memref_slice %arg9[%run_scoped3A, %dma_start3A_319, %dma_start3A_320] : memref<4x64x128xf32, #tpu.memory_space<vmem>> -> memref<1x64x128xf32, #tpu.memory_space<vmem>>
          %dma_start3A_322 = tpu.memref_squeeze %dma_start3A_321 : memref<1x64x128xf32, #tpu.memory_space<vmem>> -> memref<64x128xf32, #tpu.memory_space<vmem>>
          %dma_start3A_323 = arith.constant 0 : i32
          %dma_start3A_324 = tpu.memref_slice %arg8[%add3A_237, %dma_start3A_323] : memref<40x64xi32, #tpu.memory_space<vmem>> -> memref<1x64xi32, #tpu.memory_space<vmem>>
          %dma_start3A_325 = tpu.memref_squeeze %dma_start3A_324 : memref<1x64xi32, #tpu.memory_space<vmem>> -> memref<64xi32, #tpu.memory_space<vmem>>
          %dma_start3A_326 = arith.constant 0 : i32
          %dma_start3A_327 = arith.constant 0 : i32
          %dma_start3A_328 = tpu.memref_slice %arg10[%dma_start3A_326, %dma_start3A_327] : memref<10112x128xf32, #tpu.memory_space<vmem_shared>> -> memref<10112x128xf32, #tpu.memory_space<vmem_shared>>
          tpu.enqueue_indirect_dma source(%dma_start3A_322 : memref<64x128xf32, #tpu.memory_space<vmem>>) target(%dma_start3A_328 : memref<10112x128xf32, #tpu.memory_space<vmem_shared>>) offsets(%dma_start3A_325 : memref<64xi32, #tpu.memory_space<vmem>>) semaphore(%run_scoped3A_318 : memref<!tpu.dma_semaphore, #tpu.memory_space<semaphore_mem>>) {add = true}
          %dma_wait3A_329 = arith.constant 0 : i32
          %dma_wait3A_330 = arith.constant 0 : i32
          %dma_wait3A_331 = tpu.memref_slice %arg9[%run_scoped3A, %dma_wait3A_329, %dma_wait3A_330] : memref<4x64x128xf32, #tpu.memory_space<vmem>> -> memref<1x64x128xf32, #tpu.memory_space<vmem>>
          %dma_wait3A_332 = tpu.memref_squeeze %dma_wait3A_331 : memref<1x64x128xf32, #tpu.memory_space<vmem>> -> memref<64x128xf32, #tpu.memory_space<vmem>>
          %dma_wait3A_333 = arith.constant 0 : i32
          %dma_wait3A_334 = tpu.memref_slice %arg8[%add3A_237, %dma_wait3A_333] : memref<40x64xi32, #tpu.memory_space<vmem>> -> memref<1x64xi32, #tpu.memory_space<vmem>>
          %dma_wait3A_335 = tpu.memref_squeeze %dma_wait3A_334 : memref<1x64xi32, #tpu.memory_space<vmem>> -> memref<64xi32, #tpu.memory_space<vmem>>
          %dma_wait3A_336 = arith.constant 0 : i32
          %dma_wait3A_337 = arith.constant 0 : i32
          %dma_wait3A_338 = tpu.memref_slice %arg10[%dma_wait3A_336, %dma_wait3A_337] : memref<10112x128xf32, #tpu.memory_space<vmem_shared>> -> memref<10112x128xf32, #tpu.memory_space<vmem_shared>>
          tpu.wait_indirect_dma semaphore(%run_scoped3A_318 : memref<!tpu.dma_semaphore, #tpu.memory_space<semaphore_mem>>) src(%dma_wait3A_332 : memref<64x128xf32, #tpu.memory_space<vmem>>) dst(%dma_wait3A_338 : memref<10112x128xf32, #tpu.memory_space<vmem_shared>>)
          tpu.yield
        }) : () -> ()
        %add3A_248 = arith.constant 4 : i32
        %add3A_249 = arith.addi %add3A_237, %add3A_248 : i32
        %lt3A_250 = arith.constant 40 : i32
        %lt3A_251 = arith.cmpi slt, %add3A_249, %lt3A_250 : i32
        %convert_element_type3A_252 = arith.extui %lt3A_251 : i1 to i32
        %cond3A_253 = arith.constant 0 : i32
        %cond3A_254 = arith.cmpi ne, %convert_element_type3A_252, %cond3A_253 : i32
        scf.if %cond3A_254 {
          %dma_start3A_318 = arith.constant 0 : i32
          %dma_start3A_319 = arith.constant 0 : i32
          %dma_start3A_320 = arith.constant 0 : i32
          %dma_start3A_321 = tpu.memref_slice %arg9[%dma_start3A_318, %dma_start3A_319, %dma_start3A_320] : memref<4x64x128xf32, #tpu.memory_space<vmem>> -> memref<1x64x128xf32, #tpu.memory_space<vmem>>
          %dma_start3A_322 = tpu.memref_squeeze %dma_start3A_321 : memref<1x64x128xf32, #tpu.memory_space<vmem>> -> memref<64x128xf32, #tpu.memory_space<vmem>>
          %dma_start3A_323 = arith.constant 0 : i32
          %dma_start3A_324 = tpu.memref_slice %arg7[%add3A_249, %dma_start3A_323] : memref<40x64xi32, #tpu.memory_space<vmem>> -> memref<1x64xi32, #tpu.memory_space<vmem>>
          %dma_start3A_325 = tpu.memref_squeeze %dma_start3A_324 : memref<1x64xi32, #tpu.memory_space<vmem>> -> memref<64xi32, #tpu.memory_space<vmem>>
          %dma_start3A_326 = arith.constant 0 : i32
          %dma_start3A_327 = arith.constant 0 : i32
          %dma_start3A_328 = tpu.memref_slice %arg4[%dma_start3A_326, %dma_start3A_327] : memref<10000x128xf32, #tpu.memory_space<hbm>> -> memref<10000x128xf32, #tpu.memory_space<hbm>>
          tpu.enqueue_indirect_dma source(%dma_start3A_328 : memref<10000x128xf32, #tpu.memory_space<hbm>>) target(%dma_start3A_322 : memref<64x128xf32, #tpu.memory_space<vmem>>) offsets(%dma_start3A_325 : memref<64xi32, #tpu.memory_space<vmem>>) semaphore(%arg11 : memref<!tpu.dma_semaphore, #tpu.memory_space<semaphore_mem>>)
        } else {
        }
        %add3A_255 = arith.constant 1 : i32
        %add3A_256 = arith.addi %mul3A_235, %add3A_255 : i32
        %dma_wait3A_257 = arith.constant 1 : i32
        %dma_wait3A_258 = arith.constant 0 : i32
        %dma_wait3A_259 = arith.constant 0 : i32
        %dma_wait3A_260 = tpu.memref_slice %arg9[%dma_wait3A_257, %dma_wait3A_258, %dma_wait3A_259] : memref<4x64x128xf32, #tpu.memory_space<vmem>> -> memref<1x64x128xf32, #tpu.memory_space<vmem>>
        %dma_wait3A_261 = tpu.memref_squeeze %dma_wait3A_260 : memref<1x64x128xf32, #tpu.memory_space<vmem>> -> memref<64x128xf32, #tpu.memory_space<vmem>>
        %dma_wait3A_262 = arith.constant 0 : i32
        %dma_wait3A_263 = tpu.memref_slice %arg7[%add3A_256, %dma_wait3A_262] : memref<40x64xi32, #tpu.memory_space<vmem>> -> memref<1x64xi32, #tpu.memory_space<vmem>>
        %dma_wait3A_264 = tpu.memref_squeeze %dma_wait3A_263 : memref<1x64xi32, #tpu.memory_space<vmem>> -> memref<64xi32, #tpu.memory_space<vmem>>
        %dma_wait3A_265 = arith.constant 0 : i32
        %dma_wait3A_266 = arith.constant 0 : i32
        %dma_wait3A_267 = tpu.memref_slice %arg4[%dma_wait3A_265, %dma_wait3A_266] : memref<10000x128xf32, #tpu.memory_space<hbm>> -> memref<10000x128xf32, #tpu.memory_space<hbm>>
        tpu.wait_indirect_dma semaphore(%arg12 : memref<!tpu.dma_semaphore, #tpu.memory_space<semaphore_mem>>) src(%dma_wait3A_267 : memref<10000x128xf32, #tpu.memory_space<hbm>>) dst(%dma_wait3A_261 : memref<64x128xf32, #tpu.memory_space<vmem>>)
        %run_scoped3A_268 = arith.constant 1 : i32
        "tpu.region"() ({
          %run_scoped3A_318 = tpu.sem_alloc : memref<!tpu.dma_semaphore, #tpu.memory_space<semaphore_mem>>
          %dma_start3A_319 = arith.constant 0 : i32
          %dma_start3A_320 = arith.constant 0 : i32
          %dma_start3A_321 = tpu.memref_slice %arg9[%run_scoped3A_268, %dma_start3A_319, %dma_start3A_320] : memref<4x64x128xf32, #tpu.memory_space<vmem>> -> memref<1x64x128xf32, #tpu.memory_space<vmem>>
          %dma_start3A_322 = tpu.memref_squeeze %dma_start3A_321 : memref<1x64x128xf32, #tpu.memory_space<vmem>> -> memref<64x128xf32, #tpu.memory_space<vmem>>
          %dma_start3A_323 = arith.constant 0 : i32
          %dma_start3A_324 = tpu.memref_slice %arg8[%add3A_256, %dma_start3A_323] : memref<40x64xi32, #tpu.memory_space<vmem>> -> memref<1x64xi32, #tpu.memory_space<vmem>>
          %dma_start3A_325 = tpu.memref_squeeze %dma_start3A_324 : memref<1x64xi32, #tpu.memory_space<vmem>> -> memref<64xi32, #tpu.memory_space<vmem>>
          %dma_start3A_326 = arith.constant 0 : i32
          %dma_start3A_327 = arith.constant 0 : i32
          %dma_start3A_328 = tpu.memref_slice %arg10[%dma_start3A_326, %dma_start3A_327] : memref<10112x128xf32, #tpu.memory_space<vmem_shared>> -> memref<10112x128xf32, #tpu.memory_space<vmem_shared>>
          tpu.enqueue_indirect_dma source(%dma_start3A_322 : memref<64x128xf32, #tpu.memory_space<vmem>>) target(%dma_start3A_328 : memref<10112x128xf32, #tpu.memory_space<vmem_shared>>) offsets(%dma_start3A_325 : memref<64xi32, #tpu.memory_space<vmem>>) semaphore(%run_scoped3A_318 : memref<!tpu.dma_semaphore, #tpu.memory_space<semaphore_mem>>) {add = true}
          %dma_wait3A_329 = arith.constant 0 : i32
          %dma_wait3A_330 = arith.constant 0 : i32
          %dma_wait3A_331 = tpu.memref_slice %arg9[%run_scoped3A_268, %dma_wait3A_329, %dma_wait3A_330] : memref<4x64x128xf32, #tpu.memory_space<vmem>> -> memref<1x64x128xf32, #tpu.memory_space<vmem>>
          %dma_wait3A_332 = tpu.memref_squeeze %dma_wait3A_331 : memref<1x64x128xf32, #tpu.memory_space<vmem>> -> memref<64x128xf32, #tpu.memory_space<vmem>>
          %dma_wait3A_333 = arith.constant 0 : i32
          %dma_wait3A_334 = tpu.memref_slice %arg8[%add3A_256, %dma_wait3A_333] : memref<40x64xi32, #tpu.memory_space<vmem>> -> memref<1x64xi32, #tpu.memory_space<vmem>>
          %dma_wait3A_335 = tpu.memref_squeeze %dma_wait3A_334 : memref<1x64xi32, #tpu.memory_space<vmem>> -> memref<64xi32, #tpu.memory_space<vmem>>
          %dma_wait3A_336 = arith.constant 0 : i32
          %dma_wait3A_337 = arith.constant 0 : i32
          %dma_wait3A_338 = tpu.memref_slice %arg10[%dma_wait3A_336, %dma_wait3A_337] : memref<10112x128xf32, #tpu.memory_space<vmem_shared>> -> memref<10112x128xf32, #tpu.memory_space<vmem_shared>>
          tpu.wait_indirect_dma semaphore(%run_scoped3A_318 : memref<!tpu.dma_semaphore, #tpu.memory_space<semaphore_mem>>) src(%dma_wait3A_332 : memref<64x128xf32, #tpu.memory_space<vmem>>) dst(%dma_wait3A_338 : memref<10112x128xf32, #tpu.memory_space<vmem_shared>>)
          tpu.yield
        }) : () -> ()
        %add3A_269 = arith.constant 4 : i32
        %add3A_270 = arith.addi %add3A_256, %add3A_269 : i32
        %lt3A_271 = arith.constant 40 : i32
        %lt3A_272 = arith.cmpi slt, %add3A_270, %lt3A_271 : i32
        %convert_element_type3A_273 = arith.extui %lt3A_272 : i1 to i32
        %cond3A_274 = arith.constant 0 : i32
        %cond3A_275 = arith.cmpi ne, %convert_element_type3A_273, %cond3A_274 : i32
        scf.if %cond3A_275 {
          %dma_start3A_318 = arith.constant 1 : i32
          %dma_start3A_319 = arith.constant 0 : i32
          %dma_start3A_320 = arith.constant 0 : i32
          %dma_start3A_321 = tpu.memref_slice %arg9[%dma_start3A_318, %dma_start3A_319, %dma_start3A_320] : memref<4x64x128xf32, #tpu.memory_space<vmem>> -> memref<1x64x128xf32, #tpu.memory_space<vmem>>
          %dma_start3A_322 = tpu.memref_squeeze %dma_start3A_321 : memref<1x64x128xf32, #tpu.memory_space<vmem>> -> memref<64x128xf32, #tpu.memory_space<vmem>>
          %dma_start3A_323 = arith.constant 0 : i32
          %dma_start3A_324 = tpu.memref_slice %arg7[%add3A_270, %dma_start3A_323] : memref<40x64xi32, #tpu.memory_space<vmem>> -> memref<1x64xi32, #tpu.memory_space<vmem>>
          %dma_start3A_325 = tpu.memref_squeeze %dma_start3A_324 : memref<1x64xi32, #tpu.memory_space<vmem>> -> memref<64xi32, #tpu.memory_space<vmem>>
          %dma_start3A_326 = arith.constant 0 : i32
          %dma_start3A_327 = arith.constant 0 : i32
          %dma_start3A_328 = tpu.memref_slice %arg4[%dma_start3A_326, %dma_start3A_327] : memref<10000x128xf32, #tpu.memory_space<hbm>> -> memref<10000x128xf32, #tpu.memory_space<hbm>>
          tpu.enqueue_indirect_dma source(%dma_start3A_328 : memref<10000x128xf32, #tpu.memory_space<hbm>>) target(%dma_start3A_322 : memref<64x128xf32, #tpu.memory_space<vmem>>) offsets(%dma_start3A_325 : memref<64xi32, #tpu.memory_space<vmem>>) semaphore(%arg12 : memref<!tpu.dma_semaphore, #tpu.memory_space<semaphore_mem>>)
        } else {
        }
        %add3A_276 = arith.constant 2 : i32
        %add3A_277 = arith.addi %mul3A_235, %add3A_276 : i32
        %dma_wait3A_278 = arith.constant 2 : i32
        %dma_wait3A_279 = arith.constant 0 : i32
        %dma_wait3A_280 = arith.constant 0 : i32
        %dma_wait3A_281 = tpu.memref_slice %arg9[%dma_wait3A_278, %dma_wait3A_279, %dma_wait3A_280] : memref<4x64x128xf32, #tpu.memory_space<vmem>> -> memref<1x64x128xf32, #tpu.memory_space<vmem>>
        %dma_wait3A_282 = tpu.memref_squeeze %dma_wait3A_281 : memref<1x64x128xf32, #tpu.memory_space<vmem>> -> memref<64x128xf32, #tpu.memory_space<vmem>>
        %dma_wait3A_283 = arith.constant 0 : i32
        %dma_wait3A_284 = tpu.memref_slice %arg7[%add3A_277, %dma_wait3A_283] : memref<40x64xi32, #tpu.memory_space<vmem>> -> memref<1x64xi32, #tpu.memory_space<vmem>>
        %dma_wait3A_285 = tpu.memref_squeeze %dma_wait3A_284 : memref<1x64xi32, #tpu.memory_space<vmem>> -> memref<64xi32, #tpu.memory_space<vmem>>
        %dma_wait3A_286 = arith.constant 0 : i32
        %dma_wait3A_287 = arith.constant 0 : i32
        %dma_wait3A_288 = tpu.memref_slice %arg4[%dma_wait3A_286, %dma_wait3A_287] : memref<10000x128xf32, #tpu.memory_space<hbm>> -> memref<10000x128xf32, #tpu.memory_space<hbm>>
        tpu.wait_indirect_dma semaphore(%arg13 : memref<!tpu.dma_semaphore, #tpu.memory_space<semaphore_mem>>) src(%dma_wait3A_288 : memref<10000x128xf32, #tpu.memory_space<hbm>>) dst(%dma_wait3A_282 : memref<64x128xf32, #tpu.memory_space<vmem>>)
        %run_scoped3A_289 = arith.constant 2 : i32
        "tpu.region"() ({
          %run_scoped3A_318 = tpu.sem_alloc : memref<!tpu.dma_semaphore, #tpu.memory_space<semaphore_mem>>
          %dma_start3A_319 = arith.constant 0 : i32
          %dma_start3A_320 = arith.constant 0 : i32
          %dma_start3A_321 = tpu.memref_slice %arg9[%run_scoped3A_289, %dma_start3A_319, %dma_start3A_320] : memref<4x64x128xf32, #tpu.memory_space<vmem>> -> memref<1x64x128xf32, #tpu.memory_space<vmem>>
          %dma_start3A_322 = tpu.memref_squeeze %dma_start3A_321 : memref<1x64x128xf32, #tpu.memory_space<vmem>> -> memref<64x128xf32, #tpu.memory_space<vmem>>
          %dma_start3A_323 = arith.constant 0 : i32
          %dma_start3A_324 = tpu.memref_slice %arg8[%add3A_277, %dma_start3A_323] : memref<40x64xi32, #tpu.memory_space<vmem>> -> memref<1x64xi32, #tpu.memory_space<vmem>>
          %dma_start3A_325 = tpu.memref_squeeze %dma_start3A_324 : memref<1x64xi32, #tpu.memory_space<vmem>> -> memref<64xi32, #tpu.memory_space<vmem>>
          %dma_start3A_326 = arith.constant 0 : i32
          %dma_start3A_327 = arith.constant 0 : i32
          %dma_start3A_328 = tpu.memref_slice %arg10[%dma_start3A_326, %dma_start3A_327] : memref<10112x128xf32, #tpu.memory_space<vmem_shared>> -> memref<10112x128xf32, #tpu.memory_space<vmem_shared>>
          tpu.enqueue_indirect_dma source(%dma_start3A_322 : memref<64x128xf32, #tpu.memory_space<vmem>>) target(%dma_start3A_328 : memref<10112x128xf32, #tpu.memory_space<vmem_shared>>) offsets(%dma_start3A_325 : memref<64xi32, #tpu.memory_space<vmem>>) semaphore(%run_scoped3A_318 : memref<!tpu.dma_semaphore, #tpu.memory_space<semaphore_mem>>) {add = true}
          %dma_wait3A_329 = arith.constant 0 : i32
          %dma_wait3A_330 = arith.constant 0 : i32
          %dma_wait3A_331 = tpu.memref_slice %arg9[%run_scoped3A_289, %dma_wait3A_329, %dma_wait3A_330] : memref<4x64x128xf32, #tpu.memory_space<vmem>> -> memref<1x64x128xf32, #tpu.memory_space<vmem>>
          %dma_wait3A_332 = tpu.memref_squeeze %dma_wait3A_331 : memref<1x64x128xf32, #tpu.memory_space<vmem>> -> memref<64x128xf32, #tpu.memory_space<vmem>>
          %dma_wait3A_333 = arith.constant 0 : i32
          %dma_wait3A_334 = tpu.memref_slice %arg8[%add3A_277, %dma_wait3A_333] : memref<40x64xi32, #tpu.memory_space<vmem>> -> memref<1x64xi32, #tpu.memory_space<vmem>>
          %dma_wait3A_335 = tpu.memref_squeeze %dma_wait3A_334 : memref<1x64xi32, #tpu.memory_space<vmem>> -> memref<64xi32, #tpu.memory_space<vmem>>
          %dma_wait3A_336 = arith.constant 0 : i32
          %dma_wait3A_337 = arith.constant 0 : i32
          %dma_wait3A_338 = tpu.memref_slice %arg10[%dma_wait3A_336, %dma_wait3A_337] : memref<10112x128xf32, #tpu.memory_space<vmem_shared>> -> memref<10112x128xf32, #tpu.memory_space<vmem_shared>>
          tpu.wait_indirect_dma semaphore(%run_scoped3A_318 : memref<!tpu.dma_semaphore, #tpu.memory_space<semaphore_mem>>) src(%dma_wait3A_332 : memref<64x128xf32, #tpu.memory_space<vmem>>) dst(%dma_wait3A_338 : memref<10112x128xf32, #tpu.memory_space<vmem_shared>>)
          tpu.yield
        }) : () -> ()
        %add3A_290 = arith.constant 4 : i32
        %add3A_291 = arith.addi %add3A_277, %add3A_290 : i32
        %lt3A_292 = arith.constant 40 : i32
        %lt3A_293 = arith.cmpi slt, %add3A_291, %lt3A_292 : i32
        %convert_element_type3A_294 = arith.extui %lt3A_293 : i1 to i32
        %cond3A_295 = arith.constant 0 : i32
        %cond3A_296 = arith.cmpi ne, %convert_element_type3A_294, %cond3A_295 : i32
        scf.if %cond3A_296 {
          %dma_start3A_318 = arith.constant 2 : i32
          %dma_start3A_319 = arith.constant 0 : i32
          %dma_start3A_320 = arith.constant 0 : i32
          %dma_start3A_321 = tpu.memref_slice %arg9[%dma_start3A_318, %dma_start3A_319, %dma_start3A_320] : memref<4x64x128xf32, #tpu.memory_space<vmem>> -> memref<1x64x128xf32, #tpu.memory_space<vmem>>
          %dma_start3A_322 = tpu.memref_squeeze %dma_start3A_321 : memref<1x64x128xf32, #tpu.memory_space<vmem>> -> memref<64x128xf32, #tpu.memory_space<vmem>>
          %dma_start3A_323 = arith.constant 0 : i32
          %dma_start3A_324 = tpu.memref_slice %arg7[%add3A_291, %dma_start3A_323] : memref<40x64xi32, #tpu.memory_space<vmem>> -> memref<1x64xi32, #tpu.memory_space<vmem>>
          %dma_start3A_325 = tpu.memref_squeeze %dma_start3A_324 : memref<1x64xi32, #tpu.memory_space<vmem>> -> memref<64xi32, #tpu.memory_space<vmem>>
          %dma_start3A_326 = arith.constant 0 : i32
          %dma_start3A_327 = arith.constant 0 : i32
          %dma_start3A_328 = tpu.memref_slice %arg4[%dma_start3A_326, %dma_start3A_327] : memref<10000x128xf32, #tpu.memory_space<hbm>> -> memref<10000x128xf32, #tpu.memory_space<hbm>>
          tpu.enqueue_indirect_dma source(%dma_start3A_328 : memref<10000x128xf32, #tpu.memory_space<hbm>>) target(%dma_start3A_322 : memref<64x128xf32, #tpu.memory_space<vmem>>) offsets(%dma_start3A_325 : memref<64xi32, #tpu.memory_space<vmem>>) semaphore(%arg13 : memref<!tpu.dma_semaphore, #tpu.memory_space<semaphore_mem>>)
        } else {
        }
        %add3A_297 = arith.constant 3 : i32
        %add3A_298 = arith.addi %mul3A_235, %add3A_297 : i32
        %dma_wait3A_299 = arith.constant 3 : i32
        %dma_wait3A_300 = arith.constant 0 : i32
        %dma_wait3A_301 = arith.constant 0 : i32
        %dma_wait3A_302 = tpu.memref_slice %arg9[%dma_wait3A_299, %dma_wait3A_300, %dma_wait3A_301] : memref<4x64x128xf32, #tpu.memory_space<vmem>> -> memref<1x64x128xf32, #tpu.memory_space<vmem>>
        %dma_wait3A_303 = tpu.memref_squeeze %dma_wait3A_302 : memref<1x64x128xf32, #tpu.memory_space<vmem>> -> memref<64x128xf32, #tpu.memory_space<vmem>>
        %dma_wait3A_304 = arith.constant 0 : i32
        %dma_wait3A_305 = tpu.memref_slice %arg7[%add3A_298, %dma_wait3A_304] : memref<40x64xi32, #tpu.memory_space<vmem>> -> memref<1x64xi32, #tpu.memory_space<vmem>>
        %dma_wait3A_306 = tpu.memref_squeeze %dma_wait3A_305 : memref<1x64xi32, #tpu.memory_space<vmem>> -> memref<64xi32, #tpu.memory_space<vmem>>
        %dma_wait3A_307 = arith.constant 0 : i32
        %dma_wait3A_308 = arith.constant 0 : i32
        %dma_wait3A_309 = tpu.memref_slice %arg4[%dma_wait3A_307, %dma_wait3A_308] : memref<10000x128xf32, #tpu.memory_space<hbm>> -> memref<10000x128xf32, #tpu.memory_space<hbm>>
        tpu.wait_indirect_dma semaphore(%arg14 : memref<!tpu.dma_semaphore, #tpu.memory_space<semaphore_mem>>) src(%dma_wait3A_309 : memref<10000x128xf32, #tpu.memory_space<hbm>>) dst(%dma_wait3A_303 : memref<64x128xf32, #tpu.memory_space<vmem>>)
        %run_scoped3A_310 = arith.constant 3 : i32
        "tpu.region"() ({
          %run_scoped3A_318 = tpu.sem_alloc : memref<!tpu.dma_semaphore, #tpu.memory_space<semaphore_mem>>
          %dma_start3A_319 = arith.constant 0 : i32
          %dma_start3A_320 = arith.constant 0 : i32
          %dma_start3A_321 = tpu.memref_slice %arg9[%run_scoped3A_310, %dma_start3A_319, %dma_start3A_320] : memref<4x64x128xf32, #tpu.memory_space<vmem>> -> memref<1x64x128xf32, #tpu.memory_space<vmem>>
          %dma_start3A_322 = tpu.memref_squeeze %dma_start3A_321 : memref<1x64x128xf32, #tpu.memory_space<vmem>> -> memref<64x128xf32, #tpu.memory_space<vmem>>
          %dma_start3A_323 = arith.constant 0 : i32
          %dma_start3A_324 = tpu.memref_slice %arg8[%add3A_298, %dma_start3A_323] : memref<40x64xi32, #tpu.memory_space<vmem>> -> memref<1x64xi32, #tpu.memory_space<vmem>>
          %dma_start3A_325 = tpu.memref_squeeze %dma_start3A_324 : memref<1x64xi32, #tpu.memory_space<vmem>> -> memref<64xi32, #tpu.memory_space<vmem>>
          %dma_start3A_326 = arith.constant 0 : i32
          %dma_start3A_327 = arith.constant 0 : i32
          %dma_start3A_328 = tpu.memref_slice %arg10[%dma_start3A_326, %dma_start3A_327] : memref<10112x128xf32, #tpu.memory_space<vmem_shared>> -> memref<10112x128xf32, #tpu.memory_space<vmem_shared>>
          tpu.enqueue_indirect_dma source(%dma_start3A_322 : memref<64x128xf32, #tpu.memory_space<vmem>>) target(%dma_start3A_328 : memref<10112x128xf32, #tpu.memory_space<vmem_shared>>) offsets(%dma_start3A_325 : memref<64xi32, #tpu.memory_space<vmem>>) semaphore(%run_scoped3A_318 : memref<!tpu.dma_semaphore, #tpu.memory_space<semaphore_mem>>) {add = true}
          %dma_wait3A_329 = arith.constant 0 : i32
          %dma_wait3A_330 = arith.constant 0 : i32
          %dma_wait3A_331 = tpu.memref_slice %arg9[%run_scoped3A_310, %dma_wait3A_329, %dma_wait3A_330] : memref<4x64x128xf32, #tpu.memory_space<vmem>> -> memref<1x64x128xf32, #tpu.memory_space<vmem>>
          %dma_wait3A_332 = tpu.memref_squeeze %dma_wait3A_331 : memref<1x64x128xf32, #tpu.memory_space<vmem>> -> memref<64x128xf32, #tpu.memory_space<vmem>>
          %dma_wait3A_333 = arith.constant 0 : i32
          %dma_wait3A_334 = tpu.memref_slice %arg8[%add3A_298, %dma_wait3A_333] : memref<40x64xi32, #tpu.memory_space<vmem>> -> memref<1x64xi32, #tpu.memory_space<vmem>>
          %dma_wait3A_335 = tpu.memref_squeeze %dma_wait3A_334 : memref<1x64xi32, #tpu.memory_space<vmem>> -> memref<64xi32, #tpu.memory_space<vmem>>
          %dma_wait3A_336 = arith.constant 0 : i32
          %dma_wait3A_337 = arith.constant 0 : i32
          %dma_wait3A_338 = tpu.memref_slice %arg10[%dma_wait3A_336, %dma_wait3A_337] : memref<10112x128xf32, #tpu.memory_space<vmem_shared>> -> memref<10112x128xf32, #tpu.memory_space<vmem_shared>>
          tpu.wait_indirect_dma semaphore(%run_scoped3A_318 : memref<!tpu.dma_semaphore, #tpu.memory_space<semaphore_mem>>) src(%dma_wait3A_332 : memref<64x128xf32, #tpu.memory_space<vmem>>) dst(%dma_wait3A_338 : memref<10112x128xf32, #tpu.memory_space<vmem_shared>>)
          tpu.yield
        }) : () -> ()
        %add3A_311 = arith.constant 4 : i32
        %add3A_312 = arith.addi %add3A_298, %add3A_311 : i32
        %lt3A_313 = arith.constant 40 : i32
        %lt3A_314 = arith.cmpi slt, %add3A_312, %lt3A_313 : i32
        %convert_element_type3A_315 = arith.extui %lt3A_314 : i1 to i32
        %cond3A_316 = arith.constant 0 : i32
        %cond3A_317 = arith.cmpi ne, %convert_element_type3A_315, %cond3A_316 : i32
        scf.if %cond3A_317 {
          %dma_start3A_318 = arith.constant 3 : i32
          %dma_start3A_319 = arith.constant 0 : i32
          %dma_start3A_320 = arith.constant 0 : i32
          %dma_start3A_321 = tpu.memref_slice %arg9[%dma_start3A_318, %dma_start3A_319, %dma_start3A_320] : memref<4x64x128xf32, #tpu.memory_space<vmem>> -> memref<1x64x128xf32, #tpu.memory_space<vmem>>
          %dma_start3A_322 = tpu.memref_squeeze %dma_start3A_321 : memref<1x64x128xf32, #tpu.memory_space<vmem>> -> memref<64x128xf32, #tpu.memory_space<vmem>>
          %dma_start3A_323 = arith.constant 0 : i32
          %dma_start3A_324 = tpu.memref_slice %arg7[%add3A_312, %dma_start3A_323] : memref<40x64xi32, #tpu.memory_space<vmem>> -> memref<1x64xi32, #tpu.memory_space<vmem>>
          %dma_start3A_325 = tpu.memref_squeeze %dma_start3A_324 : memref<1x64xi32, #tpu.memory_space<vmem>> -> memref<64xi32, #tpu.memory_space<vmem>>
          %dma_start3A_326 = arith.constant 0 : i32
          %dma_start3A_327 = arith.constant 0 : i32
          %dma_start3A_328 = tpu.memref_slice %arg4[%dma_start3A_326, %dma_start3A_327] : memref<10000x128xf32, #tpu.memory_space<hbm>> -> memref<10000x128xf32, #tpu.memory_space<hbm>>
          tpu.enqueue_indirect_dma source(%dma_start3A_328 : memref<10000x128xf32, #tpu.memory_space<hbm>>) target(%dma_start3A_322 : memref<64x128xf32, #tpu.memory_space<vmem>>) offsets(%dma_start3A_325 : memref<64xi32, #tpu.memory_space<vmem>>) semaphore(%arg14 : memref<!tpu.dma_semaphore, #tpu.memory_space<semaphore_mem>>)
        } else {
        }
      }
      %scan3A_64 = arith.constant 10 : i32
      %add3A_65 = arith.constant 40 : i32
      %add3A_66 = arith.addi %mul3A_10, %add3A_65 : i32
      "tpu.region"() ({
        %run_scoped3A = tpu.sem_alloc : memref<!tpu.dma_semaphore, #tpu.memory_space<semaphore_mem>>
        %dma_start3A_233 = arith.constant 0 : i32
        %dma_start3A_234 = arith.constant 0 : i32
        %dma_start3A_235 = tpu.memref_slice %arg7[%dma_start3A_233, %dma_start3A_234] : memref<40x64xi32, #tpu.memory_space<vmem>> -> memref<40x64xi32, #tpu.memory_space<vmem>>
        %dma_start3A_236 = arith.constant 0 : i32
        %dma_start3A_237 = tpu.memref_slice %arg2[%add3A_66, %dma_start3A_236] : memref<5000x64xi32, #tpu.memory_space<hbm>> -> memref<40x64xi32, #tpu.memory_space<hbm>>
        %dma_start3A_238 = arith.constant 0 : i32
        %dma_start3A_239 = arith.constant 0 : i32
        %dma_start3A_240 = tpu.memref_slice %arg7[%dma_start3A_238, %dma_start3A_239] : memref<40x64xi32, #tpu.memory_space<vmem>> -> memref<40x64xi32, #tpu.memory_space<vmem>>
        %dma_start3A_241 = arith.constant 0 : i32
        %dma_start3A_242 = tpu.memref_slice %arg2[%add3A_66, %dma_start3A_241] : memref<5000x64xi32, #tpu.memory_space<hbm>> -> memref<40x64xi32, #tpu.memory_space<hbm>>
        tpu.enqueue_dma source(%dma_start3A_242 : memref<40x64xi32, #tpu.memory_space<hbm>>) target(%dma_start3A_240 : memref<40x64xi32, #tpu.memory_space<vmem>>) target_semaphore(%run_scoped3A : memref<!tpu.dma_semaphore, #tpu.memory_space<semaphore_mem>>)
        %dma_wait3A = arith.constant 0 : i32
        %dma_wait3A_243 = arith.constant 0 : i32
        %dma_wait3A_244 = tpu.memref_slice %arg7[%dma_wait3A, %dma_wait3A_243] : memref<40x64xi32, #tpu.memory_space<vmem>> -> memref<40x64xi32, #tpu.memory_space<vmem>>
        %dma_wait3A_245 = arith.constant 0 : i32
        %dma_wait3A_246 = tpu.memref_slice %arg2[%add3A_66, %dma_wait3A_245] : memref<5000x64xi32, #tpu.memory_space<hbm>> -> memref<40x64xi32, #tpu.memory_space<hbm>>
        %dma_wait3A_247 = arith.constant 0 : i32
        %dma_wait3A_248 = arith.constant 0 : i32
        %dma_wait3A_249 = tpu.memref_slice %arg7[%dma_wait3A_247, %dma_wait3A_248] : memref<40x64xi32, #tpu.memory_space<vmem>> -> memref<40x64xi32, #tpu.memory_space<vmem>>
        %dma_wait3A_250 = arith.constant 0 : i32
        %dma_wait3A_251 = tpu.memref_slice %arg2[%add3A_66, %dma_wait3A_250] : memref<5000x64xi32, #tpu.memory_space<hbm>> -> memref<40x64xi32, #tpu.memory_space<hbm>>
        tpu.wait_dma2 semaphore(%run_scoped3A : memref<!tpu.dma_semaphore, #tpu.memory_space<semaphore_mem>>) src(%dma_wait3A_251 : memref<40x64xi32, #tpu.memory_space<hbm>>) dst(%dma_wait3A_249 : memref<40x64xi32, #tpu.memory_space<vmem>>)
        tpu.yield
      }) : () -> ()
      "tpu.region"() ({
        %run_scoped3A = tpu.sem_alloc : memref<!tpu.dma_semaphore, #tpu.memory_space<semaphore_mem>>
        %dma_start3A_233 = arith.constant 0 : i32
        %dma_start3A_234 = arith.constant 0 : i32
        %dma_start3A_235 = tpu.memref_slice %arg8[%dma_start3A_233, %dma_start3A_234] : memref<40x64xi32, #tpu.memory_space<vmem>> -> memref<40x64xi32, #tpu.memory_space<vmem>>
        %dma_start3A_236 = arith.constant 0 : i32
        %dma_start3A_237 = tpu.memref_slice %arg3[%add3A_66, %dma_start3A_236] : memref<5000x64xi32, #tpu.memory_space<hbm>> -> memref<40x64xi32, #tpu.memory_space<hbm>>
        %dma_start3A_238 = arith.constant 0 : i32
        %dma_start3A_239 = arith.constant 0 : i32
        %dma_start3A_240 = tpu.memref_slice %arg8[%dma_start3A_238, %dma_start3A_239] : memref<40x64xi32, #tpu.memory_space<vmem>> -> memref<40x64xi32, #tpu.memory_space<vmem>>
        %dma_start3A_241 = arith.constant 0 : i32
        %dma_start3A_242 = tpu.memref_slice %arg3[%add3A_66, %dma_start3A_241] : memref<5000x64xi32, #tpu.memory_space<hbm>> -> memref<40x64xi32, #tpu.memory_space<hbm>>
        tpu.enqueue_dma source(%dma_start3A_242 : memref<40x64xi32, #tpu.memory_space<hbm>>) target(%dma_start3A_240 : memref<40x64xi32, #tpu.memory_space<vmem>>) target_semaphore(%run_scoped3A : memref<!tpu.dma_semaphore, #tpu.memory_space<semaphore_mem>>)
        %dma_wait3A = arith.constant 0 : i32
        %dma_wait3A_243 = arith.constant 0 : i32
        %dma_wait3A_244 = tpu.memref_slice %arg8[%dma_wait3A, %dma_wait3A_243] : memref<40x64xi32, #tpu.memory_space<vmem>> -> memref<40x64xi32, #tpu.memory_space<vmem>>
        %dma_wait3A_245 = arith.constant 0 : i32
        %dma_wait3A_246 = tpu.memref_slice %arg3[%add3A_66, %dma_wait3A_245] : memref<5000x64xi32, #tpu.memory_space<hbm>> -> memref<40x64xi32, #tpu.memory_space<hbm>>
        %dma_wait3A_247 = arith.constant 0 : i32
        %dma_wait3A_248 = arith.constant 0 : i32
        %dma_wait3A_249 = tpu.memref_slice %arg8[%dma_wait3A_247, %dma_wait3A_248] : memref<40x64xi32, #tpu.memory_space<vmem>> -> memref<40x64xi32, #tpu.memory_space<vmem>>
        %dma_wait3A_250 = arith.constant 0 : i32
        %dma_wait3A_251 = tpu.memref_slice %arg3[%add3A_66, %dma_wait3A_250] : memref<5000x64xi32, #tpu.memory_space<hbm>> -> memref<40x64xi32, #tpu.memory_space<hbm>>
        tpu.wait_dma2 semaphore(%run_scoped3A : memref<!tpu.dma_semaphore, #tpu.memory_space<semaphore_mem>>) src(%dma_wait3A_251 : memref<40x64xi32, #tpu.memory_space<hbm>>) dst(%dma_wait3A_249 : memref<40x64xi32, #tpu.memory_space<vmem>>)
        tpu.yield
      }) : () -> ()
      %dma_start3A_67 = arith.constant 0 : i32
      %dma_start3A_68 = arith.constant 0 : i32
      %dma_start3A_69 = arith.constant 0 : i32
      %dma_start3A_70 = arith.constant 0 : i32
      %dma_start3A_71 = tpu.memref_slice %arg9[%dma_start3A_68, %dma_start3A_69, %dma_start3A_70] : memref<4x64x128xf32, #tpu.memory_space<vmem>> -> memref<1x64x128xf32, #tpu.memory_space<vmem>>
      %dma_start3A_72 = tpu.memref_squeeze %dma_start3A_71 : memref<1x64x128xf32, #tpu.memory_space<vmem>> -> memref<64x128xf32, #tpu.memory_space<vmem>>
      %dma_start3A_73 = arith.constant 0 : i32
      %dma_start3A_74 = tpu.memref_slice %arg7[%dma_start3A_67, %dma_start3A_73] : memref<40x64xi32, #tpu.memory_space<vmem>> -> memref<1x64xi32, #tpu.memory_space<vmem>>
      %dma_start3A_75 = tpu.memref_squeeze %dma_start3A_74 : memref<1x64xi32, #tpu.memory_space<vmem>> -> memref<64xi32, #tpu.memory_space<vmem>>
      %dma_start3A_76 = arith.constant 0 : i32
      %dma_start3A_77 = arith.constant 0 : i32
      %dma_start3A_78 = tpu.memref_slice %arg4[%dma_start3A_76, %dma_start3A_77] : memref<10000x128xf32, #tpu.memory_space<hbm>> -> memref<10000x128xf32, #tpu.memory_space<hbm>>
      tpu.enqueue_indirect_dma source(%dma_start3A_78 : memref<10000x128xf32, #tpu.memory_space<hbm>>) target(%dma_start3A_72 : memref<64x128xf32, #tpu.memory_space<vmem>>) offsets(%dma_start3A_75 : memref<64xi32, #tpu.memory_space<vmem>>) semaphore(%arg11 : memref<!tpu.dma_semaphore, #tpu.memory_space<semaphore_mem>>)
      %dma_start3A_79 = arith.constant 1 : i32
      %dma_start3A_80 = arith.constant 1 : i32
      %dma_start3A_81 = arith.constant 0 : i32
      %dma_start3A_82 = arith.constant 0 : i32
      %dma_start3A_83 = tpu.memref_slice %arg9[%dma_start3A_80, %dma_start3A_81, %dma_start3A_82] : memref<4x64x128xf32, #tpu.memory_space<vmem>> -> memref<1x64x128xf32, #tpu.memory_space<vmem>>
      %dma_start3A_84 = tpu.memref_squeeze %dma_start3A_83 : memref<1x64x128xf32, #tpu.memory_space<vmem>> -> memref<64x128xf32, #tpu.memory_space<vmem>>
      %dma_start3A_85 = arith.constant 0 : i32
      %dma_start3A_86 = tpu.memref_slice %arg7[%dma_start3A_79, %dma_start3A_85] : memref<40x64xi32, #tpu.memory_space<vmem>> -> memref<1x64xi32, #tpu.memory_space<vmem>>
      %dma_start3A_87 = tpu.memref_squeeze %dma_start3A_86 : memref<1x64xi32, #tpu.memory_space<vmem>> -> memref<64xi32, #tpu.memory_space<vmem>>
      %dma_start3A_88 = arith.constant 0 : i32
      %dma_start3A_89 = arith.constant 0 : i32
      %dma_start3A_90 = tpu.memref_slice %arg4[%dma_start3A_88, %dma_start3A_89] : memref<10000x128xf32, #tpu.memory_space<hbm>> -> memref<10000x128xf32, #tpu.memory_space<hbm>>
      tpu.enqueue_indirect_dma source(%dma_start3A_90 : memref<10000x128xf32, #tpu.memory_space<hbm>>) target(%dma_start3A_84 : memref<64x128xf32, #tpu.memory_space<vmem>>) offsets(%dma_start3A_87 : memref<64xi32, #tpu.memory_space<vmem>>) semaphore(%arg12 : memref<!tpu.dma_semaphore, #tpu.memory_space<semaphore_mem>>)
      %dma_start3A_91 = arith.constant 2 : i32
      %dma_start3A_92 = arith.constant 2 : i32
      %dma_start3A_93 = arith.constant 0 : i32
      %dma_start3A_94 = arith.constant 0 : i32
      %dma_start3A_95 = tpu.memref_slice %arg9[%dma_start3A_92, %dma_start3A_93, %dma_start3A_94] : memref<4x64x128xf32, #tpu.memory_space<vmem>> -> memref<1x64x128xf32, #tpu.memory_space<vmem>>
      %dma_start3A_96 = tpu.memref_squeeze %dma_start3A_95 : memref<1x64x128xf32, #tpu.memory_space<vmem>> -> memref<64x128xf32, #tpu.memory_space<vmem>>
      %dma_start3A_97 = arith.constant 0 : i32
      %dma_start3A_98 = tpu.memref_slice %arg7[%dma_start3A_91, %dma_start3A_97] : memref<40x64xi32, #tpu.memory_space<vmem>> -> memref<1x64xi32, #tpu.memory_space<vmem>>
      %dma_start3A_99 = tpu.memref_squeeze %dma_start3A_98 : memref<1x64xi32, #tpu.memory_space<vmem>> -> memref<64xi32, #tpu.memory_space<vmem>>
      %dma_start3A_100 = arith.constant 0 : i32
      %dma_start3A_101 = arith.constant 0 : i32
      %dma_start3A_102 = tpu.memref_slice %arg4[%dma_start3A_100, %dma_start3A_101] : memref<10000x128xf32, #tpu.memory_space<hbm>> -> memref<10000x128xf32, #tpu.memory_space<hbm>>
      tpu.enqueue_indirect_dma source(%dma_start3A_102 : memref<10000x128xf32, #tpu.memory_space<hbm>>) target(%dma_start3A_96 : memref<64x128xf32, #tpu.memory_space<vmem>>) offsets(%dma_start3A_99 : memref<64xi32, #tpu.memory_space<vmem>>) semaphore(%arg13 : memref<!tpu.dma_semaphore, #tpu.memory_space<semaphore_mem>>)
      %dma_start3A_103 = arith.constant 3 : i32
      %dma_start3A_104 = arith.constant 3 : i32
      %dma_start3A_105 = arith.constant 0 : i32
      %dma_start3A_106 = arith.constant 0 : i32
      %dma_start3A_107 = tpu.memref_slice %arg9[%dma_start3A_104, %dma_start3A_105, %dma_start3A_106] : memref<4x64x128xf32, #tpu.memory_space<vmem>> -> memref<1x64x128xf32, #tpu.memory_space<vmem>>
      %dma_start3A_108 = tpu.memref_squeeze %dma_start3A_107 : memref<1x64x128xf32, #tpu.memory_space<vmem>> -> memref<64x128xf32, #tpu.memory_space<vmem>>
      %dma_start3A_109 = arith.constant 0 : i32
      %dma_start3A_110 = tpu.memref_slice %arg7[%dma_start3A_103, %dma_start3A_109] : memref<40x64xi32, #tpu.memory_space<vmem>> -> memref<1x64xi32, #tpu.memory_space<vmem>>
      %dma_start3A_111 = tpu.memref_squeeze %dma_start3A_110 : memref<1x64xi32, #tpu.memory_space<vmem>> -> memref<64xi32, #tpu.memory_space<vmem>>
      %dma_start3A_112 = arith.constant 0 : i32
      %dma_start3A_113 = arith.constant 0 : i32
      %dma_start3A_114 = tpu.memref_slice %arg4[%dma_start3A_112, %dma_start3A_113] : memref<10000x128xf32, #tpu.memory_space<hbm>> -> memref<10000x128xf32, #tpu.memory_space<hbm>>
      tpu.enqueue_indirect_dma source(%dma_start3A_114 : memref<10000x128xf32, #tpu.memory_space<hbm>>) target(%dma_start3A_108 : memref<64x128xf32, #tpu.memory_space<vmem>>) offsets(%dma_start3A_111 : memref<64xi32, #tpu.memory_space<vmem>>) semaphore(%arg14 : memref<!tpu.dma_semaphore, #tpu.memory_space<semaphore_mem>>)
      %scan3A_115 = arith.constant 0 : i32
      %scan3A_116 = arith.constant 0 : i32
      %scan3A_117 = arith.constant 10 : i32
      %scan3A_118 = arith.addi %scan3A_116, %scan3A_117 : i32
      %scan3A_119 = arith.constant 1 : i32
      scf.for %scan3A_233 = %scan3A_116 to %scan3A_118 step %scan3A_119  : i32 {
        %mul3A_234 = arith.constant 4 : i32
        %mul3A_235 = arith.muli %scan3A_233, %mul3A_234 : i32
        %add3A_236 = arith.constant 0 : i32
        %add3A_237 = arith.addi %mul3A_235, %add3A_236 : i32
        %dma_wait3A = arith.constant 0 : i32
        %dma_wait3A_238 = arith.constant 0 : i32
        %dma_wait3A_239 = arith.constant 0 : i32
        %dma_wait3A_240 = tpu.memref_slice %arg9[%dma_wait3A, %dma_wait3A_238, %dma_wait3A_239] : memref<4x64x128xf32, #tpu.memory_space<vmem>> -> memref<1x64x128xf32, #tpu.memory_space<vmem>>
        %dma_wait3A_241 = tpu.memref_squeeze %dma_wait3A_240 : memref<1x64x128xf32, #tpu.memory_space<vmem>> -> memref<64x128xf32, #tpu.memory_space<vmem>>
        %dma_wait3A_242 = arith.constant 0 : i32
        %dma_wait3A_243 = tpu.memref_slice %arg7[%add3A_237, %dma_wait3A_242] : memref<40x64xi32, #tpu.memory_space<vmem>> -> memref<1x64xi32, #tpu.memory_space<vmem>>
        %dma_wait3A_244 = tpu.memref_squeeze %dma_wait3A_243 : memref<1x64xi32, #tpu.memory_space<vmem>> -> memref<64xi32, #tpu.memory_space<vmem>>
        %dma_wait3A_245 = arith.constant 0 : i32
        %dma_wait3A_246 = arith.constant 0 : i32
        %dma_wait3A_247 = tpu.memref_slice %arg4[%dma_wait3A_245, %dma_wait3A_246] : memref<10000x128xf32, #tpu.memory_space<hbm>> -> memref<10000x128xf32, #tpu.memory_space<hbm>>
        tpu.wait_indirect_dma semaphore(%arg11 : memref<!tpu.dma_semaphore, #tpu.memory_space<semaphore_mem>>) src(%dma_wait3A_247 : memref<10000x128xf32, #tpu.memory_space<hbm>>) dst(%dma_wait3A_241 : memref<64x128xf32, #tpu.memory_space<vmem>>)
        %run_scoped3A = arith.constant 0 : i32
        "tpu.region"() ({
          %run_scoped3A_318 = tpu.sem_alloc : memref<!tpu.dma_semaphore, #tpu.memory_space<semaphore_mem>>
          %dma_start3A_319 = arith.constant 0 : i32
          %dma_start3A_320 = arith.constant 0 : i32
          %dma_start3A_321 = tpu.memref_slice %arg9[%run_scoped3A, %dma_start3A_319, %dma_start3A_320] : memref<4x64x128xf32, #tpu.memory_space<vmem>> -> memref<1x64x128xf32, #tpu.memory_space<vmem>>
          %dma_start3A_322 = tpu.memref_squeeze %dma_start3A_321 : memref<1x64x128xf32, #tpu.memory_space<vmem>> -> memref<64x128xf32, #tpu.memory_space<vmem>>
          %dma_start3A_323 = arith.constant 0 : i32
          %dma_start3A_324 = tpu.memref_slice %arg8[%add3A_237, %dma_start3A_323] : memref<40x64xi32, #tpu.memory_space<vmem>> -> memref<1x64xi32, #tpu.memory_space<vmem>>
          %dma_start3A_325 = tpu.memref_squeeze %dma_start3A_324 : memref<1x64xi32, #tpu.memory_space<vmem>> -> memref<64xi32, #tpu.memory_space<vmem>>
          %dma_start3A_326 = arith.constant 0 : i32
          %dma_start3A_327 = arith.constant 0 : i32
          %dma_start3A_328 = tpu.memref_slice %arg10[%dma_start3A_326, %dma_start3A_327] : memref<10112x128xf32, #tpu.memory_space<vmem_shared>> -> memref<10112x128xf32, #tpu.memory_space<vmem_shared>>
          tpu.enqueue_indirect_dma source(%dma_start3A_322 : memref<64x128xf32, #tpu.memory_space<vmem>>) target(%dma_start3A_328 : memref<10112x128xf32, #tpu.memory_space<vmem_shared>>) offsets(%dma_start3A_325 : memref<64xi32, #tpu.memory_space<vmem>>) semaphore(%run_scoped3A_318 : memref<!tpu.dma_semaphore, #tpu.memory_space<semaphore_mem>>) {add = true}
          %dma_wait3A_329 = arith.constant 0 : i32
          %dma_wait3A_330 = arith.constant 0 : i32
          %dma_wait3A_331 = tpu.memref_slice %arg9[%run_scoped3A, %dma_wait3A_329, %dma_wait3A_330] : memref<4x64x128xf32, #tpu.memory_space<vmem>> -> memref<1x64x128xf32, #tpu.memory_space<vmem>>
          %dma_wait3A_332 = tpu.memref_squeeze %dma_wait3A_331 : memref<1x64x128xf32, #tpu.memory_space<vmem>> -> memref<64x128xf32, #tpu.memory_space<vmem>>
          %dma_wait3A_333 = arith.constant 0 : i32
          %dma_wait3A_334 = tpu.memref_slice %arg8[%add3A_237, %dma_wait3A_333] : memref<40x64xi32, #tpu.memory_space<vmem>> -> memref<1x64xi32, #tpu.memory_space<vmem>>
          %dma_wait3A_335 = tpu.memref_squeeze %dma_wait3A_334 : memref<1x64xi32, #tpu.memory_space<vmem>> -> memref<64xi32, #tpu.memory_space<vmem>>
          %dma_wait3A_336 = arith.constant 0 : i32
          %dma_wait3A_337 = arith.constant 0 : i32
          %dma_wait3A_338 = tpu.memref_slice %arg10[%dma_wait3A_336, %dma_wait3A_337] : memref<10112x128xf32, #tpu.memory_space<vmem_shared>> -> memref<10112x128xf32, #tpu.memory_space<vmem_shared>>
          tpu.wait_indirect_dma semaphore(%run_scoped3A_318 : memref<!tpu.dma_semaphore, #tpu.memory_space<semaphore_mem>>) src(%dma_wait3A_332 : memref<64x128xf32, #tpu.memory_space<vmem>>) dst(%dma_wait3A_338 : memref<10112x128xf32, #tpu.memory_space<vmem_shared>>)
          tpu.yield
        }) : () -> ()
        %add3A_248 = arith.constant 4 : i32
        %add3A_249 = arith.addi %add3A_237, %add3A_248 : i32
        %lt3A_250 = arith.constant 40 : i32
        %lt3A_251 = arith.cmpi slt, %add3A_249, %lt3A_250 : i32
        %convert_element_type3A_252 = arith.extui %lt3A_251 : i1 to i32
        %cond3A_253 = arith.constant 0 : i32
        %cond3A_254 = arith.cmpi ne, %convert_element_type3A_252, %cond3A_253 : i32
        scf.if %cond3A_254 {
          %dma_start3A_318 = arith.constant 0 : i32
          %dma_start3A_319 = arith.constant 0 : i32
          %dma_start3A_320 = arith.constant 0 : i32
          %dma_start3A_321 = tpu.memref_slice %arg9[%dma_start3A_318, %dma_start3A_319, %dma_start3A_320] : memref<4x64x128xf32, #tpu.memory_space<vmem>> -> memref<1x64x128xf32, #tpu.memory_space<vmem>>
          %dma_start3A_322 = tpu.memref_squeeze %dma_start3A_321 : memref<1x64x128xf32, #tpu.memory_space<vmem>> -> memref<64x128xf32, #tpu.memory_space<vmem>>
          %dma_start3A_323 = arith.constant 0 : i32
          %dma_start3A_324 = tpu.memref_slice %arg7[%add3A_249, %dma_start3A_323] : memref<40x64xi32, #tpu.memory_space<vmem>> -> memref<1x64xi32, #tpu.memory_space<vmem>>
          %dma_start3A_325 = tpu.memref_squeeze %dma_start3A_324 : memref<1x64xi32, #tpu.memory_space<vmem>> -> memref<64xi32, #tpu.memory_space<vmem>>
          %dma_start3A_326 = arith.constant 0 : i32
          %dma_start3A_327 = arith.constant 0 : i32
          %dma_start3A_328 = tpu.memref_slice %arg4[%dma_start3A_326, %dma_start3A_327] : memref<10000x128xf32, #tpu.memory_space<hbm>> -> memref<10000x128xf32, #tpu.memory_space<hbm>>
          tpu.enqueue_indirect_dma source(%dma_start3A_328 : memref<10000x128xf32, #tpu.memory_space<hbm>>) target(%dma_start3A_322 : memref<64x128xf32, #tpu.memory_space<vmem>>) offsets(%dma_start3A_325 : memref<64xi32, #tpu.memory_space<vmem>>) semaphore(%arg11 : memref<!tpu.dma_semaphore, #tpu.memory_space<semaphore_mem>>)
        } else {
        }
        %add3A_255 = arith.constant 1 : i32
        %add3A_256 = arith.addi %mul3A_235, %add3A_255 : i32
        %dma_wait3A_257 = arith.constant 1 : i32
        %dma_wait3A_258 = arith.constant 0 : i32
        %dma_wait3A_259 = arith.constant 0 : i32
        %dma_wait3A_260 = tpu.memref_slice %arg9[%dma_wait3A_257, %dma_wait3A_258, %dma_wait3A_259] : memref<4x64x128xf32, #tpu.memory_space<vmem>> -> memref<1x64x128xf32, #tpu.memory_space<vmem>>
        %dma_wait3A_261 = tpu.memref_squeeze %dma_wait3A_260 : memref<1x64x128xf32, #tpu.memory_space<vmem>> -> memref<64x128xf32, #tpu.memory_space<vmem>>
        %dma_wait3A_262 = arith.constant 0 : i32
        %dma_wait3A_263 = tpu.memref_slice %arg7[%add3A_256, %dma_wait3A_262] : memref<40x64xi32, #tpu.memory_space<vmem>> -> memref<1x64xi32, #tpu.memory_space<vmem>>
        %dma_wait3A_264 = tpu.memref_squeeze %dma_wait3A_263 : memref<1x64xi32, #tpu.memory_space<vmem>> -> memref<64xi32, #tpu.memory_space<vmem>>
        %dma_wait3A_265 = arith.constant 0 : i32
        %dma_wait3A_266 = arith.constant 0 : i32
        %dma_wait3A_267 = tpu.memref_slice %arg4[%dma_wait3A_265, %dma_wait3A_266] : memref<10000x128xf32, #tpu.memory_space<hbm>> -> memref<10000x128xf32, #tpu.memory_space<hbm>>
        tpu.wait_indirect_dma semaphore(%arg12 : memref<!tpu.dma_semaphore, #tpu.memory_space<semaphore_mem>>) src(%dma_wait3A_267 : memref<10000x128xf32, #tpu.memory_space<hbm>>) dst(%dma_wait3A_261 : memref<64x128xf32, #tpu.memory_space<vmem>>)
        %run_scoped3A_268 = arith.constant 1 : i32
        "tpu.region"() ({
          %run_scoped3A_318 = tpu.sem_alloc : memref<!tpu.dma_semaphore, #tpu.memory_space<semaphore_mem>>
          %dma_start3A_319 = arith.constant 0 : i32
          %dma_start3A_320 = arith.constant 0 : i32
          %dma_start3A_321 = tpu.memref_slice %arg9[%run_scoped3A_268, %dma_start3A_319, %dma_start3A_320] : memref<4x64x128xf32, #tpu.memory_space<vmem>> -> memref<1x64x128xf32, #tpu.memory_space<vmem>>
          %dma_start3A_322 = tpu.memref_squeeze %dma_start3A_321 : memref<1x64x128xf32, #tpu.memory_space<vmem>> -> memref<64x128xf32, #tpu.memory_space<vmem>>
          %dma_start3A_323 = arith.constant 0 : i32
          %dma_start3A_324 = tpu.memref_slice %arg8[%add3A_256, %dma_start3A_323] : memref<40x64xi32, #tpu.memory_space<vmem>> -> memref<1x64xi32, #tpu.memory_space<vmem>>
          %dma_start3A_325 = tpu.memref_squeeze %dma_start3A_324 : memref<1x64xi32, #tpu.memory_space<vmem>> -> memref<64xi32, #tpu.memory_space<vmem>>
          %dma_start3A_326 = arith.constant 0 : i32
          %dma_start3A_327 = arith.constant 0 : i32
          %dma_start3A_328 = tpu.memref_slice %arg10[%dma_start3A_326, %dma_start3A_327] : memref<10112x128xf32, #tpu.memory_space<vmem_shared>> -> memref<10112x128xf32, #tpu.memory_space<vmem_shared>>
          tpu.enqueue_indirect_dma source(%dma_start3A_322 : memref<64x128xf32, #tpu.memory_space<vmem>>) target(%dma_start3A_328 : memref<10112x128xf32, #tpu.memory_space<vmem_shared>>) offsets(%dma_start3A_325 : memref<64xi32, #tpu.memory_space<vmem>>) semaphore(%run_scoped3A_318 : memref<!tpu.dma_semaphore, #tpu.memory_space<semaphore_mem>>) {add = true}
          %dma_wait3A_329 = arith.constant 0 : i32
          %dma_wait3A_330 = arith.constant 0 : i32
          %dma_wait3A_331 = tpu.memref_slice %arg9[%run_scoped3A_268, %dma_wait3A_329, %dma_wait3A_330] : memref<4x64x128xf32, #tpu.memory_space<vmem>> -> memref<1x64x128xf32, #tpu.memory_space<vmem>>
          %dma_wait3A_332 = tpu.memref_squeeze %dma_wait3A_331 : memref<1x64x128xf32, #tpu.memory_space<vmem>> -> memref<64x128xf32, #tpu.memory_space<vmem>>
          %dma_wait3A_333 = arith.constant 0 : i32
          %dma_wait3A_334 = tpu.memref_slice %arg8[%add3A_256, %dma_wait3A_333] : memref<40x64xi32, #tpu.memory_space<vmem>> -> memref<1x64xi32, #tpu.memory_space<vmem>>
          %dma_wait3A_335 = tpu.memref_squeeze %dma_wait3A_334 : memref<1x64xi32, #tpu.memory_space<vmem>> -> memref<64xi32, #tpu.memory_space<vmem>>
          %dma_wait3A_336 = arith.constant 0 : i32
          %dma_wait3A_337 = arith.constant 0 : i32
          %dma_wait3A_338 = tpu.memref_slice %arg10[%dma_wait3A_336, %dma_wait3A_337] : memref<10112x128xf32, #tpu.memory_space<vmem_shared>> -> memref<10112x128xf32, #tpu.memory_space<vmem_shared>>
          tpu.wait_indirect_dma semaphore(%run_scoped3A_318 : memref<!tpu.dma_semaphore, #tpu.memory_space<semaphore_mem>>) src(%dma_wait3A_332 : memref<64x128xf32, #tpu.memory_space<vmem>>) dst(%dma_wait3A_338 : memref<10112x128xf32, #tpu.memory_space<vmem_shared>>)
          tpu.yield
        }) : () -> ()
        %add3A_269 = arith.constant 4 : i32
        %add3A_270 = arith.addi %add3A_256, %add3A_269 : i32
        %lt3A_271 = arith.constant 40 : i32
        %lt3A_272 = arith.cmpi slt, %add3A_270, %lt3A_271 : i32
        %convert_element_type3A_273 = arith.extui %lt3A_272 : i1 to i32
        %cond3A_274 = arith.constant 0 : i32
        %cond3A_275 = arith.cmpi ne, %convert_element_type3A_273, %cond3A_274 : i32
        scf.if %cond3A_275 {
          %dma_start3A_318 = arith.constant 1 : i32
          %dma_start3A_319 = arith.constant 0 : i32
          %dma_start3A_320 = arith.constant 0 : i32
          %dma_start3A_321 = tpu.memref_slice %arg9[%dma_start3A_318, %dma_start3A_319, %dma_start3A_320] : memref<4x64x128xf32, #tpu.memory_space<vmem>> -> memref<1x64x128xf32, #tpu.memory_space<vmem>>
          %dma_start3A_322 = tpu.memref_squeeze %dma_start3A_321 : memref<1x64x128xf32, #tpu.memory_space<vmem>> -> memref<64x128xf32, #tpu.memory_space<vmem>>
          %dma_start3A_323 = arith.constant 0 : i32
          %dma_start3A_324 = tpu.memref_slice %arg7[%add3A_270, %dma_start3A_323] : memref<40x64xi32, #tpu.memory_space<vmem>> -> memref<1x64xi32, #tpu.memory_space<vmem>>
          %dma_start3A_325 = tpu.memref_squeeze %dma_start3A_324 : memref<1x64xi32, #tpu.memory_space<vmem>> -> memref<64xi32, #tpu.memory_space<vmem>>
          %dma_start3A_326 = arith.constant 0 : i32
          %dma_start3A_327 = arith.constant 0 : i32
          %dma_start3A_328 = tpu.memref_slice %arg4[%dma_start3A_326, %dma_start3A_327] : memref<10000x128xf32, #tpu.memory_space<hbm>> -> memref<10000x128xf32, #tpu.memory_space<hbm>>
          tpu.enqueue_indirect_dma source(%dma_start3A_328 : memref<10000x128xf32, #tpu.memory_space<hbm>>) target(%dma_start3A_322 : memref<64x128xf32, #tpu.memory_space<vmem>>) offsets(%dma_start3A_325 : memref<64xi32, #tpu.memory_space<vmem>>) semaphore(%arg12 : memref<!tpu.dma_semaphore, #tpu.memory_space<semaphore_mem>>)
        } else {
        }
        %add3A_276 = arith.constant 2 : i32
        %add3A_277 = arith.addi %mul3A_235, %add3A_276 : i32
        %dma_wait3A_278 = arith.constant 2 : i32
        %dma_wait3A_279 = arith.constant 0 : i32
        %dma_wait3A_280 = arith.constant 0 : i32
        %dma_wait3A_281 = tpu.memref_slice %arg9[%dma_wait3A_278, %dma_wait3A_279, %dma_wait3A_280] : memref<4x64x128xf32, #tpu.memory_space<vmem>> -> memref<1x64x128xf32, #tpu.memory_space<vmem>>
        %dma_wait3A_282 = tpu.memref_squeeze %dma_wait3A_281 : memref<1x64x128xf32, #tpu.memory_space<vmem>> -> memref<64x128xf32, #tpu.memory_space<vmem>>
        %dma_wait3A_283 = arith.constant 0 : i32
        %dma_wait3A_284 = tpu.memref_slice %arg7[%add3A_277, %dma_wait3A_283] : memref<40x64xi32, #tpu.memory_space<vmem>> -> memref<1x64xi32, #tpu.memory_space<vmem>>
        %dma_wait3A_285 = tpu.memref_squeeze %dma_wait3A_284 : memref<1x64xi32, #tpu.memory_space<vmem>> -> memref<64xi32, #tpu.memory_space<vmem>>
        %dma_wait3A_286 = arith.constant 0 : i32
        %dma_wait3A_287 = arith.constant 0 : i32
        %dma_wait3A_288 = tpu.memref_slice %arg4[%dma_wait3A_286, %dma_wait3A_287] : memref<10000x128xf32, #tpu.memory_space<hbm>> -> memref<10000x128xf32, #tpu.memory_space<hbm>>
        tpu.wait_indirect_dma semaphore(%arg13 : memref<!tpu.dma_semaphore, #tpu.memory_space<semaphore_mem>>) src(%dma_wait3A_288 : memref<10000x128xf32, #tpu.memory_space<hbm>>) dst(%dma_wait3A_282 : memref<64x128xf32, #tpu.memory_space<vmem>>)
        %run_scoped3A_289 = arith.constant 2 : i32
        "tpu.region"() ({
          %run_scoped3A_318 = tpu.sem_alloc : memref<!tpu.dma_semaphore, #tpu.memory_space<semaphore_mem>>
          %dma_start3A_319 = arith.constant 0 : i32
          %dma_start3A_320 = arith.constant 0 : i32
          %dma_start3A_321 = tpu.memref_slice %arg9[%run_scoped3A_289, %dma_start3A_319, %dma_start3A_320] : memref<4x64x128xf32, #tpu.memory_space<vmem>> -> memref<1x64x128xf32, #tpu.memory_space<vmem>>
          %dma_start3A_322 = tpu.memref_squeeze %dma_start3A_321 : memref<1x64x128xf32, #tpu.memory_space<vmem>> -> memref<64x128xf32, #tpu.memory_space<vmem>>
          %dma_start3A_323 = arith.constant 0 : i32
          %dma_start3A_324 = tpu.memref_slice %arg8[%add3A_277, %dma_start3A_323] : memref<40x64xi32, #tpu.memory_space<vmem>> -> memref<1x64xi32, #tpu.memory_space<vmem>>
          %dma_start3A_325 = tpu.memref_squeeze %dma_start3A_324 : memref<1x64xi32, #tpu.memory_space<vmem>> -> memref<64xi32, #tpu.memory_space<vmem>>
          %dma_start3A_326 = arith.constant 0 : i32
          %dma_start3A_327 = arith.constant 0 : i32
          %dma_start3A_328 = tpu.memref_slice %arg10[%dma_start3A_326, %dma_start3A_327] : memref<10112x128xf32, #tpu.memory_space<vmem_shared>> -> memref<10112x128xf32, #tpu.memory_space<vmem_shared>>
          tpu.enqueue_indirect_dma source(%dma_start3A_322 : memref<64x128xf32, #tpu.memory_space<vmem>>) target(%dma_start3A_328 : memref<10112x128xf32, #tpu.memory_space<vmem_shared>>) offsets(%dma_start3A_325 : memref<64xi32, #tpu.memory_space<vmem>>) semaphore(%run_scoped3A_318 : memref<!tpu.dma_semaphore, #tpu.memory_space<semaphore_mem>>) {add = true}
          %dma_wait3A_329 = arith.constant 0 : i32
          %dma_wait3A_330 = arith.constant 0 : i32
          %dma_wait3A_331 = tpu.memref_slice %arg9[%run_scoped3A_289, %dma_wait3A_329, %dma_wait3A_330] : memref<4x64x128xf32, #tpu.memory_space<vmem>> -> memref<1x64x128xf32, #tpu.memory_space<vmem>>
          %dma_wait3A_332 = tpu.memref_squeeze %dma_wait3A_331 : memref<1x64x128xf32, #tpu.memory_space<vmem>> -> memref<64x128xf32, #tpu.memory_space<vmem>>
          %dma_wait3A_333 = arith.constant 0 : i32
          %dma_wait3A_334 = tpu.memref_slice %arg8[%add3A_277, %dma_wait3A_333] : memref<40x64xi32, #tpu.memory_space<vmem>> -> memref<1x64xi32, #tpu.memory_space<vmem>>
          %dma_wait3A_335 = tpu.memref_squeeze %dma_wait3A_334 : memref<1x64xi32, #tpu.memory_space<vmem>> -> memref<64xi32, #tpu.memory_space<vmem>>
          %dma_wait3A_336 = arith.constant 0 : i32
          %dma_wait3A_337 = arith.constant 0 : i32
          %dma_wait3A_338 = tpu.memref_slice %arg10[%dma_wait3A_336, %dma_wait3A_337] : memref<10112x128xf32, #tpu.memory_space<vmem_shared>> -> memref<10112x128xf32, #tpu.memory_space<vmem_shared>>
          tpu.wait_indirect_dma semaphore(%run_scoped3A_318 : memref<!tpu.dma_semaphore, #tpu.memory_space<semaphore_mem>>) src(%dma_wait3A_332 : memref<64x128xf32, #tpu.memory_space<vmem>>) dst(%dma_wait3A_338 : memref<10112x128xf32, #tpu.memory_space<vmem_shared>>)
          tpu.yield
        }) : () -> ()
        %add3A_290 = arith.constant 4 : i32
        %add3A_291 = arith.addi %add3A_277, %add3A_290 : i32
        %lt3A_292 = arith.constant 40 : i32
        %lt3A_293 = arith.cmpi slt, %add3A_291, %lt3A_292 : i32
        %convert_element_type3A_294 = arith.extui %lt3A_293 : i1 to i32
        %cond3A_295 = arith.constant 0 : i32
        %cond3A_296 = arith.cmpi ne, %convert_element_type3A_294, %cond3A_295 : i32
        scf.if %cond3A_296 {
          %dma_start3A_318 = arith.constant 2 : i32
          %dma_start3A_319 = arith.constant 0 : i32
          %dma_start3A_320 = arith.constant 0 : i32
          %dma_start3A_321 = tpu.memref_slice %arg9[%dma_start3A_318, %dma_start3A_319, %dma_start3A_320] : memref<4x64x128xf32, #tpu.memory_space<vmem>> -> memref<1x64x128xf32, #tpu.memory_space<vmem>>
          %dma_start3A_322 = tpu.memref_squeeze %dma_start3A_321 : memref<1x64x128xf32, #tpu.memory_space<vmem>> -> memref<64x128xf32, #tpu.memory_space<vmem>>
          %dma_start3A_323 = arith.constant 0 : i32
          %dma_start3A_324 = tpu.memref_slice %arg7[%add3A_291, %dma_start3A_323] : memref<40x64xi32, #tpu.memory_space<vmem>> -> memref<1x64xi32, #tpu.memory_space<vmem>>
          %dma_start3A_325 = tpu.memref_squeeze %dma_start3A_324 : memref<1x64xi32, #tpu.memory_space<vmem>> -> memref<64xi32, #tpu.memory_space<vmem>>
          %dma_start3A_326 = arith.constant 0 : i32
          %dma_start3A_327 = arith.constant 0 : i32
          %dma_start3A_328 = tpu.memref_slice %arg4[%dma_start3A_326, %dma_start3A_327] : memref<10000x128xf32, #tpu.memory_space<hbm>> -> memref<10000x128xf32, #tpu.memory_space<hbm>>
          tpu.enqueue_indirect_dma source(%dma_start3A_328 : memref<10000x128xf32, #tpu.memory_space<hbm>>) target(%dma_start3A_322 : memref<64x128xf32, #tpu.memory_space<vmem>>) offsets(%dma_start3A_325 : memref<64xi32, #tpu.memory_space<vmem>>) semaphore(%arg13 : memref<!tpu.dma_semaphore, #tpu.memory_space<semaphore_mem>>)
        } else {
        }
        %add3A_297 = arith.constant 3 : i32
        %add3A_298 = arith.addi %mul3A_235, %add3A_297 : i32
        %dma_wait3A_299 = arith.constant 3 : i32
        %dma_wait3A_300 = arith.constant 0 : i32
        %dma_wait3A_301 = arith.constant 0 : i32
        %dma_wait3A_302 = tpu.memref_slice %arg9[%dma_wait3A_299, %dma_wait3A_300, %dma_wait3A_301] : memref<4x64x128xf32, #tpu.memory_space<vmem>> -> memref<1x64x128xf32, #tpu.memory_space<vmem>>
        %dma_wait3A_303 = tpu.memref_squeeze %dma_wait3A_302 : memref<1x64x128xf32, #tpu.memory_space<vmem>> -> memref<64x128xf32, #tpu.memory_space<vmem>>
        %dma_wait3A_304 = arith.constant 0 : i32
        %dma_wait3A_305 = tpu.memref_slice %arg7[%add3A_298, %dma_wait3A_304] : memref<40x64xi32, #tpu.memory_space<vmem>> -> memref<1x64xi32, #tpu.memory_space<vmem>>
        %dma_wait3A_306 = tpu.memref_squeeze %dma_wait3A_305 : memref<1x64xi32, #tpu.memory_space<vmem>> -> memref<64xi32, #tpu.memory_space<vmem>>
        %dma_wait3A_307 = arith.constant 0 : i32
        %dma_wait3A_308 = arith.constant 0 : i32
        %dma_wait3A_309 = tpu.memref_slice %arg4[%dma_wait3A_307, %dma_wait3A_308] : memref<10000x128xf32, #tpu.memory_space<hbm>> -> memref<10000x128xf32, #tpu.memory_space<hbm>>
        tpu.wait_indirect_dma semaphore(%arg14 : memref<!tpu.dma_semaphore, #tpu.memory_space<semaphore_mem>>) src(%dma_wait3A_309 : memref<10000x128xf32, #tpu.memory_space<hbm>>) dst(%dma_wait3A_303 : memref<64x128xf32, #tpu.memory_space<vmem>>)
        %run_scoped3A_310 = arith.constant 3 : i32
        "tpu.region"() ({
          %run_scoped3A_318 = tpu.sem_alloc : memref<!tpu.dma_semaphore, #tpu.memory_space<semaphore_mem>>
          %dma_start3A_319 = arith.constant 0 : i32
          %dma_start3A_320 = arith.constant 0 : i32
          %dma_start3A_321 = tpu.memref_slice %arg9[%run_scoped3A_310, %dma_start3A_319, %dma_start3A_320] : memref<4x64x128xf32, #tpu.memory_space<vmem>> -> memref<1x64x128xf32, #tpu.memory_space<vmem>>
          %dma_start3A_322 = tpu.memref_squeeze %dma_start3A_321 : memref<1x64x128xf32, #tpu.memory_space<vmem>> -> memref<64x128xf32, #tpu.memory_space<vmem>>
          %dma_start3A_323 = arith.constant 0 : i32
          %dma_start3A_324 = tpu.memref_slice %arg8[%add3A_298, %dma_start3A_323] : memref<40x64xi32, #tpu.memory_space<vmem>> -> memref<1x64xi32, #tpu.memory_space<vmem>>
          %dma_start3A_325 = tpu.memref_squeeze %dma_start3A_324 : memref<1x64xi32, #tpu.memory_space<vmem>> -> memref<64xi32, #tpu.memory_space<vmem>>
          %dma_start3A_326 = arith.constant 0 : i32
          %dma_start3A_327 = arith.constant 0 : i32
          %dma_start3A_328 = tpu.memref_slice %arg10[%dma_start3A_326, %dma_start3A_327] : memref<10112x128xf32, #tpu.memory_space<vmem_shared>> -> memref<10112x128xf32, #tpu.memory_space<vmem_shared>>
          tpu.enqueue_indirect_dma source(%dma_start3A_322 : memref<64x128xf32, #tpu.memory_space<vmem>>) target(%dma_start3A_328 : memref<10112x128xf32, #tpu.memory_space<vmem_shared>>) offsets(%dma_start3A_325 : memref<64xi32, #tpu.memory_space<vmem>>) semaphore(%run_scoped3A_318 : memref<!tpu.dma_semaphore, #tpu.memory_space<semaphore_mem>>) {add = true}
          %dma_wait3A_329 = arith.constant 0 : i32
          %dma_wait3A_330 = arith.constant 0 : i32
          %dma_wait3A_331 = tpu.memref_slice %arg9[%run_scoped3A_310, %dma_wait3A_329, %dma_wait3A_330] : memref<4x64x128xf32, #tpu.memory_space<vmem>> -> memref<1x64x128xf32, #tpu.memory_space<vmem>>
          %dma_wait3A_332 = tpu.memref_squeeze %dma_wait3A_331 : memref<1x64x128xf32, #tpu.memory_space<vmem>> -> memref<64x128xf32, #tpu.memory_space<vmem>>
          %dma_wait3A_333 = arith.constant 0 : i32
          %dma_wait3A_334 = tpu.memref_slice %arg8[%add3A_298, %dma_wait3A_333] : memref<40x64xi32, #tpu.memory_space<vmem>> -> memref<1x64xi32, #tpu.memory_space<vmem>>
          %dma_wait3A_335 = tpu.memref_squeeze %dma_wait3A_334 : memref<1x64xi32, #tpu.memory_space<vmem>> -> memref<64xi32, #tpu.memory_space<vmem>>
          %dma_wait3A_336 = arith.constant 0 : i32
          %dma_wait3A_337 = arith.constant 0 : i32
          %dma_wait3A_338 = tpu.memref_slice %arg10[%dma_wait3A_336, %dma_wait3A_337] : memref<10112x128xf32, #tpu.memory_space<vmem_shared>> -> memref<10112x128xf32, #tpu.memory_space<vmem_shared>>
          tpu.wait_indirect_dma semaphore(%run_scoped3A_318 : memref<!tpu.dma_semaphore, #tpu.memory_space<semaphore_mem>>) src(%dma_wait3A_332 : memref<64x128xf32, #tpu.memory_space<vmem>>) dst(%dma_wait3A_338 : memref<10112x128xf32, #tpu.memory_space<vmem_shared>>)
          tpu.yield
        }) : () -> ()
        %add3A_311 = arith.constant 4 : i32
        %add3A_312 = arith.addi %add3A_298, %add3A_311 : i32
        %lt3A_313 = arith.constant 40 : i32
        %lt3A_314 = arith.cmpi slt, %add3A_312, %lt3A_313 : i32
        %convert_element_type3A_315 = arith.extui %lt3A_314 : i1 to i32
        %cond3A_316 = arith.constant 0 : i32
        %cond3A_317 = arith.cmpi ne, %convert_element_type3A_315, %cond3A_316 : i32
        scf.if %cond3A_317 {
          %dma_start3A_318 = arith.constant 3 : i32
          %dma_start3A_319 = arith.constant 0 : i32
          %dma_start3A_320 = arith.constant 0 : i32
          %dma_start3A_321 = tpu.memref_slice %arg9[%dma_start3A_318, %dma_start3A_319, %dma_start3A_320] : memref<4x64x128xf32, #tpu.memory_space<vmem>> -> memref<1x64x128xf32, #tpu.memory_space<vmem>>
          %dma_start3A_322 = tpu.memref_squeeze %dma_start3A_321 : memref<1x64x128xf32, #tpu.memory_space<vmem>> -> memref<64x128xf32, #tpu.memory_space<vmem>>
          %dma_start3A_323 = arith.constant 0 : i32
          %dma_start3A_324 = tpu.memref_slice %arg7[%add3A_312, %dma_start3A_323] : memref<40x64xi32, #tpu.memory_space<vmem>> -> memref<1x64xi32, #tpu.memory_space<vmem>>
          %dma_start3A_325 = tpu.memref_squeeze %dma_start3A_324 : memref<1x64xi32, #tpu.memory_space<vmem>> -> memref<64xi32, #tpu.memory_space<vmem>>
          %dma_start3A_326 = arith.constant 0 : i32
          %dma_start3A_327 = arith.constant 0 : i32
          %dma_start3A_328 = tpu.memref_slice %arg4[%dma_start3A_326, %dma_start3A_327] : memref<10000x128xf32, #tpu.memory_space<hbm>> -> memref<10000x128xf32, #tpu.memory_space<hbm>>
          tpu.enqueue_indirect_dma source(%dma_start3A_328 : memref<10000x128xf32, #tpu.memory_space<hbm>>) target(%dma_start3A_322 : memref<64x128xf32, #tpu.memory_space<vmem>>) offsets(%dma_start3A_325 : memref<64xi32, #tpu.memory_space<vmem>>) semaphore(%arg14 : memref<!tpu.dma_semaphore, #tpu.memory_space<semaphore_mem>>)
        } else {
        }
      }
      %scan3A_120 = arith.constant 10 : i32
      %add3A_121 = arith.constant 80 : i32
      %add3A_122 = arith.addi %mul3A_10, %add3A_121 : i32
      "tpu.region"() ({
        %run_scoped3A = tpu.sem_alloc : memref<!tpu.dma_semaphore, #tpu.memory_space<semaphore_mem>>
        %dma_start3A_233 = arith.constant 0 : i32
        %dma_start3A_234 = arith.constant 0 : i32
        %dma_start3A_235 = tpu.memref_slice %arg7[%dma_start3A_233, %dma_start3A_234] : memref<40x64xi32, #tpu.memory_space<vmem>> -> memref<40x64xi32, #tpu.memory_space<vmem>>
        %dma_start3A_236 = arith.constant 0 : i32
        %dma_start3A_237 = tpu.memref_slice %arg2[%add3A_122, %dma_start3A_236] : memref<5000x64xi32, #tpu.memory_space<hbm>> -> memref<40x64xi32, #tpu.memory_space<hbm>>
        %dma_start3A_238 = arith.constant 0 : i32
        %dma_start3A_239 = arith.constant 0 : i32
        %dma_start3A_240 = tpu.memref_slice %arg7[%dma_start3A_238, %dma_start3A_239] : memref<40x64xi32, #tpu.memory_space<vmem>> -> memref<40x64xi32, #tpu.memory_space<vmem>>
        %dma_start3A_241 = arith.constant 0 : i32
        %dma_start3A_242 = tpu.memref_slice %arg2[%add3A_122, %dma_start3A_241] : memref<5000x64xi32, #tpu.memory_space<hbm>> -> memref<40x64xi32, #tpu.memory_space<hbm>>
        tpu.enqueue_dma source(%dma_start3A_242 : memref<40x64xi32, #tpu.memory_space<hbm>>) target(%dma_start3A_240 : memref<40x64xi32, #tpu.memory_space<vmem>>) target_semaphore(%run_scoped3A : memref<!tpu.dma_semaphore, #tpu.memory_space<semaphore_mem>>)
        %dma_wait3A = arith.constant 0 : i32
        %dma_wait3A_243 = arith.constant 0 : i32
        %dma_wait3A_244 = tpu.memref_slice %arg7[%dma_wait3A, %dma_wait3A_243] : memref<40x64xi32, #tpu.memory_space<vmem>> -> memref<40x64xi32, #tpu.memory_space<vmem>>
        %dma_wait3A_245 = arith.constant 0 : i32
        %dma_wait3A_246 = tpu.memref_slice %arg2[%add3A_122, %dma_wait3A_245] : memref<5000x64xi32, #tpu.memory_space<hbm>> -> memref<40x64xi32, #tpu.memory_space<hbm>>
        %dma_wait3A_247 = arith.constant 0 : i32
        %dma_wait3A_248 = arith.constant 0 : i32
        %dma_wait3A_249 = tpu.memref_slice %arg7[%dma_wait3A_247, %dma_wait3A_248] : memref<40x64xi32, #tpu.memory_space<vmem>> -> memref<40x64xi32, #tpu.memory_space<vmem>>
        %dma_wait3A_250 = arith.constant 0 : i32
        %dma_wait3A_251 = tpu.memref_slice %arg2[%add3A_122, %dma_wait3A_250] : memref<5000x64xi32, #tpu.memory_space<hbm>> -> memref<40x64xi32, #tpu.memory_space<hbm>>
        tpu.wait_dma2 semaphore(%run_scoped3A : memref<!tpu.dma_semaphore, #tpu.memory_space<semaphore_mem>>) src(%dma_wait3A_251 : memref<40x64xi32, #tpu.memory_space<hbm>>) dst(%dma_wait3A_249 : memref<40x64xi32, #tpu.memory_space<vmem>>)
        tpu.yield
      }) : () -> ()
      "tpu.region"() ({
        %run_scoped3A = tpu.sem_alloc : memref<!tpu.dma_semaphore, #tpu.memory_space<semaphore_mem>>
        %dma_start3A_233 = arith.constant 0 : i32
        %dma_start3A_234 = arith.constant 0 : i32
        %dma_start3A_235 = tpu.memref_slice %arg8[%dma_start3A_233, %dma_start3A_234] : memref<40x64xi32, #tpu.memory_space<vmem>> -> memref<40x64xi32, #tpu.memory_space<vmem>>
        %dma_start3A_236 = arith.constant 0 : i32
        %dma_start3A_237 = tpu.memref_slice %arg3[%add3A_122, %dma_start3A_236] : memref<5000x64xi32, #tpu.memory_space<hbm>> -> memref<40x64xi32, #tpu.memory_space<hbm>>
        %dma_start3A_238 = arith.constant 0 : i32
        %dma_start3A_239 = arith.constant 0 : i32
        %dma_start3A_240 = tpu.memref_slice %arg8[%dma_start3A_238, %dma_start3A_239] : memref<40x64xi32, #tpu.memory_space<vmem>> -> memref<40x64xi32, #tpu.memory_space<vmem>>
        %dma_start3A_241 = arith.constant 0 : i32
        %dma_start3A_242 = tpu.memref_slice %arg3[%add3A_122, %dma_start3A_241] : memref<5000x64xi32, #tpu.memory_space<hbm>> -> memref<40x64xi32, #tpu.memory_space<hbm>>
        tpu.enqueue_dma source(%dma_start3A_242 : memref<40x64xi32, #tpu.memory_space<hbm>>) target(%dma_start3A_240 : memref<40x64xi32, #tpu.memory_space<vmem>>) target_semaphore(%run_scoped3A : memref<!tpu.dma_semaphore, #tpu.memory_space<semaphore_mem>>)
        %dma_wait3A = arith.constant 0 : i32
        %dma_wait3A_243 = arith.constant 0 : i32
        %dma_wait3A_244 = tpu.memref_slice %arg8[%dma_wait3A, %dma_wait3A_243] : memref<40x64xi32, #tpu.memory_space<vmem>> -> memref<40x64xi32, #tpu.memory_space<vmem>>
        %dma_wait3A_245 = arith.constant 0 : i32
        %dma_wait3A_246 = tpu.memref_slice %arg3[%add3A_122, %dma_wait3A_245] : memref<5000x64xi32, #tpu.memory_space<hbm>> -> memref<40x64xi32, #tpu.memory_space<hbm>>
        %dma_wait3A_247 = arith.constant 0 : i32
        %dma_wait3A_248 = arith.constant 0 : i32
        %dma_wait3A_249 = tpu.memref_slice %arg8[%dma_wait3A_247, %dma_wait3A_248] : memref<40x64xi32, #tpu.memory_space<vmem>> -> memref<40x64xi32, #tpu.memory_space<vmem>>
        %dma_wait3A_250 = arith.constant 0 : i32
        %dma_wait3A_251 = tpu.memref_slice %arg3[%add3A_122, %dma_wait3A_250] : memref<5000x64xi32, #tpu.memory_space<hbm>> -> memref<40x64xi32, #tpu.memory_space<hbm>>
        tpu.wait_dma2 semaphore(%run_scoped3A : memref<!tpu.dma_semaphore, #tpu.memory_space<semaphore_mem>>) src(%dma_wait3A_251 : memref<40x64xi32, #tpu.memory_space<hbm>>) dst(%dma_wait3A_249 : memref<40x64xi32, #tpu.memory_space<vmem>>)
        tpu.yield
      }) : () -> ()
      %dma_start3A_123 = arith.constant 0 : i32
      %dma_start3A_124 = arith.constant 0 : i32
      %dma_start3A_125 = arith.constant 0 : i32
      %dma_start3A_126 = arith.constant 0 : i32
      %dma_start3A_127 = tpu.memref_slice %arg9[%dma_start3A_124, %dma_start3A_125, %dma_start3A_126] : memref<4x64x128xf32, #tpu.memory_space<vmem>> -> memref<1x64x128xf32, #tpu.memory_space<vmem>>
      %dma_start3A_128 = tpu.memref_squeeze %dma_start3A_127 : memref<1x64x128xf32, #tpu.memory_space<vmem>> -> memref<64x128xf32, #tpu.memory_space<vmem>>
      %dma_start3A_129 = arith.constant 0 : i32
      %dma_start3A_130 = tpu.memref_slice %arg7[%dma_start3A_123, %dma_start3A_129] : memref<40x64xi32, #tpu.memory_space<vmem>> -> memref<1x64xi32, #tpu.memory_space<vmem>>
      %dma_start3A_131 = tpu.memref_squeeze %dma_start3A_130 : memref<1x64xi32, #tpu.memory_space<vmem>> -> memref<64xi32, #tpu.memory_space<vmem>>
      %dma_start3A_132 = arith.constant 0 : i32
      %dma_start3A_133 = arith.constant 0 : i32
      %dma_start3A_134 = tpu.memref_slice %arg4[%dma_start3A_132, %dma_start3A_133] : memref<10000x128xf32, #tpu.memory_space<hbm>> -> memref<10000x128xf32, #tpu.memory_space<hbm>>
      tpu.enqueue_indirect_dma source(%dma_start3A_134 : memref<10000x128xf32, #tpu.memory_space<hbm>>) target(%dma_start3A_128 : memref<64x128xf32, #tpu.memory_space<vmem>>) offsets(%dma_start3A_131 : memref<64xi32, #tpu.memory_space<vmem>>) semaphore(%arg11 : memref<!tpu.dma_semaphore, #tpu.memory_space<semaphore_mem>>)
      %dma_start3A_135 = arith.constant 1 : i32
      %dma_start3A_136 = arith.constant 1 : i32
      %dma_start3A_137 = arith.constant 0 : i32
      %dma_start3A_138 = arith.constant 0 : i32
      %dma_start3A_139 = tpu.memref_slice %arg9[%dma_start3A_136, %dma_start3A_137, %dma_start3A_138] : memref<4x64x128xf32, #tpu.memory_space<vmem>> -> memref<1x64x128xf32, #tpu.memory_space<vmem>>
      %dma_start3A_140 = tpu.memref_squeeze %dma_start3A_139 : memref<1x64x128xf32, #tpu.memory_space<vmem>> -> memref<64x128xf32, #tpu.memory_space<vmem>>
      %dma_start3A_141 = arith.constant 0 : i32
      %dma_start3A_142 = tpu.memref_slice %arg7[%dma_start3A_135, %dma_start3A_141] : memref<40x64xi32, #tpu.memory_space<vmem>> -> memref<1x64xi32, #tpu.memory_space<vmem>>
      %dma_start3A_143 = tpu.memref_squeeze %dma_start3A_142 : memref<1x64xi32, #tpu.memory_space<vmem>> -> memref<64xi32, #tpu.memory_space<vmem>>
      %dma_start3A_144 = arith.constant 0 : i32
      %dma_start3A_145 = arith.constant 0 : i32
      %dma_start3A_146 = tpu.memref_slice %arg4[%dma_start3A_144, %dma_start3A_145] : memref<10000x128xf32, #tpu.memory_space<hbm>> -> memref<10000x128xf32, #tpu.memory_space<hbm>>
      tpu.enqueue_indirect_dma source(%dma_start3A_146 : memref<10000x128xf32, #tpu.memory_space<hbm>>) target(%dma_start3A_140 : memref<64x128xf32, #tpu.memory_space<vmem>>) offsets(%dma_start3A_143 : memref<64xi32, #tpu.memory_space<vmem>>) semaphore(%arg12 : memref<!tpu.dma_semaphore, #tpu.memory_space<semaphore_mem>>)
      %dma_start3A_147 = arith.constant 2 : i32
      %dma_start3A_148 = arith.constant 2 : i32
      %dma_start3A_149 = arith.constant 0 : i32
      %dma_start3A_150 = arith.constant 0 : i32
      %dma_start3A_151 = tpu.memref_slice %arg9[%dma_start3A_148, %dma_start3A_149, %dma_start3A_150] : memref<4x64x128xf32, #tpu.memory_space<vmem>> -> memref<1x64x128xf32, #tpu.memory_space<vmem>>
      %dma_start3A_152 = tpu.memref_squeeze %dma_start3A_151 : memref<1x64x128xf32, #tpu.memory_space<vmem>> -> memref<64x128xf32, #tpu.memory_space<vmem>>
      %dma_start3A_153 = arith.constant 0 : i32
      %dma_start3A_154 = tpu.memref_slice %arg7[%dma_start3A_147, %dma_start3A_153] : memref<40x64xi32, #tpu.memory_space<vmem>> -> memref<1x64xi32, #tpu.memory_space<vmem>>
      %dma_start3A_155 = tpu.memref_squeeze %dma_start3A_154 : memref<1x64xi32, #tpu.memory_space<vmem>> -> memref<64xi32, #tpu.memory_space<vmem>>
      %dma_start3A_156 = arith.constant 0 : i32
      %dma_start3A_157 = arith.constant 0 : i32
      %dma_start3A_158 = tpu.memref_slice %arg4[%dma_start3A_156, %dma_start3A_157] : memref<10000x128xf32, #tpu.memory_space<hbm>> -> memref<10000x128xf32, #tpu.memory_space<hbm>>
      tpu.enqueue_indirect_dma source(%dma_start3A_158 : memref<10000x128xf32, #tpu.memory_space<hbm>>) target(%dma_start3A_152 : memref<64x128xf32, #tpu.memory_space<vmem>>) offsets(%dma_start3A_155 : memref<64xi32, #tpu.memory_space<vmem>>) semaphore(%arg13 : memref<!tpu.dma_semaphore, #tpu.memory_space<semaphore_mem>>)
      %dma_start3A_159 = arith.constant 3 : i32
      %dma_start3A_160 = arith.constant 3 : i32
      %dma_start3A_161 = arith.constant 0 : i32
      %dma_start3A_162 = arith.constant 0 : i32
      %dma_start3A_163 = tpu.memref_slice %arg9[%dma_start3A_160, %dma_start3A_161, %dma_start3A_162] : memref<4x64x128xf32, #tpu.memory_space<vmem>> -> memref<1x64x128xf32, #tpu.memory_space<vmem>>
      %dma_start3A_164 = tpu.memref_squeeze %dma_start3A_163 : memref<1x64x128xf32, #tpu.memory_space<vmem>> -> memref<64x128xf32, #tpu.memory_space<vmem>>
      %dma_start3A_165 = arith.constant 0 : i32
      %dma_start3A_166 = tpu.memref_slice %arg7[%dma_start3A_159, %dma_start3A_165] : memref<40x64xi32, #tpu.memory_space<vmem>> -> memref<1x64xi32, #tpu.memory_space<vmem>>
      %dma_start3A_167 = tpu.memref_squeeze %dma_start3A_166 : memref<1x64xi32, #tpu.memory_space<vmem>> -> memref<64xi32, #tpu.memory_space<vmem>>
      %dma_start3A_168 = arith.constant 0 : i32
      %dma_start3A_169 = arith.constant 0 : i32
      %dma_start3A_170 = tpu.memref_slice %arg4[%dma_start3A_168, %dma_start3A_169] : memref<10000x128xf32, #tpu.memory_space<hbm>> -> memref<10000x128xf32, #tpu.memory_space<hbm>>
      tpu.enqueue_indirect_dma source(%dma_start3A_170 : memref<10000x128xf32, #tpu.memory_space<hbm>>) target(%dma_start3A_164 : memref<64x128xf32, #tpu.memory_space<vmem>>) offsets(%dma_start3A_167 : memref<64xi32, #tpu.memory_space<vmem>>) semaphore(%arg14 : memref<!tpu.dma_semaphore, #tpu.memory_space<semaphore_mem>>)
      %scan3A_171 = arith.constant 0 : i32
      %scan3A_172 = arith.constant 0 : i32
      %scan3A_173 = arith.constant 10 : i32
      %scan3A_174 = arith.addi %scan3A_172, %scan3A_173 : i32
      %scan3A_175 = arith.constant 1 : i32
      scf.for %scan3A_233 = %scan3A_172 to %scan3A_174 step %scan3A_175  : i32 {
        %mul3A_234 = arith.constant 4 : i32
        %mul3A_235 = arith.muli %scan3A_233, %mul3A_234 : i32
        %add3A_236 = arith.constant 0 : i32
        %add3A_237 = arith.addi %mul3A_235, %add3A_236 : i32
        %dma_wait3A = arith.constant 0 : i32
        %dma_wait3A_238 = arith.constant 0 : i32
        %dma_wait3A_239 = arith.constant 0 : i32
        %dma_wait3A_240 = tpu.memref_slice %arg9[%dma_wait3A, %dma_wait3A_238, %dma_wait3A_239] : memref<4x64x128xf32, #tpu.memory_space<vmem>> -> memref<1x64x128xf32, #tpu.memory_space<vmem>>
        %dma_wait3A_241 = tpu.memref_squeeze %dma_wait3A_240 : memref<1x64x128xf32, #tpu.memory_space<vmem>> -> memref<64x128xf32, #tpu.memory_space<vmem>>
        %dma_wait3A_242 = arith.constant 0 : i32
        %dma_wait3A_243 = tpu.memref_slice %arg7[%add3A_237, %dma_wait3A_242] : memref<40x64xi32, #tpu.memory_space<vmem>> -> memref<1x64xi32, #tpu.memory_space<vmem>>
        %dma_wait3A_244 = tpu.memref_squeeze %dma_wait3A_243 : memref<1x64xi32, #tpu.memory_space<vmem>> -> memref<64xi32, #tpu.memory_space<vmem>>
        %dma_wait3A_245 = arith.constant 0 : i32
        %dma_wait3A_246 = arith.constant 0 : i32
        %dma_wait3A_247 = tpu.memref_slice %arg4[%dma_wait3A_245, %dma_wait3A_246] : memref<10000x128xf32, #tpu.memory_space<hbm>> -> memref<10000x128xf32, #tpu.memory_space<hbm>>
        tpu.wait_indirect_dma semaphore(%arg11 : memref<!tpu.dma_semaphore, #tpu.memory_space<semaphore_mem>>) src(%dma_wait3A_247 : memref<10000x128xf32, #tpu.memory_space<hbm>>) dst(%dma_wait3A_241 : memref<64x128xf32, #tpu.memory_space<vmem>>)
        %run_scoped3A = arith.constant 0 : i32
        "tpu.region"() ({
          %run_scoped3A_318 = tpu.sem_alloc : memref<!tpu.dma_semaphore, #tpu.memory_space<semaphore_mem>>
          %dma_start3A_319 = arith.constant 0 : i32
          %dma_start3A_320 = arith.constant 0 : i32
          %dma_start3A_321 = tpu.memref_slice %arg9[%run_scoped3A, %dma_start3A_319, %dma_start3A_320] : memref<4x64x128xf32, #tpu.memory_space<vmem>> -> memref<1x64x128xf32, #tpu.memory_space<vmem>>
          %dma_start3A_322 = tpu.memref_squeeze %dma_start3A_321 : memref<1x64x128xf32, #tpu.memory_space<vmem>> -> memref<64x128xf32, #tpu.memory_space<vmem>>
          %dma_start3A_323 = arith.constant 0 : i32
          %dma_start3A_324 = tpu.memref_slice %arg8[%add3A_237, %dma_start3A_323] : memref<40x64xi32, #tpu.memory_space<vmem>> -> memref<1x64xi32, #tpu.memory_space<vmem>>
          %dma_start3A_325 = tpu.memref_squeeze %dma_start3A_324 : memref<1x64xi32, #tpu.memory_space<vmem>> -> memref<64xi32, #tpu.memory_space<vmem>>
          %dma_start3A_326 = arith.constant 0 : i32
          %dma_start3A_327 = arith.constant 0 : i32
          %dma_start3A_328 = tpu.memref_slice %arg10[%dma_start3A_326, %dma_start3A_327] : memref<10112x128xf32, #tpu.memory_space<vmem_shared>> -> memref<10112x128xf32, #tpu.memory_space<vmem_shared>>
          tpu.enqueue_indirect_dma source(%dma_start3A_322 : memref<64x128xf32, #tpu.memory_space<vmem>>) target(%dma_start3A_328 : memref<10112x128xf32, #tpu.memory_space<vmem_shared>>) offsets(%dma_start3A_325 : memref<64xi32, #tpu.memory_space<vmem>>) semaphore(%run_scoped3A_318 : memref<!tpu.dma_semaphore, #tpu.memory_space<semaphore_mem>>) {add = true}
          %dma_wait3A_329 = arith.constant 0 : i32
          %dma_wait3A_330 = arith.constant 0 : i32
          %dma_wait3A_331 = tpu.memref_slice %arg9[%run_scoped3A, %dma_wait3A_329, %dma_wait3A_330] : memref<4x64x128xf32, #tpu.memory_space<vmem>> -> memref<1x64x128xf32, #tpu.memory_space<vmem>>
          %dma_wait3A_332 = tpu.memref_squeeze %dma_wait3A_331 : memref<1x64x128xf32, #tpu.memory_space<vmem>> -> memref<64x128xf32, #tpu.memory_space<vmem>>
          %dma_wait3A_333 = arith.constant 0 : i32
          %dma_wait3A_334 = tpu.memref_slice %arg8[%add3A_237, %dma_wait3A_333] : memref<40x64xi32, #tpu.memory_space<vmem>> -> memref<1x64xi32, #tpu.memory_space<vmem>>
          %dma_wait3A_335 = tpu.memref_squeeze %dma_wait3A_334 : memref<1x64xi32, #tpu.memory_space<vmem>> -> memref<64xi32, #tpu.memory_space<vmem>>
          %dma_wait3A_336 = arith.constant 0 : i32
          %dma_wait3A_337 = arith.constant 0 : i32
          %dma_wait3A_338 = tpu.memref_slice %arg10[%dma_wait3A_336, %dma_wait3A_337] : memref<10112x128xf32, #tpu.memory_space<vmem_shared>> -> memref<10112x128xf32, #tpu.memory_space<vmem_shared>>
          tpu.wait_indirect_dma semaphore(%run_scoped3A_318 : memref<!tpu.dma_semaphore, #tpu.memory_space<semaphore_mem>>) src(%dma_wait3A_332 : memref<64x128xf32, #tpu.memory_space<vmem>>) dst(%dma_wait3A_338 : memref<10112x128xf32, #tpu.memory_space<vmem_shared>>)
          tpu.yield
        }) : () -> ()
        %add3A_248 = arith.constant 4 : i32
        %add3A_249 = arith.addi %add3A_237, %add3A_248 : i32
        %lt3A_250 = arith.constant 40 : i32
        %lt3A_251 = arith.cmpi slt, %add3A_249, %lt3A_250 : i32
        %convert_element_type3A_252 = arith.extui %lt3A_251 : i1 to i32
        %cond3A_253 = arith.constant 0 : i32
        %cond3A_254 = arith.cmpi ne, %convert_element_type3A_252, %cond3A_253 : i32
        scf.if %cond3A_254 {
          %dma_start3A_318 = arith.constant 0 : i32
          %dma_start3A_319 = arith.constant 0 : i32
          %dma_start3A_320 = arith.constant 0 : i32
          %dma_start3A_321 = tpu.memref_slice %arg9[%dma_start3A_318, %dma_start3A_319, %dma_start3A_320] : memref<4x64x128xf32, #tpu.memory_space<vmem>> -> memref<1x64x128xf32, #tpu.memory_space<vmem>>
          %dma_start3A_322 = tpu.memref_squeeze %dma_start3A_321 : memref<1x64x128xf32, #tpu.memory_space<vmem>> -> memref<64x128xf32, #tpu.memory_space<vmem>>
          %dma_start3A_323 = arith.constant 0 : i32
          %dma_start3A_324 = tpu.memref_slice %arg7[%add3A_249, %dma_start3A_323] : memref<40x64xi32, #tpu.memory_space<vmem>> -> memref<1x64xi32, #tpu.memory_space<vmem>>
          %dma_start3A_325 = tpu.memref_squeeze %dma_start3A_324 : memref<1x64xi32, #tpu.memory_space<vmem>> -> memref<64xi32, #tpu.memory_space<vmem>>
          %dma_start3A_326 = arith.constant 0 : i32
          %dma_start3A_327 = arith.constant 0 : i32
          %dma_start3A_328 = tpu.memref_slice %arg4[%dma_start3A_326, %dma_start3A_327] : memref<10000x128xf32, #tpu.memory_space<hbm>> -> memref<10000x128xf32, #tpu.memory_space<hbm>>
          tpu.enqueue_indirect_dma source(%dma_start3A_328 : memref<10000x128xf32, #tpu.memory_space<hbm>>) target(%dma_start3A_322 : memref<64x128xf32, #tpu.memory_space<vmem>>) offsets(%dma_start3A_325 : memref<64xi32, #tpu.memory_space<vmem>>) semaphore(%arg11 : memref<!tpu.dma_semaphore, #tpu.memory_space<semaphore_mem>>)
        } else {
        }
        %add3A_255 = arith.constant 1 : i32
        %add3A_256 = arith.addi %mul3A_235, %add3A_255 : i32
        %dma_wait3A_257 = arith.constant 1 : i32
        %dma_wait3A_258 = arith.constant 0 : i32
        %dma_wait3A_259 = arith.constant 0 : i32
        %dma_wait3A_260 = tpu.memref_slice %arg9[%dma_wait3A_257, %dma_wait3A_258, %dma_wait3A_259] : memref<4x64x128xf32, #tpu.memory_space<vmem>> -> memref<1x64x128xf32, #tpu.memory_space<vmem>>
        %dma_wait3A_261 = tpu.memref_squeeze %dma_wait3A_260 : memref<1x64x128xf32, #tpu.memory_space<vmem>> -> memref<64x128xf32, #tpu.memory_space<vmem>>
        %dma_wait3A_262 = arith.constant 0 : i32
        %dma_wait3A_263 = tpu.memref_slice %arg7[%add3A_256, %dma_wait3A_262] : memref<40x64xi32, #tpu.memory_space<vmem>> -> memref<1x64xi32, #tpu.memory_space<vmem>>
        %dma_wait3A_264 = tpu.memref_squeeze %dma_wait3A_263 : memref<1x64xi32, #tpu.memory_space<vmem>> -> memref<64xi32, #tpu.memory_space<vmem>>
        %dma_wait3A_265 = arith.constant 0 : i32
        %dma_wait3A_266 = arith.constant 0 : i32
        %dma_wait3A_267 = tpu.memref_slice %arg4[%dma_wait3A_265, %dma_wait3A_266] : memref<10000x128xf32, #tpu.memory_space<hbm>> -> memref<10000x128xf32, #tpu.memory_space<hbm>>
        tpu.wait_indirect_dma semaphore(%arg12 : memref<!tpu.dma_semaphore, #tpu.memory_space<semaphore_mem>>) src(%dma_wait3A_267 : memref<10000x128xf32, #tpu.memory_space<hbm>>) dst(%dma_wait3A_261 : memref<64x128xf32, #tpu.memory_space<vmem>>)
        %run_scoped3A_268 = arith.constant 1 : i32
        "tpu.region"() ({
          %run_scoped3A_318 = tpu.sem_alloc : memref<!tpu.dma_semaphore, #tpu.memory_space<semaphore_mem>>
          %dma_start3A_319 = arith.constant 0 : i32
          %dma_start3A_320 = arith.constant 0 : i32
          %dma_start3A_321 = tpu.memref_slice %arg9[%run_scoped3A_268, %dma_start3A_319, %dma_start3A_320] : memref<4x64x128xf32, #tpu.memory_space<vmem>> -> memref<1x64x128xf32, #tpu.memory_space<vmem>>
          %dma_start3A_322 = tpu.memref_squeeze %dma_start3A_321 : memref<1x64x128xf32, #tpu.memory_space<vmem>> -> memref<64x128xf32, #tpu.memory_space<vmem>>
          %dma_start3A_323 = arith.constant 0 : i32
          %dma_start3A_324 = tpu.memref_slice %arg8[%add3A_256, %dma_start3A_323] : memref<40x64xi32, #tpu.memory_space<vmem>> -> memref<1x64xi32, #tpu.memory_space<vmem>>
          %dma_start3A_325 = tpu.memref_squeeze %dma_start3A_324 : memref<1x64xi32, #tpu.memory_space<vmem>> -> memref<64xi32, #tpu.memory_space<vmem>>
          %dma_start3A_326 = arith.constant 0 : i32
          %dma_start3A_327 = arith.constant 0 : i32
          %dma_start3A_328 = tpu.memref_slice %arg10[%dma_start3A_326, %dma_start3A_327] : memref<10112x128xf32, #tpu.memory_space<vmem_shared>> -> memref<10112x128xf32, #tpu.memory_space<vmem_shared>>
          tpu.enqueue_indirect_dma source(%dma_start3A_322 : memref<64x128xf32, #tpu.memory_space<vmem>>) target(%dma_start3A_328 : memref<10112x128xf32, #tpu.memory_space<vmem_shared>>) offsets(%dma_start3A_325 : memref<64xi32, #tpu.memory_space<vmem>>) semaphore(%run_scoped3A_318 : memref<!tpu.dma_semaphore, #tpu.memory_space<semaphore_mem>>) {add = true}
          %dma_wait3A_329 = arith.constant 0 : i32
          %dma_wait3A_330 = arith.constant 0 : i32
          %dma_wait3A_331 = tpu.memref_slice %arg9[%run_scoped3A_268, %dma_wait3A_329, %dma_wait3A_330] : memref<4x64x128xf32, #tpu.memory_space<vmem>> -> memref<1x64x128xf32, #tpu.memory_space<vmem>>
          %dma_wait3A_332 = tpu.memref_squeeze %dma_wait3A_331 : memref<1x64x128xf32, #tpu.memory_space<vmem>> -> memref<64x128xf32, #tpu.memory_space<vmem>>
          %dma_wait3A_333 = arith.constant 0 : i32
          %dma_wait3A_334 = tpu.memref_slice %arg8[%add3A_256, %dma_wait3A_333] : memref<40x64xi32, #tpu.memory_space<vmem>> -> memref<1x64xi32, #tpu.memory_space<vmem>>
          %dma_wait3A_335 = tpu.memref_squeeze %dma_wait3A_334 : memref<1x64xi32, #tpu.memory_space<vmem>> -> memref<64xi32, #tpu.memory_space<vmem>>
          %dma_wait3A_336 = arith.constant 0 : i32
          %dma_wait3A_337 = arith.constant 0 : i32
          %dma_wait3A_338 = tpu.memref_slice %arg10[%dma_wait3A_336, %dma_wait3A_337] : memref<10112x128xf32, #tpu.memory_space<vmem_shared>> -> memref<10112x128xf32, #tpu.memory_space<vmem_shared>>
          tpu.wait_indirect_dma semaphore(%run_scoped3A_318 : memref<!tpu.dma_semaphore, #tpu.memory_space<semaphore_mem>>) src(%dma_wait3A_332 : memref<64x128xf32, #tpu.memory_space<vmem>>) dst(%dma_wait3A_338 : memref<10112x128xf32, #tpu.memory_space<vmem_shared>>)
          tpu.yield
        }) : () -> ()
        %add3A_269 = arith.constant 4 : i32
        %add3A_270 = arith.addi %add3A_256, %add3A_269 : i32
        %lt3A_271 = arith.constant 40 : i32
        %lt3A_272 = arith.cmpi slt, %add3A_270, %lt3A_271 : i32
        %convert_element_type3A_273 = arith.extui %lt3A_272 : i1 to i32
        %cond3A_274 = arith.constant 0 : i32
        %cond3A_275 = arith.cmpi ne, %convert_element_type3A_273, %cond3A_274 : i32
        scf.if %cond3A_275 {
          %dma_start3A_318 = arith.constant 1 : i32
          %dma_start3A_319 = arith.constant 0 : i32
          %dma_start3A_320 = arith.constant 0 : i32
          %dma_start3A_321 = tpu.memref_slice %arg9[%dma_start3A_318, %dma_start3A_319, %dma_start3A_320] : memref<4x64x128xf32, #tpu.memory_space<vmem>> -> memref<1x64x128xf32, #tpu.memory_space<vmem>>
          %dma_start3A_322 = tpu.memref_squeeze %dma_start3A_321 : memref<1x64x128xf32, #tpu.memory_space<vmem>> -> memref<64x128xf32, #tpu.memory_space<vmem>>
          %dma_start3A_323 = arith.constant 0 : i32
          %dma_start3A_324 = tpu.memref_slice %arg7[%add3A_270, %dma_start3A_323] : memref<40x64xi32, #tpu.memory_space<vmem>> -> memref<1x64xi32, #tpu.memory_space<vmem>>
          %dma_start3A_325 = tpu.memref_squeeze %dma_start3A_324 : memref<1x64xi32, #tpu.memory_space<vmem>> -> memref<64xi32, #tpu.memory_space<vmem>>
          %dma_start3A_326 = arith.constant 0 : i32
          %dma_start3A_327 = arith.constant 0 : i32
          %dma_start3A_328 = tpu.memref_slice %arg4[%dma_start3A_326, %dma_start3A_327] : memref<10000x128xf32, #tpu.memory_space<hbm>> -> memref<10000x128xf32, #tpu.memory_space<hbm>>
          tpu.enqueue_indirect_dma source(%dma_start3A_328 : memref<10000x128xf32, #tpu.memory_space<hbm>>) target(%dma_start3A_322 : memref<64x128xf32, #tpu.memory_space<vmem>>) offsets(%dma_start3A_325 : memref<64xi32, #tpu.memory_space<vmem>>) semaphore(%arg12 : memref<!tpu.dma_semaphore, #tpu.memory_space<semaphore_mem>>)
        } else {
        }
        %add3A_276 = arith.constant 2 : i32
        %add3A_277 = arith.addi %mul3A_235, %add3A_276 : i32
        %dma_wait3A_278 = arith.constant 2 : i32
        %dma_wait3A_279 = arith.constant 0 : i32
        %dma_wait3A_280 = arith.constant 0 : i32
        %dma_wait3A_281 = tpu.memref_slice %arg9[%dma_wait3A_278, %dma_wait3A_279, %dma_wait3A_280] : memref<4x64x128xf32, #tpu.memory_space<vmem>> -> memref<1x64x128xf32, #tpu.memory_space<vmem>>
        %dma_wait3A_282 = tpu.memref_squeeze %dma_wait3A_281 : memref<1x64x128xf32, #tpu.memory_space<vmem>> -> memref<64x128xf32, #tpu.memory_space<vmem>>
        %dma_wait3A_283 = arith.constant 0 : i32
        %dma_wait3A_284 = tpu.memref_slice %arg7[%add3A_277, %dma_wait3A_283] : memref<40x64xi32, #tpu.memory_space<vmem>> -> memref<1x64xi32, #tpu.memory_space<vmem>>
        %dma_wait3A_285 = tpu.memref_squeeze %dma_wait3A_284 : memref<1x64xi32, #tpu.memory_space<vmem>> -> memref<64xi32, #tpu.memory_space<vmem>>
        %dma_wait3A_286 = arith.constant 0 : i32
        %dma_wait3A_287 = arith.constant 0 : i32
        %dma_wait3A_288 = tpu.memref_slice %arg4[%dma_wait3A_286, %dma_wait3A_287] : memref<10000x128xf32, #tpu.memory_space<hbm>> -> memref<10000x128xf32, #tpu.memory_space<hbm>>
        tpu.wait_indirect_dma semaphore(%arg13 : memref<!tpu.dma_semaphore, #tpu.memory_space<semaphore_mem>>) src(%dma_wait3A_288 : memref<10000x128xf32, #tpu.memory_space<hbm>>) dst(%dma_wait3A_282 : memref<64x128xf32, #tpu.memory_space<vmem>>)
        %run_scoped3A_289 = arith.constant 2 : i32
        "tpu.region"() ({
          %run_scoped3A_318 = tpu.sem_alloc : memref<!tpu.dma_semaphore, #tpu.memory_space<semaphore_mem>>
          %dma_start3A_319 = arith.constant 0 : i32
          %dma_start3A_320 = arith.constant 0 : i32
          %dma_start3A_321 = tpu.memref_slice %arg9[%run_scoped3A_289, %dma_start3A_319, %dma_start3A_320] : memref<4x64x128xf32, #tpu.memory_space<vmem>> -> memref<1x64x128xf32, #tpu.memory_space<vmem>>
          %dma_start3A_322 = tpu.memref_squeeze %dma_start3A_321 : memref<1x64x128xf32, #tpu.memory_space<vmem>> -> memref<64x128xf32, #tpu.memory_space<vmem>>
          %dma_start3A_323 = arith.constant 0 : i32
          %dma_start3A_324 = tpu.memref_slice %arg8[%add3A_277, %dma_start3A_323] : memref<40x64xi32, #tpu.memory_space<vmem>> -> memref<1x64xi32, #tpu.memory_space<vmem>>
          %dma_start3A_325 = tpu.memref_squeeze %dma_start3A_324 : memref<1x64xi32, #tpu.memory_space<vmem>> -> memref<64xi32, #tpu.memory_space<vmem>>
          %dma_start3A_326 = arith.constant 0 : i32
          %dma_start3A_327 = arith.constant 0 : i32
          %dma_start3A_328 = tpu.memref_slice %arg10[%dma_start3A_326, %dma_start3A_327] : memref<10112x128xf32, #tpu.memory_space<vmem_shared>> -> memref<10112x128xf32, #tpu.memory_space<vmem_shared>>
          tpu.enqueue_indirect_dma source(%dma_start3A_322 : memref<64x128xf32, #tpu.memory_space<vmem>>) target(%dma_start3A_328 : memref<10112x128xf32, #tpu.memory_space<vmem_shared>>) offsets(%dma_start3A_325 : memref<64xi32, #tpu.memory_space<vmem>>) semaphore(%run_scoped3A_318 : memref<!tpu.dma_semaphore, #tpu.memory_space<semaphore_mem>>) {add = true}
          %dma_wait3A_329 = arith.constant 0 : i32
          %dma_wait3A_330 = arith.constant 0 : i32
          %dma_wait3A_331 = tpu.memref_slice %arg9[%run_scoped3A_289, %dma_wait3A_329, %dma_wait3A_330] : memref<4x64x128xf32, #tpu.memory_space<vmem>> -> memref<1x64x128xf32, #tpu.memory_space<vmem>>
          %dma_wait3A_332 = tpu.memref_squeeze %dma_wait3A_331 : memref<1x64x128xf32, #tpu.memory_space<vmem>> -> memref<64x128xf32, #tpu.memory_space<vmem>>
          %dma_wait3A_333 = arith.constant 0 : i32
          %dma_wait3A_334 = tpu.memref_slice %arg8[%add3A_277, %dma_wait3A_333] : memref<40x64xi32, #tpu.memory_space<vmem>> -> memref<1x64xi32, #tpu.memory_space<vmem>>
          %dma_wait3A_335 = tpu.memref_squeeze %dma_wait3A_334 : memref<1x64xi32, #tpu.memory_space<vmem>> -> memref<64xi32, #tpu.memory_space<vmem>>
          %dma_wait3A_336 = arith.constant 0 : i32
          %dma_wait3A_337 = arith.constant 0 : i32
          %dma_wait3A_338 = tpu.memref_slice %arg10[%dma_wait3A_336, %dma_wait3A_337] : memref<10112x128xf32, #tpu.memory_space<vmem_shared>> -> memref<10112x128xf32, #tpu.memory_space<vmem_shared>>
          tpu.wait_indirect_dma semaphore(%run_scoped3A_318 : memref<!tpu.dma_semaphore, #tpu.memory_space<semaphore_mem>>) src(%dma_wait3A_332 : memref<64x128xf32, #tpu.memory_space<vmem>>) dst(%dma_wait3A_338 : memref<10112x128xf32, #tpu.memory_space<vmem_shared>>)
          tpu.yield
        }) : () -> ()
        %add3A_290 = arith.constant 4 : i32
        %add3A_291 = arith.addi %add3A_277, %add3A_290 : i32
        %lt3A_292 = arith.constant 40 : i32
        %lt3A_293 = arith.cmpi slt, %add3A_291, %lt3A_292 : i32
        %convert_element_type3A_294 = arith.extui %lt3A_293 : i1 to i32
        %cond3A_295 = arith.constant 0 : i32
        %cond3A_296 = arith.cmpi ne, %convert_element_type3A_294, %cond3A_295 : i32
        scf.if %cond3A_296 {
          %dma_start3A_318 = arith.constant 2 : i32
          %dma_start3A_319 = arith.constant 0 : i32
          %dma_start3A_320 = arith.constant 0 : i32
          %dma_start3A_321 = tpu.memref_slice %arg9[%dma_start3A_318, %dma_start3A_319, %dma_start3A_320] : memref<4x64x128xf32, #tpu.memory_space<vmem>> -> memref<1x64x128xf32, #tpu.memory_space<vmem>>
          %dma_start3A_322 = tpu.memref_squeeze %dma_start3A_321 : memref<1x64x128xf32, #tpu.memory_space<vmem>> -> memref<64x128xf32, #tpu.memory_space<vmem>>
          %dma_start3A_323 = arith.constant 0 : i32
          %dma_start3A_324 = tpu.memref_slice %arg7[%add3A_291, %dma_start3A_323] : memref<40x64xi32, #tpu.memory_space<vmem>> -> memref<1x64xi32, #tpu.memory_space<vmem>>
          %dma_start3A_325 = tpu.memref_squeeze %dma_start3A_324 : memref<1x64xi32, #tpu.memory_space<vmem>> -> memref<64xi32, #tpu.memory_space<vmem>>
          %dma_start3A_326 = arith.constant 0 : i32
          %dma_start3A_327 = arith.constant 0 : i32
          %dma_start3A_328 = tpu.memref_slice %arg4[%dma_start3A_326, %dma_start3A_327] : memref<10000x128xf32, #tpu.memory_space<hbm>> -> memref<10000x128xf32, #tpu.memory_space<hbm>>
          tpu.enqueue_indirect_dma source(%dma_start3A_328 : memref<10000x128xf32, #tpu.memory_space<hbm>>) target(%dma_start3A_322 : memref<64x128xf32, #tpu.memory_space<vmem>>) offsets(%dma_start3A_325 : memref<64xi32, #tpu.memory_space<vmem>>) semaphore(%arg13 : memref<!tpu.dma_semaphore, #tpu.memory_space<semaphore_mem>>)
        } else {
        }
        %add3A_297 = arith.constant 3 : i32
        %add3A_298 = arith.addi %mul3A_235, %add3A_297 : i32
        %dma_wait3A_299 = arith.constant 3 : i32
        %dma_wait3A_300 = arith.constant 0 : i32
        %dma_wait3A_301 = arith.constant 0 : i32
        %dma_wait3A_302 = tpu.memref_slice %arg9[%dma_wait3A_299, %dma_wait3A_300, %dma_wait3A_301] : memref<4x64x128xf32, #tpu.memory_space<vmem>> -> memref<1x64x128xf32, #tpu.memory_space<vmem>>
        %dma_wait3A_303 = tpu.memref_squeeze %dma_wait3A_302 : memref<1x64x128xf32, #tpu.memory_space<vmem>> -> memref<64x128xf32, #tpu.memory_space<vmem>>
        %dma_wait3A_304 = arith.constant 0 : i32
        %dma_wait3A_305 = tpu.memref_slice %arg7[%add3A_298, %dma_wait3A_304] : memref<40x64xi32, #tpu.memory_space<vmem>> -> memref<1x64xi32, #tpu.memory_space<vmem>>
        %dma_wait3A_306 = tpu.memref_squeeze %dma_wait3A_305 : memref<1x64xi32, #tpu.memory_space<vmem>> -> memref<64xi32, #tpu.memory_space<vmem>>
        %dma_wait3A_307 = arith.constant 0 : i32
        %dma_wait3A_308 = arith.constant 0 : i32
        %dma_wait3A_309 = tpu.memref_slice %arg4[%dma_wait3A_307, %dma_wait3A_308] : memref<10000x128xf32, #tpu.memory_space<hbm>> -> memref<10000x128xf32, #tpu.memory_space<hbm>>
        tpu.wait_indirect_dma semaphore(%arg14 : memref<!tpu.dma_semaphore, #tpu.memory_space<semaphore_mem>>) src(%dma_wait3A_309 : memref<10000x128xf32, #tpu.memory_space<hbm>>) dst(%dma_wait3A_303 : memref<64x128xf32, #tpu.memory_space<vmem>>)
        %run_scoped3A_310 = arith.constant 3 : i32
        "tpu.region"() ({
          %run_scoped3A_318 = tpu.sem_alloc : memref<!tpu.dma_semaphore, #tpu.memory_space<semaphore_mem>>
          %dma_start3A_319 = arith.constant 0 : i32
          %dma_start3A_320 = arith.constant 0 : i32
          %dma_start3A_321 = tpu.memref_slice %arg9[%run_scoped3A_310, %dma_start3A_319, %dma_start3A_320] : memref<4x64x128xf32, #tpu.memory_space<vmem>> -> memref<1x64x128xf32, #tpu.memory_space<vmem>>
          %dma_start3A_322 = tpu.memref_squeeze %dma_start3A_321 : memref<1x64x128xf32, #tpu.memory_space<vmem>> -> memref<64x128xf32, #tpu.memory_space<vmem>>
          %dma_start3A_323 = arith.constant 0 : i32
          %dma_start3A_324 = tpu.memref_slice %arg8[%add3A_298, %dma_start3A_323] : memref<40x64xi32, #tpu.memory_space<vmem>> -> memref<1x64xi32, #tpu.memory_space<vmem>>
          %dma_start3A_325 = tpu.memref_squeeze %dma_start3A_324 : memref<1x64xi32, #tpu.memory_space<vmem>> -> memref<64xi32, #tpu.memory_space<vmem>>
          %dma_start3A_326 = arith.constant 0 : i32
          %dma_start3A_327 = arith.constant 0 : i32
          %dma_start3A_328 = tpu.memref_slice %arg10[%dma_start3A_326, %dma_start3A_327] : memref<10112x128xf32, #tpu.memory_space<vmem_shared>> -> memref<10112x128xf32, #tpu.memory_space<vmem_shared>>
          tpu.enqueue_indirect_dma source(%dma_start3A_322 : memref<64x128xf32, #tpu.memory_space<vmem>>) target(%dma_start3A_328 : memref<10112x128xf32, #tpu.memory_space<vmem_shared>>) offsets(%dma_start3A_325 : memref<64xi32, #tpu.memory_space<vmem>>) semaphore(%run_scoped3A_318 : memref<!tpu.dma_semaphore, #tpu.memory_space<semaphore_mem>>) {add = true}
          %dma_wait3A_329 = arith.constant 0 : i32
          %dma_wait3A_330 = arith.constant 0 : i32
          %dma_wait3A_331 = tpu.memref_slice %arg9[%run_scoped3A_310, %dma_wait3A_329, %dma_wait3A_330] : memref<4x64x128xf32, #tpu.memory_space<vmem>> -> memref<1x64x128xf32, #tpu.memory_space<vmem>>
          %dma_wait3A_332 = tpu.memref_squeeze %dma_wait3A_331 : memref<1x64x128xf32, #tpu.memory_space<vmem>> -> memref<64x128xf32, #tpu.memory_space<vmem>>
          %dma_wait3A_333 = arith.constant 0 : i32
          %dma_wait3A_334 = tpu.memref_slice %arg8[%add3A_298, %dma_wait3A_333] : memref<40x64xi32, #tpu.memory_space<vmem>> -> memref<1x64xi32, #tpu.memory_space<vmem>>
          %dma_wait3A_335 = tpu.memref_squeeze %dma_wait3A_334 : memref<1x64xi32, #tpu.memory_space<vmem>> -> memref<64xi32, #tpu.memory_space<vmem>>
          %dma_wait3A_336 = arith.constant 0 : i32
          %dma_wait3A_337 = arith.constant 0 : i32
          %dma_wait3A_338 = tpu.memref_slice %arg10[%dma_wait3A_336, %dma_wait3A_337] : memref<10112x128xf32, #tpu.memory_space<vmem_shared>> -> memref<10112x128xf32, #tpu.memory_space<vmem_shared>>
          tpu.wait_indirect_dma semaphore(%run_scoped3A_318 : memref<!tpu.dma_semaphore, #tpu.memory_space<semaphore_mem>>) src(%dma_wait3A_332 : memref<64x128xf32, #tpu.memory_space<vmem>>) dst(%dma_wait3A_338 : memref<10112x128xf32, #tpu.memory_space<vmem_shared>>)
          tpu.yield
        }) : () -> ()
        %add3A_311 = arith.constant 4 : i32
        %add3A_312 = arith.addi %add3A_298, %add3A_311 : i32
        %lt3A_313 = arith.constant 40 : i32
        %lt3A_314 = arith.cmpi slt, %add3A_312, %lt3A_313 : i32
        %convert_element_type3A_315 = arith.extui %lt3A_314 : i1 to i32
        %cond3A_316 = arith.constant 0 : i32
        %cond3A_317 = arith.cmpi ne, %convert_element_type3A_315, %cond3A_316 : i32
        scf.if %cond3A_317 {
          %dma_start3A_318 = arith.constant 3 : i32
          %dma_start3A_319 = arith.constant 0 : i32
          %dma_start3A_320 = arith.constant 0 : i32
          %dma_start3A_321 = tpu.memref_slice %arg9[%dma_start3A_318, %dma_start3A_319, %dma_start3A_320] : memref<4x64x128xf32, #tpu.memory_space<vmem>> -> memref<1x64x128xf32, #tpu.memory_space<vmem>>
          %dma_start3A_322 = tpu.memref_squeeze %dma_start3A_321 : memref<1x64x128xf32, #tpu.memory_space<vmem>> -> memref<64x128xf32, #tpu.memory_space<vmem>>
          %dma_start3A_323 = arith.constant 0 : i32
          %dma_start3A_324 = tpu.memref_slice %arg7[%add3A_312, %dma_start3A_323] : memref<40x64xi32, #tpu.memory_space<vmem>> -> memref<1x64xi32, #tpu.memory_space<vmem>>
          %dma_start3A_325 = tpu.memref_squeeze %dma_start3A_324 : memref<1x64xi32, #tpu.memory_space<vmem>> -> memref<64xi32, #tpu.memory_space<vmem>>
          %dma_start3A_326 = arith.constant 0 : i32
          %dma_start3A_327 = arith.constant 0 : i32
          %dma_start3A_328 = tpu.memref_slice %arg4[%dma_start3A_326, %dma_start3A_327] : memref<10000x128xf32, #tpu.memory_space<hbm>> -> memref<10000x128xf32, #tpu.memory_space<hbm>>
          tpu.enqueue_indirect_dma source(%dma_start3A_328 : memref<10000x128xf32, #tpu.memory_space<hbm>>) target(%dma_start3A_322 : memref<64x128xf32, #tpu.memory_space<vmem>>) offsets(%dma_start3A_325 : memref<64xi32, #tpu.memory_space<vmem>>) semaphore(%arg14 : memref<!tpu.dma_semaphore, #tpu.memory_space<semaphore_mem>>)
        } else {
        }
      }
      %scan3A_176 = arith.constant 10 : i32
      %add3A_177 = arith.constant 120 : i32
      %add3A_178 = arith.addi %mul3A_10, %add3A_177 : i32
      "tpu.region"() ({
        %run_scoped3A = tpu.sem_alloc : memref<!tpu.dma_semaphore, #tpu.memory_space<semaphore_mem>>
        %dma_start3A_233 = arith.constant 0 : i32
        %dma_start3A_234 = arith.constant 0 : i32
        %dma_start3A_235 = tpu.memref_slice %arg7[%dma_start3A_233, %dma_start3A_234] : memref<40x64xi32, #tpu.memory_space<vmem>> -> memref<40x64xi32, #tpu.memory_space<vmem>>
        %dma_start3A_236 = arith.constant 0 : i32
        %dma_start3A_237 = tpu.memref_slice %arg2[%add3A_178, %dma_start3A_236] : memref<5000x64xi32, #tpu.memory_space<hbm>> -> memref<40x64xi32, #tpu.memory_space<hbm>>
        %dma_start3A_238 = arith.constant 0 : i32
        %dma_start3A_239 = arith.constant 0 : i32
        %dma_start3A_240 = tpu.memref_slice %arg7[%dma_start3A_238, %dma_start3A_239] : memref<40x64xi32, #tpu.memory_space<vmem>> -> memref<40x64xi32, #tpu.memory_space<vmem>>
        %dma_start3A_241 = arith.constant 0 : i32
        %dma_start3A_242 = tpu.memref_slice %arg2[%add3A_178, %dma_start3A_241] : memref<5000x64xi32, #tpu.memory_space<hbm>> -> memref<40x64xi32, #tpu.memory_space<hbm>>
        tpu.enqueue_dma source(%dma_start3A_242 : memref<40x64xi32, #tpu.memory_space<hbm>>) target(%dma_start3A_240 : memref<40x64xi32, #tpu.memory_space<vmem>>) target_semaphore(%run_scoped3A : memref<!tpu.dma_semaphore, #tpu.memory_space<semaphore_mem>>)
        %dma_wait3A = arith.constant 0 : i32
        %dma_wait3A_243 = arith.constant 0 : i32
        %dma_wait3A_244 = tpu.memref_slice %arg7[%dma_wait3A, %dma_wait3A_243] : memref<40x64xi32, #tpu.memory_space<vmem>> -> memref<40x64xi32, #tpu.memory_space<vmem>>
        %dma_wait3A_245 = arith.constant 0 : i32
        %dma_wait3A_246 = tpu.memref_slice %arg2[%add3A_178, %dma_wait3A_245] : memref<5000x64xi32, #tpu.memory_space<hbm>> -> memref<40x64xi32, #tpu.memory_space<hbm>>
        %dma_wait3A_247 = arith.constant 0 : i32
        %dma_wait3A_248 = arith.constant 0 : i32
        %dma_wait3A_249 = tpu.memref_slice %arg7[%dma_wait3A_247, %dma_wait3A_248] : memref<40x64xi32, #tpu.memory_space<vmem>> -> memref<40x64xi32, #tpu.memory_space<vmem>>
        %dma_wait3A_250 = arith.constant 0 : i32
        %dma_wait3A_251 = tpu.memref_slice %arg2[%add3A_178, %dma_wait3A_250] : memref<5000x64xi32, #tpu.memory_space<hbm>> -> memref<40x64xi32, #tpu.memory_space<hbm>>
        tpu.wait_dma2 semaphore(%run_scoped3A : memref<!tpu.dma_semaphore, #tpu.memory_space<semaphore_mem>>) src(%dma_wait3A_251 : memref<40x64xi32, #tpu.memory_space<hbm>>) dst(%dma_wait3A_249 : memref<40x64xi32, #tpu.memory_space<vmem>>)
        tpu.yield
      }) : () -> ()
      "tpu.region"() ({
        %run_scoped3A = tpu.sem_alloc : memref<!tpu.dma_semaphore, #tpu.memory_space<semaphore_mem>>
        %dma_start3A_233 = arith.constant 0 : i32
        %dma_start3A_234 = arith.constant 0 : i32
        %dma_start3A_235 = tpu.memref_slice %arg8[%dma_start3A_233, %dma_start3A_234] : memref<40x64xi32, #tpu.memory_space<vmem>> -> memref<40x64xi32, #tpu.memory_space<vmem>>
        %dma_start3A_236 = arith.constant 0 : i32
        %dma_start3A_237 = tpu.memref_slice %arg3[%add3A_178, %dma_start3A_236] : memref<5000x64xi32, #tpu.memory_space<hbm>> -> memref<40x64xi32, #tpu.memory_space<hbm>>
        %dma_start3A_238 = arith.constant 0 : i32
        %dma_start3A_239 = arith.constant 0 : i32
        %dma_start3A_240 = tpu.memref_slice %arg8[%dma_start3A_238, %dma_start3A_239] : memref<40x64xi32, #tpu.memory_space<vmem>> -> memref<40x64xi32, #tpu.memory_space<vmem>>
        %dma_start3A_241 = arith.constant 0 : i32
        %dma_start3A_242 = tpu.memref_slice %arg3[%add3A_178, %dma_start3A_241] : memref<5000x64xi32, #tpu.memory_space<hbm>> -> memref<40x64xi32, #tpu.memory_space<hbm>>
        tpu.enqueue_dma source(%dma_start3A_242 : memref<40x64xi32, #tpu.memory_space<hbm>>) target(%dma_start3A_240 : memref<40x64xi32, #tpu.memory_space<vmem>>) target_semaphore(%run_scoped3A : memref<!tpu.dma_semaphore, #tpu.memory_space<semaphore_mem>>)
        %dma_wait3A = arith.constant 0 : i32
        %dma_wait3A_243 = arith.constant 0 : i32
        %dma_wait3A_244 = tpu.memref_slice %arg8[%dma_wait3A, %dma_wait3A_243] : memref<40x64xi32, #tpu.memory_space<vmem>> -> memref<40x64xi32, #tpu.memory_space<vmem>>
        %dma_wait3A_245 = arith.constant 0 : i32
        %dma_wait3A_246 = tpu.memref_slice %arg3[%add3A_178, %dma_wait3A_245] : memref<5000x64xi32, #tpu.memory_space<hbm>> -> memref<40x64xi32, #tpu.memory_space<hbm>>
        %dma_wait3A_247 = arith.constant 0 : i32
        %dma_wait3A_248 = arith.constant 0 : i32
        %dma_wait3A_249 = tpu.memref_slice %arg8[%dma_wait3A_247, %dma_wait3A_248] : memref<40x64xi32, #tpu.memory_space<vmem>> -> memref<40x64xi32, #tpu.memory_space<vmem>>
        %dma_wait3A_250 = arith.constant 0 : i32
        %dma_wait3A_251 = tpu.memref_slice %arg3[%add3A_178, %dma_wait3A_250] : memref<5000x64xi32, #tpu.memory_space<hbm>> -> memref<40x64xi32, #tpu.memory_space<hbm>>
        tpu.wait_dma2 semaphore(%run_scoped3A : memref<!tpu.dma_semaphore, #tpu.memory_space<semaphore_mem>>) src(%dma_wait3A_251 : memref<40x64xi32, #tpu.memory_space<hbm>>) dst(%dma_wait3A_249 : memref<40x64xi32, #tpu.memory_space<vmem>>)
        tpu.yield
      }) : () -> ()
      %dma_start3A_179 = arith.constant 0 : i32
      %dma_start3A_180 = arith.constant 0 : i32
      %dma_start3A_181 = arith.constant 0 : i32
      %dma_start3A_182 = arith.constant 0 : i32
      %dma_start3A_183 = tpu.memref_slice %arg9[%dma_start3A_180, %dma_start3A_181, %dma_start3A_182] : memref<4x64x128xf32, #tpu.memory_space<vmem>> -> memref<1x64x128xf32, #tpu.memory_space<vmem>>
      %dma_start3A_184 = tpu.memref_squeeze %dma_start3A_183 : memref<1x64x128xf32, #tpu.memory_space<vmem>> -> memref<64x128xf32, #tpu.memory_space<vmem>>
      %dma_start3A_185 = arith.constant 0 : i32
      %dma_start3A_186 = tpu.memref_slice %arg7[%dma_start3A_179, %dma_start3A_185] : memref<40x64xi32, #tpu.memory_space<vmem>> -> memref<1x64xi32, #tpu.memory_space<vmem>>
      %dma_start3A_187 = tpu.memref_squeeze %dma_start3A_186 : memref<1x64xi32, #tpu.memory_space<vmem>> -> memref<64xi32, #tpu.memory_space<vmem>>
      %dma_start3A_188 = arith.constant 0 : i32
      %dma_start3A_189 = arith.constant 0 : i32
      %dma_start3A_190 = tpu.memref_slice %arg4[%dma_start3A_188, %dma_start3A_189] : memref<10000x128xf32, #tpu.memory_space<hbm>> -> memref<10000x128xf32, #tpu.memory_space<hbm>>
      tpu.enqueue_indirect_dma source(%dma_start3A_190 : memref<10000x128xf32, #tpu.memory_space<hbm>>) target(%dma_start3A_184 : memref<64x128xf32, #tpu.memory_space<vmem>>) offsets(%dma_start3A_187 : memref<64xi32, #tpu.memory_space<vmem>>) semaphore(%arg11 : memref<!tpu.dma_semaphore, #tpu.memory_space<semaphore_mem>>)
      %dma_start3A_191 = arith.constant 1 : i32
      %dma_start3A_192 = arith.constant 1 : i32
      %dma_start3A_193 = arith.constant 0 : i32
      %dma_start3A_194 = arith.constant 0 : i32
      %dma_start3A_195 = tpu.memref_slice %arg9[%dma_start3A_192, %dma_start3A_193, %dma_start3A_194] : memref<4x64x128xf32, #tpu.memory_space<vmem>> -> memref<1x64x128xf32, #tpu.memory_space<vmem>>
      %dma_start3A_196 = tpu.memref_squeeze %dma_start3A_195 : memref<1x64x128xf32, #tpu.memory_space<vmem>> -> memref<64x128xf32, #tpu.memory_space<vmem>>
      %dma_start3A_197 = arith.constant 0 : i32
      %dma_start3A_198 = tpu.memref_slice %arg7[%dma_start3A_191, %dma_start3A_197] : memref<40x64xi32, #tpu.memory_space<vmem>> -> memref<1x64xi32, #tpu.memory_space<vmem>>
      %dma_start3A_199 = tpu.memref_squeeze %dma_start3A_198 : memref<1x64xi32, #tpu.memory_space<vmem>> -> memref<64xi32, #tpu.memory_space<vmem>>
      %dma_start3A_200 = arith.constant 0 : i32
      %dma_start3A_201 = arith.constant 0 : i32
      %dma_start3A_202 = tpu.memref_slice %arg4[%dma_start3A_200, %dma_start3A_201] : memref<10000x128xf32, #tpu.memory_space<hbm>> -> memref<10000x128xf32, #tpu.memory_space<hbm>>
      tpu.enqueue_indirect_dma source(%dma_start3A_202 : memref<10000x128xf32, #tpu.memory_space<hbm>>) target(%dma_start3A_196 : memref<64x128xf32, #tpu.memory_space<vmem>>) offsets(%dma_start3A_199 : memref<64xi32, #tpu.memory_space<vmem>>) semaphore(%arg12 : memref<!tpu.dma_semaphore, #tpu.memory_space<semaphore_mem>>)
      %dma_start3A_203 = arith.constant 2 : i32
      %dma_start3A_204 = arith.constant 2 : i32
      %dma_start3A_205 = arith.constant 0 : i32
      %dma_start3A_206 = arith.constant 0 : i32
      %dma_start3A_207 = tpu.memref_slice %arg9[%dma_start3A_204, %dma_start3A_205, %dma_start3A_206] : memref<4x64x128xf32, #tpu.memory_space<vmem>> -> memref<1x64x128xf32, #tpu.memory_space<vmem>>
      %dma_start3A_208 = tpu.memref_squeeze %dma_start3A_207 : memref<1x64x128xf32, #tpu.memory_space<vmem>> -> memref<64x128xf32, #tpu.memory_space<vmem>>
      %dma_start3A_209 = arith.constant 0 : i32
      %dma_start3A_210 = tpu.memref_slice %arg7[%dma_start3A_203, %dma_start3A_209] : memref<40x64xi32, #tpu.memory_space<vmem>> -> memref<1x64xi32, #tpu.memory_space<vmem>>
      %dma_start3A_211 = tpu.memref_squeeze %dma_start3A_210 : memref<1x64xi32, #tpu.memory_space<vmem>> -> memref<64xi32, #tpu.memory_space<vmem>>
      %dma_start3A_212 = arith.constant 0 : i32
      %dma_start3A_213 = arith.constant 0 : i32
      %dma_start3A_214 = tpu.memref_slice %arg4[%dma_start3A_212, %dma_start3A_213] : memref<10000x128xf32, #tpu.memory_space<hbm>> -> memref<10000x128xf32, #tpu.memory_space<hbm>>
      tpu.enqueue_indirect_dma source(%dma_start3A_214 : memref<10000x128xf32, #tpu.memory_space<hbm>>) target(%dma_start3A_208 : memref<64x128xf32, #tpu.memory_space<vmem>>) offsets(%dma_start3A_211 : memref<64xi32, #tpu.memory_space<vmem>>) semaphore(%arg13 : memref<!tpu.dma_semaphore, #tpu.memory_space<semaphore_mem>>)
      %dma_start3A_215 = arith.constant 3 : i32
      %dma_start3A_216 = arith.constant 3 : i32
      %dma_start3A_217 = arith.constant 0 : i32
      %dma_start3A_218 = arith.constant 0 : i32
      %dma_start3A_219 = tpu.memref_slice %arg9[%dma_start3A_216, %dma_start3A_217, %dma_start3A_218] : memref<4x64x128xf32, #tpu.memory_space<vmem>> -> memref<1x64x128xf32, #tpu.memory_space<vmem>>
      %dma_start3A_220 = tpu.memref_squeeze %dma_start3A_219 : memref<1x64x128xf32, #tpu.memory_space<vmem>> -> memref<64x128xf32, #tpu.memory_space<vmem>>
      %dma_start3A_221 = arith.constant 0 : i32
      %dma_start3A_222 = tpu.memref_slice %arg7[%dma_start3A_215, %dma_start3A_221] : memref<40x64xi32, #tpu.memory_space<vmem>> -> memref<1x64xi32, #tpu.memory_space<vmem>>
      %dma_start3A_223 = tpu.memref_squeeze %dma_start3A_222 : memref<1x64xi32, #tpu.memory_space<vmem>> -> memref<64xi32, #tpu.memory_space<vmem>>
      %dma_start3A_224 = arith.constant 0 : i32
      %dma_start3A_225 = arith.constant 0 : i32
      %dma_start3A_226 = tpu.memref_slice %arg4[%dma_start3A_224, %dma_start3A_225] : memref<10000x128xf32, #tpu.memory_space<hbm>> -> memref<10000x128xf32, #tpu.memory_space<hbm>>
      tpu.enqueue_indirect_dma source(%dma_start3A_226 : memref<10000x128xf32, #tpu.memory_space<hbm>>) target(%dma_start3A_220 : memref<64x128xf32, #tpu.memory_space<vmem>>) offsets(%dma_start3A_223 : memref<64xi32, #tpu.memory_space<vmem>>) semaphore(%arg14 : memref<!tpu.dma_semaphore, #tpu.memory_space<semaphore_mem>>)
      %scan3A_227 = arith.constant 0 : i32
      %scan3A_228 = arith.constant 0 : i32
      %scan3A_229 = arith.constant 10 : i32
      %scan3A_230 = arith.addi %scan3A_228, %scan3A_229 : i32
      %scan3A_231 = arith.constant 1 : i32
      scf.for %scan3A_233 = %scan3A_228 to %scan3A_230 step %scan3A_231  : i32 {
        %mul3A_234 = arith.constant 4 : i32
        %mul3A_235 = arith.muli %scan3A_233, %mul3A_234 : i32
        %add3A_236 = arith.constant 0 : i32
        %add3A_237 = arith.addi %mul3A_235, %add3A_236 : i32
        %dma_wait3A = arith.constant 0 : i32
        %dma_wait3A_238 = arith.constant 0 : i32
        %dma_wait3A_239 = arith.constant 0 : i32
        %dma_wait3A_240 = tpu.memref_slice %arg9[%dma_wait3A, %dma_wait3A_238, %dma_wait3A_239] : memref<4x64x128xf32, #tpu.memory_space<vmem>> -> memref<1x64x128xf32, #tpu.memory_space<vmem>>
        %dma_wait3A_241 = tpu.memref_squeeze %dma_wait3A_240 : memref<1x64x128xf32, #tpu.memory_space<vmem>> -> memref<64x128xf32, #tpu.memory_space<vmem>>
        %dma_wait3A_242 = arith.constant 0 : i32
        %dma_wait3A_243 = tpu.memref_slice %arg7[%add3A_237, %dma_wait3A_242] : memref<40x64xi32, #tpu.memory_space<vmem>> -> memref<1x64xi32, #tpu.memory_space<vmem>>
        %dma_wait3A_244 = tpu.memref_squeeze %dma_wait3A_243 : memref<1x64xi32, #tpu.memory_space<vmem>> -> memref<64xi32, #tpu.memory_space<vmem>>
        %dma_wait3A_245 = arith.constant 0 : i32
        %dma_wait3A_246 = arith.constant 0 : i32
        %dma_wait3A_247 = tpu.memref_slice %arg4[%dma_wait3A_245, %dma_wait3A_246] : memref<10000x128xf32, #tpu.memory_space<hbm>> -> memref<10000x128xf32, #tpu.memory_space<hbm>>
        tpu.wait_indirect_dma semaphore(%arg11 : memref<!tpu.dma_semaphore, #tpu.memory_space<semaphore_mem>>) src(%dma_wait3A_247 : memref<10000x128xf32, #tpu.memory_space<hbm>>) dst(%dma_wait3A_241 : memref<64x128xf32, #tpu.memory_space<vmem>>)
        %run_scoped3A = arith.constant 0 : i32
        "tpu.region"() ({
          %run_scoped3A_318 = tpu.sem_alloc : memref<!tpu.dma_semaphore, #tpu.memory_space<semaphore_mem>>
          %dma_start3A_319 = arith.constant 0 : i32
          %dma_start3A_320 = arith.constant 0 : i32
          %dma_start3A_321 = tpu.memref_slice %arg9[%run_scoped3A, %dma_start3A_319, %dma_start3A_320] : memref<4x64x128xf32, #tpu.memory_space<vmem>> -> memref<1x64x128xf32, #tpu.memory_space<vmem>>
          %dma_start3A_322 = tpu.memref_squeeze %dma_start3A_321 : memref<1x64x128xf32, #tpu.memory_space<vmem>> -> memref<64x128xf32, #tpu.memory_space<vmem>>
          %dma_start3A_323 = arith.constant 0 : i32
          %dma_start3A_324 = tpu.memref_slice %arg8[%add3A_237, %dma_start3A_323] : memref<40x64xi32, #tpu.memory_space<vmem>> -> memref<1x64xi32, #tpu.memory_space<vmem>>
          %dma_start3A_325 = tpu.memref_squeeze %dma_start3A_324 : memref<1x64xi32, #tpu.memory_space<vmem>> -> memref<64xi32, #tpu.memory_space<vmem>>
          %dma_start3A_326 = arith.constant 0 : i32
          %dma_start3A_327 = arith.constant 0 : i32
          %dma_start3A_328 = tpu.memref_slice %arg10[%dma_start3A_326, %dma_start3A_327] : memref<10112x128xf32, #tpu.memory_space<vmem_shared>> -> memref<10112x128xf32, #tpu.memory_space<vmem_shared>>
          tpu.enqueue_indirect_dma source(%dma_start3A_322 : memref<64x128xf32, #tpu.memory_space<vmem>>) target(%dma_start3A_328 : memref<10112x128xf32, #tpu.memory_space<vmem_shared>>) offsets(%dma_start3A_325 : memref<64xi32, #tpu.memory_space<vmem>>) semaphore(%run_scoped3A_318 : memref<!tpu.dma_semaphore, #tpu.memory_space<semaphore_mem>>) {add = true}
          %dma_wait3A_329 = arith.constant 0 : i32
          %dma_wait3A_330 = arith.constant 0 : i32
          %dma_wait3A_331 = tpu.memref_slice %arg9[%run_scoped3A, %dma_wait3A_329, %dma_wait3A_330] : memref<4x64x128xf32, #tpu.memory_space<vmem>> -> memref<1x64x128xf32, #tpu.memory_space<vmem>>
          %dma_wait3A_332 = tpu.memref_squeeze %dma_wait3A_331 : memref<1x64x128xf32, #tpu.memory_space<vmem>> -> memref<64x128xf32, #tpu.memory_space<vmem>>
          %dma_wait3A_333 = arith.constant 0 : i32
          %dma_wait3A_334 = tpu.memref_slice %arg8[%add3A_237, %dma_wait3A_333] : memref<40x64xi32, #tpu.memory_space<vmem>> -> memref<1x64xi32, #tpu.memory_space<vmem>>
          %dma_wait3A_335 = tpu.memref_squeeze %dma_wait3A_334 : memref<1x64xi32, #tpu.memory_space<vmem>> -> memref<64xi32, #tpu.memory_space<vmem>>
          %dma_wait3A_336 = arith.constant 0 : i32
          %dma_wait3A_337 = arith.constant 0 : i32
          %dma_wait3A_338 = tpu.memref_slice %arg10[%dma_wait3A_336, %dma_wait3A_337] : memref<10112x128xf32, #tpu.memory_space<vmem_shared>> -> memref<10112x128xf32, #tpu.memory_space<vmem_shared>>
          tpu.wait_indirect_dma semaphore(%run_scoped3A_318 : memref<!tpu.dma_semaphore, #tpu.memory_space<semaphore_mem>>) src(%dma_wait3A_332 : memref<64x128xf32, #tpu.memory_space<vmem>>) dst(%dma_wait3A_338 : memref<10112x128xf32, #tpu.memory_space<vmem_shared>>)
          tpu.yield
        }) : () -> ()
        %add3A_248 = arith.constant 4 : i32
        %add3A_249 = arith.addi %add3A_237, %add3A_248 : i32
        %lt3A_250 = arith.constant 40 : i32
        %lt3A_251 = arith.cmpi slt, %add3A_249, %lt3A_250 : i32
        %convert_element_type3A_252 = arith.extui %lt3A_251 : i1 to i32
        %cond3A_253 = arith.constant 0 : i32
        %cond3A_254 = arith.cmpi ne, %convert_element_type3A_252, %cond3A_253 : i32
        scf.if %cond3A_254 {
          %dma_start3A_318 = arith.constant 0 : i32
          %dma_start3A_319 = arith.constant 0 : i32
          %dma_start3A_320 = arith.constant 0 : i32
          %dma_start3A_321 = tpu.memref_slice %arg9[%dma_start3A_318, %dma_start3A_319, %dma_start3A_320] : memref<4x64x128xf32, #tpu.memory_space<vmem>> -> memref<1x64x128xf32, #tpu.memory_space<vmem>>
          %dma_start3A_322 = tpu.memref_squeeze %dma_start3A_321 : memref<1x64x128xf32, #tpu.memory_space<vmem>> -> memref<64x128xf32, #tpu.memory_space<vmem>>
          %dma_start3A_323 = arith.constant 0 : i32
          %dma_start3A_324 = tpu.memref_slice %arg7[%add3A_249, %dma_start3A_323] : memref<40x64xi32, #tpu.memory_space<vmem>> -> memref<1x64xi32, #tpu.memory_space<vmem>>
          %dma_start3A_325 = tpu.memref_squeeze %dma_start3A_324 : memref<1x64xi32, #tpu.memory_space<vmem>> -> memref<64xi32, #tpu.memory_space<vmem>>
          %dma_start3A_326 = arith.constant 0 : i32
          %dma_start3A_327 = arith.constant 0 : i32
          %dma_start3A_328 = tpu.memref_slice %arg4[%dma_start3A_326, %dma_start3A_327] : memref<10000x128xf32, #tpu.memory_space<hbm>> -> memref<10000x128xf32, #tpu.memory_space<hbm>>
          tpu.enqueue_indirect_dma source(%dma_start3A_328 : memref<10000x128xf32, #tpu.memory_space<hbm>>) target(%dma_start3A_322 : memref<64x128xf32, #tpu.memory_space<vmem>>) offsets(%dma_start3A_325 : memref<64xi32, #tpu.memory_space<vmem>>) semaphore(%arg11 : memref<!tpu.dma_semaphore, #tpu.memory_space<semaphore_mem>>)
        } else {
        }
        %add3A_255 = arith.constant 1 : i32
        %add3A_256 = arith.addi %mul3A_235, %add3A_255 : i32
        %dma_wait3A_257 = arith.constant 1 : i32
        %dma_wait3A_258 = arith.constant 0 : i32
        %dma_wait3A_259 = arith.constant 0 : i32
        %dma_wait3A_260 = tpu.memref_slice %arg9[%dma_wait3A_257, %dma_wait3A_258, %dma_wait3A_259] : memref<4x64x128xf32, #tpu.memory_space<vmem>> -> memref<1x64x128xf32, #tpu.memory_space<vmem>>
        %dma_wait3A_261 = tpu.memref_squeeze %dma_wait3A_260 : memref<1x64x128xf32, #tpu.memory_space<vmem>> -> memref<64x128xf32, #tpu.memory_space<vmem>>
        %dma_wait3A_262 = arith.constant 0 : i32
        %dma_wait3A_263 = tpu.memref_slice %arg7[%add3A_256, %dma_wait3A_262] : memref<40x64xi32, #tpu.memory_space<vmem>> -> memref<1x64xi32, #tpu.memory_space<vmem>>
        %dma_wait3A_264 = tpu.memref_squeeze %dma_wait3A_263 : memref<1x64xi32, #tpu.memory_space<vmem>> -> memref<64xi32, #tpu.memory_space<vmem>>
        %dma_wait3A_265 = arith.constant 0 : i32
        %dma_wait3A_266 = arith.constant 0 : i32
        %dma_wait3A_267 = tpu.memref_slice %arg4[%dma_wait3A_265, %dma_wait3A_266] : memref<10000x128xf32, #tpu.memory_space<hbm>> -> memref<10000x128xf32, #tpu.memory_space<hbm>>
        tpu.wait_indirect_dma semaphore(%arg12 : memref<!tpu.dma_semaphore, #tpu.memory_space<semaphore_mem>>) src(%dma_wait3A_267 : memref<10000x128xf32, #tpu.memory_space<hbm>>) dst(%dma_wait3A_261 : memref<64x128xf32, #tpu.memory_space<vmem>>)
        %run_scoped3A_268 = arith.constant 1 : i32
        "tpu.region"() ({
          %run_scoped3A_318 = tpu.sem_alloc : memref<!tpu.dma_semaphore, #tpu.memory_space<semaphore_mem>>
          %dma_start3A_319 = arith.constant 0 : i32
          %dma_start3A_320 = arith.constant 0 : i32
          %dma_start3A_321 = tpu.memref_slice %arg9[%run_scoped3A_268, %dma_start3A_319, %dma_start3A_320] : memref<4x64x128xf32, #tpu.memory_space<vmem>> -> memref<1x64x128xf32, #tpu.memory_space<vmem>>
          %dma_start3A_322 = tpu.memref_squeeze %dma_start3A_321 : memref<1x64x128xf32, #tpu.memory_space<vmem>> -> memref<64x128xf32, #tpu.memory_space<vmem>>
          %dma_start3A_323 = arith.constant 0 : i32
          %dma_start3A_324 = tpu.memref_slice %arg8[%add3A_256, %dma_start3A_323] : memref<40x64xi32, #tpu.memory_space<vmem>> -> memref<1x64xi32, #tpu.memory_space<vmem>>
          %dma_start3A_325 = tpu.memref_squeeze %dma_start3A_324 : memref<1x64xi32, #tpu.memory_space<vmem>> -> memref<64xi32, #tpu.memory_space<vmem>>
          %dma_start3A_326 = arith.constant 0 : i32
          %dma_start3A_327 = arith.constant 0 : i32
          %dma_start3A_328 = tpu.memref_slice %arg10[%dma_start3A_326, %dma_start3A_327] : memref<10112x128xf32, #tpu.memory_space<vmem_shared>> -> memref<10112x128xf32, #tpu.memory_space<vmem_shared>>
          tpu.enqueue_indirect_dma source(%dma_start3A_322 : memref<64x128xf32, #tpu.memory_space<vmem>>) target(%dma_start3A_328 : memref<10112x128xf32, #tpu.memory_space<vmem_shared>>) offsets(%dma_start3A_325 : memref<64xi32, #tpu.memory_space<vmem>>) semaphore(%run_scoped3A_318 : memref<!tpu.dma_semaphore, #tpu.memory_space<semaphore_mem>>) {add = true}
          %dma_wait3A_329 = arith.constant 0 : i32
          %dma_wait3A_330 = arith.constant 0 : i32
          %dma_wait3A_331 = tpu.memref_slice %arg9[%run_scoped3A_268, %dma_wait3A_329, %dma_wait3A_330] : memref<4x64x128xf32, #tpu.memory_space<vmem>> -> memref<1x64x128xf32, #tpu.memory_space<vmem>>
          %dma_wait3A_332 = tpu.memref_squeeze %dma_wait3A_331 : memref<1x64x128xf32, #tpu.memory_space<vmem>> -> memref<64x128xf32, #tpu.memory_space<vmem>>
          %dma_wait3A_333 = arith.constant 0 : i32
          %dma_wait3A_334 = tpu.memref_slice %arg8[%add3A_256, %dma_wait3A_333] : memref<40x64xi32, #tpu.memory_space<vmem>> -> memref<1x64xi32, #tpu.memory_space<vmem>>
          %dma_wait3A_335 = tpu.memref_squeeze %dma_wait3A_334 : memref<1x64xi32, #tpu.memory_space<vmem>> -> memref<64xi32, #tpu.memory_space<vmem>>
          %dma_wait3A_336 = arith.constant 0 : i32
          %dma_wait3A_337 = arith.constant 0 : i32
          %dma_wait3A_338 = tpu.memref_slice %arg10[%dma_wait3A_336, %dma_wait3A_337] : memref<10112x128xf32, #tpu.memory_space<vmem_shared>> -> memref<10112x128xf32, #tpu.memory_space<vmem_shared>>
          tpu.wait_indirect_dma semaphore(%run_scoped3A_318 : memref<!tpu.dma_semaphore, #tpu.memory_space<semaphore_mem>>) src(%dma_wait3A_332 : memref<64x128xf32, #tpu.memory_space<vmem>>) dst(%dma_wait3A_338 : memref<10112x128xf32, #tpu.memory_space<vmem_shared>>)
          tpu.yield
        }) : () -> ()
        %add3A_269 = arith.constant 4 : i32
        %add3A_270 = arith.addi %add3A_256, %add3A_269 : i32
        %lt3A_271 = arith.constant 40 : i32
        %lt3A_272 = arith.cmpi slt, %add3A_270, %lt3A_271 : i32
        %convert_element_type3A_273 = arith.extui %lt3A_272 : i1 to i32
        %cond3A_274 = arith.constant 0 : i32
        %cond3A_275 = arith.cmpi ne, %convert_element_type3A_273, %cond3A_274 : i32
        scf.if %cond3A_275 {
          %dma_start3A_318 = arith.constant 1 : i32
          %dma_start3A_319 = arith.constant 0 : i32
          %dma_start3A_320 = arith.constant 0 : i32
          %dma_start3A_321 = tpu.memref_slice %arg9[%dma_start3A_318, %dma_start3A_319, %dma_start3A_320] : memref<4x64x128xf32, #tpu.memory_space<vmem>> -> memref<1x64x128xf32, #tpu.memory_space<vmem>>
          %dma_start3A_322 = tpu.memref_squeeze %dma_start3A_321 : memref<1x64x128xf32, #tpu.memory_space<vmem>> -> memref<64x128xf32, #tpu.memory_space<vmem>>
          %dma_start3A_323 = arith.constant 0 : i32
          %dma_start3A_324 = tpu.memref_slice %arg7[%add3A_270, %dma_start3A_323] : memref<40x64xi32, #tpu.memory_space<vmem>> -> memref<1x64xi32, #tpu.memory_space<vmem>>
          %dma_start3A_325 = tpu.memref_squeeze %dma_start3A_324 : memref<1x64xi32, #tpu.memory_space<vmem>> -> memref<64xi32, #tpu.memory_space<vmem>>
          %dma_start3A_326 = arith.constant 0 : i32
          %dma_start3A_327 = arith.constant 0 : i32
          %dma_start3A_328 = tpu.memref_slice %arg4[%dma_start3A_326, %dma_start3A_327] : memref<10000x128xf32, #tpu.memory_space<hbm>> -> memref<10000x128xf32, #tpu.memory_space<hbm>>
          tpu.enqueue_indirect_dma source(%dma_start3A_328 : memref<10000x128xf32, #tpu.memory_space<hbm>>) target(%dma_start3A_322 : memref<64x128xf32, #tpu.memory_space<vmem>>) offsets(%dma_start3A_325 : memref<64xi32, #tpu.memory_space<vmem>>) semaphore(%arg12 : memref<!tpu.dma_semaphore, #tpu.memory_space<semaphore_mem>>)
        } else {
        }
        %add3A_276 = arith.constant 2 : i32
        %add3A_277 = arith.addi %mul3A_235, %add3A_276 : i32
        %dma_wait3A_278 = arith.constant 2 : i32
        %dma_wait3A_279 = arith.constant 0 : i32
        %dma_wait3A_280 = arith.constant 0 : i32
        %dma_wait3A_281 = tpu.memref_slice %arg9[%dma_wait3A_278, %dma_wait3A_279, %dma_wait3A_280] : memref<4x64x128xf32, #tpu.memory_space<vmem>> -> memref<1x64x128xf32, #tpu.memory_space<vmem>>
        %dma_wait3A_282 = tpu.memref_squeeze %dma_wait3A_281 : memref<1x64x128xf32, #tpu.memory_space<vmem>> -> memref<64x128xf32, #tpu.memory_space<vmem>>
        %dma_wait3A_283 = arith.constant 0 : i32
        %dma_wait3A_284 = tpu.memref_slice %arg7[%add3A_277, %dma_wait3A_283] : memref<40x64xi32, #tpu.memory_space<vmem>> -> memref<1x64xi32, #tpu.memory_space<vmem>>
        %dma_wait3A_285 = tpu.memref_squeeze %dma_wait3A_284 : memref<1x64xi32, #tpu.memory_space<vmem>> -> memref<64xi32, #tpu.memory_space<vmem>>
        %dma_wait3A_286 = arith.constant 0 : i32
        %dma_wait3A_287 = arith.constant 0 : i32
        %dma_wait3A_288 = tpu.memref_slice %arg4[%dma_wait3A_286, %dma_wait3A_287] : memref<10000x128xf32, #tpu.memory_space<hbm>> -> memref<10000x128xf32, #tpu.memory_space<hbm>>
        tpu.wait_indirect_dma semaphore(%arg13 : memref<!tpu.dma_semaphore, #tpu.memory_space<semaphore_mem>>) src(%dma_wait3A_288 : memref<10000x128xf32, #tpu.memory_space<hbm>>) dst(%dma_wait3A_282 : memref<64x128xf32, #tpu.memory_space<vmem>>)
        %run_scoped3A_289 = arith.constant 2 : i32
        "tpu.region"() ({
          %run_scoped3A_318 = tpu.sem_alloc : memref<!tpu.dma_semaphore, #tpu.memory_space<semaphore_mem>>
          %dma_start3A_319 = arith.constant 0 : i32
          %dma_start3A_320 = arith.constant 0 : i32
          %dma_start3A_321 = tpu.memref_slice %arg9[%run_scoped3A_289, %dma_start3A_319, %dma_start3A_320] : memref<4x64x128xf32, #tpu.memory_space<vmem>> -> memref<1x64x128xf32, #tpu.memory_space<vmem>>
          %dma_start3A_322 = tpu.memref_squeeze %dma_start3A_321 : memref<1x64x128xf32, #tpu.memory_space<vmem>> -> memref<64x128xf32, #tpu.memory_space<vmem>>
          %dma_start3A_323 = arith.constant 0 : i32
          %dma_start3A_324 = tpu.memref_slice %arg8[%add3A_277, %dma_start3A_323] : memref<40x64xi32, #tpu.memory_space<vmem>> -> memref<1x64xi32, #tpu.memory_space<vmem>>
          %dma_start3A_325 = tpu.memref_squeeze %dma_start3A_324 : memref<1x64xi32, #tpu.memory_space<vmem>> -> memref<64xi32, #tpu.memory_space<vmem>>
          %dma_start3A_326 = arith.constant 0 : i32
          %dma_start3A_327 = arith.constant 0 : i32
          %dma_start3A_328 = tpu.memref_slice %arg10[%dma_start3A_326, %dma_start3A_327] : memref<10112x128xf32, #tpu.memory_space<vmem_shared>> -> memref<10112x128xf32, #tpu.memory_space<vmem_shared>>
          tpu.enqueue_indirect_dma source(%dma_start3A_322 : memref<64x128xf32, #tpu.memory_space<vmem>>) target(%dma_start3A_328 : memref<10112x128xf32, #tpu.memory_space<vmem_shared>>) offsets(%dma_start3A_325 : memref<64xi32, #tpu.memory_space<vmem>>) semaphore(%run_scoped3A_318 : memref<!tpu.dma_semaphore, #tpu.memory_space<semaphore_mem>>) {add = true}
          %dma_wait3A_329 = arith.constant 0 : i32
          %dma_wait3A_330 = arith.constant 0 : i32
          %dma_wait3A_331 = tpu.memref_slice %arg9[%run_scoped3A_289, %dma_wait3A_329, %dma_wait3A_330] : memref<4x64x128xf32, #tpu.memory_space<vmem>> -> memref<1x64x128xf32, #tpu.memory_space<vmem>>
          %dma_wait3A_332 = tpu.memref_squeeze %dma_wait3A_331 : memref<1x64x128xf32, #tpu.memory_space<vmem>> -> memref<64x128xf32, #tpu.memory_space<vmem>>
          %dma_wait3A_333 = arith.constant 0 : i32
          %dma_wait3A_334 = tpu.memref_slice %arg8[%add3A_277, %dma_wait3A_333] : memref<40x64xi32, #tpu.memory_space<vmem>> -> memref<1x64xi32, #tpu.memory_space<vmem>>
          %dma_wait3A_335 = tpu.memref_squeeze %dma_wait3A_334 : memref<1x64xi32, #tpu.memory_space<vmem>> -> memref<64xi32, #tpu.memory_space<vmem>>
          %dma_wait3A_336 = arith.constant 0 : i32
          %dma_wait3A_337 = arith.constant 0 : i32
          %dma_wait3A_338 = tpu.memref_slice %arg10[%dma_wait3A_336, %dma_wait3A_337] : memref<10112x128xf32, #tpu.memory_space<vmem_shared>> -> memref<10112x128xf32, #tpu.memory_space<vmem_shared>>
          tpu.wait_indirect_dma semaphore(%run_scoped3A_318 : memref<!tpu.dma_semaphore, #tpu.memory_space<semaphore_mem>>) src(%dma_wait3A_332 : memref<64x128xf32, #tpu.memory_space<vmem>>) dst(%dma_wait3A_338 : memref<10112x128xf32, #tpu.memory_space<vmem_shared>>)
          tpu.yield
        }) : () -> ()
        %add3A_290 = arith.constant 4 : i32
        %add3A_291 = arith.addi %add3A_277, %add3A_290 : i32
        %lt3A_292 = arith.constant 40 : i32
        %lt3A_293 = arith.cmpi slt, %add3A_291, %lt3A_292 : i32
        %convert_element_type3A_294 = arith.extui %lt3A_293 : i1 to i32
        %cond3A_295 = arith.constant 0 : i32
        %cond3A_296 = arith.cmpi ne, %convert_element_type3A_294, %cond3A_295 : i32
        scf.if %cond3A_296 {
          %dma_start3A_318 = arith.constant 2 : i32
          %dma_start3A_319 = arith.constant 0 : i32
          %dma_start3A_320 = arith.constant 0 : i32
          %dma_start3A_321 = tpu.memref_slice %arg9[%dma_start3A_318, %dma_start3A_319, %dma_start3A_320] : memref<4x64x128xf32, #tpu.memory_space<vmem>> -> memref<1x64x128xf32, #tpu.memory_space<vmem>>
          %dma_start3A_322 = tpu.memref_squeeze %dma_start3A_321 : memref<1x64x128xf32, #tpu.memory_space<vmem>> -> memref<64x128xf32, #tpu.memory_space<vmem>>
          %dma_start3A_323 = arith.constant 0 : i32
          %dma_start3A_324 = tpu.memref_slice %arg7[%add3A_291, %dma_start3A_323] : memref<40x64xi32, #tpu.memory_space<vmem>> -> memref<1x64xi32, #tpu.memory_space<vmem>>
          %dma_start3A_325 = tpu.memref_squeeze %dma_start3A_324 : memref<1x64xi32, #tpu.memory_space<vmem>> -> memref<64xi32, #tpu.memory_space<vmem>>
          %dma_start3A_326 = arith.constant 0 : i32
          %dma_start3A_327 = arith.constant 0 : i32
          %dma_start3A_328 = tpu.memref_slice %arg4[%dma_start3A_326, %dma_start3A_327] : memref<10000x128xf32, #tpu.memory_space<hbm>> -> memref<10000x128xf32, #tpu.memory_space<hbm>>
          tpu.enqueue_indirect_dma source(%dma_start3A_328 : memref<10000x128xf32, #tpu.memory_space<hbm>>) target(%dma_start3A_322 : memref<64x128xf32, #tpu.memory_space<vmem>>) offsets(%dma_start3A_325 : memref<64xi32, #tpu.memory_space<vmem>>) semaphore(%arg13 : memref<!tpu.dma_semaphore, #tpu.memory_space<semaphore_mem>>)
        } else {
        }
        %add3A_297 = arith.constant 3 : i32
        %add3A_298 = arith.addi %mul3A_235, %add3A_297 : i32
        %dma_wait3A_299 = arith.constant 3 : i32
        %dma_wait3A_300 = arith.constant 0 : i32
        %dma_wait3A_301 = arith.constant 0 : i32
        %dma_wait3A_302 = tpu.memref_slice %arg9[%dma_wait3A_299, %dma_wait3A_300, %dma_wait3A_301] : memref<4x64x128xf32, #tpu.memory_space<vmem>> -> memref<1x64x128xf32, #tpu.memory_space<vmem>>
        %dma_wait3A_303 = tpu.memref_squeeze %dma_wait3A_302 : memref<1x64x128xf32, #tpu.memory_space<vmem>> -> memref<64x128xf32, #tpu.memory_space<vmem>>
        %dma_wait3A_304 = arith.constant 0 : i32
        %dma_wait3A_305 = tpu.memref_slice %arg7[%add3A_298, %dma_wait3A_304] : memref<40x64xi32, #tpu.memory_space<vmem>> -> memref<1x64xi32, #tpu.memory_space<vmem>>
        %dma_wait3A_306 = tpu.memref_squeeze %dma_wait3A_305 : memref<1x64xi32, #tpu.memory_space<vmem>> -> memref<64xi32, #tpu.memory_space<vmem>>
        %dma_wait3A_307 = arith.constant 0 : i32
        %dma_wait3A_308 = arith.constant 0 : i32
        %dma_wait3A_309 = tpu.memref_slice %arg4[%dma_wait3A_307, %dma_wait3A_308] : memref<10000x128xf32, #tpu.memory_space<hbm>> -> memref<10000x128xf32, #tpu.memory_space<hbm>>
        tpu.wait_indirect_dma semaphore(%arg14 : memref<!tpu.dma_semaphore, #tpu.memory_space<semaphore_mem>>) src(%dma_wait3A_309 : memref<10000x128xf32, #tpu.memory_space<hbm>>) dst(%dma_wait3A_303 : memref<64x128xf32, #tpu.memory_space<vmem>>)
        %run_scoped3A_310 = arith.constant 3 : i32
        "tpu.region"() ({
          %run_scoped3A_318 = tpu.sem_alloc : memref<!tpu.dma_semaphore, #tpu.memory_space<semaphore_mem>>
          %dma_start3A_319 = arith.constant 0 : i32
          %dma_start3A_320 = arith.constant 0 : i32
          %dma_start3A_321 = tpu.memref_slice %arg9[%run_scoped3A_310, %dma_start3A_319, %dma_start3A_320] : memref<4x64x128xf32, #tpu.memory_space<vmem>> -> memref<1x64x128xf32, #tpu.memory_space<vmem>>
          %dma_start3A_322 = tpu.memref_squeeze %dma_start3A_321 : memref<1x64x128xf32, #tpu.memory_space<vmem>> -> memref<64x128xf32, #tpu.memory_space<vmem>>
          %dma_start3A_323 = arith.constant 0 : i32
          %dma_start3A_324 = tpu.memref_slice %arg8[%add3A_298, %dma_start3A_323] : memref<40x64xi32, #tpu.memory_space<vmem>> -> memref<1x64xi32, #tpu.memory_space<vmem>>
          %dma_start3A_325 = tpu.memref_squeeze %dma_start3A_324 : memref<1x64xi32, #tpu.memory_space<vmem>> -> memref<64xi32, #tpu.memory_space<vmem>>
          %dma_start3A_326 = arith.constant 0 : i32
          %dma_start3A_327 = arith.constant 0 : i32
          %dma_start3A_328 = tpu.memref_slice %arg10[%dma_start3A_326, %dma_start3A_327] : memref<10112x128xf32, #tpu.memory_space<vmem_shared>> -> memref<10112x128xf32, #tpu.memory_space<vmem_shared>>
          tpu.enqueue_indirect_dma source(%dma_start3A_322 : memref<64x128xf32, #tpu.memory_space<vmem>>) target(%dma_start3A_328 : memref<10112x128xf32, #tpu.memory_space<vmem_shared>>) offsets(%dma_start3A_325 : memref<64xi32, #tpu.memory_space<vmem>>) semaphore(%run_scoped3A_318 : memref<!tpu.dma_semaphore, #tpu.memory_space<semaphore_mem>>) {add = true}
          %dma_wait3A_329 = arith.constant 0 : i32
          %dma_wait3A_330 = arith.constant 0 : i32
          %dma_wait3A_331 = tpu.memref_slice %arg9[%run_scoped3A_310, %dma_wait3A_329, %dma_wait3A_330] : memref<4x64x128xf32, #tpu.memory_space<vmem>> -> memref<1x64x128xf32, #tpu.memory_space<vmem>>
          %dma_wait3A_332 = tpu.memref_squeeze %dma_wait3A_331 : memref<1x64x128xf32, #tpu.memory_space<vmem>> -> memref<64x128xf32, #tpu.memory_space<vmem>>
          %dma_wait3A_333 = arith.constant 0 : i32
          %dma_wait3A_334 = tpu.memref_slice %arg8[%add3A_298, %dma_wait3A_333] : memref<40x64xi32, #tpu.memory_space<vmem>> -> memref<1x64xi32, #tpu.memory_space<vmem>>
          %dma_wait3A_335 = tpu.memref_squeeze %dma_wait3A_334 : memref<1x64xi32, #tpu.memory_space<vmem>> -> memref<64xi32, #tpu.memory_space<vmem>>
          %dma_wait3A_336 = arith.constant 0 : i32
          %dma_wait3A_337 = arith.constant 0 : i32
          %dma_wait3A_338 = tpu.memref_slice %arg10[%dma_wait3A_336, %dma_wait3A_337] : memref<10112x128xf32, #tpu.memory_space<vmem_shared>> -> memref<10112x128xf32, #tpu.memory_space<vmem_shared>>
          tpu.wait_indirect_dma semaphore(%run_scoped3A_318 : memref<!tpu.dma_semaphore, #tpu.memory_space<semaphore_mem>>) src(%dma_wait3A_332 : memref<64x128xf32, #tpu.memory_space<vmem>>) dst(%dma_wait3A_338 : memref<10112x128xf32, #tpu.memory_space<vmem_shared>>)
          tpu.yield
        }) : () -> ()
        %add3A_311 = arith.constant 4 : i32
        %add3A_312 = arith.addi %add3A_298, %add3A_311 : i32
        %lt3A_313 = arith.constant 40 : i32
        %lt3A_314 = arith.cmpi slt, %add3A_312, %lt3A_313 : i32
        %convert_element_type3A_315 = arith.extui %lt3A_314 : i1 to i32
        %cond3A_316 = arith.constant 0 : i32
        %cond3A_317 = arith.cmpi ne, %convert_element_type3A_315, %cond3A_316 : i32
        scf.if %cond3A_317 {
          %dma_start3A_318 = arith.constant 3 : i32
          %dma_start3A_319 = arith.constant 0 : i32
          %dma_start3A_320 = arith.constant 0 : i32
          %dma_start3A_321 = tpu.memref_slice %arg9[%dma_start3A_318, %dma_start3A_319, %dma_start3A_320] : memref<4x64x128xf32, #tpu.memory_space<vmem>> -> memref<1x64x128xf32, #tpu.memory_space<vmem>>
          %dma_start3A_322 = tpu.memref_squeeze %dma_start3A_321 : memref<1x64x128xf32, #tpu.memory_space<vmem>> -> memref<64x128xf32, #tpu.memory_space<vmem>>
          %dma_start3A_323 = arith.constant 0 : i32
          %dma_start3A_324 = tpu.memref_slice %arg7[%add3A_312, %dma_start3A_323] : memref<40x64xi32, #tpu.memory_space<vmem>> -> memref<1x64xi32, #tpu.memory_space<vmem>>
          %dma_start3A_325 = tpu.memref_squeeze %dma_start3A_324 : memref<1x64xi32, #tpu.memory_space<vmem>> -> memref<64xi32, #tpu.memory_space<vmem>>
          %dma_start3A_326 = arith.constant 0 : i32
          %dma_start3A_327 = arith.constant 0 : i32
          %dma_start3A_328 = tpu.memref_slice %arg4[%dma_start3A_326, %dma_start3A_327] : memref<10000x128xf32, #tpu.memory_space<hbm>> -> memref<10000x128xf32, #tpu.memory_space<hbm>>
          tpu.enqueue_indirect_dma source(%dma_start3A_328 : memref<10000x128xf32, #tpu.memory_space<hbm>>) target(%dma_start3A_322 : memref<64x128xf32, #tpu.memory_space<vmem>>) offsets(%dma_start3A_325 : memref<64xi32, #tpu.memory_space<vmem>>) semaphore(%arg14 : memref<!tpu.dma_semaphore, #tpu.memory_space<semaphore_mem>>)
        } else {
        }
      }
      %scan3A_232 = arith.constant 10 : i32
    } else {
    }
    %ge3A = arith.constant 17 : i32
    %ge3A_5 = arith.cmpi sge, %add3A, %ge3A : i32
    %convert_element_type3A_6 = arith.extui %ge3A_5 : i1 to i32
    %cond3A_7 = arith.constant 0 : i32
    %cond3A_8 = arith.cmpi ne, %convert_element_type3A_6, %cond3A_7 : i32
    scf.if %cond3A_8 {
      %sub3A = arith.constant 17 : i32
      %sub3A_9 = arith.subi %add3A, %sub3A : i32
      %mul3A_10 = arith.constant 152 : i32
      %mul3A_11 = arith.muli %sub3A_9, %mul3A_10 : i32
      %add3A_12 = arith.constant 2720 : i32
      %add3A_13 = arith.addi %add3A_12, %mul3A_11 : i32
      %add3A_14 = arith.constant 0 : i32
      %add3A_15 = arith.addi %add3A_13, %add3A_14 : i32
      "tpu.region"() ({
        %run_scoped3A = tpu.sem_alloc : memref<!tpu.dma_semaphore, #tpu.memory_space<semaphore_mem>>
        %dma_start3A_236 = arith.constant 0 : i32
        %dma_start3A_237 = arith.constant 0 : i32
        %dma_start3A_238 = tpu.memref_slice %arg7[%dma_start3A_236, %dma_start3A_237] : memref<40x64xi32, #tpu.memory_space<vmem>> -> memref<40x64xi32, #tpu.memory_space<vmem>>
        %dma_start3A_239 = arith.constant 0 : i32
        %dma_start3A_240 = tpu.memref_slice %arg2[%add3A_15, %dma_start3A_239] : memref<5000x64xi32, #tpu.memory_space<hbm>> -> memref<40x64xi32, #tpu.memory_space<hbm>>
        %dma_start3A_241 = arith.constant 0 : i32
        %dma_start3A_242 = arith.constant 0 : i32
        %dma_start3A_243 = tpu.memref_slice %arg7[%dma_start3A_241, %dma_start3A_242] : memref<40x64xi32, #tpu.memory_space<vmem>> -> memref<40x64xi32, #tpu.memory_space<vmem>>
        %dma_start3A_244 = arith.constant 0 : i32
        %dma_start3A_245 = tpu.memref_slice %arg2[%add3A_15, %dma_start3A_244] : memref<5000x64xi32, #tpu.memory_space<hbm>> -> memref<40x64xi32, #tpu.memory_space<hbm>>
        tpu.enqueue_dma source(%dma_start3A_245 : memref<40x64xi32, #tpu.memory_space<hbm>>) target(%dma_start3A_243 : memref<40x64xi32, #tpu.memory_space<vmem>>) target_semaphore(%run_scoped3A : memref<!tpu.dma_semaphore, #tpu.memory_space<semaphore_mem>>)
        %dma_wait3A = arith.constant 0 : i32
        %dma_wait3A_246 = arith.constant 0 : i32
        %dma_wait3A_247 = tpu.memref_slice %arg7[%dma_wait3A, %dma_wait3A_246] : memref<40x64xi32, #tpu.memory_space<vmem>> -> memref<40x64xi32, #tpu.memory_space<vmem>>
        %dma_wait3A_248 = arith.constant 0 : i32
        %dma_wait3A_249 = tpu.memref_slice %arg2[%add3A_15, %dma_wait3A_248] : memref<5000x64xi32, #tpu.memory_space<hbm>> -> memref<40x64xi32, #tpu.memory_space<hbm>>
        %dma_wait3A_250 = arith.constant 0 : i32
        %dma_wait3A_251 = arith.constant 0 : i32
        %dma_wait3A_252 = tpu.memref_slice %arg7[%dma_wait3A_250, %dma_wait3A_251] : memref<40x64xi32, #tpu.memory_space<vmem>> -> memref<40x64xi32, #tpu.memory_space<vmem>>
        %dma_wait3A_253 = arith.constant 0 : i32
        %dma_wait3A_254 = tpu.memref_slice %arg2[%add3A_15, %dma_wait3A_253] : memref<5000x64xi32, #tpu.memory_space<hbm>> -> memref<40x64xi32, #tpu.memory_space<hbm>>
        tpu.wait_dma2 semaphore(%run_scoped3A : memref<!tpu.dma_semaphore, #tpu.memory_space<semaphore_mem>>) src(%dma_wait3A_254 : memref<40x64xi32, #tpu.memory_space<hbm>>) dst(%dma_wait3A_252 : memref<40x64xi32, #tpu.memory_space<vmem>>)
        tpu.yield
      }) : () -> ()
      "tpu.region"() ({
        %run_scoped3A = tpu.sem_alloc : memref<!tpu.dma_semaphore, #tpu.memory_space<semaphore_mem>>
        %dma_start3A_236 = arith.constant 0 : i32
        %dma_start3A_237 = arith.constant 0 : i32
        %dma_start3A_238 = tpu.memref_slice %arg8[%dma_start3A_236, %dma_start3A_237] : memref<40x64xi32, #tpu.memory_space<vmem>> -> memref<40x64xi32, #tpu.memory_space<vmem>>
        %dma_start3A_239 = arith.constant 0 : i32
        %dma_start3A_240 = tpu.memref_slice %arg3[%add3A_15, %dma_start3A_239] : memref<5000x64xi32, #tpu.memory_space<hbm>> -> memref<40x64xi32, #tpu.memory_space<hbm>>
        %dma_start3A_241 = arith.constant 0 : i32
        %dma_start3A_242 = arith.constant 0 : i32
        %dma_start3A_243 = tpu.memref_slice %arg8[%dma_start3A_241, %dma_start3A_242] : memref<40x64xi32, #tpu.memory_space<vmem>> -> memref<40x64xi32, #tpu.memory_space<vmem>>
        %dma_start3A_244 = arith.constant 0 : i32
        %dma_start3A_245 = tpu.memref_slice %arg3[%add3A_15, %dma_start3A_244] : memref<5000x64xi32, #tpu.memory_space<hbm>> -> memref<40x64xi32, #tpu.memory_space<hbm>>
        tpu.enqueue_dma source(%dma_start3A_245 : memref<40x64xi32, #tpu.memory_space<hbm>>) target(%dma_start3A_243 : memref<40x64xi32, #tpu.memory_space<vmem>>) target_semaphore(%run_scoped3A : memref<!tpu.dma_semaphore, #tpu.memory_space<semaphore_mem>>)
        %dma_wait3A = arith.constant 0 : i32
        %dma_wait3A_246 = arith.constant 0 : i32
        %dma_wait3A_247 = tpu.memref_slice %arg8[%dma_wait3A, %dma_wait3A_246] : memref<40x64xi32, #tpu.memory_space<vmem>> -> memref<40x64xi32, #tpu.memory_space<vmem>>
        %dma_wait3A_248 = arith.constant 0 : i32
        %dma_wait3A_249 = tpu.memref_slice %arg3[%add3A_15, %dma_wait3A_248] : memref<5000x64xi32, #tpu.memory_space<hbm>> -> memref<40x64xi32, #tpu.memory_space<hbm>>
        %dma_wait3A_250 = arith.constant 0 : i32
        %dma_wait3A_251 = arith.constant 0 : i32
        %dma_wait3A_252 = tpu.memref_slice %arg8[%dma_wait3A_250, %dma_wait3A_251] : memref<40x64xi32, #tpu.memory_space<vmem>> -> memref<40x64xi32, #tpu.memory_space<vmem>>
        %dma_wait3A_253 = arith.constant 0 : i32
        %dma_wait3A_254 = tpu.memref_slice %arg3[%add3A_15, %dma_wait3A_253] : memref<5000x64xi32, #tpu.memory_space<hbm>> -> memref<40x64xi32, #tpu.memory_space<hbm>>
        tpu.wait_dma2 semaphore(%run_scoped3A : memref<!tpu.dma_semaphore, #tpu.memory_space<semaphore_mem>>) src(%dma_wait3A_254 : memref<40x64xi32, #tpu.memory_space<hbm>>) dst(%dma_wait3A_252 : memref<40x64xi32, #tpu.memory_space<vmem>>)
        tpu.yield
      }) : () -> ()
      %dma_start3A = arith.constant 0 : i32
      %dma_start3A_16 = arith.constant 0 : i32
      %dma_start3A_17 = arith.constant 0 : i32
      %dma_start3A_18 = arith.constant 0 : i32
      %dma_start3A_19 = tpu.memref_slice %arg9[%dma_start3A_16, %dma_start3A_17, %dma_start3A_18] : memref<4x64x128xf32, #tpu.memory_space<vmem>> -> memref<1x64x128xf32, #tpu.memory_space<vmem>>
      %dma_start3A_20 = tpu.memref_squeeze %dma_start3A_19 : memref<1x64x128xf32, #tpu.memory_space<vmem>> -> memref<64x128xf32, #tpu.memory_space<vmem>>
      %dma_start3A_21 = arith.constant 0 : i32
      %dma_start3A_22 = tpu.memref_slice %arg7[%dma_start3A, %dma_start3A_21] : memref<40x64xi32, #tpu.memory_space<vmem>> -> memref<1x64xi32, #tpu.memory_space<vmem>>
      %dma_start3A_23 = tpu.memref_squeeze %dma_start3A_22 : memref<1x64xi32, #tpu.memory_space<vmem>> -> memref<64xi32, #tpu.memory_space<vmem>>
      %dma_start3A_24 = arith.constant 0 : i32
      %dma_start3A_25 = arith.constant 0 : i32
      %dma_start3A_26 = tpu.memref_slice %arg4[%dma_start3A_24, %dma_start3A_25] : memref<10000x128xf32, #tpu.memory_space<hbm>> -> memref<10000x128xf32, #tpu.memory_space<hbm>>
      tpu.enqueue_indirect_dma source(%dma_start3A_26 : memref<10000x128xf32, #tpu.memory_space<hbm>>) target(%dma_start3A_20 : memref<64x128xf32, #tpu.memory_space<vmem>>) offsets(%dma_start3A_23 : memref<64xi32, #tpu.memory_space<vmem>>) semaphore(%arg11 : memref<!tpu.dma_semaphore, #tpu.memory_space<semaphore_mem>>)
      %dma_start3A_27 = arith.constant 1 : i32
      %dma_start3A_28 = arith.constant 1 : i32
      %dma_start3A_29 = arith.constant 0 : i32
      %dma_start3A_30 = arith.constant 0 : i32
      %dma_start3A_31 = tpu.memref_slice %arg9[%dma_start3A_28, %dma_start3A_29, %dma_start3A_30] : memref<4x64x128xf32, #tpu.memory_space<vmem>> -> memref<1x64x128xf32, #tpu.memory_space<vmem>>
      %dma_start3A_32 = tpu.memref_squeeze %dma_start3A_31 : memref<1x64x128xf32, #tpu.memory_space<vmem>> -> memref<64x128xf32, #tpu.memory_space<vmem>>
      %dma_start3A_33 = arith.constant 0 : i32
      %dma_start3A_34 = tpu.memref_slice %arg7[%dma_start3A_27, %dma_start3A_33] : memref<40x64xi32, #tpu.memory_space<vmem>> -> memref<1x64xi32, #tpu.memory_space<vmem>>
      %dma_start3A_35 = tpu.memref_squeeze %dma_start3A_34 : memref<1x64xi32, #tpu.memory_space<vmem>> -> memref<64xi32, #tpu.memory_space<vmem>>
      %dma_start3A_36 = arith.constant 0 : i32
      %dma_start3A_37 = arith.constant 0 : i32
      %dma_start3A_38 = tpu.memref_slice %arg4[%dma_start3A_36, %dma_start3A_37] : memref<10000x128xf32, #tpu.memory_space<hbm>> -> memref<10000x128xf32, #tpu.memory_space<hbm>>
      tpu.enqueue_indirect_dma source(%dma_start3A_38 : memref<10000x128xf32, #tpu.memory_space<hbm>>) target(%dma_start3A_32 : memref<64x128xf32, #tpu.memory_space<vmem>>) offsets(%dma_start3A_35 : memref<64xi32, #tpu.memory_space<vmem>>) semaphore(%arg12 : memref<!tpu.dma_semaphore, #tpu.memory_space<semaphore_mem>>)
      %dma_start3A_39 = arith.constant 2 : i32
      %dma_start3A_40 = arith.constant 2 : i32
      %dma_start3A_41 = arith.constant 0 : i32
      %dma_start3A_42 = arith.constant 0 : i32
      %dma_start3A_43 = tpu.memref_slice %arg9[%dma_start3A_40, %dma_start3A_41, %dma_start3A_42] : memref<4x64x128xf32, #tpu.memory_space<vmem>> -> memref<1x64x128xf32, #tpu.memory_space<vmem>>
      %dma_start3A_44 = tpu.memref_squeeze %dma_start3A_43 : memref<1x64x128xf32, #tpu.memory_space<vmem>> -> memref<64x128xf32, #tpu.memory_space<vmem>>
      %dma_start3A_45 = arith.constant 0 : i32
      %dma_start3A_46 = tpu.memref_slice %arg7[%dma_start3A_39, %dma_start3A_45] : memref<40x64xi32, #tpu.memory_space<vmem>> -> memref<1x64xi32, #tpu.memory_space<vmem>>
      %dma_start3A_47 = tpu.memref_squeeze %dma_start3A_46 : memref<1x64xi32, #tpu.memory_space<vmem>> -> memref<64xi32, #tpu.memory_space<vmem>>
      %dma_start3A_48 = arith.constant 0 : i32
      %dma_start3A_49 = arith.constant 0 : i32
      %dma_start3A_50 = tpu.memref_slice %arg4[%dma_start3A_48, %dma_start3A_49] : memref<10000x128xf32, #tpu.memory_space<hbm>> -> memref<10000x128xf32, #tpu.memory_space<hbm>>
      tpu.enqueue_indirect_dma source(%dma_start3A_50 : memref<10000x128xf32, #tpu.memory_space<hbm>>) target(%dma_start3A_44 : memref<64x128xf32, #tpu.memory_space<vmem>>) offsets(%dma_start3A_47 : memref<64xi32, #tpu.memory_space<vmem>>) semaphore(%arg13 : memref<!tpu.dma_semaphore, #tpu.memory_space<semaphore_mem>>)
      %dma_start3A_51 = arith.constant 3 : i32
      %dma_start3A_52 = arith.constant 3 : i32
      %dma_start3A_53 = arith.constant 0 : i32
      %dma_start3A_54 = arith.constant 0 : i32
      %dma_start3A_55 = tpu.memref_slice %arg9[%dma_start3A_52, %dma_start3A_53, %dma_start3A_54] : memref<4x64x128xf32, #tpu.memory_space<vmem>> -> memref<1x64x128xf32, #tpu.memory_space<vmem>>
      %dma_start3A_56 = tpu.memref_squeeze %dma_start3A_55 : memref<1x64x128xf32, #tpu.memory_space<vmem>> -> memref<64x128xf32, #tpu.memory_space<vmem>>
      %dma_start3A_57 = arith.constant 0 : i32
      %dma_start3A_58 = tpu.memref_slice %arg7[%dma_start3A_51, %dma_start3A_57] : memref<40x64xi32, #tpu.memory_space<vmem>> -> memref<1x64xi32, #tpu.memory_space<vmem>>
      %dma_start3A_59 = tpu.memref_squeeze %dma_start3A_58 : memref<1x64xi32, #tpu.memory_space<vmem>> -> memref<64xi32, #tpu.memory_space<vmem>>
      %dma_start3A_60 = arith.constant 0 : i32
      %dma_start3A_61 = arith.constant 0 : i32
      %dma_start3A_62 = tpu.memref_slice %arg4[%dma_start3A_60, %dma_start3A_61] : memref<10000x128xf32, #tpu.memory_space<hbm>> -> memref<10000x128xf32, #tpu.memory_space<hbm>>
      tpu.enqueue_indirect_dma source(%dma_start3A_62 : memref<10000x128xf32, #tpu.memory_space<hbm>>) target(%dma_start3A_56 : memref<64x128xf32, #tpu.memory_space<vmem>>) offsets(%dma_start3A_59 : memref<64xi32, #tpu.memory_space<vmem>>) semaphore(%arg14 : memref<!tpu.dma_semaphore, #tpu.memory_space<semaphore_mem>>)
      %scan3A = arith.constant 0 : i32
      %scan3A_63 = arith.constant 0 : i32
      %scan3A_64 = arith.constant 10 : i32
      %scan3A_65 = arith.addi %scan3A_63, %scan3A_64 : i32
      %scan3A_66 = arith.constant 1 : i32
      scf.for %scan3A_236 = %scan3A_63 to %scan3A_65 step %scan3A_66  : i32 {
        %mul3A_237 = arith.constant 4 : i32
        %mul3A_238 = arith.muli %scan3A_236, %mul3A_237 : i32
        %add3A_239 = arith.constant 0 : i32
        %add3A_240 = arith.addi %mul3A_238, %add3A_239 : i32
        %dma_wait3A = arith.constant 0 : i32
        %dma_wait3A_241 = arith.constant 0 : i32
        %dma_wait3A_242 = arith.constant 0 : i32
        %dma_wait3A_243 = tpu.memref_slice %arg9[%dma_wait3A, %dma_wait3A_241, %dma_wait3A_242] : memref<4x64x128xf32, #tpu.memory_space<vmem>> -> memref<1x64x128xf32, #tpu.memory_space<vmem>>
        %dma_wait3A_244 = tpu.memref_squeeze %dma_wait3A_243 : memref<1x64x128xf32, #tpu.memory_space<vmem>> -> memref<64x128xf32, #tpu.memory_space<vmem>>
        %dma_wait3A_245 = arith.constant 0 : i32
        %dma_wait3A_246 = tpu.memref_slice %arg7[%add3A_240, %dma_wait3A_245] : memref<40x64xi32, #tpu.memory_space<vmem>> -> memref<1x64xi32, #tpu.memory_space<vmem>>
        %dma_wait3A_247 = tpu.memref_squeeze %dma_wait3A_246 : memref<1x64xi32, #tpu.memory_space<vmem>> -> memref<64xi32, #tpu.memory_space<vmem>>
        %dma_wait3A_248 = arith.constant 0 : i32
        %dma_wait3A_249 = arith.constant 0 : i32
        %dma_wait3A_250 = tpu.memref_slice %arg4[%dma_wait3A_248, %dma_wait3A_249] : memref<10000x128xf32, #tpu.memory_space<hbm>> -> memref<10000x128xf32, #tpu.memory_space<hbm>>
        tpu.wait_indirect_dma semaphore(%arg11 : memref<!tpu.dma_semaphore, #tpu.memory_space<semaphore_mem>>) src(%dma_wait3A_250 : memref<10000x128xf32, #tpu.memory_space<hbm>>) dst(%dma_wait3A_244 : memref<64x128xf32, #tpu.memory_space<vmem>>)
        %run_scoped3A = arith.constant 0 : i32
        "tpu.region"() ({
          %run_scoped3A_321 = tpu.sem_alloc : memref<!tpu.dma_semaphore, #tpu.memory_space<semaphore_mem>>
          %dma_start3A_322 = arith.constant 0 : i32
          %dma_start3A_323 = arith.constant 0 : i32
          %dma_start3A_324 = tpu.memref_slice %arg9[%run_scoped3A, %dma_start3A_322, %dma_start3A_323] : memref<4x64x128xf32, #tpu.memory_space<vmem>> -> memref<1x64x128xf32, #tpu.memory_space<vmem>>
          %dma_start3A_325 = tpu.memref_squeeze %dma_start3A_324 : memref<1x64x128xf32, #tpu.memory_space<vmem>> -> memref<64x128xf32, #tpu.memory_space<vmem>>
          %dma_start3A_326 = arith.constant 0 : i32
          %dma_start3A_327 = tpu.memref_slice %arg8[%add3A_240, %dma_start3A_326] : memref<40x64xi32, #tpu.memory_space<vmem>> -> memref<1x64xi32, #tpu.memory_space<vmem>>
          %dma_start3A_328 = tpu.memref_squeeze %dma_start3A_327 : memref<1x64xi32, #tpu.memory_space<vmem>> -> memref<64xi32, #tpu.memory_space<vmem>>
          %dma_start3A_329 = arith.constant 0 : i32
          %dma_start3A_330 = arith.constant 0 : i32
          %dma_start3A_331 = tpu.memref_slice %arg10[%dma_start3A_329, %dma_start3A_330] : memref<10112x128xf32, #tpu.memory_space<vmem_shared>> -> memref<10112x128xf32, #tpu.memory_space<vmem_shared>>
          tpu.enqueue_indirect_dma source(%dma_start3A_325 : memref<64x128xf32, #tpu.memory_space<vmem>>) target(%dma_start3A_331 : memref<10112x128xf32, #tpu.memory_space<vmem_shared>>) offsets(%dma_start3A_328 : memref<64xi32, #tpu.memory_space<vmem>>) semaphore(%run_scoped3A_321 : memref<!tpu.dma_semaphore, #tpu.memory_space<semaphore_mem>>) {add = true}
          %dma_wait3A_332 = arith.constant 0 : i32
          %dma_wait3A_333 = arith.constant 0 : i32
          %dma_wait3A_334 = tpu.memref_slice %arg9[%run_scoped3A, %dma_wait3A_332, %dma_wait3A_333] : memref<4x64x128xf32, #tpu.memory_space<vmem>> -> memref<1x64x128xf32, #tpu.memory_space<vmem>>
          %dma_wait3A_335 = tpu.memref_squeeze %dma_wait3A_334 : memref<1x64x128xf32, #tpu.memory_space<vmem>> -> memref<64x128xf32, #tpu.memory_space<vmem>>
          %dma_wait3A_336 = arith.constant 0 : i32
          %dma_wait3A_337 = tpu.memref_slice %arg8[%add3A_240, %dma_wait3A_336] : memref<40x64xi32, #tpu.memory_space<vmem>> -> memref<1x64xi32, #tpu.memory_space<vmem>>
          %dma_wait3A_338 = tpu.memref_squeeze %dma_wait3A_337 : memref<1x64xi32, #tpu.memory_space<vmem>> -> memref<64xi32, #tpu.memory_space<vmem>>
          %dma_wait3A_339 = arith.constant 0 : i32
          %dma_wait3A_340 = arith.constant 0 : i32
          %dma_wait3A_341 = tpu.memref_slice %arg10[%dma_wait3A_339, %dma_wait3A_340] : memref<10112x128xf32, #tpu.memory_space<vmem_shared>> -> memref<10112x128xf32, #tpu.memory_space<vmem_shared>>
          tpu.wait_indirect_dma semaphore(%run_scoped3A_321 : memref<!tpu.dma_semaphore, #tpu.memory_space<semaphore_mem>>) src(%dma_wait3A_335 : memref<64x128xf32, #tpu.memory_space<vmem>>) dst(%dma_wait3A_341 : memref<10112x128xf32, #tpu.memory_space<vmem_shared>>)
          tpu.yield
        }) : () -> ()
        %add3A_251 = arith.constant 4 : i32
        %add3A_252 = arith.addi %add3A_240, %add3A_251 : i32
        %lt3A_253 = arith.constant 40 : i32
        %lt3A_254 = arith.cmpi slt, %add3A_252, %lt3A_253 : i32
        %convert_element_type3A_255 = arith.extui %lt3A_254 : i1 to i32
        %cond3A_256 = arith.constant 0 : i32
        %cond3A_257 = arith.cmpi ne, %convert_element_type3A_255, %cond3A_256 : i32
        scf.if %cond3A_257 {
          %dma_start3A_321 = arith.constant 0 : i32
          %dma_start3A_322 = arith.constant 0 : i32
          %dma_start3A_323 = arith.constant 0 : i32
          %dma_start3A_324 = tpu.memref_slice %arg9[%dma_start3A_321, %dma_start3A_322, %dma_start3A_323] : memref<4x64x128xf32, #tpu.memory_space<vmem>> -> memref<1x64x128xf32, #tpu.memory_space<vmem>>
          %dma_start3A_325 = tpu.memref_squeeze %dma_start3A_324 : memref<1x64x128xf32, #tpu.memory_space<vmem>> -> memref<64x128xf32, #tpu.memory_space<vmem>>
          %dma_start3A_326 = arith.constant 0 : i32
          %dma_start3A_327 = tpu.memref_slice %arg7[%add3A_252, %dma_start3A_326] : memref<40x64xi32, #tpu.memory_space<vmem>> -> memref<1x64xi32, #tpu.memory_space<vmem>>
          %dma_start3A_328 = tpu.memref_squeeze %dma_start3A_327 : memref<1x64xi32, #tpu.memory_space<vmem>> -> memref<64xi32, #tpu.memory_space<vmem>>
          %dma_start3A_329 = arith.constant 0 : i32
          %dma_start3A_330 = arith.constant 0 : i32
          %dma_start3A_331 = tpu.memref_slice %arg4[%dma_start3A_329, %dma_start3A_330] : memref<10000x128xf32, #tpu.memory_space<hbm>> -> memref<10000x128xf32, #tpu.memory_space<hbm>>
          tpu.enqueue_indirect_dma source(%dma_start3A_331 : memref<10000x128xf32, #tpu.memory_space<hbm>>) target(%dma_start3A_325 : memref<64x128xf32, #tpu.memory_space<vmem>>) offsets(%dma_start3A_328 : memref<64xi32, #tpu.memory_space<vmem>>) semaphore(%arg11 : memref<!tpu.dma_semaphore, #tpu.memory_space<semaphore_mem>>)
        } else {
        }
        %add3A_258 = arith.constant 1 : i32
        %add3A_259 = arith.addi %mul3A_238, %add3A_258 : i32
        %dma_wait3A_260 = arith.constant 1 : i32
        %dma_wait3A_261 = arith.constant 0 : i32
        %dma_wait3A_262 = arith.constant 0 : i32
        %dma_wait3A_263 = tpu.memref_slice %arg9[%dma_wait3A_260, %dma_wait3A_261, %dma_wait3A_262] : memref<4x64x128xf32, #tpu.memory_space<vmem>> -> memref<1x64x128xf32, #tpu.memory_space<vmem>>
        %dma_wait3A_264 = tpu.memref_squeeze %dma_wait3A_263 : memref<1x64x128xf32, #tpu.memory_space<vmem>> -> memref<64x128xf32, #tpu.memory_space<vmem>>
        %dma_wait3A_265 = arith.constant 0 : i32
        %dma_wait3A_266 = tpu.memref_slice %arg7[%add3A_259, %dma_wait3A_265] : memref<40x64xi32, #tpu.memory_space<vmem>> -> memref<1x64xi32, #tpu.memory_space<vmem>>
        %dma_wait3A_267 = tpu.memref_squeeze %dma_wait3A_266 : memref<1x64xi32, #tpu.memory_space<vmem>> -> memref<64xi32, #tpu.memory_space<vmem>>
        %dma_wait3A_268 = arith.constant 0 : i32
        %dma_wait3A_269 = arith.constant 0 : i32
        %dma_wait3A_270 = tpu.memref_slice %arg4[%dma_wait3A_268, %dma_wait3A_269] : memref<10000x128xf32, #tpu.memory_space<hbm>> -> memref<10000x128xf32, #tpu.memory_space<hbm>>
        tpu.wait_indirect_dma semaphore(%arg12 : memref<!tpu.dma_semaphore, #tpu.memory_space<semaphore_mem>>) src(%dma_wait3A_270 : memref<10000x128xf32, #tpu.memory_space<hbm>>) dst(%dma_wait3A_264 : memref<64x128xf32, #tpu.memory_space<vmem>>)
        %run_scoped3A_271 = arith.constant 1 : i32
        "tpu.region"() ({
          %run_scoped3A_321 = tpu.sem_alloc : memref<!tpu.dma_semaphore, #tpu.memory_space<semaphore_mem>>
          %dma_start3A_322 = arith.constant 0 : i32
          %dma_start3A_323 = arith.constant 0 : i32
          %dma_start3A_324 = tpu.memref_slice %arg9[%run_scoped3A_271, %dma_start3A_322, %dma_start3A_323] : memref<4x64x128xf32, #tpu.memory_space<vmem>> -> memref<1x64x128xf32, #tpu.memory_space<vmem>>
          %dma_start3A_325 = tpu.memref_squeeze %dma_start3A_324 : memref<1x64x128xf32, #tpu.memory_space<vmem>> -> memref<64x128xf32, #tpu.memory_space<vmem>>
          %dma_start3A_326 = arith.constant 0 : i32
          %dma_start3A_327 = tpu.memref_slice %arg8[%add3A_259, %dma_start3A_326] : memref<40x64xi32, #tpu.memory_space<vmem>> -> memref<1x64xi32, #tpu.memory_space<vmem>>
          %dma_start3A_328 = tpu.memref_squeeze %dma_start3A_327 : memref<1x64xi32, #tpu.memory_space<vmem>> -> memref<64xi32, #tpu.memory_space<vmem>>
          %dma_start3A_329 = arith.constant 0 : i32
          %dma_start3A_330 = arith.constant 0 : i32
          %dma_start3A_331 = tpu.memref_slice %arg10[%dma_start3A_329, %dma_start3A_330] : memref<10112x128xf32, #tpu.memory_space<vmem_shared>> -> memref<10112x128xf32, #tpu.memory_space<vmem_shared>>
          tpu.enqueue_indirect_dma source(%dma_start3A_325 : memref<64x128xf32, #tpu.memory_space<vmem>>) target(%dma_start3A_331 : memref<10112x128xf32, #tpu.memory_space<vmem_shared>>) offsets(%dma_start3A_328 : memref<64xi32, #tpu.memory_space<vmem>>) semaphore(%run_scoped3A_321 : memref<!tpu.dma_semaphore, #tpu.memory_space<semaphore_mem>>) {add = true}
          %dma_wait3A_332 = arith.constant 0 : i32
          %dma_wait3A_333 = arith.constant 0 : i32
          %dma_wait3A_334 = tpu.memref_slice %arg9[%run_scoped3A_271, %dma_wait3A_332, %dma_wait3A_333] : memref<4x64x128xf32, #tpu.memory_space<vmem>> -> memref<1x64x128xf32, #tpu.memory_space<vmem>>
          %dma_wait3A_335 = tpu.memref_squeeze %dma_wait3A_334 : memref<1x64x128xf32, #tpu.memory_space<vmem>> -> memref<64x128xf32, #tpu.memory_space<vmem>>
          %dma_wait3A_336 = arith.constant 0 : i32
          %dma_wait3A_337 = tpu.memref_slice %arg8[%add3A_259, %dma_wait3A_336] : memref<40x64xi32, #tpu.memory_space<vmem>> -> memref<1x64xi32, #tpu.memory_space<vmem>>
          %dma_wait3A_338 = tpu.memref_squeeze %dma_wait3A_337 : memref<1x64xi32, #tpu.memory_space<vmem>> -> memref<64xi32, #tpu.memory_space<vmem>>
          %dma_wait3A_339 = arith.constant 0 : i32
          %dma_wait3A_340 = arith.constant 0 : i32
          %dma_wait3A_341 = tpu.memref_slice %arg10[%dma_wait3A_339, %dma_wait3A_340] : memref<10112x128xf32, #tpu.memory_space<vmem_shared>> -> memref<10112x128xf32, #tpu.memory_space<vmem_shared>>
          tpu.wait_indirect_dma semaphore(%run_scoped3A_321 : memref<!tpu.dma_semaphore, #tpu.memory_space<semaphore_mem>>) src(%dma_wait3A_335 : memref<64x128xf32, #tpu.memory_space<vmem>>) dst(%dma_wait3A_341 : memref<10112x128xf32, #tpu.memory_space<vmem_shared>>)
          tpu.yield
        }) : () -> ()
        %add3A_272 = arith.constant 4 : i32
        %add3A_273 = arith.addi %add3A_259, %add3A_272 : i32
        %lt3A_274 = arith.constant 40 : i32
        %lt3A_275 = arith.cmpi slt, %add3A_273, %lt3A_274 : i32
        %convert_element_type3A_276 = arith.extui %lt3A_275 : i1 to i32
        %cond3A_277 = arith.constant 0 : i32
        %cond3A_278 = arith.cmpi ne, %convert_element_type3A_276, %cond3A_277 : i32
        scf.if %cond3A_278 {
          %dma_start3A_321 = arith.constant 1 : i32
          %dma_start3A_322 = arith.constant 0 : i32
          %dma_start3A_323 = arith.constant 0 : i32
          %dma_start3A_324 = tpu.memref_slice %arg9[%dma_start3A_321, %dma_start3A_322, %dma_start3A_323] : memref<4x64x128xf32, #tpu.memory_space<vmem>> -> memref<1x64x128xf32, #tpu.memory_space<vmem>>
          %dma_start3A_325 = tpu.memref_squeeze %dma_start3A_324 : memref<1x64x128xf32, #tpu.memory_space<vmem>> -> memref<64x128xf32, #tpu.memory_space<vmem>>
          %dma_start3A_326 = arith.constant 0 : i32
          %dma_start3A_327 = tpu.memref_slice %arg7[%add3A_273, %dma_start3A_326] : memref<40x64xi32, #tpu.memory_space<vmem>> -> memref<1x64xi32, #tpu.memory_space<vmem>>
          %dma_start3A_328 = tpu.memref_squeeze %dma_start3A_327 : memref<1x64xi32, #tpu.memory_space<vmem>> -> memref<64xi32, #tpu.memory_space<vmem>>
          %dma_start3A_329 = arith.constant 0 : i32
          %dma_start3A_330 = arith.constant 0 : i32
          %dma_start3A_331 = tpu.memref_slice %arg4[%dma_start3A_329, %dma_start3A_330] : memref<10000x128xf32, #tpu.memory_space<hbm>> -> memref<10000x128xf32, #tpu.memory_space<hbm>>
          tpu.enqueue_indirect_dma source(%dma_start3A_331 : memref<10000x128xf32, #tpu.memory_space<hbm>>) target(%dma_start3A_325 : memref<64x128xf32, #tpu.memory_space<vmem>>) offsets(%dma_start3A_328 : memref<64xi32, #tpu.memory_space<vmem>>) semaphore(%arg12 : memref<!tpu.dma_semaphore, #tpu.memory_space<semaphore_mem>>)
        } else {
        }
        %add3A_279 = arith.constant 2 : i32
        %add3A_280 = arith.addi %mul3A_238, %add3A_279 : i32
        %dma_wait3A_281 = arith.constant 2 : i32
        %dma_wait3A_282 = arith.constant 0 : i32
        %dma_wait3A_283 = arith.constant 0 : i32
        %dma_wait3A_284 = tpu.memref_slice %arg9[%dma_wait3A_281, %dma_wait3A_282, %dma_wait3A_283] : memref<4x64x128xf32, #tpu.memory_space<vmem>> -> memref<1x64x128xf32, #tpu.memory_space<vmem>>
        %dma_wait3A_285 = tpu.memref_squeeze %dma_wait3A_284 : memref<1x64x128xf32, #tpu.memory_space<vmem>> -> memref<64x128xf32, #tpu.memory_space<vmem>>
        %dma_wait3A_286 = arith.constant 0 : i32
        %dma_wait3A_287 = tpu.memref_slice %arg7[%add3A_280, %dma_wait3A_286] : memref<40x64xi32, #tpu.memory_space<vmem>> -> memref<1x64xi32, #tpu.memory_space<vmem>>
        %dma_wait3A_288 = tpu.memref_squeeze %dma_wait3A_287 : memref<1x64xi32, #tpu.memory_space<vmem>> -> memref<64xi32, #tpu.memory_space<vmem>>
        %dma_wait3A_289 = arith.constant 0 : i32
        %dma_wait3A_290 = arith.constant 0 : i32
        %dma_wait3A_291 = tpu.memref_slice %arg4[%dma_wait3A_289, %dma_wait3A_290] : memref<10000x128xf32, #tpu.memory_space<hbm>> -> memref<10000x128xf32, #tpu.memory_space<hbm>>
        tpu.wait_indirect_dma semaphore(%arg13 : memref<!tpu.dma_semaphore, #tpu.memory_space<semaphore_mem>>) src(%dma_wait3A_291 : memref<10000x128xf32, #tpu.memory_space<hbm>>) dst(%dma_wait3A_285 : memref<64x128xf32, #tpu.memory_space<vmem>>)
        %run_scoped3A_292 = arith.constant 2 : i32
        "tpu.region"() ({
          %run_scoped3A_321 = tpu.sem_alloc : memref<!tpu.dma_semaphore, #tpu.memory_space<semaphore_mem>>
          %dma_start3A_322 = arith.constant 0 : i32
          %dma_start3A_323 = arith.constant 0 : i32
          %dma_start3A_324 = tpu.memref_slice %arg9[%run_scoped3A_292, %dma_start3A_322, %dma_start3A_323] : memref<4x64x128xf32, #tpu.memory_space<vmem>> -> memref<1x64x128xf32, #tpu.memory_space<vmem>>
          %dma_start3A_325 = tpu.memref_squeeze %dma_start3A_324 : memref<1x64x128xf32, #tpu.memory_space<vmem>> -> memref<64x128xf32, #tpu.memory_space<vmem>>
          %dma_start3A_326 = arith.constant 0 : i32
          %dma_start3A_327 = tpu.memref_slice %arg8[%add3A_280, %dma_start3A_326] : memref<40x64xi32, #tpu.memory_space<vmem>> -> memref<1x64xi32, #tpu.memory_space<vmem>>
          %dma_start3A_328 = tpu.memref_squeeze %dma_start3A_327 : memref<1x64xi32, #tpu.memory_space<vmem>> -> memref<64xi32, #tpu.memory_space<vmem>>
          %dma_start3A_329 = arith.constant 0 : i32
          %dma_start3A_330 = arith.constant 0 : i32
          %dma_start3A_331 = tpu.memref_slice %arg10[%dma_start3A_329, %dma_start3A_330] : memref<10112x128xf32, #tpu.memory_space<vmem_shared>> -> memref<10112x128xf32, #tpu.memory_space<vmem_shared>>
          tpu.enqueue_indirect_dma source(%dma_start3A_325 : memref<64x128xf32, #tpu.memory_space<vmem>>) target(%dma_start3A_331 : memref<10112x128xf32, #tpu.memory_space<vmem_shared>>) offsets(%dma_start3A_328 : memref<64xi32, #tpu.memory_space<vmem>>) semaphore(%run_scoped3A_321 : memref<!tpu.dma_semaphore, #tpu.memory_space<semaphore_mem>>) {add = true}
          %dma_wait3A_332 = arith.constant 0 : i32
          %dma_wait3A_333 = arith.constant 0 : i32
          %dma_wait3A_334 = tpu.memref_slice %arg9[%run_scoped3A_292, %dma_wait3A_332, %dma_wait3A_333] : memref<4x64x128xf32, #tpu.memory_space<vmem>> -> memref<1x64x128xf32, #tpu.memory_space<vmem>>
          %dma_wait3A_335 = tpu.memref_squeeze %dma_wait3A_334 : memref<1x64x128xf32, #tpu.memory_space<vmem>> -> memref<64x128xf32, #tpu.memory_space<vmem>>
          %dma_wait3A_336 = arith.constant 0 : i32
          %dma_wait3A_337 = tpu.memref_slice %arg8[%add3A_280, %dma_wait3A_336] : memref<40x64xi32, #tpu.memory_space<vmem>> -> memref<1x64xi32, #tpu.memory_space<vmem>>
          %dma_wait3A_338 = tpu.memref_squeeze %dma_wait3A_337 : memref<1x64xi32, #tpu.memory_space<vmem>> -> memref<64xi32, #tpu.memory_space<vmem>>
          %dma_wait3A_339 = arith.constant 0 : i32
          %dma_wait3A_340 = arith.constant 0 : i32
          %dma_wait3A_341 = tpu.memref_slice %arg10[%dma_wait3A_339, %dma_wait3A_340] : memref<10112x128xf32, #tpu.memory_space<vmem_shared>> -> memref<10112x128xf32, #tpu.memory_space<vmem_shared>>
          tpu.wait_indirect_dma semaphore(%run_scoped3A_321 : memref<!tpu.dma_semaphore, #tpu.memory_space<semaphore_mem>>) src(%dma_wait3A_335 : memref<64x128xf32, #tpu.memory_space<vmem>>) dst(%dma_wait3A_341 : memref<10112x128xf32, #tpu.memory_space<vmem_shared>>)
          tpu.yield
        }) : () -> ()
        %add3A_293 = arith.constant 4 : i32
        %add3A_294 = arith.addi %add3A_280, %add3A_293 : i32
        %lt3A_295 = arith.constant 40 : i32
        %lt3A_296 = arith.cmpi slt, %add3A_294, %lt3A_295 : i32
        %convert_element_type3A_297 = arith.extui %lt3A_296 : i1 to i32
        %cond3A_298 = arith.constant 0 : i32
        %cond3A_299 = arith.cmpi ne, %convert_element_type3A_297, %cond3A_298 : i32
        scf.if %cond3A_299 {
          %dma_start3A_321 = arith.constant 2 : i32
          %dma_start3A_322 = arith.constant 0 : i32
          %dma_start3A_323 = arith.constant 0 : i32
          %dma_start3A_324 = tpu.memref_slice %arg9[%dma_start3A_321, %dma_start3A_322, %dma_start3A_323] : memref<4x64x128xf32, #tpu.memory_space<vmem>> -> memref<1x64x128xf32, #tpu.memory_space<vmem>>
          %dma_start3A_325 = tpu.memref_squeeze %dma_start3A_324 : memref<1x64x128xf32, #tpu.memory_space<vmem>> -> memref<64x128xf32, #tpu.memory_space<vmem>>
          %dma_start3A_326 = arith.constant 0 : i32
          %dma_start3A_327 = tpu.memref_slice %arg7[%add3A_294, %dma_start3A_326] : memref<40x64xi32, #tpu.memory_space<vmem>> -> memref<1x64xi32, #tpu.memory_space<vmem>>
          %dma_start3A_328 = tpu.memref_squeeze %dma_start3A_327 : memref<1x64xi32, #tpu.memory_space<vmem>> -> memref<64xi32, #tpu.memory_space<vmem>>
          %dma_start3A_329 = arith.constant 0 : i32
          %dma_start3A_330 = arith.constant 0 : i32
          %dma_start3A_331 = tpu.memref_slice %arg4[%dma_start3A_329, %dma_start3A_330] : memref<10000x128xf32, #tpu.memory_space<hbm>> -> memref<10000x128xf32, #tpu.memory_space<hbm>>
          tpu.enqueue_indirect_dma source(%dma_start3A_331 : memref<10000x128xf32, #tpu.memory_space<hbm>>) target(%dma_start3A_325 : memref<64x128xf32, #tpu.memory_space<vmem>>) offsets(%dma_start3A_328 : memref<64xi32, #tpu.memory_space<vmem>>) semaphore(%arg13 : memref<!tpu.dma_semaphore, #tpu.memory_space<semaphore_mem>>)
        } else {
        }
        %add3A_300 = arith.constant 3 : i32
        %add3A_301 = arith.addi %mul3A_238, %add3A_300 : i32
        %dma_wait3A_302 = arith.constant 3 : i32
        %dma_wait3A_303 = arith.constant 0 : i32
        %dma_wait3A_304 = arith.constant 0 : i32
        %dma_wait3A_305 = tpu.memref_slice %arg9[%dma_wait3A_302, %dma_wait3A_303, %dma_wait3A_304] : memref<4x64x128xf32, #tpu.memory_space<vmem>> -> memref<1x64x128xf32, #tpu.memory_space<vmem>>
        %dma_wait3A_306 = tpu.memref_squeeze %dma_wait3A_305 : memref<1x64x128xf32, #tpu.memory_space<vmem>> -> memref<64x128xf32, #tpu.memory_space<vmem>>
        %dma_wait3A_307 = arith.constant 0 : i32
        %dma_wait3A_308 = tpu.memref_slice %arg7[%add3A_301, %dma_wait3A_307] : memref<40x64xi32, #tpu.memory_space<vmem>> -> memref<1x64xi32, #tpu.memory_space<vmem>>
        %dma_wait3A_309 = tpu.memref_squeeze %dma_wait3A_308 : memref<1x64xi32, #tpu.memory_space<vmem>> -> memref<64xi32, #tpu.memory_space<vmem>>
        %dma_wait3A_310 = arith.constant 0 : i32
        %dma_wait3A_311 = arith.constant 0 : i32
        %dma_wait3A_312 = tpu.memref_slice %arg4[%dma_wait3A_310, %dma_wait3A_311] : memref<10000x128xf32, #tpu.memory_space<hbm>> -> memref<10000x128xf32, #tpu.memory_space<hbm>>
        tpu.wait_indirect_dma semaphore(%arg14 : memref<!tpu.dma_semaphore, #tpu.memory_space<semaphore_mem>>) src(%dma_wait3A_312 : memref<10000x128xf32, #tpu.memory_space<hbm>>) dst(%dma_wait3A_306 : memref<64x128xf32, #tpu.memory_space<vmem>>)
        %run_scoped3A_313 = arith.constant 3 : i32
        "tpu.region"() ({
          %run_scoped3A_321 = tpu.sem_alloc : memref<!tpu.dma_semaphore, #tpu.memory_space<semaphore_mem>>
          %dma_start3A_322 = arith.constant 0 : i32
          %dma_start3A_323 = arith.constant 0 : i32
          %dma_start3A_324 = tpu.memref_slice %arg9[%run_scoped3A_313, %dma_start3A_322, %dma_start3A_323] : memref<4x64x128xf32, #tpu.memory_space<vmem>> -> memref<1x64x128xf32, #tpu.memory_space<vmem>>
          %dma_start3A_325 = tpu.memref_squeeze %dma_start3A_324 : memref<1x64x128xf32, #tpu.memory_space<vmem>> -> memref<64x128xf32, #tpu.memory_space<vmem>>
          %dma_start3A_326 = arith.constant 0 : i32
          %dma_start3A_327 = tpu.memref_slice %arg8[%add3A_301, %dma_start3A_326] : memref<40x64xi32, #tpu.memory_space<vmem>> -> memref<1x64xi32, #tpu.memory_space<vmem>>
          %dma_start3A_328 = tpu.memref_squeeze %dma_start3A_327 : memref<1x64xi32, #tpu.memory_space<vmem>> -> memref<64xi32, #tpu.memory_space<vmem>>
          %dma_start3A_329 = arith.constant 0 : i32
          %dma_start3A_330 = arith.constant 0 : i32
          %dma_start3A_331 = tpu.memref_slice %arg10[%dma_start3A_329, %dma_start3A_330] : memref<10112x128xf32, #tpu.memory_space<vmem_shared>> -> memref<10112x128xf32, #tpu.memory_space<vmem_shared>>
          tpu.enqueue_indirect_dma source(%dma_start3A_325 : memref<64x128xf32, #tpu.memory_space<vmem>>) target(%dma_start3A_331 : memref<10112x128xf32, #tpu.memory_space<vmem_shared>>) offsets(%dma_start3A_328 : memref<64xi32, #tpu.memory_space<vmem>>) semaphore(%run_scoped3A_321 : memref<!tpu.dma_semaphore, #tpu.memory_space<semaphore_mem>>) {add = true}
          %dma_wait3A_332 = arith.constant 0 : i32
          %dma_wait3A_333 = arith.constant 0 : i32
          %dma_wait3A_334 = tpu.memref_slice %arg9[%run_scoped3A_313, %dma_wait3A_332, %dma_wait3A_333] : memref<4x64x128xf32, #tpu.memory_space<vmem>> -> memref<1x64x128xf32, #tpu.memory_space<vmem>>
          %dma_wait3A_335 = tpu.memref_squeeze %dma_wait3A_334 : memref<1x64x128xf32, #tpu.memory_space<vmem>> -> memref<64x128xf32, #tpu.memory_space<vmem>>
          %dma_wait3A_336 = arith.constant 0 : i32
          %dma_wait3A_337 = tpu.memref_slice %arg8[%add3A_301, %dma_wait3A_336] : memref<40x64xi32, #tpu.memory_space<vmem>> -> memref<1x64xi32, #tpu.memory_space<vmem>>
          %dma_wait3A_338 = tpu.memref_squeeze %dma_wait3A_337 : memref<1x64xi32, #tpu.memory_space<vmem>> -> memref<64xi32, #tpu.memory_space<vmem>>
          %dma_wait3A_339 = arith.constant 0 : i32
          %dma_wait3A_340 = arith.constant 0 : i32
          %dma_wait3A_341 = tpu.memref_slice %arg10[%dma_wait3A_339, %dma_wait3A_340] : memref<10112x128xf32, #tpu.memory_space<vmem_shared>> -> memref<10112x128xf32, #tpu.memory_space<vmem_shared>>
          tpu.wait_indirect_dma semaphore(%run_scoped3A_321 : memref<!tpu.dma_semaphore, #tpu.memory_space<semaphore_mem>>) src(%dma_wait3A_335 : memref<64x128xf32, #tpu.memory_space<vmem>>) dst(%dma_wait3A_341 : memref<10112x128xf32, #tpu.memory_space<vmem_shared>>)
          tpu.yield
        }) : () -> ()
        %add3A_314 = arith.constant 4 : i32
        %add3A_315 = arith.addi %add3A_301, %add3A_314 : i32
        %lt3A_316 = arith.constant 40 : i32
        %lt3A_317 = arith.cmpi slt, %add3A_315, %lt3A_316 : i32
        %convert_element_type3A_318 = arith.extui %lt3A_317 : i1 to i32
        %cond3A_319 = arith.constant 0 : i32
        %cond3A_320 = arith.cmpi ne, %convert_element_type3A_318, %cond3A_319 : i32
        scf.if %cond3A_320 {
          %dma_start3A_321 = arith.constant 3 : i32
          %dma_start3A_322 = arith.constant 0 : i32
          %dma_start3A_323 = arith.constant 0 : i32
          %dma_start3A_324 = tpu.memref_slice %arg9[%dma_start3A_321, %dma_start3A_322, %dma_start3A_323] : memref<4x64x128xf32, #tpu.memory_space<vmem>> -> memref<1x64x128xf32, #tpu.memory_space<vmem>>
          %dma_start3A_325 = tpu.memref_squeeze %dma_start3A_324 : memref<1x64x128xf32, #tpu.memory_space<vmem>> -> memref<64x128xf32, #tpu.memory_space<vmem>>
          %dma_start3A_326 = arith.constant 0 : i32
          %dma_start3A_327 = tpu.memref_slice %arg7[%add3A_315, %dma_start3A_326] : memref<40x64xi32, #tpu.memory_space<vmem>> -> memref<1x64xi32, #tpu.memory_space<vmem>>
          %dma_start3A_328 = tpu.memref_squeeze %dma_start3A_327 : memref<1x64xi32, #tpu.memory_space<vmem>> -> memref<64xi32, #tpu.memory_space<vmem>>
          %dma_start3A_329 = arith.constant 0 : i32
          %dma_start3A_330 = arith.constant 0 : i32
          %dma_start3A_331 = tpu.memref_slice %arg4[%dma_start3A_329, %dma_start3A_330] : memref<10000x128xf32, #tpu.memory_space<hbm>> -> memref<10000x128xf32, #tpu.memory_space<hbm>>
          tpu.enqueue_indirect_dma source(%dma_start3A_331 : memref<10000x128xf32, #tpu.memory_space<hbm>>) target(%dma_start3A_325 : memref<64x128xf32, #tpu.memory_space<vmem>>) offsets(%dma_start3A_328 : memref<64xi32, #tpu.memory_space<vmem>>) semaphore(%arg14 : memref<!tpu.dma_semaphore, #tpu.memory_space<semaphore_mem>>)
        } else {
        }
      }
      %scan3A_67 = arith.constant 10 : i32
      %add3A_68 = arith.constant 40 : i32
      %add3A_69 = arith.addi %add3A_13, %add3A_68 : i32
      "tpu.region"() ({
        %run_scoped3A = tpu.sem_alloc : memref<!tpu.dma_semaphore, #tpu.memory_space<semaphore_mem>>
        %dma_start3A_236 = arith.constant 0 : i32
        %dma_start3A_237 = arith.constant 0 : i32
        %dma_start3A_238 = tpu.memref_slice %arg7[%dma_start3A_236, %dma_start3A_237] : memref<40x64xi32, #tpu.memory_space<vmem>> -> memref<40x64xi32, #tpu.memory_space<vmem>>
        %dma_start3A_239 = arith.constant 0 : i32
        %dma_start3A_240 = tpu.memref_slice %arg2[%add3A_69, %dma_start3A_239] : memref<5000x64xi32, #tpu.memory_space<hbm>> -> memref<40x64xi32, #tpu.memory_space<hbm>>
        %dma_start3A_241 = arith.constant 0 : i32
        %dma_start3A_242 = arith.constant 0 : i32
        %dma_start3A_243 = tpu.memref_slice %arg7[%dma_start3A_241, %dma_start3A_242] : memref<40x64xi32, #tpu.memory_space<vmem>> -> memref<40x64xi32, #tpu.memory_space<vmem>>
        %dma_start3A_244 = arith.constant 0 : i32
        %dma_start3A_245 = tpu.memref_slice %arg2[%add3A_69, %dma_start3A_244] : memref<5000x64xi32, #tpu.memory_space<hbm>> -> memref<40x64xi32, #tpu.memory_space<hbm>>
        tpu.enqueue_dma source(%dma_start3A_245 : memref<40x64xi32, #tpu.memory_space<hbm>>) target(%dma_start3A_243 : memref<40x64xi32, #tpu.memory_space<vmem>>) target_semaphore(%run_scoped3A : memref<!tpu.dma_semaphore, #tpu.memory_space<semaphore_mem>>)
        %dma_wait3A = arith.constant 0 : i32
        %dma_wait3A_246 = arith.constant 0 : i32
        %dma_wait3A_247 = tpu.memref_slice %arg7[%dma_wait3A, %dma_wait3A_246] : memref<40x64xi32, #tpu.memory_space<vmem>> -> memref<40x64xi32, #tpu.memory_space<vmem>>
        %dma_wait3A_248 = arith.constant 0 : i32
        %dma_wait3A_249 = tpu.memref_slice %arg2[%add3A_69, %dma_wait3A_248] : memref<5000x64xi32, #tpu.memory_space<hbm>> -> memref<40x64xi32, #tpu.memory_space<hbm>>
        %dma_wait3A_250 = arith.constant 0 : i32
        %dma_wait3A_251 = arith.constant 0 : i32
        %dma_wait3A_252 = tpu.memref_slice %arg7[%dma_wait3A_250, %dma_wait3A_251] : memref<40x64xi32, #tpu.memory_space<vmem>> -> memref<40x64xi32, #tpu.memory_space<vmem>>
        %dma_wait3A_253 = arith.constant 0 : i32
        %dma_wait3A_254 = tpu.memref_slice %arg2[%add3A_69, %dma_wait3A_253] : memref<5000x64xi32, #tpu.memory_space<hbm>> -> memref<40x64xi32, #tpu.memory_space<hbm>>
        tpu.wait_dma2 semaphore(%run_scoped3A : memref<!tpu.dma_semaphore, #tpu.memory_space<semaphore_mem>>) src(%dma_wait3A_254 : memref<40x64xi32, #tpu.memory_space<hbm>>) dst(%dma_wait3A_252 : memref<40x64xi32, #tpu.memory_space<vmem>>)
        tpu.yield
      }) : () -> ()
      "tpu.region"() ({
        %run_scoped3A = tpu.sem_alloc : memref<!tpu.dma_semaphore, #tpu.memory_space<semaphore_mem>>
        %dma_start3A_236 = arith.constant 0 : i32
        %dma_start3A_237 = arith.constant 0 : i32
        %dma_start3A_238 = tpu.memref_slice %arg8[%dma_start3A_236, %dma_start3A_237] : memref<40x64xi32, #tpu.memory_space<vmem>> -> memref<40x64xi32, #tpu.memory_space<vmem>>
        %dma_start3A_239 = arith.constant 0 : i32
        %dma_start3A_240 = tpu.memref_slice %arg3[%add3A_69, %dma_start3A_239] : memref<5000x64xi32, #tpu.memory_space<hbm>> -> memref<40x64xi32, #tpu.memory_space<hbm>>
        %dma_start3A_241 = arith.constant 0 : i32
        %dma_start3A_242 = arith.constant 0 : i32
        %dma_start3A_243 = tpu.memref_slice %arg8[%dma_start3A_241, %dma_start3A_242] : memref<40x64xi32, #tpu.memory_space<vmem>> -> memref<40x64xi32, #tpu.memory_space<vmem>>
        %dma_start3A_244 = arith.constant 0 : i32
        %dma_start3A_245 = tpu.memref_slice %arg3[%add3A_69, %dma_start3A_244] : memref<5000x64xi32, #tpu.memory_space<hbm>> -> memref<40x64xi32, #tpu.memory_space<hbm>>
        tpu.enqueue_dma source(%dma_start3A_245 : memref<40x64xi32, #tpu.memory_space<hbm>>) target(%dma_start3A_243 : memref<40x64xi32, #tpu.memory_space<vmem>>) target_semaphore(%run_scoped3A : memref<!tpu.dma_semaphore, #tpu.memory_space<semaphore_mem>>)
        %dma_wait3A = arith.constant 0 : i32
        %dma_wait3A_246 = arith.constant 0 : i32
        %dma_wait3A_247 = tpu.memref_slice %arg8[%dma_wait3A, %dma_wait3A_246] : memref<40x64xi32, #tpu.memory_space<vmem>> -> memref<40x64xi32, #tpu.memory_space<vmem>>
        %dma_wait3A_248 = arith.constant 0 : i32
        %dma_wait3A_249 = tpu.memref_slice %arg3[%add3A_69, %dma_wait3A_248] : memref<5000x64xi32, #tpu.memory_space<hbm>> -> memref<40x64xi32, #tpu.memory_space<hbm>>
        %dma_wait3A_250 = arith.constant 0 : i32
        %dma_wait3A_251 = arith.constant 0 : i32
        %dma_wait3A_252 = tpu.memref_slice %arg8[%dma_wait3A_250, %dma_wait3A_251] : memref<40x64xi32, #tpu.memory_space<vmem>> -> memref<40x64xi32, #tpu.memory_space<vmem>>
        %dma_wait3A_253 = arith.constant 0 : i32
        %dma_wait3A_254 = tpu.memref_slice %arg3[%add3A_69, %dma_wait3A_253] : memref<5000x64xi32, #tpu.memory_space<hbm>> -> memref<40x64xi32, #tpu.memory_space<hbm>>
        tpu.wait_dma2 semaphore(%run_scoped3A : memref<!tpu.dma_semaphore, #tpu.memory_space<semaphore_mem>>) src(%dma_wait3A_254 : memref<40x64xi32, #tpu.memory_space<hbm>>) dst(%dma_wait3A_252 : memref<40x64xi32, #tpu.memory_space<vmem>>)
        tpu.yield
      }) : () -> ()
      %dma_start3A_70 = arith.constant 0 : i32
      %dma_start3A_71 = arith.constant 0 : i32
      %dma_start3A_72 = arith.constant 0 : i32
      %dma_start3A_73 = arith.constant 0 : i32
      %dma_start3A_74 = tpu.memref_slice %arg9[%dma_start3A_71, %dma_start3A_72, %dma_start3A_73] : memref<4x64x128xf32, #tpu.memory_space<vmem>> -> memref<1x64x128xf32, #tpu.memory_space<vmem>>
      %dma_start3A_75 = tpu.memref_squeeze %dma_start3A_74 : memref<1x64x128xf32, #tpu.memory_space<vmem>> -> memref<64x128xf32, #tpu.memory_space<vmem>>
      %dma_start3A_76 = arith.constant 0 : i32
      %dma_start3A_77 = tpu.memref_slice %arg7[%dma_start3A_70, %dma_start3A_76] : memref<40x64xi32, #tpu.memory_space<vmem>> -> memref<1x64xi32, #tpu.memory_space<vmem>>
      %dma_start3A_78 = tpu.memref_squeeze %dma_start3A_77 : memref<1x64xi32, #tpu.memory_space<vmem>> -> memref<64xi32, #tpu.memory_space<vmem>>
      %dma_start3A_79 = arith.constant 0 : i32
      %dma_start3A_80 = arith.constant 0 : i32
      %dma_start3A_81 = tpu.memref_slice %arg4[%dma_start3A_79, %dma_start3A_80] : memref<10000x128xf32, #tpu.memory_space<hbm>> -> memref<10000x128xf32, #tpu.memory_space<hbm>>
      tpu.enqueue_indirect_dma source(%dma_start3A_81 : memref<10000x128xf32, #tpu.memory_space<hbm>>) target(%dma_start3A_75 : memref<64x128xf32, #tpu.memory_space<vmem>>) offsets(%dma_start3A_78 : memref<64xi32, #tpu.memory_space<vmem>>) semaphore(%arg11 : memref<!tpu.dma_semaphore, #tpu.memory_space<semaphore_mem>>)
      %dma_start3A_82 = arith.constant 1 : i32
      %dma_start3A_83 = arith.constant 1 : i32
      %dma_start3A_84 = arith.constant 0 : i32
      %dma_start3A_85 = arith.constant 0 : i32
      %dma_start3A_86 = tpu.memref_slice %arg9[%dma_start3A_83, %dma_start3A_84, %dma_start3A_85] : memref<4x64x128xf32, #tpu.memory_space<vmem>> -> memref<1x64x128xf32, #tpu.memory_space<vmem>>
      %dma_start3A_87 = tpu.memref_squeeze %dma_start3A_86 : memref<1x64x128xf32, #tpu.memory_space<vmem>> -> memref<64x128xf32, #tpu.memory_space<vmem>>
      %dma_start3A_88 = arith.constant 0 : i32
      %dma_start3A_89 = tpu.memref_slice %arg7[%dma_start3A_82, %dma_start3A_88] : memref<40x64xi32, #tpu.memory_space<vmem>> -> memref<1x64xi32, #tpu.memory_space<vmem>>
      %dma_start3A_90 = tpu.memref_squeeze %dma_start3A_89 : memref<1x64xi32, #tpu.memory_space<vmem>> -> memref<64xi32, #tpu.memory_space<vmem>>
      %dma_start3A_91 = arith.constant 0 : i32
      %dma_start3A_92 = arith.constant 0 : i32
      %dma_start3A_93 = tpu.memref_slice %arg4[%dma_start3A_91, %dma_start3A_92] : memref<10000x128xf32, #tpu.memory_space<hbm>> -> memref<10000x128xf32, #tpu.memory_space<hbm>>
      tpu.enqueue_indirect_dma source(%dma_start3A_93 : memref<10000x128xf32, #tpu.memory_space<hbm>>) target(%dma_start3A_87 : memref<64x128xf32, #tpu.memory_space<vmem>>) offsets(%dma_start3A_90 : memref<64xi32, #tpu.memory_space<vmem>>) semaphore(%arg12 : memref<!tpu.dma_semaphore, #tpu.memory_space<semaphore_mem>>)
      %dma_start3A_94 = arith.constant 2 : i32
      %dma_start3A_95 = arith.constant 2 : i32
      %dma_start3A_96 = arith.constant 0 : i32
      %dma_start3A_97 = arith.constant 0 : i32
      %dma_start3A_98 = tpu.memref_slice %arg9[%dma_start3A_95, %dma_start3A_96, %dma_start3A_97] : memref<4x64x128xf32, #tpu.memory_space<vmem>> -> memref<1x64x128xf32, #tpu.memory_space<vmem>>
      %dma_start3A_99 = tpu.memref_squeeze %dma_start3A_98 : memref<1x64x128xf32, #tpu.memory_space<vmem>> -> memref<64x128xf32, #tpu.memory_space<vmem>>
      %dma_start3A_100 = arith.constant 0 : i32
      %dma_start3A_101 = tpu.memref_slice %arg7[%dma_start3A_94, %dma_start3A_100] : memref<40x64xi32, #tpu.memory_space<vmem>> -> memref<1x64xi32, #tpu.memory_space<vmem>>
      %dma_start3A_102 = tpu.memref_squeeze %dma_start3A_101 : memref<1x64xi32, #tpu.memory_space<vmem>> -> memref<64xi32, #tpu.memory_space<vmem>>
      %dma_start3A_103 = arith.constant 0 : i32
      %dma_start3A_104 = arith.constant 0 : i32
      %dma_start3A_105 = tpu.memref_slice %arg4[%dma_start3A_103, %dma_start3A_104] : memref<10000x128xf32, #tpu.memory_space<hbm>> -> memref<10000x128xf32, #tpu.memory_space<hbm>>
      tpu.enqueue_indirect_dma source(%dma_start3A_105 : memref<10000x128xf32, #tpu.memory_space<hbm>>) target(%dma_start3A_99 : memref<64x128xf32, #tpu.memory_space<vmem>>) offsets(%dma_start3A_102 : memref<64xi32, #tpu.memory_space<vmem>>) semaphore(%arg13 : memref<!tpu.dma_semaphore, #tpu.memory_space<semaphore_mem>>)
      %dma_start3A_106 = arith.constant 3 : i32
      %dma_start3A_107 = arith.constant 3 : i32
      %dma_start3A_108 = arith.constant 0 : i32
      %dma_start3A_109 = arith.constant 0 : i32
      %dma_start3A_110 = tpu.memref_slice %arg9[%dma_start3A_107, %dma_start3A_108, %dma_start3A_109] : memref<4x64x128xf32, #tpu.memory_space<vmem>> -> memref<1x64x128xf32, #tpu.memory_space<vmem>>
      %dma_start3A_111 = tpu.memref_squeeze %dma_start3A_110 : memref<1x64x128xf32, #tpu.memory_space<vmem>> -> memref<64x128xf32, #tpu.memory_space<vmem>>
      %dma_start3A_112 = arith.constant 0 : i32
      %dma_start3A_113 = tpu.memref_slice %arg7[%dma_start3A_106, %dma_start3A_112] : memref<40x64xi32, #tpu.memory_space<vmem>> -> memref<1x64xi32, #tpu.memory_space<vmem>>
      %dma_start3A_114 = tpu.memref_squeeze %dma_start3A_113 : memref<1x64xi32, #tpu.memory_space<vmem>> -> memref<64xi32, #tpu.memory_space<vmem>>
      %dma_start3A_115 = arith.constant 0 : i32
      %dma_start3A_116 = arith.constant 0 : i32
      %dma_start3A_117 = tpu.memref_slice %arg4[%dma_start3A_115, %dma_start3A_116] : memref<10000x128xf32, #tpu.memory_space<hbm>> -> memref<10000x128xf32, #tpu.memory_space<hbm>>
      tpu.enqueue_indirect_dma source(%dma_start3A_117 : memref<10000x128xf32, #tpu.memory_space<hbm>>) target(%dma_start3A_111 : memref<64x128xf32, #tpu.memory_space<vmem>>) offsets(%dma_start3A_114 : memref<64xi32, #tpu.memory_space<vmem>>) semaphore(%arg14 : memref<!tpu.dma_semaphore, #tpu.memory_space<semaphore_mem>>)
      %scan3A_118 = arith.constant 0 : i32
      %scan3A_119 = arith.constant 0 : i32
      %scan3A_120 = arith.constant 10 : i32
      %scan3A_121 = arith.addi %scan3A_119, %scan3A_120 : i32
      %scan3A_122 = arith.constant 1 : i32
      scf.for %scan3A_236 = %scan3A_119 to %scan3A_121 step %scan3A_122  : i32 {
        %mul3A_237 = arith.constant 4 : i32
        %mul3A_238 = arith.muli %scan3A_236, %mul3A_237 : i32
        %add3A_239 = arith.constant 0 : i32
        %add3A_240 = arith.addi %mul3A_238, %add3A_239 : i32
        %dma_wait3A = arith.constant 0 : i32
        %dma_wait3A_241 = arith.constant 0 : i32
        %dma_wait3A_242 = arith.constant 0 : i32
        %dma_wait3A_243 = tpu.memref_slice %arg9[%dma_wait3A, %dma_wait3A_241, %dma_wait3A_242] : memref<4x64x128xf32, #tpu.memory_space<vmem>> -> memref<1x64x128xf32, #tpu.memory_space<vmem>>
        %dma_wait3A_244 = tpu.memref_squeeze %dma_wait3A_243 : memref<1x64x128xf32, #tpu.memory_space<vmem>> -> memref<64x128xf32, #tpu.memory_space<vmem>>
        %dma_wait3A_245 = arith.constant 0 : i32
        %dma_wait3A_246 = tpu.memref_slice %arg7[%add3A_240, %dma_wait3A_245] : memref<40x64xi32, #tpu.memory_space<vmem>> -> memref<1x64xi32, #tpu.memory_space<vmem>>
        %dma_wait3A_247 = tpu.memref_squeeze %dma_wait3A_246 : memref<1x64xi32, #tpu.memory_space<vmem>> -> memref<64xi32, #tpu.memory_space<vmem>>
        %dma_wait3A_248 = arith.constant 0 : i32
        %dma_wait3A_249 = arith.constant 0 : i32
        %dma_wait3A_250 = tpu.memref_slice %arg4[%dma_wait3A_248, %dma_wait3A_249] : memref<10000x128xf32, #tpu.memory_space<hbm>> -> memref<10000x128xf32, #tpu.memory_space<hbm>>
        tpu.wait_indirect_dma semaphore(%arg11 : memref<!tpu.dma_semaphore, #tpu.memory_space<semaphore_mem>>) src(%dma_wait3A_250 : memref<10000x128xf32, #tpu.memory_space<hbm>>) dst(%dma_wait3A_244 : memref<64x128xf32, #tpu.memory_space<vmem>>)
        %run_scoped3A = arith.constant 0 : i32
        "tpu.region"() ({
          %run_scoped3A_321 = tpu.sem_alloc : memref<!tpu.dma_semaphore, #tpu.memory_space<semaphore_mem>>
          %dma_start3A_322 = arith.constant 0 : i32
          %dma_start3A_323 = arith.constant 0 : i32
          %dma_start3A_324 = tpu.memref_slice %arg9[%run_scoped3A, %dma_start3A_322, %dma_start3A_323] : memref<4x64x128xf32, #tpu.memory_space<vmem>> -> memref<1x64x128xf32, #tpu.memory_space<vmem>>
          %dma_start3A_325 = tpu.memref_squeeze %dma_start3A_324 : memref<1x64x128xf32, #tpu.memory_space<vmem>> -> memref<64x128xf32, #tpu.memory_space<vmem>>
          %dma_start3A_326 = arith.constant 0 : i32
          %dma_start3A_327 = tpu.memref_slice %arg8[%add3A_240, %dma_start3A_326] : memref<40x64xi32, #tpu.memory_space<vmem>> -> memref<1x64xi32, #tpu.memory_space<vmem>>
          %dma_start3A_328 = tpu.memref_squeeze %dma_start3A_327 : memref<1x64xi32, #tpu.memory_space<vmem>> -> memref<64xi32, #tpu.memory_space<vmem>>
          %dma_start3A_329 = arith.constant 0 : i32
          %dma_start3A_330 = arith.constant 0 : i32
          %dma_start3A_331 = tpu.memref_slice %arg10[%dma_start3A_329, %dma_start3A_330] : memref<10112x128xf32, #tpu.memory_space<vmem_shared>> -> memref<10112x128xf32, #tpu.memory_space<vmem_shared>>
          tpu.enqueue_indirect_dma source(%dma_start3A_325 : memref<64x128xf32, #tpu.memory_space<vmem>>) target(%dma_start3A_331 : memref<10112x128xf32, #tpu.memory_space<vmem_shared>>) offsets(%dma_start3A_328 : memref<64xi32, #tpu.memory_space<vmem>>) semaphore(%run_scoped3A_321 : memref<!tpu.dma_semaphore, #tpu.memory_space<semaphore_mem>>) {add = true}
          %dma_wait3A_332 = arith.constant 0 : i32
          %dma_wait3A_333 = arith.constant 0 : i32
          %dma_wait3A_334 = tpu.memref_slice %arg9[%run_scoped3A, %dma_wait3A_332, %dma_wait3A_333] : memref<4x64x128xf32, #tpu.memory_space<vmem>> -> memref<1x64x128xf32, #tpu.memory_space<vmem>>
          %dma_wait3A_335 = tpu.memref_squeeze %dma_wait3A_334 : memref<1x64x128xf32, #tpu.memory_space<vmem>> -> memref<64x128xf32, #tpu.memory_space<vmem>>
          %dma_wait3A_336 = arith.constant 0 : i32
          %dma_wait3A_337 = tpu.memref_slice %arg8[%add3A_240, %dma_wait3A_336] : memref<40x64xi32, #tpu.memory_space<vmem>> -> memref<1x64xi32, #tpu.memory_space<vmem>>
          %dma_wait3A_338 = tpu.memref_squeeze %dma_wait3A_337 : memref<1x64xi32, #tpu.memory_space<vmem>> -> memref<64xi32, #tpu.memory_space<vmem>>
          %dma_wait3A_339 = arith.constant 0 : i32
          %dma_wait3A_340 = arith.constant 0 : i32
          %dma_wait3A_341 = tpu.memref_slice %arg10[%dma_wait3A_339, %dma_wait3A_340] : memref<10112x128xf32, #tpu.memory_space<vmem_shared>> -> memref<10112x128xf32, #tpu.memory_space<vmem_shared>>
          tpu.wait_indirect_dma semaphore(%run_scoped3A_321 : memref<!tpu.dma_semaphore, #tpu.memory_space<semaphore_mem>>) src(%dma_wait3A_335 : memref<64x128xf32, #tpu.memory_space<vmem>>) dst(%dma_wait3A_341 : memref<10112x128xf32, #tpu.memory_space<vmem_shared>>)
          tpu.yield
        }) : () -> ()
        %add3A_251 = arith.constant 4 : i32
        %add3A_252 = arith.addi %add3A_240, %add3A_251 : i32
        %lt3A_253 = arith.constant 40 : i32
        %lt3A_254 = arith.cmpi slt, %add3A_252, %lt3A_253 : i32
        %convert_element_type3A_255 = arith.extui %lt3A_254 : i1 to i32
        %cond3A_256 = arith.constant 0 : i32
        %cond3A_257 = arith.cmpi ne, %convert_element_type3A_255, %cond3A_256 : i32
        scf.if %cond3A_257 {
          %dma_start3A_321 = arith.constant 0 : i32
          %dma_start3A_322 = arith.constant 0 : i32
          %dma_start3A_323 = arith.constant 0 : i32
          %dma_start3A_324 = tpu.memref_slice %arg9[%dma_start3A_321, %dma_start3A_322, %dma_start3A_323] : memref<4x64x128xf32, #tpu.memory_space<vmem>> -> memref<1x64x128xf32, #tpu.memory_space<vmem>>
          %dma_start3A_325 = tpu.memref_squeeze %dma_start3A_324 : memref<1x64x128xf32, #tpu.memory_space<vmem>> -> memref<64x128xf32, #tpu.memory_space<vmem>>
          %dma_start3A_326 = arith.constant 0 : i32
          %dma_start3A_327 = tpu.memref_slice %arg7[%add3A_252, %dma_start3A_326] : memref<40x64xi32, #tpu.memory_space<vmem>> -> memref<1x64xi32, #tpu.memory_space<vmem>>
          %dma_start3A_328 = tpu.memref_squeeze %dma_start3A_327 : memref<1x64xi32, #tpu.memory_space<vmem>> -> memref<64xi32, #tpu.memory_space<vmem>>
          %dma_start3A_329 = arith.constant 0 : i32
          %dma_start3A_330 = arith.constant 0 : i32
          %dma_start3A_331 = tpu.memref_slice %arg4[%dma_start3A_329, %dma_start3A_330] : memref<10000x128xf32, #tpu.memory_space<hbm>> -> memref<10000x128xf32, #tpu.memory_space<hbm>>
          tpu.enqueue_indirect_dma source(%dma_start3A_331 : memref<10000x128xf32, #tpu.memory_space<hbm>>) target(%dma_start3A_325 : memref<64x128xf32, #tpu.memory_space<vmem>>) offsets(%dma_start3A_328 : memref<64xi32, #tpu.memory_space<vmem>>) semaphore(%arg11 : memref<!tpu.dma_semaphore, #tpu.memory_space<semaphore_mem>>)
        } else {
        }
        %add3A_258 = arith.constant 1 : i32
        %add3A_259 = arith.addi %mul3A_238, %add3A_258 : i32
        %dma_wait3A_260 = arith.constant 1 : i32
        %dma_wait3A_261 = arith.constant 0 : i32
        %dma_wait3A_262 = arith.constant 0 : i32
        %dma_wait3A_263 = tpu.memref_slice %arg9[%dma_wait3A_260, %dma_wait3A_261, %dma_wait3A_262] : memref<4x64x128xf32, #tpu.memory_space<vmem>> -> memref<1x64x128xf32, #tpu.memory_space<vmem>>
        %dma_wait3A_264 = tpu.memref_squeeze %dma_wait3A_263 : memref<1x64x128xf32, #tpu.memory_space<vmem>> -> memref<64x128xf32, #tpu.memory_space<vmem>>
        %dma_wait3A_265 = arith.constant 0 : i32
        %dma_wait3A_266 = tpu.memref_slice %arg7[%add3A_259, %dma_wait3A_265] : memref<40x64xi32, #tpu.memory_space<vmem>> -> memref<1x64xi32, #tpu.memory_space<vmem>>
        %dma_wait3A_267 = tpu.memref_squeeze %dma_wait3A_266 : memref<1x64xi32, #tpu.memory_space<vmem>> -> memref<64xi32, #tpu.memory_space<vmem>>
        %dma_wait3A_268 = arith.constant 0 : i32
        %dma_wait3A_269 = arith.constant 0 : i32
        %dma_wait3A_270 = tpu.memref_slice %arg4[%dma_wait3A_268, %dma_wait3A_269] : memref<10000x128xf32, #tpu.memory_space<hbm>> -> memref<10000x128xf32, #tpu.memory_space<hbm>>
        tpu.wait_indirect_dma semaphore(%arg12 : memref<!tpu.dma_semaphore, #tpu.memory_space<semaphore_mem>>) src(%dma_wait3A_270 : memref<10000x128xf32, #tpu.memory_space<hbm>>) dst(%dma_wait3A_264 : memref<64x128xf32, #tpu.memory_space<vmem>>)
        %run_scoped3A_271 = arith.constant 1 : i32
        "tpu.region"() ({
          %run_scoped3A_321 = tpu.sem_alloc : memref<!tpu.dma_semaphore, #tpu.memory_space<semaphore_mem>>
          %dma_start3A_322 = arith.constant 0 : i32
          %dma_start3A_323 = arith.constant 0 : i32
          %dma_start3A_324 = tpu.memref_slice %arg9[%run_scoped3A_271, %dma_start3A_322, %dma_start3A_323] : memref<4x64x128xf32, #tpu.memory_space<vmem>> -> memref<1x64x128xf32, #tpu.memory_space<vmem>>
          %dma_start3A_325 = tpu.memref_squeeze %dma_start3A_324 : memref<1x64x128xf32, #tpu.memory_space<vmem>> -> memref<64x128xf32, #tpu.memory_space<vmem>>
          %dma_start3A_326 = arith.constant 0 : i32
          %dma_start3A_327 = tpu.memref_slice %arg8[%add3A_259, %dma_start3A_326] : memref<40x64xi32, #tpu.memory_space<vmem>> -> memref<1x64xi32, #tpu.memory_space<vmem>>
          %dma_start3A_328 = tpu.memref_squeeze %dma_start3A_327 : memref<1x64xi32, #tpu.memory_space<vmem>> -> memref<64xi32, #tpu.memory_space<vmem>>
          %dma_start3A_329 = arith.constant 0 : i32
          %dma_start3A_330 = arith.constant 0 : i32
          %dma_start3A_331 = tpu.memref_slice %arg10[%dma_start3A_329, %dma_start3A_330] : memref<10112x128xf32, #tpu.memory_space<vmem_shared>> -> memref<10112x128xf32, #tpu.memory_space<vmem_shared>>
          tpu.enqueue_indirect_dma source(%dma_start3A_325 : memref<64x128xf32, #tpu.memory_space<vmem>>) target(%dma_start3A_331 : memref<10112x128xf32, #tpu.memory_space<vmem_shared>>) offsets(%dma_start3A_328 : memref<64xi32, #tpu.memory_space<vmem>>) semaphore(%run_scoped3A_321 : memref<!tpu.dma_semaphore, #tpu.memory_space<semaphore_mem>>) {add = true}
          %dma_wait3A_332 = arith.constant 0 : i32
          %dma_wait3A_333 = arith.constant 0 : i32
          %dma_wait3A_334 = tpu.memref_slice %arg9[%run_scoped3A_271, %dma_wait3A_332, %dma_wait3A_333] : memref<4x64x128xf32, #tpu.memory_space<vmem>> -> memref<1x64x128xf32, #tpu.memory_space<vmem>>
          %dma_wait3A_335 = tpu.memref_squeeze %dma_wait3A_334 : memref<1x64x128xf32, #tpu.memory_space<vmem>> -> memref<64x128xf32, #tpu.memory_space<vmem>>
          %dma_wait3A_336 = arith.constant 0 : i32
          %dma_wait3A_337 = tpu.memref_slice %arg8[%add3A_259, %dma_wait3A_336] : memref<40x64xi32, #tpu.memory_space<vmem>> -> memref<1x64xi32, #tpu.memory_space<vmem>>
          %dma_wait3A_338 = tpu.memref_squeeze %dma_wait3A_337 : memref<1x64xi32, #tpu.memory_space<vmem>> -> memref<64xi32, #tpu.memory_space<vmem>>
          %dma_wait3A_339 = arith.constant 0 : i32
          %dma_wait3A_340 = arith.constant 0 : i32
          %dma_wait3A_341 = tpu.memref_slice %arg10[%dma_wait3A_339, %dma_wait3A_340] : memref<10112x128xf32, #tpu.memory_space<vmem_shared>> -> memref<10112x128xf32, #tpu.memory_space<vmem_shared>>
          tpu.wait_indirect_dma semaphore(%run_scoped3A_321 : memref<!tpu.dma_semaphore, #tpu.memory_space<semaphore_mem>>) src(%dma_wait3A_335 : memref<64x128xf32, #tpu.memory_space<vmem>>) dst(%dma_wait3A_341 : memref<10112x128xf32, #tpu.memory_space<vmem_shared>>)
          tpu.yield
        }) : () -> ()
        %add3A_272 = arith.constant 4 : i32
        %add3A_273 = arith.addi %add3A_259, %add3A_272 : i32
        %lt3A_274 = arith.constant 40 : i32
        %lt3A_275 = arith.cmpi slt, %add3A_273, %lt3A_274 : i32
        %convert_element_type3A_276 = arith.extui %lt3A_275 : i1 to i32
        %cond3A_277 = arith.constant 0 : i32
        %cond3A_278 = arith.cmpi ne, %convert_element_type3A_276, %cond3A_277 : i32
        scf.if %cond3A_278 {
          %dma_start3A_321 = arith.constant 1 : i32
          %dma_start3A_322 = arith.constant 0 : i32
          %dma_start3A_323 = arith.constant 0 : i32
          %dma_start3A_324 = tpu.memref_slice %arg9[%dma_start3A_321, %dma_start3A_322, %dma_start3A_323] : memref<4x64x128xf32, #tpu.memory_space<vmem>> -> memref<1x64x128xf32, #tpu.memory_space<vmem>>
          %dma_start3A_325 = tpu.memref_squeeze %dma_start3A_324 : memref<1x64x128xf32, #tpu.memory_space<vmem>> -> memref<64x128xf32, #tpu.memory_space<vmem>>
          %dma_start3A_326 = arith.constant 0 : i32
          %dma_start3A_327 = tpu.memref_slice %arg7[%add3A_273, %dma_start3A_326] : memref<40x64xi32, #tpu.memory_space<vmem>> -> memref<1x64xi32, #tpu.memory_space<vmem>>
          %dma_start3A_328 = tpu.memref_squeeze %dma_start3A_327 : memref<1x64xi32, #tpu.memory_space<vmem>> -> memref<64xi32, #tpu.memory_space<vmem>>
          %dma_start3A_329 = arith.constant 0 : i32
          %dma_start3A_330 = arith.constant 0 : i32
          %dma_start3A_331 = tpu.memref_slice %arg4[%dma_start3A_329, %dma_start3A_330] : memref<10000x128xf32, #tpu.memory_space<hbm>> -> memref<10000x128xf32, #tpu.memory_space<hbm>>
          tpu.enqueue_indirect_dma source(%dma_start3A_331 : memref<10000x128xf32, #tpu.memory_space<hbm>>) target(%dma_start3A_325 : memref<64x128xf32, #tpu.memory_space<vmem>>) offsets(%dma_start3A_328 : memref<64xi32, #tpu.memory_space<vmem>>) semaphore(%arg12 : memref<!tpu.dma_semaphore, #tpu.memory_space<semaphore_mem>>)
        } else {
        }
        %add3A_279 = arith.constant 2 : i32
        %add3A_280 = arith.addi %mul3A_238, %add3A_279 : i32
        %dma_wait3A_281 = arith.constant 2 : i32
        %dma_wait3A_282 = arith.constant 0 : i32
        %dma_wait3A_283 = arith.constant 0 : i32
        %dma_wait3A_284 = tpu.memref_slice %arg9[%dma_wait3A_281, %dma_wait3A_282, %dma_wait3A_283] : memref<4x64x128xf32, #tpu.memory_space<vmem>> -> memref<1x64x128xf32, #tpu.memory_space<vmem>>
        %dma_wait3A_285 = tpu.memref_squeeze %dma_wait3A_284 : memref<1x64x128xf32, #tpu.memory_space<vmem>> -> memref<64x128xf32, #tpu.memory_space<vmem>>
        %dma_wait3A_286 = arith.constant 0 : i32
        %dma_wait3A_287 = tpu.memref_slice %arg7[%add3A_280, %dma_wait3A_286] : memref<40x64xi32, #tpu.memory_space<vmem>> -> memref<1x64xi32, #tpu.memory_space<vmem>>
        %dma_wait3A_288 = tpu.memref_squeeze %dma_wait3A_287 : memref<1x64xi32, #tpu.memory_space<vmem>> -> memref<64xi32, #tpu.memory_space<vmem>>
        %dma_wait3A_289 = arith.constant 0 : i32
        %dma_wait3A_290 = arith.constant 0 : i32
        %dma_wait3A_291 = tpu.memref_slice %arg4[%dma_wait3A_289, %dma_wait3A_290] : memref<10000x128xf32, #tpu.memory_space<hbm>> -> memref<10000x128xf32, #tpu.memory_space<hbm>>
        tpu.wait_indirect_dma semaphore(%arg13 : memref<!tpu.dma_semaphore, #tpu.memory_space<semaphore_mem>>) src(%dma_wait3A_291 : memref<10000x128xf32, #tpu.memory_space<hbm>>) dst(%dma_wait3A_285 : memref<64x128xf32, #tpu.memory_space<vmem>>)
        %run_scoped3A_292 = arith.constant 2 : i32
        "tpu.region"() ({
          %run_scoped3A_321 = tpu.sem_alloc : memref<!tpu.dma_semaphore, #tpu.memory_space<semaphore_mem>>
          %dma_start3A_322 = arith.constant 0 : i32
          %dma_start3A_323 = arith.constant 0 : i32
          %dma_start3A_324 = tpu.memref_slice %arg9[%run_scoped3A_292, %dma_start3A_322, %dma_start3A_323] : memref<4x64x128xf32, #tpu.memory_space<vmem>> -> memref<1x64x128xf32, #tpu.memory_space<vmem>>
          %dma_start3A_325 = tpu.memref_squeeze %dma_start3A_324 : memref<1x64x128xf32, #tpu.memory_space<vmem>> -> memref<64x128xf32, #tpu.memory_space<vmem>>
          %dma_start3A_326 = arith.constant 0 : i32
          %dma_start3A_327 = tpu.memref_slice %arg8[%add3A_280, %dma_start3A_326] : memref<40x64xi32, #tpu.memory_space<vmem>> -> memref<1x64xi32, #tpu.memory_space<vmem>>
          %dma_start3A_328 = tpu.memref_squeeze %dma_start3A_327 : memref<1x64xi32, #tpu.memory_space<vmem>> -> memref<64xi32, #tpu.memory_space<vmem>>
          %dma_start3A_329 = arith.constant 0 : i32
          %dma_start3A_330 = arith.constant 0 : i32
          %dma_start3A_331 = tpu.memref_slice %arg10[%dma_start3A_329, %dma_start3A_330] : memref<10112x128xf32, #tpu.memory_space<vmem_shared>> -> memref<10112x128xf32, #tpu.memory_space<vmem_shared>>
          tpu.enqueue_indirect_dma source(%dma_start3A_325 : memref<64x128xf32, #tpu.memory_space<vmem>>) target(%dma_start3A_331 : memref<10112x128xf32, #tpu.memory_space<vmem_shared>>) offsets(%dma_start3A_328 : memref<64xi32, #tpu.memory_space<vmem>>) semaphore(%run_scoped3A_321 : memref<!tpu.dma_semaphore, #tpu.memory_space<semaphore_mem>>) {add = true}
          %dma_wait3A_332 = arith.constant 0 : i32
          %dma_wait3A_333 = arith.constant 0 : i32
          %dma_wait3A_334 = tpu.memref_slice %arg9[%run_scoped3A_292, %dma_wait3A_332, %dma_wait3A_333] : memref<4x64x128xf32, #tpu.memory_space<vmem>> -> memref<1x64x128xf32, #tpu.memory_space<vmem>>
          %dma_wait3A_335 = tpu.memref_squeeze %dma_wait3A_334 : memref<1x64x128xf32, #tpu.memory_space<vmem>> -> memref<64x128xf32, #tpu.memory_space<vmem>>
          %dma_wait3A_336 = arith.constant 0 : i32
          %dma_wait3A_337 = tpu.memref_slice %arg8[%add3A_280, %dma_wait3A_336] : memref<40x64xi32, #tpu.memory_space<vmem>> -> memref<1x64xi32, #tpu.memory_space<vmem>>
          %dma_wait3A_338 = tpu.memref_squeeze %dma_wait3A_337 : memref<1x64xi32, #tpu.memory_space<vmem>> -> memref<64xi32, #tpu.memory_space<vmem>>
          %dma_wait3A_339 = arith.constant 0 : i32
          %dma_wait3A_340 = arith.constant 0 : i32
          %dma_wait3A_341 = tpu.memref_slice %arg10[%dma_wait3A_339, %dma_wait3A_340] : memref<10112x128xf32, #tpu.memory_space<vmem_shared>> -> memref<10112x128xf32, #tpu.memory_space<vmem_shared>>
          tpu.wait_indirect_dma semaphore(%run_scoped3A_321 : memref<!tpu.dma_semaphore, #tpu.memory_space<semaphore_mem>>) src(%dma_wait3A_335 : memref<64x128xf32, #tpu.memory_space<vmem>>) dst(%dma_wait3A_341 : memref<10112x128xf32, #tpu.memory_space<vmem_shared>>)
          tpu.yield
        }) : () -> ()
        %add3A_293 = arith.constant 4 : i32
        %add3A_294 = arith.addi %add3A_280, %add3A_293 : i32
        %lt3A_295 = arith.constant 40 : i32
        %lt3A_296 = arith.cmpi slt, %add3A_294, %lt3A_295 : i32
        %convert_element_type3A_297 = arith.extui %lt3A_296 : i1 to i32
        %cond3A_298 = arith.constant 0 : i32
        %cond3A_299 = arith.cmpi ne, %convert_element_type3A_297, %cond3A_298 : i32
        scf.if %cond3A_299 {
          %dma_start3A_321 = arith.constant 2 : i32
          %dma_start3A_322 = arith.constant 0 : i32
          %dma_start3A_323 = arith.constant 0 : i32
          %dma_start3A_324 = tpu.memref_slice %arg9[%dma_start3A_321, %dma_start3A_322, %dma_start3A_323] : memref<4x64x128xf32, #tpu.memory_space<vmem>> -> memref<1x64x128xf32, #tpu.memory_space<vmem>>
          %dma_start3A_325 = tpu.memref_squeeze %dma_start3A_324 : memref<1x64x128xf32, #tpu.memory_space<vmem>> -> memref<64x128xf32, #tpu.memory_space<vmem>>
          %dma_start3A_326 = arith.constant 0 : i32
          %dma_start3A_327 = tpu.memref_slice %arg7[%add3A_294, %dma_start3A_326] : memref<40x64xi32, #tpu.memory_space<vmem>> -> memref<1x64xi32, #tpu.memory_space<vmem>>
          %dma_start3A_328 = tpu.memref_squeeze %dma_start3A_327 : memref<1x64xi32, #tpu.memory_space<vmem>> -> memref<64xi32, #tpu.memory_space<vmem>>
          %dma_start3A_329 = arith.constant 0 : i32
          %dma_start3A_330 = arith.constant 0 : i32
          %dma_start3A_331 = tpu.memref_slice %arg4[%dma_start3A_329, %dma_start3A_330] : memref<10000x128xf32, #tpu.memory_space<hbm>> -> memref<10000x128xf32, #tpu.memory_space<hbm>>
          tpu.enqueue_indirect_dma source(%dma_start3A_331 : memref<10000x128xf32, #tpu.memory_space<hbm>>) target(%dma_start3A_325 : memref<64x128xf32, #tpu.memory_space<vmem>>) offsets(%dma_start3A_328 : memref<64xi32, #tpu.memory_space<vmem>>) semaphore(%arg13 : memref<!tpu.dma_semaphore, #tpu.memory_space<semaphore_mem>>)
        } else {
        }
        %add3A_300 = arith.constant 3 : i32
        %add3A_301 = arith.addi %mul3A_238, %add3A_300 : i32
        %dma_wait3A_302 = arith.constant 3 : i32
        %dma_wait3A_303 = arith.constant 0 : i32
        %dma_wait3A_304 = arith.constant 0 : i32
        %dma_wait3A_305 = tpu.memref_slice %arg9[%dma_wait3A_302, %dma_wait3A_303, %dma_wait3A_304] : memref<4x64x128xf32, #tpu.memory_space<vmem>> -> memref<1x64x128xf32, #tpu.memory_space<vmem>>
        %dma_wait3A_306 = tpu.memref_squeeze %dma_wait3A_305 : memref<1x64x128xf32, #tpu.memory_space<vmem>> -> memref<64x128xf32, #tpu.memory_space<vmem>>
        %dma_wait3A_307 = arith.constant 0 : i32
        %dma_wait3A_308 = tpu.memref_slice %arg7[%add3A_301, %dma_wait3A_307] : memref<40x64xi32, #tpu.memory_space<vmem>> -> memref<1x64xi32, #tpu.memory_space<vmem>>
        %dma_wait3A_309 = tpu.memref_squeeze %dma_wait3A_308 : memref<1x64xi32, #tpu.memory_space<vmem>> -> memref<64xi32, #tpu.memory_space<vmem>>
        %dma_wait3A_310 = arith.constant 0 : i32
        %dma_wait3A_311 = arith.constant 0 : i32
        %dma_wait3A_312 = tpu.memref_slice %arg4[%dma_wait3A_310, %dma_wait3A_311] : memref<10000x128xf32, #tpu.memory_space<hbm>> -> memref<10000x128xf32, #tpu.memory_space<hbm>>
        tpu.wait_indirect_dma semaphore(%arg14 : memref<!tpu.dma_semaphore, #tpu.memory_space<semaphore_mem>>) src(%dma_wait3A_312 : memref<10000x128xf32, #tpu.memory_space<hbm>>) dst(%dma_wait3A_306 : memref<64x128xf32, #tpu.memory_space<vmem>>)
        %run_scoped3A_313 = arith.constant 3 : i32
        "tpu.region"() ({
          %run_scoped3A_321 = tpu.sem_alloc : memref<!tpu.dma_semaphore, #tpu.memory_space<semaphore_mem>>
          %dma_start3A_322 = arith.constant 0 : i32
          %dma_start3A_323 = arith.constant 0 : i32
          %dma_start3A_324 = tpu.memref_slice %arg9[%run_scoped3A_313, %dma_start3A_322, %dma_start3A_323] : memref<4x64x128xf32, #tpu.memory_space<vmem>> -> memref<1x64x128xf32, #tpu.memory_space<vmem>>
          %dma_start3A_325 = tpu.memref_squeeze %dma_start3A_324 : memref<1x64x128xf32, #tpu.memory_space<vmem>> -> memref<64x128xf32, #tpu.memory_space<vmem>>
          %dma_start3A_326 = arith.constant 0 : i32
          %dma_start3A_327 = tpu.memref_slice %arg8[%add3A_301, %dma_start3A_326] : memref<40x64xi32, #tpu.memory_space<vmem>> -> memref<1x64xi32, #tpu.memory_space<vmem>>
          %dma_start3A_328 = tpu.memref_squeeze %dma_start3A_327 : memref<1x64xi32, #tpu.memory_space<vmem>> -> memref<64xi32, #tpu.memory_space<vmem>>
          %dma_start3A_329 = arith.constant 0 : i32
          %dma_start3A_330 = arith.constant 0 : i32
          %dma_start3A_331 = tpu.memref_slice %arg10[%dma_start3A_329, %dma_start3A_330] : memref<10112x128xf32, #tpu.memory_space<vmem_shared>> -> memref<10112x128xf32, #tpu.memory_space<vmem_shared>>
          tpu.enqueue_indirect_dma source(%dma_start3A_325 : memref<64x128xf32, #tpu.memory_space<vmem>>) target(%dma_start3A_331 : memref<10112x128xf32, #tpu.memory_space<vmem_shared>>) offsets(%dma_start3A_328 : memref<64xi32, #tpu.memory_space<vmem>>) semaphore(%run_scoped3A_321 : memref<!tpu.dma_semaphore, #tpu.memory_space<semaphore_mem>>) {add = true}
          %dma_wait3A_332 = arith.constant 0 : i32
          %dma_wait3A_333 = arith.constant 0 : i32
          %dma_wait3A_334 = tpu.memref_slice %arg9[%run_scoped3A_313, %dma_wait3A_332, %dma_wait3A_333] : memref<4x64x128xf32, #tpu.memory_space<vmem>> -> memref<1x64x128xf32, #tpu.memory_space<vmem>>
          %dma_wait3A_335 = tpu.memref_squeeze %dma_wait3A_334 : memref<1x64x128xf32, #tpu.memory_space<vmem>> -> memref<64x128xf32, #tpu.memory_space<vmem>>
          %dma_wait3A_336 = arith.constant 0 : i32
          %dma_wait3A_337 = tpu.memref_slice %arg8[%add3A_301, %dma_wait3A_336] : memref<40x64xi32, #tpu.memory_space<vmem>> -> memref<1x64xi32, #tpu.memory_space<vmem>>
          %dma_wait3A_338 = tpu.memref_squeeze %dma_wait3A_337 : memref<1x64xi32, #tpu.memory_space<vmem>> -> memref<64xi32, #tpu.memory_space<vmem>>
          %dma_wait3A_339 = arith.constant 0 : i32
          %dma_wait3A_340 = arith.constant 0 : i32
          %dma_wait3A_341 = tpu.memref_slice %arg10[%dma_wait3A_339, %dma_wait3A_340] : memref<10112x128xf32, #tpu.memory_space<vmem_shared>> -> memref<10112x128xf32, #tpu.memory_space<vmem_shared>>
          tpu.wait_indirect_dma semaphore(%run_scoped3A_321 : memref<!tpu.dma_semaphore, #tpu.memory_space<semaphore_mem>>) src(%dma_wait3A_335 : memref<64x128xf32, #tpu.memory_space<vmem>>) dst(%dma_wait3A_341 : memref<10112x128xf32, #tpu.memory_space<vmem_shared>>)
          tpu.yield
        }) : () -> ()
        %add3A_314 = arith.constant 4 : i32
        %add3A_315 = arith.addi %add3A_301, %add3A_314 : i32
        %lt3A_316 = arith.constant 40 : i32
        %lt3A_317 = arith.cmpi slt, %add3A_315, %lt3A_316 : i32
        %convert_element_type3A_318 = arith.extui %lt3A_317 : i1 to i32
        %cond3A_319 = arith.constant 0 : i32
        %cond3A_320 = arith.cmpi ne, %convert_element_type3A_318, %cond3A_319 : i32
        scf.if %cond3A_320 {
          %dma_start3A_321 = arith.constant 3 : i32
          %dma_start3A_322 = arith.constant 0 : i32
          %dma_start3A_323 = arith.constant 0 : i32
          %dma_start3A_324 = tpu.memref_slice %arg9[%dma_start3A_321, %dma_start3A_322, %dma_start3A_323] : memref<4x64x128xf32, #tpu.memory_space<vmem>> -> memref<1x64x128xf32, #tpu.memory_space<vmem>>
          %dma_start3A_325 = tpu.memref_squeeze %dma_start3A_324 : memref<1x64x128xf32, #tpu.memory_space<vmem>> -> memref<64x128xf32, #tpu.memory_space<vmem>>
          %dma_start3A_326 = arith.constant 0 : i32
          %dma_start3A_327 = tpu.memref_slice %arg7[%add3A_315, %dma_start3A_326] : memref<40x64xi32, #tpu.memory_space<vmem>> -> memref<1x64xi32, #tpu.memory_space<vmem>>
          %dma_start3A_328 = tpu.memref_squeeze %dma_start3A_327 : memref<1x64xi32, #tpu.memory_space<vmem>> -> memref<64xi32, #tpu.memory_space<vmem>>
          %dma_start3A_329 = arith.constant 0 : i32
          %dma_start3A_330 = arith.constant 0 : i32
          %dma_start3A_331 = tpu.memref_slice %arg4[%dma_start3A_329, %dma_start3A_330] : memref<10000x128xf32, #tpu.memory_space<hbm>> -> memref<10000x128xf32, #tpu.memory_space<hbm>>
          tpu.enqueue_indirect_dma source(%dma_start3A_331 : memref<10000x128xf32, #tpu.memory_space<hbm>>) target(%dma_start3A_325 : memref<64x128xf32, #tpu.memory_space<vmem>>) offsets(%dma_start3A_328 : memref<64xi32, #tpu.memory_space<vmem>>) semaphore(%arg14 : memref<!tpu.dma_semaphore, #tpu.memory_space<semaphore_mem>>)
        } else {
        }
      }
      %scan3A_123 = arith.constant 10 : i32
      %add3A_124 = arith.constant 80 : i32
      %add3A_125 = arith.addi %add3A_13, %add3A_124 : i32
      "tpu.region"() ({
        %run_scoped3A = tpu.sem_alloc : memref<!tpu.dma_semaphore, #tpu.memory_space<semaphore_mem>>
        %dma_start3A_236 = arith.constant 0 : i32
        %dma_start3A_237 = arith.constant 0 : i32
        %dma_start3A_238 = tpu.memref_slice %arg7[%dma_start3A_236, %dma_start3A_237] : memref<40x64xi32, #tpu.memory_space<vmem>> -> memref<40x64xi32, #tpu.memory_space<vmem>>
        %dma_start3A_239 = arith.constant 0 : i32
        %dma_start3A_240 = tpu.memref_slice %arg2[%add3A_125, %dma_start3A_239] : memref<5000x64xi32, #tpu.memory_space<hbm>> -> memref<40x64xi32, #tpu.memory_space<hbm>>
        %dma_start3A_241 = arith.constant 0 : i32
        %dma_start3A_242 = arith.constant 0 : i32
        %dma_start3A_243 = tpu.memref_slice %arg7[%dma_start3A_241, %dma_start3A_242] : memref<40x64xi32, #tpu.memory_space<vmem>> -> memref<40x64xi32, #tpu.memory_space<vmem>>
        %dma_start3A_244 = arith.constant 0 : i32
        %dma_start3A_245 = tpu.memref_slice %arg2[%add3A_125, %dma_start3A_244] : memref<5000x64xi32, #tpu.memory_space<hbm>> -> memref<40x64xi32, #tpu.memory_space<hbm>>
        tpu.enqueue_dma source(%dma_start3A_245 : memref<40x64xi32, #tpu.memory_space<hbm>>) target(%dma_start3A_243 : memref<40x64xi32, #tpu.memory_space<vmem>>) target_semaphore(%run_scoped3A : memref<!tpu.dma_semaphore, #tpu.memory_space<semaphore_mem>>)
        %dma_wait3A = arith.constant 0 : i32
        %dma_wait3A_246 = arith.constant 0 : i32
        %dma_wait3A_247 = tpu.memref_slice %arg7[%dma_wait3A, %dma_wait3A_246] : memref<40x64xi32, #tpu.memory_space<vmem>> -> memref<40x64xi32, #tpu.memory_space<vmem>>
        %dma_wait3A_248 = arith.constant 0 : i32
        %dma_wait3A_249 = tpu.memref_slice %arg2[%add3A_125, %dma_wait3A_248] : memref<5000x64xi32, #tpu.memory_space<hbm>> -> memref<40x64xi32, #tpu.memory_space<hbm>>
        %dma_wait3A_250 = arith.constant 0 : i32
        %dma_wait3A_251 = arith.constant 0 : i32
        %dma_wait3A_252 = tpu.memref_slice %arg7[%dma_wait3A_250, %dma_wait3A_251] : memref<40x64xi32, #tpu.memory_space<vmem>> -> memref<40x64xi32, #tpu.memory_space<vmem>>
        %dma_wait3A_253 = arith.constant 0 : i32
        %dma_wait3A_254 = tpu.memref_slice %arg2[%add3A_125, %dma_wait3A_253] : memref<5000x64xi32, #tpu.memory_space<hbm>> -> memref<40x64xi32, #tpu.memory_space<hbm>>
        tpu.wait_dma2 semaphore(%run_scoped3A : memref<!tpu.dma_semaphore, #tpu.memory_space<semaphore_mem>>) src(%dma_wait3A_254 : memref<40x64xi32, #tpu.memory_space<hbm>>) dst(%dma_wait3A_252 : memref<40x64xi32, #tpu.memory_space<vmem>>)
        tpu.yield
      }) : () -> ()
      "tpu.region"() ({
        %run_scoped3A = tpu.sem_alloc : memref<!tpu.dma_semaphore, #tpu.memory_space<semaphore_mem>>
        %dma_start3A_236 = arith.constant 0 : i32
        %dma_start3A_237 = arith.constant 0 : i32
        %dma_start3A_238 = tpu.memref_slice %arg8[%dma_start3A_236, %dma_start3A_237] : memref<40x64xi32, #tpu.memory_space<vmem>> -> memref<40x64xi32, #tpu.memory_space<vmem>>
        %dma_start3A_239 = arith.constant 0 : i32
        %dma_start3A_240 = tpu.memref_slice %arg3[%add3A_125, %dma_start3A_239] : memref<5000x64xi32, #tpu.memory_space<hbm>> -> memref<40x64xi32, #tpu.memory_space<hbm>>
        %dma_start3A_241 = arith.constant 0 : i32
        %dma_start3A_242 = arith.constant 0 : i32
        %dma_start3A_243 = tpu.memref_slice %arg8[%dma_start3A_241, %dma_start3A_242] : memref<40x64xi32, #tpu.memory_space<vmem>> -> memref<40x64xi32, #tpu.memory_space<vmem>>
        %dma_start3A_244 = arith.constant 0 : i32
        %dma_start3A_245 = tpu.memref_slice %arg3[%add3A_125, %dma_start3A_244] : memref<5000x64xi32, #tpu.memory_space<hbm>> -> memref<40x64xi32, #tpu.memory_space<hbm>>
        tpu.enqueue_dma source(%dma_start3A_245 : memref<40x64xi32, #tpu.memory_space<hbm>>) target(%dma_start3A_243 : memref<40x64xi32, #tpu.memory_space<vmem>>) target_semaphore(%run_scoped3A : memref<!tpu.dma_semaphore, #tpu.memory_space<semaphore_mem>>)
        %dma_wait3A = arith.constant 0 : i32
        %dma_wait3A_246 = arith.constant 0 : i32
        %dma_wait3A_247 = tpu.memref_slice %arg8[%dma_wait3A, %dma_wait3A_246] : memref<40x64xi32, #tpu.memory_space<vmem>> -> memref<40x64xi32, #tpu.memory_space<vmem>>
        %dma_wait3A_248 = arith.constant 0 : i32
        %dma_wait3A_249 = tpu.memref_slice %arg3[%add3A_125, %dma_wait3A_248] : memref<5000x64xi32, #tpu.memory_space<hbm>> -> memref<40x64xi32, #tpu.memory_space<hbm>>
        %dma_wait3A_250 = arith.constant 0 : i32
        %dma_wait3A_251 = arith.constant 0 : i32
        %dma_wait3A_252 = tpu.memref_slice %arg8[%dma_wait3A_250, %dma_wait3A_251] : memref<40x64xi32, #tpu.memory_space<vmem>> -> memref<40x64xi32, #tpu.memory_space<vmem>>
        %dma_wait3A_253 = arith.constant 0 : i32
        %dma_wait3A_254 = tpu.memref_slice %arg3[%add3A_125, %dma_wait3A_253] : memref<5000x64xi32, #tpu.memory_space<hbm>> -> memref<40x64xi32, #tpu.memory_space<hbm>>
        tpu.wait_dma2 semaphore(%run_scoped3A : memref<!tpu.dma_semaphore, #tpu.memory_space<semaphore_mem>>) src(%dma_wait3A_254 : memref<40x64xi32, #tpu.memory_space<hbm>>) dst(%dma_wait3A_252 : memref<40x64xi32, #tpu.memory_space<vmem>>)
        tpu.yield
      }) : () -> ()
      %dma_start3A_126 = arith.constant 0 : i32
      %dma_start3A_127 = arith.constant 0 : i32
      %dma_start3A_128 = arith.constant 0 : i32
      %dma_start3A_129 = arith.constant 0 : i32
      %dma_start3A_130 = tpu.memref_slice %arg9[%dma_start3A_127, %dma_start3A_128, %dma_start3A_129] : memref<4x64x128xf32, #tpu.memory_space<vmem>> -> memref<1x64x128xf32, #tpu.memory_space<vmem>>
      %dma_start3A_131 = tpu.memref_squeeze %dma_start3A_130 : memref<1x64x128xf32, #tpu.memory_space<vmem>> -> memref<64x128xf32, #tpu.memory_space<vmem>>
      %dma_start3A_132 = arith.constant 0 : i32
      %dma_start3A_133 = tpu.memref_slice %arg7[%dma_start3A_126, %dma_start3A_132] : memref<40x64xi32, #tpu.memory_space<vmem>> -> memref<1x64xi32, #tpu.memory_space<vmem>>
      %dma_start3A_134 = tpu.memref_squeeze %dma_start3A_133 : memref<1x64xi32, #tpu.memory_space<vmem>> -> memref<64xi32, #tpu.memory_space<vmem>>
      %dma_start3A_135 = arith.constant 0 : i32
      %dma_start3A_136 = arith.constant 0 : i32
      %dma_start3A_137 = tpu.memref_slice %arg4[%dma_start3A_135, %dma_start3A_136] : memref<10000x128xf32, #tpu.memory_space<hbm>> -> memref<10000x128xf32, #tpu.memory_space<hbm>>
      tpu.enqueue_indirect_dma source(%dma_start3A_137 : memref<10000x128xf32, #tpu.memory_space<hbm>>) target(%dma_start3A_131 : memref<64x128xf32, #tpu.memory_space<vmem>>) offsets(%dma_start3A_134 : memref<64xi32, #tpu.memory_space<vmem>>) semaphore(%arg11 : memref<!tpu.dma_semaphore, #tpu.memory_space<semaphore_mem>>)
      %dma_start3A_138 = arith.constant 1 : i32
      %dma_start3A_139 = arith.constant 1 : i32
      %dma_start3A_140 = arith.constant 0 : i32
      %dma_start3A_141 = arith.constant 0 : i32
      %dma_start3A_142 = tpu.memref_slice %arg9[%dma_start3A_139, %dma_start3A_140, %dma_start3A_141] : memref<4x64x128xf32, #tpu.memory_space<vmem>> -> memref<1x64x128xf32, #tpu.memory_space<vmem>>
      %dma_start3A_143 = tpu.memref_squeeze %dma_start3A_142 : memref<1x64x128xf32, #tpu.memory_space<vmem>> -> memref<64x128xf32, #tpu.memory_space<vmem>>
      %dma_start3A_144 = arith.constant 0 : i32
      %dma_start3A_145 = tpu.memref_slice %arg7[%dma_start3A_138, %dma_start3A_144] : memref<40x64xi32, #tpu.memory_space<vmem>> -> memref<1x64xi32, #tpu.memory_space<vmem>>
      %dma_start3A_146 = tpu.memref_squeeze %dma_start3A_145 : memref<1x64xi32, #tpu.memory_space<vmem>> -> memref<64xi32, #tpu.memory_space<vmem>>
      %dma_start3A_147 = arith.constant 0 : i32
      %dma_start3A_148 = arith.constant 0 : i32
      %dma_start3A_149 = tpu.memref_slice %arg4[%dma_start3A_147, %dma_start3A_148] : memref<10000x128xf32, #tpu.memory_space<hbm>> -> memref<10000x128xf32, #tpu.memory_space<hbm>>
      tpu.enqueue_indirect_dma source(%dma_start3A_149 : memref<10000x128xf32, #tpu.memory_space<hbm>>) target(%dma_start3A_143 : memref<64x128xf32, #tpu.memory_space<vmem>>) offsets(%dma_start3A_146 : memref<64xi32, #tpu.memory_space<vmem>>) semaphore(%arg12 : memref<!tpu.dma_semaphore, #tpu.memory_space<semaphore_mem>>)
      %dma_start3A_150 = arith.constant 2 : i32
      %dma_start3A_151 = arith.constant 2 : i32
      %dma_start3A_152 = arith.constant 0 : i32
      %dma_start3A_153 = arith.constant 0 : i32
      %dma_start3A_154 = tpu.memref_slice %arg9[%dma_start3A_151, %dma_start3A_152, %dma_start3A_153] : memref<4x64x128xf32, #tpu.memory_space<vmem>> -> memref<1x64x128xf32, #tpu.memory_space<vmem>>
      %dma_start3A_155 = tpu.memref_squeeze %dma_start3A_154 : memref<1x64x128xf32, #tpu.memory_space<vmem>> -> memref<64x128xf32, #tpu.memory_space<vmem>>
      %dma_start3A_156 = arith.constant 0 : i32
      %dma_start3A_157 = tpu.memref_slice %arg7[%dma_start3A_150, %dma_start3A_156] : memref<40x64xi32, #tpu.memory_space<vmem>> -> memref<1x64xi32, #tpu.memory_space<vmem>>
      %dma_start3A_158 = tpu.memref_squeeze %dma_start3A_157 : memref<1x64xi32, #tpu.memory_space<vmem>> -> memref<64xi32, #tpu.memory_space<vmem>>
      %dma_start3A_159 = arith.constant 0 : i32
      %dma_start3A_160 = arith.constant 0 : i32
      %dma_start3A_161 = tpu.memref_slice %arg4[%dma_start3A_159, %dma_start3A_160] : memref<10000x128xf32, #tpu.memory_space<hbm>> -> memref<10000x128xf32, #tpu.memory_space<hbm>>
      tpu.enqueue_indirect_dma source(%dma_start3A_161 : memref<10000x128xf32, #tpu.memory_space<hbm>>) target(%dma_start3A_155 : memref<64x128xf32, #tpu.memory_space<vmem>>) offsets(%dma_start3A_158 : memref<64xi32, #tpu.memory_space<vmem>>) semaphore(%arg13 : memref<!tpu.dma_semaphore, #tpu.memory_space<semaphore_mem>>)
      %dma_start3A_162 = arith.constant 3 : i32
      %dma_start3A_163 = arith.constant 3 : i32
      %dma_start3A_164 = arith.constant 0 : i32
      %dma_start3A_165 = arith.constant 0 : i32
      %dma_start3A_166 = tpu.memref_slice %arg9[%dma_start3A_163, %dma_start3A_164, %dma_start3A_165] : memref<4x64x128xf32, #tpu.memory_space<vmem>> -> memref<1x64x128xf32, #tpu.memory_space<vmem>>
      %dma_start3A_167 = tpu.memref_squeeze %dma_start3A_166 : memref<1x64x128xf32, #tpu.memory_space<vmem>> -> memref<64x128xf32, #tpu.memory_space<vmem>>
      %dma_start3A_168 = arith.constant 0 : i32
      %dma_start3A_169 = tpu.memref_slice %arg7[%dma_start3A_162, %dma_start3A_168] : memref<40x64xi32, #tpu.memory_space<vmem>> -> memref<1x64xi32, #tpu.memory_space<vmem>>
      %dma_start3A_170 = tpu.memref_squeeze %dma_start3A_169 : memref<1x64xi32, #tpu.memory_space<vmem>> -> memref<64xi32, #tpu.memory_space<vmem>>
      %dma_start3A_171 = arith.constant 0 : i32
      %dma_start3A_172 = arith.constant 0 : i32
      %dma_start3A_173 = tpu.memref_slice %arg4[%dma_start3A_171, %dma_start3A_172] : memref<10000x128xf32, #tpu.memory_space<hbm>> -> memref<10000x128xf32, #tpu.memory_space<hbm>>
      tpu.enqueue_indirect_dma source(%dma_start3A_173 : memref<10000x128xf32, #tpu.memory_space<hbm>>) target(%dma_start3A_167 : memref<64x128xf32, #tpu.memory_space<vmem>>) offsets(%dma_start3A_170 : memref<64xi32, #tpu.memory_space<vmem>>) semaphore(%arg14 : memref<!tpu.dma_semaphore, #tpu.memory_space<semaphore_mem>>)
      %scan3A_174 = arith.constant 0 : i32
      %scan3A_175 = arith.constant 0 : i32
      %scan3A_176 = arith.constant 10 : i32
      %scan3A_177 = arith.addi %scan3A_175, %scan3A_176 : i32
      %scan3A_178 = arith.constant 1 : i32
      scf.for %scan3A_236 = %scan3A_175 to %scan3A_177 step %scan3A_178  : i32 {
        %mul3A_237 = arith.constant 4 : i32
        %mul3A_238 = arith.muli %scan3A_236, %mul3A_237 : i32
        %add3A_239 = arith.constant 0 : i32
        %add3A_240 = arith.addi %mul3A_238, %add3A_239 : i32
        %dma_wait3A = arith.constant 0 : i32
        %dma_wait3A_241 = arith.constant 0 : i32
        %dma_wait3A_242 = arith.constant 0 : i32
        %dma_wait3A_243 = tpu.memref_slice %arg9[%dma_wait3A, %dma_wait3A_241, %dma_wait3A_242] : memref<4x64x128xf32, #tpu.memory_space<vmem>> -> memref<1x64x128xf32, #tpu.memory_space<vmem>>
        %dma_wait3A_244 = tpu.memref_squeeze %dma_wait3A_243 : memref<1x64x128xf32, #tpu.memory_space<vmem>> -> memref<64x128xf32, #tpu.memory_space<vmem>>
        %dma_wait3A_245 = arith.constant 0 : i32
        %dma_wait3A_246 = tpu.memref_slice %arg7[%add3A_240, %dma_wait3A_245] : memref<40x64xi32, #tpu.memory_space<vmem>> -> memref<1x64xi32, #tpu.memory_space<vmem>>
        %dma_wait3A_247 = tpu.memref_squeeze %dma_wait3A_246 : memref<1x64xi32, #tpu.memory_space<vmem>> -> memref<64xi32, #tpu.memory_space<vmem>>
        %dma_wait3A_248 = arith.constant 0 : i32
        %dma_wait3A_249 = arith.constant 0 : i32
        %dma_wait3A_250 = tpu.memref_slice %arg4[%dma_wait3A_248, %dma_wait3A_249] : memref<10000x128xf32, #tpu.memory_space<hbm>> -> memref<10000x128xf32, #tpu.memory_space<hbm>>
        tpu.wait_indirect_dma semaphore(%arg11 : memref<!tpu.dma_semaphore, #tpu.memory_space<semaphore_mem>>) src(%dma_wait3A_250 : memref<10000x128xf32, #tpu.memory_space<hbm>>) dst(%dma_wait3A_244 : memref<64x128xf32, #tpu.memory_space<vmem>>)
        %run_scoped3A = arith.constant 0 : i32
        "tpu.region"() ({
          %run_scoped3A_321 = tpu.sem_alloc : memref<!tpu.dma_semaphore, #tpu.memory_space<semaphore_mem>>
          %dma_start3A_322 = arith.constant 0 : i32
          %dma_start3A_323 = arith.constant 0 : i32
          %dma_start3A_324 = tpu.memref_slice %arg9[%run_scoped3A, %dma_start3A_322, %dma_start3A_323] : memref<4x64x128xf32, #tpu.memory_space<vmem>> -> memref<1x64x128xf32, #tpu.memory_space<vmem>>
          %dma_start3A_325 = tpu.memref_squeeze %dma_start3A_324 : memref<1x64x128xf32, #tpu.memory_space<vmem>> -> memref<64x128xf32, #tpu.memory_space<vmem>>
          %dma_start3A_326 = arith.constant 0 : i32
          %dma_start3A_327 = tpu.memref_slice %arg8[%add3A_240, %dma_start3A_326] : memref<40x64xi32, #tpu.memory_space<vmem>> -> memref<1x64xi32, #tpu.memory_space<vmem>>
          %dma_start3A_328 = tpu.memref_squeeze %dma_start3A_327 : memref<1x64xi32, #tpu.memory_space<vmem>> -> memref<64xi32, #tpu.memory_space<vmem>>
          %dma_start3A_329 = arith.constant 0 : i32
          %dma_start3A_330 = arith.constant 0 : i32
          %dma_start3A_331 = tpu.memref_slice %arg10[%dma_start3A_329, %dma_start3A_330] : memref<10112x128xf32, #tpu.memory_space<vmem_shared>> -> memref<10112x128xf32, #tpu.memory_space<vmem_shared>>
          tpu.enqueue_indirect_dma source(%dma_start3A_325 : memref<64x128xf32, #tpu.memory_space<vmem>>) target(%dma_start3A_331 : memref<10112x128xf32, #tpu.memory_space<vmem_shared>>) offsets(%dma_start3A_328 : memref<64xi32, #tpu.memory_space<vmem>>) semaphore(%run_scoped3A_321 : memref<!tpu.dma_semaphore, #tpu.memory_space<semaphore_mem>>) {add = true}
          %dma_wait3A_332 = arith.constant 0 : i32
          %dma_wait3A_333 = arith.constant 0 : i32
          %dma_wait3A_334 = tpu.memref_slice %arg9[%run_scoped3A, %dma_wait3A_332, %dma_wait3A_333] : memref<4x64x128xf32, #tpu.memory_space<vmem>> -> memref<1x64x128xf32, #tpu.memory_space<vmem>>
          %dma_wait3A_335 = tpu.memref_squeeze %dma_wait3A_334 : memref<1x64x128xf32, #tpu.memory_space<vmem>> -> memref<64x128xf32, #tpu.memory_space<vmem>>
          %dma_wait3A_336 = arith.constant 0 : i32
          %dma_wait3A_337 = tpu.memref_slice %arg8[%add3A_240, %dma_wait3A_336] : memref<40x64xi32, #tpu.memory_space<vmem>> -> memref<1x64xi32, #tpu.memory_space<vmem>>
          %dma_wait3A_338 = tpu.memref_squeeze %dma_wait3A_337 : memref<1x64xi32, #tpu.memory_space<vmem>> -> memref<64xi32, #tpu.memory_space<vmem>>
          %dma_wait3A_339 = arith.constant 0 : i32
          %dma_wait3A_340 = arith.constant 0 : i32
          %dma_wait3A_341 = tpu.memref_slice %arg10[%dma_wait3A_339, %dma_wait3A_340] : memref<10112x128xf32, #tpu.memory_space<vmem_shared>> -> memref<10112x128xf32, #tpu.memory_space<vmem_shared>>
          tpu.wait_indirect_dma semaphore(%run_scoped3A_321 : memref<!tpu.dma_semaphore, #tpu.memory_space<semaphore_mem>>) src(%dma_wait3A_335 : memref<64x128xf32, #tpu.memory_space<vmem>>) dst(%dma_wait3A_341 : memref<10112x128xf32, #tpu.memory_space<vmem_shared>>)
          tpu.yield
        }) : () -> ()
        %add3A_251 = arith.constant 4 : i32
        %add3A_252 = arith.addi %add3A_240, %add3A_251 : i32
        %lt3A_253 = arith.constant 40 : i32
        %lt3A_254 = arith.cmpi slt, %add3A_252, %lt3A_253 : i32
        %convert_element_type3A_255 = arith.extui %lt3A_254 : i1 to i32
        %cond3A_256 = arith.constant 0 : i32
        %cond3A_257 = arith.cmpi ne, %convert_element_type3A_255, %cond3A_256 : i32
        scf.if %cond3A_257 {
          %dma_start3A_321 = arith.constant 0 : i32
          %dma_start3A_322 = arith.constant 0 : i32
          %dma_start3A_323 = arith.constant 0 : i32
          %dma_start3A_324 = tpu.memref_slice %arg9[%dma_start3A_321, %dma_start3A_322, %dma_start3A_323] : memref<4x64x128xf32, #tpu.memory_space<vmem>> -> memref<1x64x128xf32, #tpu.memory_space<vmem>>
          %dma_start3A_325 = tpu.memref_squeeze %dma_start3A_324 : memref<1x64x128xf32, #tpu.memory_space<vmem>> -> memref<64x128xf32, #tpu.memory_space<vmem>>
          %dma_start3A_326 = arith.constant 0 : i32
          %dma_start3A_327 = tpu.memref_slice %arg7[%add3A_252, %dma_start3A_326] : memref<40x64xi32, #tpu.memory_space<vmem>> -> memref<1x64xi32, #tpu.memory_space<vmem>>
          %dma_start3A_328 = tpu.memref_squeeze %dma_start3A_327 : memref<1x64xi32, #tpu.memory_space<vmem>> -> memref<64xi32, #tpu.memory_space<vmem>>
          %dma_start3A_329 = arith.constant 0 : i32
          %dma_start3A_330 = arith.constant 0 : i32
          %dma_start3A_331 = tpu.memref_slice %arg4[%dma_start3A_329, %dma_start3A_330] : memref<10000x128xf32, #tpu.memory_space<hbm>> -> memref<10000x128xf32, #tpu.memory_space<hbm>>
          tpu.enqueue_indirect_dma source(%dma_start3A_331 : memref<10000x128xf32, #tpu.memory_space<hbm>>) target(%dma_start3A_325 : memref<64x128xf32, #tpu.memory_space<vmem>>) offsets(%dma_start3A_328 : memref<64xi32, #tpu.memory_space<vmem>>) semaphore(%arg11 : memref<!tpu.dma_semaphore, #tpu.memory_space<semaphore_mem>>)
        } else {
        }
        %add3A_258 = arith.constant 1 : i32
        %add3A_259 = arith.addi %mul3A_238, %add3A_258 : i32
        %dma_wait3A_260 = arith.constant 1 : i32
        %dma_wait3A_261 = arith.constant 0 : i32
        %dma_wait3A_262 = arith.constant 0 : i32
        %dma_wait3A_263 = tpu.memref_slice %arg9[%dma_wait3A_260, %dma_wait3A_261, %dma_wait3A_262] : memref<4x64x128xf32, #tpu.memory_space<vmem>> -> memref<1x64x128xf32, #tpu.memory_space<vmem>>
        %dma_wait3A_264 = tpu.memref_squeeze %dma_wait3A_263 : memref<1x64x128xf32, #tpu.memory_space<vmem>> -> memref<64x128xf32, #tpu.memory_space<vmem>>
        %dma_wait3A_265 = arith.constant 0 : i32
        %dma_wait3A_266 = tpu.memref_slice %arg7[%add3A_259, %dma_wait3A_265] : memref<40x64xi32, #tpu.memory_space<vmem>> -> memref<1x64xi32, #tpu.memory_space<vmem>>
        %dma_wait3A_267 = tpu.memref_squeeze %dma_wait3A_266 : memref<1x64xi32, #tpu.memory_space<vmem>> -> memref<64xi32, #tpu.memory_space<vmem>>
        %dma_wait3A_268 = arith.constant 0 : i32
        %dma_wait3A_269 = arith.constant 0 : i32
        %dma_wait3A_270 = tpu.memref_slice %arg4[%dma_wait3A_268, %dma_wait3A_269] : memref<10000x128xf32, #tpu.memory_space<hbm>> -> memref<10000x128xf32, #tpu.memory_space<hbm>>
        tpu.wait_indirect_dma semaphore(%arg12 : memref<!tpu.dma_semaphore, #tpu.memory_space<semaphore_mem>>) src(%dma_wait3A_270 : memref<10000x128xf32, #tpu.memory_space<hbm>>) dst(%dma_wait3A_264 : memref<64x128xf32, #tpu.memory_space<vmem>>)
        %run_scoped3A_271 = arith.constant 1 : i32
        "tpu.region"() ({
          %run_scoped3A_321 = tpu.sem_alloc : memref<!tpu.dma_semaphore, #tpu.memory_space<semaphore_mem>>
          %dma_start3A_322 = arith.constant 0 : i32
          %dma_start3A_323 = arith.constant 0 : i32
          %dma_start3A_324 = tpu.memref_slice %arg9[%run_scoped3A_271, %dma_start3A_322, %dma_start3A_323] : memref<4x64x128xf32, #tpu.memory_space<vmem>> -> memref<1x64x128xf32, #tpu.memory_space<vmem>>
          %dma_start3A_325 = tpu.memref_squeeze %dma_start3A_324 : memref<1x64x128xf32, #tpu.memory_space<vmem>> -> memref<64x128xf32, #tpu.memory_space<vmem>>
          %dma_start3A_326 = arith.constant 0 : i32
          %dma_start3A_327 = tpu.memref_slice %arg8[%add3A_259, %dma_start3A_326] : memref<40x64xi32, #tpu.memory_space<vmem>> -> memref<1x64xi32, #tpu.memory_space<vmem>>
          %dma_start3A_328 = tpu.memref_squeeze %dma_start3A_327 : memref<1x64xi32, #tpu.memory_space<vmem>> -> memref<64xi32, #tpu.memory_space<vmem>>
          %dma_start3A_329 = arith.constant 0 : i32
          %dma_start3A_330 = arith.constant 0 : i32
          %dma_start3A_331 = tpu.memref_slice %arg10[%dma_start3A_329, %dma_start3A_330] : memref<10112x128xf32, #tpu.memory_space<vmem_shared>> -> memref<10112x128xf32, #tpu.memory_space<vmem_shared>>
          tpu.enqueue_indirect_dma source(%dma_start3A_325 : memref<64x128xf32, #tpu.memory_space<vmem>>) target(%dma_start3A_331 : memref<10112x128xf32, #tpu.memory_space<vmem_shared>>) offsets(%dma_start3A_328 : memref<64xi32, #tpu.memory_space<vmem>>) semaphore(%run_scoped3A_321 : memref<!tpu.dma_semaphore, #tpu.memory_space<semaphore_mem>>) {add = true}
          %dma_wait3A_332 = arith.constant 0 : i32
          %dma_wait3A_333 = arith.constant 0 : i32
          %dma_wait3A_334 = tpu.memref_slice %arg9[%run_scoped3A_271, %dma_wait3A_332, %dma_wait3A_333] : memref<4x64x128xf32, #tpu.memory_space<vmem>> -> memref<1x64x128xf32, #tpu.memory_space<vmem>>
          %dma_wait3A_335 = tpu.memref_squeeze %dma_wait3A_334 : memref<1x64x128xf32, #tpu.memory_space<vmem>> -> memref<64x128xf32, #tpu.memory_space<vmem>>
          %dma_wait3A_336 = arith.constant 0 : i32
          %dma_wait3A_337 = tpu.memref_slice %arg8[%add3A_259, %dma_wait3A_336] : memref<40x64xi32, #tpu.memory_space<vmem>> -> memref<1x64xi32, #tpu.memory_space<vmem>>
          %dma_wait3A_338 = tpu.memref_squeeze %dma_wait3A_337 : memref<1x64xi32, #tpu.memory_space<vmem>> -> memref<64xi32, #tpu.memory_space<vmem>>
          %dma_wait3A_339 = arith.constant 0 : i32
          %dma_wait3A_340 = arith.constant 0 : i32
          %dma_wait3A_341 = tpu.memref_slice %arg10[%dma_wait3A_339, %dma_wait3A_340] : memref<10112x128xf32, #tpu.memory_space<vmem_shared>> -> memref<10112x128xf32, #tpu.memory_space<vmem_shared>>
          tpu.wait_indirect_dma semaphore(%run_scoped3A_321 : memref<!tpu.dma_semaphore, #tpu.memory_space<semaphore_mem>>) src(%dma_wait3A_335 : memref<64x128xf32, #tpu.memory_space<vmem>>) dst(%dma_wait3A_341 : memref<10112x128xf32, #tpu.memory_space<vmem_shared>>)
          tpu.yield
        }) : () -> ()
        %add3A_272 = arith.constant 4 : i32
        %add3A_273 = arith.addi %add3A_259, %add3A_272 : i32
        %lt3A_274 = arith.constant 40 : i32
        %lt3A_275 = arith.cmpi slt, %add3A_273, %lt3A_274 : i32
        %convert_element_type3A_276 = arith.extui %lt3A_275 : i1 to i32
        %cond3A_277 = arith.constant 0 : i32
        %cond3A_278 = arith.cmpi ne, %convert_element_type3A_276, %cond3A_277 : i32
        scf.if %cond3A_278 {
          %dma_start3A_321 = arith.constant 1 : i32
          %dma_start3A_322 = arith.constant 0 : i32
          %dma_start3A_323 = arith.constant 0 : i32
          %dma_start3A_324 = tpu.memref_slice %arg9[%dma_start3A_321, %dma_start3A_322, %dma_start3A_323] : memref<4x64x128xf32, #tpu.memory_space<vmem>> -> memref<1x64x128xf32, #tpu.memory_space<vmem>>
          %dma_start3A_325 = tpu.memref_squeeze %dma_start3A_324 : memref<1x64x128xf32, #tpu.memory_space<vmem>> -> memref<64x128xf32, #tpu.memory_space<vmem>>
          %dma_start3A_326 = arith.constant 0 : i32
          %dma_start3A_327 = tpu.memref_slice %arg7[%add3A_273, %dma_start3A_326] : memref<40x64xi32, #tpu.memory_space<vmem>> -> memref<1x64xi32, #tpu.memory_space<vmem>>
          %dma_start3A_328 = tpu.memref_squeeze %dma_start3A_327 : memref<1x64xi32, #tpu.memory_space<vmem>> -> memref<64xi32, #tpu.memory_space<vmem>>
          %dma_start3A_329 = arith.constant 0 : i32
          %dma_start3A_330 = arith.constant 0 : i32
          %dma_start3A_331 = tpu.memref_slice %arg4[%dma_start3A_329, %dma_start3A_330] : memref<10000x128xf32, #tpu.memory_space<hbm>> -> memref<10000x128xf32, #tpu.memory_space<hbm>>
          tpu.enqueue_indirect_dma source(%dma_start3A_331 : memref<10000x128xf32, #tpu.memory_space<hbm>>) target(%dma_start3A_325 : memref<64x128xf32, #tpu.memory_space<vmem>>) offsets(%dma_start3A_328 : memref<64xi32, #tpu.memory_space<vmem>>) semaphore(%arg12 : memref<!tpu.dma_semaphore, #tpu.memory_space<semaphore_mem>>)
        } else {
        }
        %add3A_279 = arith.constant 2 : i32
        %add3A_280 = arith.addi %mul3A_238, %add3A_279 : i32
        %dma_wait3A_281 = arith.constant 2 : i32
        %dma_wait3A_282 = arith.constant 0 : i32
        %dma_wait3A_283 = arith.constant 0 : i32
        %dma_wait3A_284 = tpu.memref_slice %arg9[%dma_wait3A_281, %dma_wait3A_282, %dma_wait3A_283] : memref<4x64x128xf32, #tpu.memory_space<vmem>> -> memref<1x64x128xf32, #tpu.memory_space<vmem>>
        %dma_wait3A_285 = tpu.memref_squeeze %dma_wait3A_284 : memref<1x64x128xf32, #tpu.memory_space<vmem>> -> memref<64x128xf32, #tpu.memory_space<vmem>>
        %dma_wait3A_286 = arith.constant 0 : i32
        %dma_wait3A_287 = tpu.memref_slice %arg7[%add3A_280, %dma_wait3A_286] : memref<40x64xi32, #tpu.memory_space<vmem>> -> memref<1x64xi32, #tpu.memory_space<vmem>>
        %dma_wait3A_288 = tpu.memref_squeeze %dma_wait3A_287 : memref<1x64xi32, #tpu.memory_space<vmem>> -> memref<64xi32, #tpu.memory_space<vmem>>
        %dma_wait3A_289 = arith.constant 0 : i32
        %dma_wait3A_290 = arith.constant 0 : i32
        %dma_wait3A_291 = tpu.memref_slice %arg4[%dma_wait3A_289, %dma_wait3A_290] : memref<10000x128xf32, #tpu.memory_space<hbm>> -> memref<10000x128xf32, #tpu.memory_space<hbm>>
        tpu.wait_indirect_dma semaphore(%arg13 : memref<!tpu.dma_semaphore, #tpu.memory_space<semaphore_mem>>) src(%dma_wait3A_291 : memref<10000x128xf32, #tpu.memory_space<hbm>>) dst(%dma_wait3A_285 : memref<64x128xf32, #tpu.memory_space<vmem>>)
        %run_scoped3A_292 = arith.constant 2 : i32
        "tpu.region"() ({
          %run_scoped3A_321 = tpu.sem_alloc : memref<!tpu.dma_semaphore, #tpu.memory_space<semaphore_mem>>
          %dma_start3A_322 = arith.constant 0 : i32
          %dma_start3A_323 = arith.constant 0 : i32
          %dma_start3A_324 = tpu.memref_slice %arg9[%run_scoped3A_292, %dma_start3A_322, %dma_start3A_323] : memref<4x64x128xf32, #tpu.memory_space<vmem>> -> memref<1x64x128xf32, #tpu.memory_space<vmem>>
          %dma_start3A_325 = tpu.memref_squeeze %dma_start3A_324 : memref<1x64x128xf32, #tpu.memory_space<vmem>> -> memref<64x128xf32, #tpu.memory_space<vmem>>
          %dma_start3A_326 = arith.constant 0 : i32
          %dma_start3A_327 = tpu.memref_slice %arg8[%add3A_280, %dma_start3A_326] : memref<40x64xi32, #tpu.memory_space<vmem>> -> memref<1x64xi32, #tpu.memory_space<vmem>>
          %dma_start3A_328 = tpu.memref_squeeze %dma_start3A_327 : memref<1x64xi32, #tpu.memory_space<vmem>> -> memref<64xi32, #tpu.memory_space<vmem>>
          %dma_start3A_329 = arith.constant 0 : i32
          %dma_start3A_330 = arith.constant 0 : i32
          %dma_start3A_331 = tpu.memref_slice %arg10[%dma_start3A_329, %dma_start3A_330] : memref<10112x128xf32, #tpu.memory_space<vmem_shared>> -> memref<10112x128xf32, #tpu.memory_space<vmem_shared>>
          tpu.enqueue_indirect_dma source(%dma_start3A_325 : memref<64x128xf32, #tpu.memory_space<vmem>>) target(%dma_start3A_331 : memref<10112x128xf32, #tpu.memory_space<vmem_shared>>) offsets(%dma_start3A_328 : memref<64xi32, #tpu.memory_space<vmem>>) semaphore(%run_scoped3A_321 : memref<!tpu.dma_semaphore, #tpu.memory_space<semaphore_mem>>) {add = true}
          %dma_wait3A_332 = arith.constant 0 : i32
          %dma_wait3A_333 = arith.constant 0 : i32
          %dma_wait3A_334 = tpu.memref_slice %arg9[%run_scoped3A_292, %dma_wait3A_332, %dma_wait3A_333] : memref<4x64x128xf32, #tpu.memory_space<vmem>> -> memref<1x64x128xf32, #tpu.memory_space<vmem>>
          %dma_wait3A_335 = tpu.memref_squeeze %dma_wait3A_334 : memref<1x64x128xf32, #tpu.memory_space<vmem>> -> memref<64x128xf32, #tpu.memory_space<vmem>>
          %dma_wait3A_336 = arith.constant 0 : i32
          %dma_wait3A_337 = tpu.memref_slice %arg8[%add3A_280, %dma_wait3A_336] : memref<40x64xi32, #tpu.memory_space<vmem>> -> memref<1x64xi32, #tpu.memory_space<vmem>>
          %dma_wait3A_338 = tpu.memref_squeeze %dma_wait3A_337 : memref<1x64xi32, #tpu.memory_space<vmem>> -> memref<64xi32, #tpu.memory_space<vmem>>
          %dma_wait3A_339 = arith.constant 0 : i32
          %dma_wait3A_340 = arith.constant 0 : i32
          %dma_wait3A_341 = tpu.memref_slice %arg10[%dma_wait3A_339, %dma_wait3A_340] : memref<10112x128xf32, #tpu.memory_space<vmem_shared>> -> memref<10112x128xf32, #tpu.memory_space<vmem_shared>>
          tpu.wait_indirect_dma semaphore(%run_scoped3A_321 : memref<!tpu.dma_semaphore, #tpu.memory_space<semaphore_mem>>) src(%dma_wait3A_335 : memref<64x128xf32, #tpu.memory_space<vmem>>) dst(%dma_wait3A_341 : memref<10112x128xf32, #tpu.memory_space<vmem_shared>>)
          tpu.yield
        }) : () -> ()
        %add3A_293 = arith.constant 4 : i32
        %add3A_294 = arith.addi %add3A_280, %add3A_293 : i32
        %lt3A_295 = arith.constant 40 : i32
        %lt3A_296 = arith.cmpi slt, %add3A_294, %lt3A_295 : i32
        %convert_element_type3A_297 = arith.extui %lt3A_296 : i1 to i32
        %cond3A_298 = arith.constant 0 : i32
        %cond3A_299 = arith.cmpi ne, %convert_element_type3A_297, %cond3A_298 : i32
        scf.if %cond3A_299 {
          %dma_start3A_321 = arith.constant 2 : i32
          %dma_start3A_322 = arith.constant 0 : i32
          %dma_start3A_323 = arith.constant 0 : i32
          %dma_start3A_324 = tpu.memref_slice %arg9[%dma_start3A_321, %dma_start3A_322, %dma_start3A_323] : memref<4x64x128xf32, #tpu.memory_space<vmem>> -> memref<1x64x128xf32, #tpu.memory_space<vmem>>
          %dma_start3A_325 = tpu.memref_squeeze %dma_start3A_324 : memref<1x64x128xf32, #tpu.memory_space<vmem>> -> memref<64x128xf32, #tpu.memory_space<vmem>>
          %dma_start3A_326 = arith.constant 0 : i32
          %dma_start3A_327 = tpu.memref_slice %arg7[%add3A_294, %dma_start3A_326] : memref<40x64xi32, #tpu.memory_space<vmem>> -> memref<1x64xi32, #tpu.memory_space<vmem>>
          %dma_start3A_328 = tpu.memref_squeeze %dma_start3A_327 : memref<1x64xi32, #tpu.memory_space<vmem>> -> memref<64xi32, #tpu.memory_space<vmem>>
          %dma_start3A_329 = arith.constant 0 : i32
          %dma_start3A_330 = arith.constant 0 : i32
          %dma_start3A_331 = tpu.memref_slice %arg4[%dma_start3A_329, %dma_start3A_330] : memref<10000x128xf32, #tpu.memory_space<hbm>> -> memref<10000x128xf32, #tpu.memory_space<hbm>>
          tpu.enqueue_indirect_dma source(%dma_start3A_331 : memref<10000x128xf32, #tpu.memory_space<hbm>>) target(%dma_start3A_325 : memref<64x128xf32, #tpu.memory_space<vmem>>) offsets(%dma_start3A_328 : memref<64xi32, #tpu.memory_space<vmem>>) semaphore(%arg13 : memref<!tpu.dma_semaphore, #tpu.memory_space<semaphore_mem>>)
        } else {
        }
        %add3A_300 = arith.constant 3 : i32
        %add3A_301 = arith.addi %mul3A_238, %add3A_300 : i32
        %dma_wait3A_302 = arith.constant 3 : i32
        %dma_wait3A_303 = arith.constant 0 : i32
        %dma_wait3A_304 = arith.constant 0 : i32
        %dma_wait3A_305 = tpu.memref_slice %arg9[%dma_wait3A_302, %dma_wait3A_303, %dma_wait3A_304] : memref<4x64x128xf32, #tpu.memory_space<vmem>> -> memref<1x64x128xf32, #tpu.memory_space<vmem>>
        %dma_wait3A_306 = tpu.memref_squeeze %dma_wait3A_305 : memref<1x64x128xf32, #tpu.memory_space<vmem>> -> memref<64x128xf32, #tpu.memory_space<vmem>>
        %dma_wait3A_307 = arith.constant 0 : i32
        %dma_wait3A_308 = tpu.memref_slice %arg7[%add3A_301, %dma_wait3A_307] : memref<40x64xi32, #tpu.memory_space<vmem>> -> memref<1x64xi32, #tpu.memory_space<vmem>>
        %dma_wait3A_309 = tpu.memref_squeeze %dma_wait3A_308 : memref<1x64xi32, #tpu.memory_space<vmem>> -> memref<64xi32, #tpu.memory_space<vmem>>
        %dma_wait3A_310 = arith.constant 0 : i32
        %dma_wait3A_311 = arith.constant 0 : i32
        %dma_wait3A_312 = tpu.memref_slice %arg4[%dma_wait3A_310, %dma_wait3A_311] : memref<10000x128xf32, #tpu.memory_space<hbm>> -> memref<10000x128xf32, #tpu.memory_space<hbm>>
        tpu.wait_indirect_dma semaphore(%arg14 : memref<!tpu.dma_semaphore, #tpu.memory_space<semaphore_mem>>) src(%dma_wait3A_312 : memref<10000x128xf32, #tpu.memory_space<hbm>>) dst(%dma_wait3A_306 : memref<64x128xf32, #tpu.memory_space<vmem>>)
        %run_scoped3A_313 = arith.constant 3 : i32
        "tpu.region"() ({
          %run_scoped3A_321 = tpu.sem_alloc : memref<!tpu.dma_semaphore, #tpu.memory_space<semaphore_mem>>
          %dma_start3A_322 = arith.constant 0 : i32
          %dma_start3A_323 = arith.constant 0 : i32
          %dma_start3A_324 = tpu.memref_slice %arg9[%run_scoped3A_313, %dma_start3A_322, %dma_start3A_323] : memref<4x64x128xf32, #tpu.memory_space<vmem>> -> memref<1x64x128xf32, #tpu.memory_space<vmem>>
          %dma_start3A_325 = tpu.memref_squeeze %dma_start3A_324 : memref<1x64x128xf32, #tpu.memory_space<vmem>> -> memref<64x128xf32, #tpu.memory_space<vmem>>
          %dma_start3A_326 = arith.constant 0 : i32
          %dma_start3A_327 = tpu.memref_slice %arg8[%add3A_301, %dma_start3A_326] : memref<40x64xi32, #tpu.memory_space<vmem>> -> memref<1x64xi32, #tpu.memory_space<vmem>>
          %dma_start3A_328 = tpu.memref_squeeze %dma_start3A_327 : memref<1x64xi32, #tpu.memory_space<vmem>> -> memref<64xi32, #tpu.memory_space<vmem>>
          %dma_start3A_329 = arith.constant 0 : i32
          %dma_start3A_330 = arith.constant 0 : i32
          %dma_start3A_331 = tpu.memref_slice %arg10[%dma_start3A_329, %dma_start3A_330] : memref<10112x128xf32, #tpu.memory_space<vmem_shared>> -> memref<10112x128xf32, #tpu.memory_space<vmem_shared>>
          tpu.enqueue_indirect_dma source(%dma_start3A_325 : memref<64x128xf32, #tpu.memory_space<vmem>>) target(%dma_start3A_331 : memref<10112x128xf32, #tpu.memory_space<vmem_shared>>) offsets(%dma_start3A_328 : memref<64xi32, #tpu.memory_space<vmem>>) semaphore(%run_scoped3A_321 : memref<!tpu.dma_semaphore, #tpu.memory_space<semaphore_mem>>) {add = true}
          %dma_wait3A_332 = arith.constant 0 : i32
          %dma_wait3A_333 = arith.constant 0 : i32
          %dma_wait3A_334 = tpu.memref_slice %arg9[%run_scoped3A_313, %dma_wait3A_332, %dma_wait3A_333] : memref<4x64x128xf32, #tpu.memory_space<vmem>> -> memref<1x64x128xf32, #tpu.memory_space<vmem>>
          %dma_wait3A_335 = tpu.memref_squeeze %dma_wait3A_334 : memref<1x64x128xf32, #tpu.memory_space<vmem>> -> memref<64x128xf32, #tpu.memory_space<vmem>>
          %dma_wait3A_336 = arith.constant 0 : i32
          %dma_wait3A_337 = tpu.memref_slice %arg8[%add3A_301, %dma_wait3A_336] : memref<40x64xi32, #tpu.memory_space<vmem>> -> memref<1x64xi32, #tpu.memory_space<vmem>>
          %dma_wait3A_338 = tpu.memref_squeeze %dma_wait3A_337 : memref<1x64xi32, #tpu.memory_space<vmem>> -> memref<64xi32, #tpu.memory_space<vmem>>
          %dma_wait3A_339 = arith.constant 0 : i32
          %dma_wait3A_340 = arith.constant 0 : i32
          %dma_wait3A_341 = tpu.memref_slice %arg10[%dma_wait3A_339, %dma_wait3A_340] : memref<10112x128xf32, #tpu.memory_space<vmem_shared>> -> memref<10112x128xf32, #tpu.memory_space<vmem_shared>>
          tpu.wait_indirect_dma semaphore(%run_scoped3A_321 : memref<!tpu.dma_semaphore, #tpu.memory_space<semaphore_mem>>) src(%dma_wait3A_335 : memref<64x128xf32, #tpu.memory_space<vmem>>) dst(%dma_wait3A_341 : memref<10112x128xf32, #tpu.memory_space<vmem_shared>>)
          tpu.yield
        }) : () -> ()
        %add3A_314 = arith.constant 4 : i32
        %add3A_315 = arith.addi %add3A_301, %add3A_314 : i32
        %lt3A_316 = arith.constant 40 : i32
        %lt3A_317 = arith.cmpi slt, %add3A_315, %lt3A_316 : i32
        %convert_element_type3A_318 = arith.extui %lt3A_317 : i1 to i32
        %cond3A_319 = arith.constant 0 : i32
        %cond3A_320 = arith.cmpi ne, %convert_element_type3A_318, %cond3A_319 : i32
        scf.if %cond3A_320 {
          %dma_start3A_321 = arith.constant 3 : i32
          %dma_start3A_322 = arith.constant 0 : i32
          %dma_start3A_323 = arith.constant 0 : i32
          %dma_start3A_324 = tpu.memref_slice %arg9[%dma_start3A_321, %dma_start3A_322, %dma_start3A_323] : memref<4x64x128xf32, #tpu.memory_space<vmem>> -> memref<1x64x128xf32, #tpu.memory_space<vmem>>
          %dma_start3A_325 = tpu.memref_squeeze %dma_start3A_324 : memref<1x64x128xf32, #tpu.memory_space<vmem>> -> memref<64x128xf32, #tpu.memory_space<vmem>>
          %dma_start3A_326 = arith.constant 0 : i32
          %dma_start3A_327 = tpu.memref_slice %arg7[%add3A_315, %dma_start3A_326] : memref<40x64xi32, #tpu.memory_space<vmem>> -> memref<1x64xi32, #tpu.memory_space<vmem>>
          %dma_start3A_328 = tpu.memref_squeeze %dma_start3A_327 : memref<1x64xi32, #tpu.memory_space<vmem>> -> memref<64xi32, #tpu.memory_space<vmem>>
          %dma_start3A_329 = arith.constant 0 : i32
          %dma_start3A_330 = arith.constant 0 : i32
          %dma_start3A_331 = tpu.memref_slice %arg4[%dma_start3A_329, %dma_start3A_330] : memref<10000x128xf32, #tpu.memory_space<hbm>> -> memref<10000x128xf32, #tpu.memory_space<hbm>>
          tpu.enqueue_indirect_dma source(%dma_start3A_331 : memref<10000x128xf32, #tpu.memory_space<hbm>>) target(%dma_start3A_325 : memref<64x128xf32, #tpu.memory_space<vmem>>) offsets(%dma_start3A_328 : memref<64xi32, #tpu.memory_space<vmem>>) semaphore(%arg14 : memref<!tpu.dma_semaphore, #tpu.memory_space<semaphore_mem>>)
        } else {
        }
      }
      %scan3A_179 = arith.constant 10 : i32
      %add3A_180 = arith.constant 120 : i32
      %add3A_181 = arith.addi %add3A_13, %add3A_180 : i32
      "tpu.region"() ({
        %run_scoped3A = tpu.sem_alloc : memref<!tpu.dma_semaphore, #tpu.memory_space<semaphore_mem>>
        %dma_start3A_236 = arith.constant 0 : i32
        %dma_start3A_237 = arith.constant 0 : i32
        %dma_start3A_238 = tpu.memref_slice %arg7[%dma_start3A_236, %dma_start3A_237] : memref<40x64xi32, #tpu.memory_space<vmem>> -> memref<32x64xi32, #tpu.memory_space<vmem>>
        %dma_start3A_239 = arith.constant 0 : i32
        %dma_start3A_240 = tpu.memref_slice %arg2[%add3A_181, %dma_start3A_239] : memref<5000x64xi32, #tpu.memory_space<hbm>> -> memref<32x64xi32, #tpu.memory_space<hbm>>
        %dma_start3A_241 = arith.constant 0 : i32
        %dma_start3A_242 = arith.constant 0 : i32
        %dma_start3A_243 = tpu.memref_slice %arg7[%dma_start3A_241, %dma_start3A_242] : memref<40x64xi32, #tpu.memory_space<vmem>> -> memref<32x64xi32, #tpu.memory_space<vmem>>
        %dma_start3A_244 = arith.constant 0 : i32
        %dma_start3A_245 = tpu.memref_slice %arg2[%add3A_181, %dma_start3A_244] : memref<5000x64xi32, #tpu.memory_space<hbm>> -> memref<32x64xi32, #tpu.memory_space<hbm>>
        tpu.enqueue_dma source(%dma_start3A_245 : memref<32x64xi32, #tpu.memory_space<hbm>>) target(%dma_start3A_243 : memref<32x64xi32, #tpu.memory_space<vmem>>) target_semaphore(%run_scoped3A : memref<!tpu.dma_semaphore, #tpu.memory_space<semaphore_mem>>)
        %dma_wait3A = arith.constant 0 : i32
        %dma_wait3A_246 = arith.constant 0 : i32
        %dma_wait3A_247 = tpu.memref_slice %arg7[%dma_wait3A, %dma_wait3A_246] : memref<40x64xi32, #tpu.memory_space<vmem>> -> memref<32x64xi32, #tpu.memory_space<vmem>>
        %dma_wait3A_248 = arith.constant 0 : i32
        %dma_wait3A_249 = tpu.memref_slice %arg2[%add3A_181, %dma_wait3A_248] : memref<5000x64xi32, #tpu.memory_space<hbm>> -> memref<32x64xi32, #tpu.memory_space<hbm>>
        %dma_wait3A_250 = arith.constant 0 : i32
        %dma_wait3A_251 = arith.constant 0 : i32
        %dma_wait3A_252 = tpu.memref_slice %arg7[%dma_wait3A_250, %dma_wait3A_251] : memref<40x64xi32, #tpu.memory_space<vmem>> -> memref<32x64xi32, #tpu.memory_space<vmem>>
        %dma_wait3A_253 = arith.constant 0 : i32
        %dma_wait3A_254 = tpu.memref_slice %arg2[%add3A_181, %dma_wait3A_253] : memref<5000x64xi32, #tpu.memory_space<hbm>> -> memref<32x64xi32, #tpu.memory_space<hbm>>
        tpu.wait_dma2 semaphore(%run_scoped3A : memref<!tpu.dma_semaphore, #tpu.memory_space<semaphore_mem>>) src(%dma_wait3A_254 : memref<32x64xi32, #tpu.memory_space<hbm>>) dst(%dma_wait3A_252 : memref<32x64xi32, #tpu.memory_space<vmem>>)
        tpu.yield
      }) : () -> ()
      "tpu.region"() ({
        %run_scoped3A = tpu.sem_alloc : memref<!tpu.dma_semaphore, #tpu.memory_space<semaphore_mem>>
        %dma_start3A_236 = arith.constant 0 : i32
        %dma_start3A_237 = arith.constant 0 : i32
        %dma_start3A_238 = tpu.memref_slice %arg8[%dma_start3A_236, %dma_start3A_237] : memref<40x64xi32, #tpu.memory_space<vmem>> -> memref<32x64xi32, #tpu.memory_space<vmem>>
        %dma_start3A_239 = arith.constant 0 : i32
        %dma_start3A_240 = tpu.memref_slice %arg3[%add3A_181, %dma_start3A_239] : memref<5000x64xi32, #tpu.memory_space<hbm>> -> memref<32x64xi32, #tpu.memory_space<hbm>>
        %dma_start3A_241 = arith.constant 0 : i32
        %dma_start3A_242 = arith.constant 0 : i32
        %dma_start3A_243 = tpu.memref_slice %arg8[%dma_start3A_241, %dma_start3A_242] : memref<40x64xi32, #tpu.memory_space<vmem>> -> memref<32x64xi32, #tpu.memory_space<vmem>>
        %dma_start3A_244 = arith.constant 0 : i32
        %dma_start3A_245 = tpu.memref_slice %arg3[%add3A_181, %dma_start3A_244] : memref<5000x64xi32, #tpu.memory_space<hbm>> -> memref<32x64xi32, #tpu.memory_space<hbm>>
        tpu.enqueue_dma source(%dma_start3A_245 : memref<32x64xi32, #tpu.memory_space<hbm>>) target(%dma_start3A_243 : memref<32x64xi32, #tpu.memory_space<vmem>>) target_semaphore(%run_scoped3A : memref<!tpu.dma_semaphore, #tpu.memory_space<semaphore_mem>>)
        %dma_wait3A = arith.constant 0 : i32
        %dma_wait3A_246 = arith.constant 0 : i32
        %dma_wait3A_247 = tpu.memref_slice %arg8[%dma_wait3A, %dma_wait3A_246] : memref<40x64xi32, #tpu.memory_space<vmem>> -> memref<32x64xi32, #tpu.memory_space<vmem>>
        %dma_wait3A_248 = arith.constant 0 : i32
        %dma_wait3A_249 = tpu.memref_slice %arg3[%add3A_181, %dma_wait3A_248] : memref<5000x64xi32, #tpu.memory_space<hbm>> -> memref<32x64xi32, #tpu.memory_space<hbm>>
        %dma_wait3A_250 = arith.constant 0 : i32
        %dma_wait3A_251 = arith.constant 0 : i32
        %dma_wait3A_252 = tpu.memref_slice %arg8[%dma_wait3A_250, %dma_wait3A_251] : memref<40x64xi32, #tpu.memory_space<vmem>> -> memref<32x64xi32, #tpu.memory_space<vmem>>
        %dma_wait3A_253 = arith.constant 0 : i32
        %dma_wait3A_254 = tpu.memref_slice %arg3[%add3A_181, %dma_wait3A_253] : memref<5000x64xi32, #tpu.memory_space<hbm>> -> memref<32x64xi32, #tpu.memory_space<hbm>>
        tpu.wait_dma2 semaphore(%run_scoped3A : memref<!tpu.dma_semaphore, #tpu.memory_space<semaphore_mem>>) src(%dma_wait3A_254 : memref<32x64xi32, #tpu.memory_space<hbm>>) dst(%dma_wait3A_252 : memref<32x64xi32, #tpu.memory_space<vmem>>)
        tpu.yield
      }) : () -> ()
      %dma_start3A_182 = arith.constant 0 : i32
      %dma_start3A_183 = arith.constant 0 : i32
      %dma_start3A_184 = arith.constant 0 : i32
      %dma_start3A_185 = arith.constant 0 : i32
      %dma_start3A_186 = tpu.memref_slice %arg9[%dma_start3A_183, %dma_start3A_184, %dma_start3A_185] : memref<4x64x128xf32, #tpu.memory_space<vmem>> -> memref<1x64x128xf32, #tpu.memory_space<vmem>>
      %dma_start3A_187 = tpu.memref_squeeze %dma_start3A_186 : memref<1x64x128xf32, #tpu.memory_space<vmem>> -> memref<64x128xf32, #tpu.memory_space<vmem>>
      %dma_start3A_188 = arith.constant 0 : i32
      %dma_start3A_189 = tpu.memref_slice %arg7[%dma_start3A_182, %dma_start3A_188] : memref<40x64xi32, #tpu.memory_space<vmem>> -> memref<1x64xi32, #tpu.memory_space<vmem>>
      %dma_start3A_190 = tpu.memref_squeeze %dma_start3A_189 : memref<1x64xi32, #tpu.memory_space<vmem>> -> memref<64xi32, #tpu.memory_space<vmem>>
      %dma_start3A_191 = arith.constant 0 : i32
      %dma_start3A_192 = arith.constant 0 : i32
      %dma_start3A_193 = tpu.memref_slice %arg4[%dma_start3A_191, %dma_start3A_192] : memref<10000x128xf32, #tpu.memory_space<hbm>> -> memref<10000x128xf32, #tpu.memory_space<hbm>>
      tpu.enqueue_indirect_dma source(%dma_start3A_193 : memref<10000x128xf32, #tpu.memory_space<hbm>>) target(%dma_start3A_187 : memref<64x128xf32, #tpu.memory_space<vmem>>) offsets(%dma_start3A_190 : memref<64xi32, #tpu.memory_space<vmem>>) semaphore(%arg11 : memref<!tpu.dma_semaphore, #tpu.memory_space<semaphore_mem>>)
      %dma_start3A_194 = arith.constant 1 : i32
      %dma_start3A_195 = arith.constant 1 : i32
      %dma_start3A_196 = arith.constant 0 : i32
      %dma_start3A_197 = arith.constant 0 : i32
      %dma_start3A_198 = tpu.memref_slice %arg9[%dma_start3A_195, %dma_start3A_196, %dma_start3A_197] : memref<4x64x128xf32, #tpu.memory_space<vmem>> -> memref<1x64x128xf32, #tpu.memory_space<vmem>>
      %dma_start3A_199 = tpu.memref_squeeze %dma_start3A_198 : memref<1x64x128xf32, #tpu.memory_space<vmem>> -> memref<64x128xf32, #tpu.memory_space<vmem>>
      %dma_start3A_200 = arith.constant 0 : i32
      %dma_start3A_201 = tpu.memref_slice %arg7[%dma_start3A_194, %dma_start3A_200] : memref<40x64xi32, #tpu.memory_space<vmem>> -> memref<1x64xi32, #tpu.memory_space<vmem>>
      %dma_start3A_202 = tpu.memref_squeeze %dma_start3A_201 : memref<1x64xi32, #tpu.memory_space<vmem>> -> memref<64xi32, #tpu.memory_space<vmem>>
      %dma_start3A_203 = arith.constant 0 : i32
      %dma_start3A_204 = arith.constant 0 : i32
      %dma_start3A_205 = tpu.memref_slice %arg4[%dma_start3A_203, %dma_start3A_204] : memref<10000x128xf32, #tpu.memory_space<hbm>> -> memref<10000x128xf32, #tpu.memory_space<hbm>>
      tpu.enqueue_indirect_dma source(%dma_start3A_205 : memref<10000x128xf32, #tpu.memory_space<hbm>>) target(%dma_start3A_199 : memref<64x128xf32, #tpu.memory_space<vmem>>) offsets(%dma_start3A_202 : memref<64xi32, #tpu.memory_space<vmem>>) semaphore(%arg12 : memref<!tpu.dma_semaphore, #tpu.memory_space<semaphore_mem>>)
      %dma_start3A_206 = arith.constant 2 : i32
      %dma_start3A_207 = arith.constant 2 : i32
      %dma_start3A_208 = arith.constant 0 : i32
      %dma_start3A_209 = arith.constant 0 : i32
      %dma_start3A_210 = tpu.memref_slice %arg9[%dma_start3A_207, %dma_start3A_208, %dma_start3A_209] : memref<4x64x128xf32, #tpu.memory_space<vmem>> -> memref<1x64x128xf32, #tpu.memory_space<vmem>>
      %dma_start3A_211 = tpu.memref_squeeze %dma_start3A_210 : memref<1x64x128xf32, #tpu.memory_space<vmem>> -> memref<64x128xf32, #tpu.memory_space<vmem>>
      %dma_start3A_212 = arith.constant 0 : i32
      %dma_start3A_213 = tpu.memref_slice %arg7[%dma_start3A_206, %dma_start3A_212] : memref<40x64xi32, #tpu.memory_space<vmem>> -> memref<1x64xi32, #tpu.memory_space<vmem>>
      %dma_start3A_214 = tpu.memref_squeeze %dma_start3A_213 : memref<1x64xi32, #tpu.memory_space<vmem>> -> memref<64xi32, #tpu.memory_space<vmem>>
      %dma_start3A_215 = arith.constant 0 : i32
      %dma_start3A_216 = arith.constant 0 : i32
      %dma_start3A_217 = tpu.memref_slice %arg4[%dma_start3A_215, %dma_start3A_216] : memref<10000x128xf32, #tpu.memory_space<hbm>> -> memref<10000x128xf32, #tpu.memory_space<hbm>>
      tpu.enqueue_indirect_dma source(%dma_start3A_217 : memref<10000x128xf32, #tpu.memory_space<hbm>>) target(%dma_start3A_211 : memref<64x128xf32, #tpu.memory_space<vmem>>) offsets(%dma_start3A_214 : memref<64xi32, #tpu.memory_space<vmem>>) semaphore(%arg13 : memref<!tpu.dma_semaphore, #tpu.memory_space<semaphore_mem>>)
      %dma_start3A_218 = arith.constant 3 : i32
      %dma_start3A_219 = arith.constant 3 : i32
      %dma_start3A_220 = arith.constant 0 : i32
      %dma_start3A_221 = arith.constant 0 : i32
      %dma_start3A_222 = tpu.memref_slice %arg9[%dma_start3A_219, %dma_start3A_220, %dma_start3A_221] : memref<4x64x128xf32, #tpu.memory_space<vmem>> -> memref<1x64x128xf32, #tpu.memory_space<vmem>>
      %dma_start3A_223 = tpu.memref_squeeze %dma_start3A_222 : memref<1x64x128xf32, #tpu.memory_space<vmem>> -> memref<64x128xf32, #tpu.memory_space<vmem>>
      %dma_start3A_224 = arith.constant 0 : i32
      %dma_start3A_225 = tpu.memref_slice %arg7[%dma_start3A_218, %dma_start3A_224] : memref<40x64xi32, #tpu.memory_space<vmem>> -> memref<1x64xi32, #tpu.memory_space<vmem>>
      %dma_start3A_226 = tpu.memref_squeeze %dma_start3A_225 : memref<1x64xi32, #tpu.memory_space<vmem>> -> memref<64xi32, #tpu.memory_space<vmem>>
      %dma_start3A_227 = arith.constant 0 : i32
      %dma_start3A_228 = arith.constant 0 : i32
      %dma_start3A_229 = tpu.memref_slice %arg4[%dma_start3A_227, %dma_start3A_228] : memref<10000x128xf32, #tpu.memory_space<hbm>> -> memref<10000x128xf32, #tpu.memory_space<hbm>>
      tpu.enqueue_indirect_dma source(%dma_start3A_229 : memref<10000x128xf32, #tpu.memory_space<hbm>>) target(%dma_start3A_223 : memref<64x128xf32, #tpu.memory_space<vmem>>) offsets(%dma_start3A_226 : memref<64xi32, #tpu.memory_space<vmem>>) semaphore(%arg14 : memref<!tpu.dma_semaphore, #tpu.memory_space<semaphore_mem>>)
      %scan3A_230 = arith.constant 0 : i32
      %scan3A_231 = arith.constant 0 : i32
      %scan3A_232 = arith.constant 8 : i32
      %scan3A_233 = arith.addi %scan3A_231, %scan3A_232 : i32
      %scan3A_234 = arith.constant 1 : i32
      scf.for %scan3A_236 = %scan3A_231 to %scan3A_233 step %scan3A_234  : i32 {
        %mul3A_237 = arith.constant 4 : i32
        %mul3A_238 = arith.muli %scan3A_236, %mul3A_237 : i32
        %add3A_239 = arith.constant 0 : i32
        %add3A_240 = arith.addi %mul3A_238, %add3A_239 : i32
        %dma_wait3A = arith.constant 0 : i32
        %dma_wait3A_241 = arith.constant 0 : i32
        %dma_wait3A_242 = arith.constant 0 : i32
        %dma_wait3A_243 = tpu.memref_slice %arg9[%dma_wait3A, %dma_wait3A_241, %dma_wait3A_242] : memref<4x64x128xf32, #tpu.memory_space<vmem>> -> memref<1x64x128xf32, #tpu.memory_space<vmem>>
        %dma_wait3A_244 = tpu.memref_squeeze %dma_wait3A_243 : memref<1x64x128xf32, #tpu.memory_space<vmem>> -> memref<64x128xf32, #tpu.memory_space<vmem>>
        %dma_wait3A_245 = arith.constant 0 : i32
        %dma_wait3A_246 = tpu.memref_slice %arg7[%add3A_240, %dma_wait3A_245] : memref<40x64xi32, #tpu.memory_space<vmem>> -> memref<1x64xi32, #tpu.memory_space<vmem>>
        %dma_wait3A_247 = tpu.memref_squeeze %dma_wait3A_246 : memref<1x64xi32, #tpu.memory_space<vmem>> -> memref<64xi32, #tpu.memory_space<vmem>>
        %dma_wait3A_248 = arith.constant 0 : i32
        %dma_wait3A_249 = arith.constant 0 : i32
        %dma_wait3A_250 = tpu.memref_slice %arg4[%dma_wait3A_248, %dma_wait3A_249] : memref<10000x128xf32, #tpu.memory_space<hbm>> -> memref<10000x128xf32, #tpu.memory_space<hbm>>
        tpu.wait_indirect_dma semaphore(%arg11 : memref<!tpu.dma_semaphore, #tpu.memory_space<semaphore_mem>>) src(%dma_wait3A_250 : memref<10000x128xf32, #tpu.memory_space<hbm>>) dst(%dma_wait3A_244 : memref<64x128xf32, #tpu.memory_space<vmem>>)
        %run_scoped3A = arith.constant 0 : i32
        "tpu.region"() ({
          %run_scoped3A_321 = tpu.sem_alloc : memref<!tpu.dma_semaphore, #tpu.memory_space<semaphore_mem>>
          %dma_start3A_322 = arith.constant 0 : i32
          %dma_start3A_323 = arith.constant 0 : i32
          %dma_start3A_324 = tpu.memref_slice %arg9[%run_scoped3A, %dma_start3A_322, %dma_start3A_323] : memref<4x64x128xf32, #tpu.memory_space<vmem>> -> memref<1x64x128xf32, #tpu.memory_space<vmem>>
          %dma_start3A_325 = tpu.memref_squeeze %dma_start3A_324 : memref<1x64x128xf32, #tpu.memory_space<vmem>> -> memref<64x128xf32, #tpu.memory_space<vmem>>
          %dma_start3A_326 = arith.constant 0 : i32
          %dma_start3A_327 = tpu.memref_slice %arg8[%add3A_240, %dma_start3A_326] : memref<40x64xi32, #tpu.memory_space<vmem>> -> memref<1x64xi32, #tpu.memory_space<vmem>>
          %dma_start3A_328 = tpu.memref_squeeze %dma_start3A_327 : memref<1x64xi32, #tpu.memory_space<vmem>> -> memref<64xi32, #tpu.memory_space<vmem>>
          %dma_start3A_329 = arith.constant 0 : i32
          %dma_start3A_330 = arith.constant 0 : i32
          %dma_start3A_331 = tpu.memref_slice %arg10[%dma_start3A_329, %dma_start3A_330] : memref<10112x128xf32, #tpu.memory_space<vmem_shared>> -> memref<10112x128xf32, #tpu.memory_space<vmem_shared>>
          tpu.enqueue_indirect_dma source(%dma_start3A_325 : memref<64x128xf32, #tpu.memory_space<vmem>>) target(%dma_start3A_331 : memref<10112x128xf32, #tpu.memory_space<vmem_shared>>) offsets(%dma_start3A_328 : memref<64xi32, #tpu.memory_space<vmem>>) semaphore(%run_scoped3A_321 : memref<!tpu.dma_semaphore, #tpu.memory_space<semaphore_mem>>) {add = true}
          %dma_wait3A_332 = arith.constant 0 : i32
          %dma_wait3A_333 = arith.constant 0 : i32
          %dma_wait3A_334 = tpu.memref_slice %arg9[%run_scoped3A, %dma_wait3A_332, %dma_wait3A_333] : memref<4x64x128xf32, #tpu.memory_space<vmem>> -> memref<1x64x128xf32, #tpu.memory_space<vmem>>
          %dma_wait3A_335 = tpu.memref_squeeze %dma_wait3A_334 : memref<1x64x128xf32, #tpu.memory_space<vmem>> -> memref<64x128xf32, #tpu.memory_space<vmem>>
          %dma_wait3A_336 = arith.constant 0 : i32
          %dma_wait3A_337 = tpu.memref_slice %arg8[%add3A_240, %dma_wait3A_336] : memref<40x64xi32, #tpu.memory_space<vmem>> -> memref<1x64xi32, #tpu.memory_space<vmem>>
          %dma_wait3A_338 = tpu.memref_squeeze %dma_wait3A_337 : memref<1x64xi32, #tpu.memory_space<vmem>> -> memref<64xi32, #tpu.memory_space<vmem>>
          %dma_wait3A_339 = arith.constant 0 : i32
          %dma_wait3A_340 = arith.constant 0 : i32
          %dma_wait3A_341 = tpu.memref_slice %arg10[%dma_wait3A_339, %dma_wait3A_340] : memref<10112x128xf32, #tpu.memory_space<vmem_shared>> -> memref<10112x128xf32, #tpu.memory_space<vmem_shared>>
          tpu.wait_indirect_dma semaphore(%run_scoped3A_321 : memref<!tpu.dma_semaphore, #tpu.memory_space<semaphore_mem>>) src(%dma_wait3A_335 : memref<64x128xf32, #tpu.memory_space<vmem>>) dst(%dma_wait3A_341 : memref<10112x128xf32, #tpu.memory_space<vmem_shared>>)
          tpu.yield
        }) : () -> ()
        %add3A_251 = arith.constant 4 : i32
        %add3A_252 = arith.addi %add3A_240, %add3A_251 : i32
        %lt3A_253 = arith.constant 32 : i32
        %lt3A_254 = arith.cmpi slt, %add3A_252, %lt3A_253 : i32
        %convert_element_type3A_255 = arith.extui %lt3A_254 : i1 to i32
        %cond3A_256 = arith.constant 0 : i32
        %cond3A_257 = arith.cmpi ne, %convert_element_type3A_255, %cond3A_256 : i32
        scf.if %cond3A_257 {
          %dma_start3A_321 = arith.constant 0 : i32
          %dma_start3A_322 = arith.constant 0 : i32
          %dma_start3A_323 = arith.constant 0 : i32
          %dma_start3A_324 = tpu.memref_slice %arg9[%dma_start3A_321, %dma_start3A_322, %dma_start3A_323] : memref<4x64x128xf32, #tpu.memory_space<vmem>> -> memref<1x64x128xf32, #tpu.memory_space<vmem>>
          %dma_start3A_325 = tpu.memref_squeeze %dma_start3A_324 : memref<1x64x128xf32, #tpu.memory_space<vmem>> -> memref<64x128xf32, #tpu.memory_space<vmem>>
          %dma_start3A_326 = arith.constant 0 : i32
          %dma_start3A_327 = tpu.memref_slice %arg7[%add3A_252, %dma_start3A_326] : memref<40x64xi32, #tpu.memory_space<vmem>> -> memref<1x64xi32, #tpu.memory_space<vmem>>
          %dma_start3A_328 = tpu.memref_squeeze %dma_start3A_327 : memref<1x64xi32, #tpu.memory_space<vmem>> -> memref<64xi32, #tpu.memory_space<vmem>>
          %dma_start3A_329 = arith.constant 0 : i32
          %dma_start3A_330 = arith.constant 0 : i32
          %dma_start3A_331 = tpu.memref_slice %arg4[%dma_start3A_329, %dma_start3A_330] : memref<10000x128xf32, #tpu.memory_space<hbm>> -> memref<10000x128xf32, #tpu.memory_space<hbm>>
          tpu.enqueue_indirect_dma source(%dma_start3A_331 : memref<10000x128xf32, #tpu.memory_space<hbm>>) target(%dma_start3A_325 : memref<64x128xf32, #tpu.memory_space<vmem>>) offsets(%dma_start3A_328 : memref<64xi32, #tpu.memory_space<vmem>>) semaphore(%arg11 : memref<!tpu.dma_semaphore, #tpu.memory_space<semaphore_mem>>)
        } else {
        }
        %add3A_258 = arith.constant 1 : i32
        %add3A_259 = arith.addi %mul3A_238, %add3A_258 : i32
        %dma_wait3A_260 = arith.constant 1 : i32
        %dma_wait3A_261 = arith.constant 0 : i32
        %dma_wait3A_262 = arith.constant 0 : i32
        %dma_wait3A_263 = tpu.memref_slice %arg9[%dma_wait3A_260, %dma_wait3A_261, %dma_wait3A_262] : memref<4x64x128xf32, #tpu.memory_space<vmem>> -> memref<1x64x128xf32, #tpu.memory_space<vmem>>
        %dma_wait3A_264 = tpu.memref_squeeze %dma_wait3A_263 : memref<1x64x128xf32, #tpu.memory_space<vmem>> -> memref<64x128xf32, #tpu.memory_space<vmem>>
        %dma_wait3A_265 = arith.constant 0 : i32
        %dma_wait3A_266 = tpu.memref_slice %arg7[%add3A_259, %dma_wait3A_265] : memref<40x64xi32, #tpu.memory_space<vmem>> -> memref<1x64xi32, #tpu.memory_space<vmem>>
        %dma_wait3A_267 = tpu.memref_squeeze %dma_wait3A_266 : memref<1x64xi32, #tpu.memory_space<vmem>> -> memref<64xi32, #tpu.memory_space<vmem>>
        %dma_wait3A_268 = arith.constant 0 : i32
        %dma_wait3A_269 = arith.constant 0 : i32
        %dma_wait3A_270 = tpu.memref_slice %arg4[%dma_wait3A_268, %dma_wait3A_269] : memref<10000x128xf32, #tpu.memory_space<hbm>> -> memref<10000x128xf32, #tpu.memory_space<hbm>>
        tpu.wait_indirect_dma semaphore(%arg12 : memref<!tpu.dma_semaphore, #tpu.memory_space<semaphore_mem>>) src(%dma_wait3A_270 : memref<10000x128xf32, #tpu.memory_space<hbm>>) dst(%dma_wait3A_264 : memref<64x128xf32, #tpu.memory_space<vmem>>)
        %run_scoped3A_271 = arith.constant 1 : i32
        "tpu.region"() ({
          %run_scoped3A_321 = tpu.sem_alloc : memref<!tpu.dma_semaphore, #tpu.memory_space<semaphore_mem>>
          %dma_start3A_322 = arith.constant 0 : i32
          %dma_start3A_323 = arith.constant 0 : i32
          %dma_start3A_324 = tpu.memref_slice %arg9[%run_scoped3A_271, %dma_start3A_322, %dma_start3A_323] : memref<4x64x128xf32, #tpu.memory_space<vmem>> -> memref<1x64x128xf32, #tpu.memory_space<vmem>>
          %dma_start3A_325 = tpu.memref_squeeze %dma_start3A_324 : memref<1x64x128xf32, #tpu.memory_space<vmem>> -> memref<64x128xf32, #tpu.memory_space<vmem>>
          %dma_start3A_326 = arith.constant 0 : i32
          %dma_start3A_327 = tpu.memref_slice %arg8[%add3A_259, %dma_start3A_326] : memref<40x64xi32, #tpu.memory_space<vmem>> -> memref<1x64xi32, #tpu.memory_space<vmem>>
          %dma_start3A_328 = tpu.memref_squeeze %dma_start3A_327 : memref<1x64xi32, #tpu.memory_space<vmem>> -> memref<64xi32, #tpu.memory_space<vmem>>
          %dma_start3A_329 = arith.constant 0 : i32
          %dma_start3A_330 = arith.constant 0 : i32
          %dma_start3A_331 = tpu.memref_slice %arg10[%dma_start3A_329, %dma_start3A_330] : memref<10112x128xf32, #tpu.memory_space<vmem_shared>> -> memref<10112x128xf32, #tpu.memory_space<vmem_shared>>
          tpu.enqueue_indirect_dma source(%dma_start3A_325 : memref<64x128xf32, #tpu.memory_space<vmem>>) target(%dma_start3A_331 : memref<10112x128xf32, #tpu.memory_space<vmem_shared>>) offsets(%dma_start3A_328 : memref<64xi32, #tpu.memory_space<vmem>>) semaphore(%run_scoped3A_321 : memref<!tpu.dma_semaphore, #tpu.memory_space<semaphore_mem>>) {add = true}
          %dma_wait3A_332 = arith.constant 0 : i32
          %dma_wait3A_333 = arith.constant 0 : i32
          %dma_wait3A_334 = tpu.memref_slice %arg9[%run_scoped3A_271, %dma_wait3A_332, %dma_wait3A_333] : memref<4x64x128xf32, #tpu.memory_space<vmem>> -> memref<1x64x128xf32, #tpu.memory_space<vmem>>
          %dma_wait3A_335 = tpu.memref_squeeze %dma_wait3A_334 : memref<1x64x128xf32, #tpu.memory_space<vmem>> -> memref<64x128xf32, #tpu.memory_space<vmem>>
          %dma_wait3A_336 = arith.constant 0 : i32
          %dma_wait3A_337 = tpu.memref_slice %arg8[%add3A_259, %dma_wait3A_336] : memref<40x64xi32, #tpu.memory_space<vmem>> -> memref<1x64xi32, #tpu.memory_space<vmem>>
          %dma_wait3A_338 = tpu.memref_squeeze %dma_wait3A_337 : memref<1x64xi32, #tpu.memory_space<vmem>> -> memref<64xi32, #tpu.memory_space<vmem>>
          %dma_wait3A_339 = arith.constant 0 : i32
          %dma_wait3A_340 = arith.constant 0 : i32
          %dma_wait3A_341 = tpu.memref_slice %arg10[%dma_wait3A_339, %dma_wait3A_340] : memref<10112x128xf32, #tpu.memory_space<vmem_shared>> -> memref<10112x128xf32, #tpu.memory_space<vmem_shared>>
          tpu.wait_indirect_dma semaphore(%run_scoped3A_321 : memref<!tpu.dma_semaphore, #tpu.memory_space<semaphore_mem>>) src(%dma_wait3A_335 : memref<64x128xf32, #tpu.memory_space<vmem>>) dst(%dma_wait3A_341 : memref<10112x128xf32, #tpu.memory_space<vmem_shared>>)
          tpu.yield
        }) : () -> ()
        %add3A_272 = arith.constant 4 : i32
        %add3A_273 = arith.addi %add3A_259, %add3A_272 : i32
        %lt3A_274 = arith.constant 32 : i32
        %lt3A_275 = arith.cmpi slt, %add3A_273, %lt3A_274 : i32
        %convert_element_type3A_276 = arith.extui %lt3A_275 : i1 to i32
        %cond3A_277 = arith.constant 0 : i32
        %cond3A_278 = arith.cmpi ne, %convert_element_type3A_276, %cond3A_277 : i32
        scf.if %cond3A_278 {
          %dma_start3A_321 = arith.constant 1 : i32
          %dma_start3A_322 = arith.constant 0 : i32
          %dma_start3A_323 = arith.constant 0 : i32
          %dma_start3A_324 = tpu.memref_slice %arg9[%dma_start3A_321, %dma_start3A_322, %dma_start3A_323] : memref<4x64x128xf32, #tpu.memory_space<vmem>> -> memref<1x64x128xf32, #tpu.memory_space<vmem>>
          %dma_start3A_325 = tpu.memref_squeeze %dma_start3A_324 : memref<1x64x128xf32, #tpu.memory_space<vmem>> -> memref<64x128xf32, #tpu.memory_space<vmem>>
          %dma_start3A_326 = arith.constant 0 : i32
          %dma_start3A_327 = tpu.memref_slice %arg7[%add3A_273, %dma_start3A_326] : memref<40x64xi32, #tpu.memory_space<vmem>> -> memref<1x64xi32, #tpu.memory_space<vmem>>
          %dma_start3A_328 = tpu.memref_squeeze %dma_start3A_327 : memref<1x64xi32, #tpu.memory_space<vmem>> -> memref<64xi32, #tpu.memory_space<vmem>>
          %dma_start3A_329 = arith.constant 0 : i32
          %dma_start3A_330 = arith.constant 0 : i32
          %dma_start3A_331 = tpu.memref_slice %arg4[%dma_start3A_329, %dma_start3A_330] : memref<10000x128xf32, #tpu.memory_space<hbm>> -> memref<10000x128xf32, #tpu.memory_space<hbm>>
          tpu.enqueue_indirect_dma source(%dma_start3A_331 : memref<10000x128xf32, #tpu.memory_space<hbm>>) target(%dma_start3A_325 : memref<64x128xf32, #tpu.memory_space<vmem>>) offsets(%dma_start3A_328 : memref<64xi32, #tpu.memory_space<vmem>>) semaphore(%arg12 : memref<!tpu.dma_semaphore, #tpu.memory_space<semaphore_mem>>)
        } else {
        }
        %add3A_279 = arith.constant 2 : i32
        %add3A_280 = arith.addi %mul3A_238, %add3A_279 : i32
        %dma_wait3A_281 = arith.constant 2 : i32
        %dma_wait3A_282 = arith.constant 0 : i32
        %dma_wait3A_283 = arith.constant 0 : i32
        %dma_wait3A_284 = tpu.memref_slice %arg9[%dma_wait3A_281, %dma_wait3A_282, %dma_wait3A_283] : memref<4x64x128xf32, #tpu.memory_space<vmem>> -> memref<1x64x128xf32, #tpu.memory_space<vmem>>
        %dma_wait3A_285 = tpu.memref_squeeze %dma_wait3A_284 : memref<1x64x128xf32, #tpu.memory_space<vmem>> -> memref<64x128xf32, #tpu.memory_space<vmem>>
        %dma_wait3A_286 = arith.constant 0 : i32
        %dma_wait3A_287 = tpu.memref_slice %arg7[%add3A_280, %dma_wait3A_286] : memref<40x64xi32, #tpu.memory_space<vmem>> -> memref<1x64xi32, #tpu.memory_space<vmem>>
        %dma_wait3A_288 = tpu.memref_squeeze %dma_wait3A_287 : memref<1x64xi32, #tpu.memory_space<vmem>> -> memref<64xi32, #tpu.memory_space<vmem>>
        %dma_wait3A_289 = arith.constant 0 : i32
        %dma_wait3A_290 = arith.constant 0 : i32
        %dma_wait3A_291 = tpu.memref_slice %arg4[%dma_wait3A_289, %dma_wait3A_290] : memref<10000x128xf32, #tpu.memory_space<hbm>> -> memref<10000x128xf32, #tpu.memory_space<hbm>>
        tpu.wait_indirect_dma semaphore(%arg13 : memref<!tpu.dma_semaphore, #tpu.memory_space<semaphore_mem>>) src(%dma_wait3A_291 : memref<10000x128xf32, #tpu.memory_space<hbm>>) dst(%dma_wait3A_285 : memref<64x128xf32, #tpu.memory_space<vmem>>)
        %run_scoped3A_292 = arith.constant 2 : i32
        "tpu.region"() ({
          %run_scoped3A_321 = tpu.sem_alloc : memref<!tpu.dma_semaphore, #tpu.memory_space<semaphore_mem>>
          %dma_start3A_322 = arith.constant 0 : i32
          %dma_start3A_323 = arith.constant 0 : i32
          %dma_start3A_324 = tpu.memref_slice %arg9[%run_scoped3A_292, %dma_start3A_322, %dma_start3A_323] : memref<4x64x128xf32, #tpu.memory_space<vmem>> -> memref<1x64x128xf32, #tpu.memory_space<vmem>>
          %dma_start3A_325 = tpu.memref_squeeze %dma_start3A_324 : memref<1x64x128xf32, #tpu.memory_space<vmem>> -> memref<64x128xf32, #tpu.memory_space<vmem>>
          %dma_start3A_326 = arith.constant 0 : i32
          %dma_start3A_327 = tpu.memref_slice %arg8[%add3A_280, %dma_start3A_326] : memref<40x64xi32, #tpu.memory_space<vmem>> -> memref<1x64xi32, #tpu.memory_space<vmem>>
          %dma_start3A_328 = tpu.memref_squeeze %dma_start3A_327 : memref<1x64xi32, #tpu.memory_space<vmem>> -> memref<64xi32, #tpu.memory_space<vmem>>
          %dma_start3A_329 = arith.constant 0 : i32
          %dma_start3A_330 = arith.constant 0 : i32
          %dma_start3A_331 = tpu.memref_slice %arg10[%dma_start3A_329, %dma_start3A_330] : memref<10112x128xf32, #tpu.memory_space<vmem_shared>> -> memref<10112x128xf32, #tpu.memory_space<vmem_shared>>
          tpu.enqueue_indirect_dma source(%dma_start3A_325 : memref<64x128xf32, #tpu.memory_space<vmem>>) target(%dma_start3A_331 : memref<10112x128xf32, #tpu.memory_space<vmem_shared>>) offsets(%dma_start3A_328 : memref<64xi32, #tpu.memory_space<vmem>>) semaphore(%run_scoped3A_321 : memref<!tpu.dma_semaphore, #tpu.memory_space<semaphore_mem>>) {add = true}
          %dma_wait3A_332 = arith.constant 0 : i32
          %dma_wait3A_333 = arith.constant 0 : i32
          %dma_wait3A_334 = tpu.memref_slice %arg9[%run_scoped3A_292, %dma_wait3A_332, %dma_wait3A_333] : memref<4x64x128xf32, #tpu.memory_space<vmem>> -> memref<1x64x128xf32, #tpu.memory_space<vmem>>
          %dma_wait3A_335 = tpu.memref_squeeze %dma_wait3A_334 : memref<1x64x128xf32, #tpu.memory_space<vmem>> -> memref<64x128xf32, #tpu.memory_space<vmem>>
          %dma_wait3A_336 = arith.constant 0 : i32
          %dma_wait3A_337 = tpu.memref_slice %arg8[%add3A_280, %dma_wait3A_336] : memref<40x64xi32, #tpu.memory_space<vmem>> -> memref<1x64xi32, #tpu.memory_space<vmem>>
          %dma_wait3A_338 = tpu.memref_squeeze %dma_wait3A_337 : memref<1x64xi32, #tpu.memory_space<vmem>> -> memref<64xi32, #tpu.memory_space<vmem>>
          %dma_wait3A_339 = arith.constant 0 : i32
          %dma_wait3A_340 = arith.constant 0 : i32
          %dma_wait3A_341 = tpu.memref_slice %arg10[%dma_wait3A_339, %dma_wait3A_340] : memref<10112x128xf32, #tpu.memory_space<vmem_shared>> -> memref<10112x128xf32, #tpu.memory_space<vmem_shared>>
          tpu.wait_indirect_dma semaphore(%run_scoped3A_321 : memref<!tpu.dma_semaphore, #tpu.memory_space<semaphore_mem>>) src(%dma_wait3A_335 : memref<64x128xf32, #tpu.memory_space<vmem>>) dst(%dma_wait3A_341 : memref<10112x128xf32, #tpu.memory_space<vmem_shared>>)
          tpu.yield
        }) : () -> ()
        %add3A_293 = arith.constant 4 : i32
        %add3A_294 = arith.addi %add3A_280, %add3A_293 : i32
        %lt3A_295 = arith.constant 32 : i32
        %lt3A_296 = arith.cmpi slt, %add3A_294, %lt3A_295 : i32
        %convert_element_type3A_297 = arith.extui %lt3A_296 : i1 to i32
        %cond3A_298 = arith.constant 0 : i32
        %cond3A_299 = arith.cmpi ne, %convert_element_type3A_297, %cond3A_298 : i32
        scf.if %cond3A_299 {
          %dma_start3A_321 = arith.constant 2 : i32
          %dma_start3A_322 = arith.constant 0 : i32
          %dma_start3A_323 = arith.constant 0 : i32
          %dma_start3A_324 = tpu.memref_slice %arg9[%dma_start3A_321, %dma_start3A_322, %dma_start3A_323] : memref<4x64x128xf32, #tpu.memory_space<vmem>> -> memref<1x64x128xf32, #tpu.memory_space<vmem>>
          %dma_start3A_325 = tpu.memref_squeeze %dma_start3A_324 : memref<1x64x128xf32, #tpu.memory_space<vmem>> -> memref<64x128xf32, #tpu.memory_space<vmem>>
          %dma_start3A_326 = arith.constant 0 : i32
          %dma_start3A_327 = tpu.memref_slice %arg7[%add3A_294, %dma_start3A_326] : memref<40x64xi32, #tpu.memory_space<vmem>> -> memref<1x64xi32, #tpu.memory_space<vmem>>
          %dma_start3A_328 = tpu.memref_squeeze %dma_start3A_327 : memref<1x64xi32, #tpu.memory_space<vmem>> -> memref<64xi32, #tpu.memory_space<vmem>>
          %dma_start3A_329 = arith.constant 0 : i32
          %dma_start3A_330 = arith.constant 0 : i32
          %dma_start3A_331 = tpu.memref_slice %arg4[%dma_start3A_329, %dma_start3A_330] : memref<10000x128xf32, #tpu.memory_space<hbm>> -> memref<10000x128xf32, #tpu.memory_space<hbm>>
          tpu.enqueue_indirect_dma source(%dma_start3A_331 : memref<10000x128xf32, #tpu.memory_space<hbm>>) target(%dma_start3A_325 : memref<64x128xf32, #tpu.memory_space<vmem>>) offsets(%dma_start3A_328 : memref<64xi32, #tpu.memory_space<vmem>>) semaphore(%arg13 : memref<!tpu.dma_semaphore, #tpu.memory_space<semaphore_mem>>)
        } else {
        }
        %add3A_300 = arith.constant 3 : i32
        %add3A_301 = arith.addi %mul3A_238, %add3A_300 : i32
        %dma_wait3A_302 = arith.constant 3 : i32
        %dma_wait3A_303 = arith.constant 0 : i32
        %dma_wait3A_304 = arith.constant 0 : i32
        %dma_wait3A_305 = tpu.memref_slice %arg9[%dma_wait3A_302, %dma_wait3A_303, %dma_wait3A_304] : memref<4x64x128xf32, #tpu.memory_space<vmem>> -> memref<1x64x128xf32, #tpu.memory_space<vmem>>
        %dma_wait3A_306 = tpu.memref_squeeze %dma_wait3A_305 : memref<1x64x128xf32, #tpu.memory_space<vmem>> -> memref<64x128xf32, #tpu.memory_space<vmem>>
        %dma_wait3A_307 = arith.constant 0 : i32
        %dma_wait3A_308 = tpu.memref_slice %arg7[%add3A_301, %dma_wait3A_307] : memref<40x64xi32, #tpu.memory_space<vmem>> -> memref<1x64xi32, #tpu.memory_space<vmem>>
        %dma_wait3A_309 = tpu.memref_squeeze %dma_wait3A_308 : memref<1x64xi32, #tpu.memory_space<vmem>> -> memref<64xi32, #tpu.memory_space<vmem>>
        %dma_wait3A_310 = arith.constant 0 : i32
        %dma_wait3A_311 = arith.constant 0 : i32
        %dma_wait3A_312 = tpu.memref_slice %arg4[%dma_wait3A_310, %dma_wait3A_311] : memref<10000x128xf32, #tpu.memory_space<hbm>> -> memref<10000x128xf32, #tpu.memory_space<hbm>>
        tpu.wait_indirect_dma semaphore(%arg14 : memref<!tpu.dma_semaphore, #tpu.memory_space<semaphore_mem>>) src(%dma_wait3A_312 : memref<10000x128xf32, #tpu.memory_space<hbm>>) dst(%dma_wait3A_306 : memref<64x128xf32, #tpu.memory_space<vmem>>)
        %run_scoped3A_313 = arith.constant 3 : i32
        "tpu.region"() ({
          %run_scoped3A_321 = tpu.sem_alloc : memref<!tpu.dma_semaphore, #tpu.memory_space<semaphore_mem>>
          %dma_start3A_322 = arith.constant 0 : i32
          %dma_start3A_323 = arith.constant 0 : i32
          %dma_start3A_324 = tpu.memref_slice %arg9[%run_scoped3A_313, %dma_start3A_322, %dma_start3A_323] : memref<4x64x128xf32, #tpu.memory_space<vmem>> -> memref<1x64x128xf32, #tpu.memory_space<vmem>>
          %dma_start3A_325 = tpu.memref_squeeze %dma_start3A_324 : memref<1x64x128xf32, #tpu.memory_space<vmem>> -> memref<64x128xf32, #tpu.memory_space<vmem>>
          %dma_start3A_326 = arith.constant 0 : i32
          %dma_start3A_327 = tpu.memref_slice %arg8[%add3A_301, %dma_start3A_326] : memref<40x64xi32, #tpu.memory_space<vmem>> -> memref<1x64xi32, #tpu.memory_space<vmem>>
          %dma_start3A_328 = tpu.memref_squeeze %dma_start3A_327 : memref<1x64xi32, #tpu.memory_space<vmem>> -> memref<64xi32, #tpu.memory_space<vmem>>
          %dma_start3A_329 = arith.constant 0 : i32
          %dma_start3A_330 = arith.constant 0 : i32
          %dma_start3A_331 = tpu.memref_slice %arg10[%dma_start3A_329, %dma_start3A_330] : memref<10112x128xf32, #tpu.memory_space<vmem_shared>> -> memref<10112x128xf32, #tpu.memory_space<vmem_shared>>
          tpu.enqueue_indirect_dma source(%dma_start3A_325 : memref<64x128xf32, #tpu.memory_space<vmem>>) target(%dma_start3A_331 : memref<10112x128xf32, #tpu.memory_space<vmem_shared>>) offsets(%dma_start3A_328 : memref<64xi32, #tpu.memory_space<vmem>>) semaphore(%run_scoped3A_321 : memref<!tpu.dma_semaphore, #tpu.memory_space<semaphore_mem>>) {add = true}
          %dma_wait3A_332 = arith.constant 0 : i32
          %dma_wait3A_333 = arith.constant 0 : i32
          %dma_wait3A_334 = tpu.memref_slice %arg9[%run_scoped3A_313, %dma_wait3A_332, %dma_wait3A_333] : memref<4x64x128xf32, #tpu.memory_space<vmem>> -> memref<1x64x128xf32, #tpu.memory_space<vmem>>
          %dma_wait3A_335 = tpu.memref_squeeze %dma_wait3A_334 : memref<1x64x128xf32, #tpu.memory_space<vmem>> -> memref<64x128xf32, #tpu.memory_space<vmem>>
          %dma_wait3A_336 = arith.constant 0 : i32
          %dma_wait3A_337 = tpu.memref_slice %arg8[%add3A_301, %dma_wait3A_336] : memref<40x64xi32, #tpu.memory_space<vmem>> -> memref<1x64xi32, #tpu.memory_space<vmem>>
          %dma_wait3A_338 = tpu.memref_squeeze %dma_wait3A_337 : memref<1x64xi32, #tpu.memory_space<vmem>> -> memref<64xi32, #tpu.memory_space<vmem>>
          %dma_wait3A_339 = arith.constant 0 : i32
          %dma_wait3A_340 = arith.constant 0 : i32
          %dma_wait3A_341 = tpu.memref_slice %arg10[%dma_wait3A_339, %dma_wait3A_340] : memref<10112x128xf32, #tpu.memory_space<vmem_shared>> -> memref<10112x128xf32, #tpu.memory_space<vmem_shared>>
          tpu.wait_indirect_dma semaphore(%run_scoped3A_321 : memref<!tpu.dma_semaphore, #tpu.memory_space<semaphore_mem>>) src(%dma_wait3A_335 : memref<64x128xf32, #tpu.memory_space<vmem>>) dst(%dma_wait3A_341 : memref<10112x128xf32, #tpu.memory_space<vmem_shared>>)
          tpu.yield
        }) : () -> ()
        %add3A_314 = arith.constant 4 : i32
        %add3A_315 = arith.addi %add3A_301, %add3A_314 : i32
        %lt3A_316 = arith.constant 32 : i32
        %lt3A_317 = arith.cmpi slt, %add3A_315, %lt3A_316 : i32
        %convert_element_type3A_318 = arith.extui %lt3A_317 : i1 to i32
        %cond3A_319 = arith.constant 0 : i32
        %cond3A_320 = arith.cmpi ne, %convert_element_type3A_318, %cond3A_319 : i32
        scf.if %cond3A_320 {
          %dma_start3A_321 = arith.constant 3 : i32
          %dma_start3A_322 = arith.constant 0 : i32
          %dma_start3A_323 = arith.constant 0 : i32
          %dma_start3A_324 = tpu.memref_slice %arg9[%dma_start3A_321, %dma_start3A_322, %dma_start3A_323] : memref<4x64x128xf32, #tpu.memory_space<vmem>> -> memref<1x64x128xf32, #tpu.memory_space<vmem>>
          %dma_start3A_325 = tpu.memref_squeeze %dma_start3A_324 : memref<1x64x128xf32, #tpu.memory_space<vmem>> -> memref<64x128xf32, #tpu.memory_space<vmem>>
          %dma_start3A_326 = arith.constant 0 : i32
          %dma_start3A_327 = tpu.memref_slice %arg7[%add3A_315, %dma_start3A_326] : memref<40x64xi32, #tpu.memory_space<vmem>> -> memref<1x64xi32, #tpu.memory_space<vmem>>
          %dma_start3A_328 = tpu.memref_squeeze %dma_start3A_327 : memref<1x64xi32, #tpu.memory_space<vmem>> -> memref<64xi32, #tpu.memory_space<vmem>>
          %dma_start3A_329 = arith.constant 0 : i32
          %dma_start3A_330 = arith.constant 0 : i32
          %dma_start3A_331 = tpu.memref_slice %arg4[%dma_start3A_329, %dma_start3A_330] : memref<10000x128xf32, #tpu.memory_space<hbm>> -> memref<10000x128xf32, #tpu.memory_space<hbm>>
          tpu.enqueue_indirect_dma source(%dma_start3A_331 : memref<10000x128xf32, #tpu.memory_space<hbm>>) target(%dma_start3A_325 : memref<64x128xf32, #tpu.memory_space<vmem>>) offsets(%dma_start3A_328 : memref<64xi32, #tpu.memory_space<vmem>>) semaphore(%arg14 : memref<!tpu.dma_semaphore, #tpu.memory_space<semaphore_mem>>)
        } else {
        }
      }
      %scan3A_235 = arith.constant 8 : i32
    } else {
    }
    %barrier3A = arith.constant 0 : index
    tpu.barrier barrier_id(%barrier3A)
    "tpu.region"() ({
      %run_scoped3A = tpu.sem_alloc : memref<!tpu.dma_semaphore, #tpu.memory_space<semaphore_mem>>
      %dma_start3A = arith.constant 0 : i32
      %dma_start3A_9 = tpu.memref_slice %arg6[%arg0, %mul3A_2, %dma_start3A] : memref<2x10112x128xf32, #tpu.memory_space<hbm>> -> memref<1x632x128xf32, #tpu.memory_space<hbm>>
      %dma_start3A_10 = tpu.memref_squeeze %dma_start3A_9 : memref<1x632x128xf32, #tpu.memory_space<hbm>> -> memref<632x128xf32, #tpu.memory_space<hbm>>
      %dma_start3A_11 = arith.constant 0 : i32
      %dma_start3A_12 = tpu.memref_slice %arg10[%mul3A_2, %dma_start3A_11] : memref<10112x128xf32, #tpu.memory_space<vmem_shared>> -> memref<632x128xf32, #tpu.memory_space<vmem_shared>>
      tpu.enqueue_dma source(%dma_start3A_12 : memref<632x128xf32, #tpu.memory_space<vmem_shared>>) target(%dma_start3A_10 : memref<632x128xf32, #tpu.memory_space<hbm>>) target_semaphore(%run_scoped3A : memref<!tpu.dma_semaphore, #tpu.memory_space<semaphore_mem>>)
      %dma_wait3A = arith.constant 0 : i32
      %dma_wait3A_13 = tpu.memref_slice %arg6[%arg0, %mul3A_2, %dma_wait3A] : memref<2x10112x128xf32, #tpu.memory_space<hbm>> -> memref<1x632x128xf32, #tpu.memory_space<hbm>>
      %dma_wait3A_14 = tpu.memref_squeeze %dma_wait3A_13 : memref<1x632x128xf32, #tpu.memory_space<hbm>> -> memref<632x128xf32, #tpu.memory_space<hbm>>
      %dma_wait3A_15 = arith.constant 0 : i32
      %dma_wait3A_16 = tpu.memref_slice %arg10[%mul3A_2, %dma_wait3A_15] : memref<10112x128xf32, #tpu.memory_space<vmem_shared>> -> memref<632x128xf32, #tpu.memory_space<vmem_shared>>
      tpu.wait_dma2 semaphore(%run_scoped3A : memref<!tpu.dma_semaphore, #tpu.memory_space<semaphore_mem>>) src(%dma_wait3A_16 : memref<632x128xf32, #tpu.memory_space<vmem_shared>>) dst(%dma_wait3A_14 : memref<632x128xf32, #tpu.memory_space<hbm>>)
      tpu.yield
    }) : () -> ()
    return
  }
}

module attributes {stable_mosaic.version = 14 : i64} {
  func.func @_prenorm_body(%arg0: memref<10000x128xf32, #tpu.memory_space<vmem>>, %arg1: memref<10000x1xf32, #tpu.memory_space<vmem>>, %arg2: memref<10000x128xf32, #tpu.memory_space<vmem>>) attributes {dimension_semantics = [], scalar_prefetch = 0 : i64, scratch_operands = 0 : i64, tpu.core_type = #tpu.core_type<tc>} {
    %get3A = arith.constant 0 : index
    %get3A_0 = arith.constant 0 : index
    %get3A_1 = vector.load %arg0[%get3A, %get3A_0] : memref<10000x128xf32, #tpu.memory_space<vmem>>, vector<10000x128xf32>
    %get3A_2 = arith.constant 0 : index
    %get3A_3 = arith.constant 0 : index
    %get3A_4 = vector.load %arg1[%get3A_2, %get3A_3] : memref<10000x1xf32, #tpu.memory_space<vmem>>, vector<10000x1xf32>
    %div3A = vector.broadcast %get3A_4 : vector<10000x1xf32> to vector<10000x128xf32>
    %div3A_5 = arith.divf %get3A_1, %div3A : vector<10000x128xf32>
    %swap3A = arith.constant 0 : index
    %swap3A_6 = arith.constant 0 : index
    %swap3A_7 = vector.load %arg2[%swap3A, %swap3A_6] : memref<10000x128xf32, #tpu.memory_space<vmem>>, vector<10000x128xf32>
    tpu.vector_store %arg2[%swap3A, %swap3A_6], %div3A_5 {strides = array<i32>} : memref<10000x128xf32, #tpu.memory_space<vmem>>, vector<10000x128xf32>,
    return
  }
}

module attributes {stable_mosaic.version = 14 : i64} {
  func.func @_postnorm_matmul_body(%arg0: memref<2x10112x128xf32, #tpu.memory_space<vmem>>, %arg1: memref<10000x1xf32, #tpu.memory_space<vmem>>, %arg2: memref<128x128xf32, #tpu.memory_space<vmem>>, %arg3: memref<1x128xf32, #tpu.memory_space<vmem>>, %arg4: memref<10000x128xf32, #tpu.memory_space<vmem>>) attributes {dimension_semantics = [], scalar_prefetch = 0 : i64, scratch_operands = 0 : i64, tpu.core_type = #tpu.core_type<tc>} {
    %get3A = arith.constant 0 : index
    %get3A_0 = arith.constant 0 : index
    %get3A_1 = arith.constant 0 : index
    %get3A_2 = vector.load %arg0[%get3A, %get3A_0, %get3A_1] : memref<2x10112x128xf32, #tpu.memory_space<vmem>>, vector<1x10000x128xf32>
    %get3A_3 = vector.shape_cast %get3A_2 : vector<1x10000x128xf32> to vector<10000x128xf32>
    %get3A_4 = arith.constant 1 : index
    %get3A_5 = arith.constant 0 : index
    %get3A_6 = arith.constant 0 : index
    %get3A_7 = vector.load %arg0[%get3A_4, %get3A_5, %get3A_6] : memref<2x10112x128xf32, #tpu.memory_space<vmem>>, vector<1x10000x128xf32>
    %get3A_8 = vector.shape_cast %get3A_7 : vector<1x10000x128xf32> to vector<10000x128xf32>
    %add3A = arith.addf %get3A_3, %get3A_8 : vector<10000x128xf32>
    %get3A_9 = arith.constant 0 : index
    %get3A_10 = arith.constant 0 : index
    %get3A_11 = vector.load %arg1[%get3A_9, %get3A_10] : memref<10000x1xf32, #tpu.memory_space<vmem>>, vector<10000x1xf32>
    %div3A = vector.broadcast %get3A_11 : vector<10000x1xf32> to vector<10000x128xf32>
    %div3A_12 = arith.divf %add3A, %div3A : vector<10000x128xf32>
    %get3A_13 = arith.constant 0 : index
    %get3A_14 = arith.constant 0 : index
    %get3A_15 = vector.load %arg2[%get3A_13, %get3A_14] : memref<128x128xf32, #tpu.memory_space<vmem>>, vector<128x128xf32>
    %dot_general3A = arith.constant dense<0.000000e+00> : vector<10000x128xf32>
    %dot_general3A_16 = tpu.matmul %div3A_12, %get3A_15, %dot_general3A {dimension_numbers = #tpu.dot_dimension_numbers<[1], [1], [0], [0], [0, 0, 1, 0], [], []>, transpose_lhs_hint = false} : vector<10000x128xf32>, vector<128x128xf32>, vector<10000x128xf32> -> vector<10000x128xf32>
    %get3A_17 = arith.constant 0 : index
    %get3A_18 = arith.constant 0 : index
    %get3A_19 = vector.load %arg3[%get3A_17, %get3A_18] : memref<1x128xf32, #tpu.memory_space<vmem>>, vector<1x128xf32>
    %add3A_20 = vector.broadcast %get3A_19 : vector<1x128xf32> to vector<10000x128xf32>
    %add3A_21 = arith.addf %dot_general3A_16, %add3A_20 : vector<10000x128xf32>
    %swap3A = arith.constant 0 : index
    %swap3A_22 = arith.constant 0 : index
    %swap3A_23 = vector.load %arg4[%swap3A, %swap3A_22] : memref<10000x128xf32, #tpu.memory_space<vmem>>, vector<10000x128xf32>
    tpu.vector_store %arg4[%swap3A, %swap3A_22], %add3A_21 {strides = array<i32>} : memref<10000x128xf32, #tpu.memory_space<vmem>>, vector<10000x128xf32>,
    return
  }
}

</mosaic_0001>

<sc_bundles>
// kernel: kernel.5.cloned.1.call-start
scs
__scs_entry_jumppad:
0x0: {  	(pc) =	sbr.rel $0x88, $3  }
0x1: {  	(tag) =	ssettag $0x0;
	lr =	simm.s32 $0x1  }
0x2: {  	[smem:$0x3F9B] =	sst lr;
	_ =	strace $0xD0000000  }
0x3: {  	_ = 	snop  }
0x4: {  	_ = 	snop  }
0x5: {  	_ = 	snop  }
0x6: {  	_ = 	snop  }
0x7: {  	_ = 	snop  }
__scs_overlays_trampoline_lowered:
0x8: {  	[smem:$0x3FAA] =	sst s0  }
0x9: {  	[smem:$0x3FAB] =	sst s1  }
0xa: {  	[smem:$0x3FAC] =	sst s2  }
0xb: {  	[smem:$0x3FAD] =	sst s3  }
0xc: {  	[smem:$0x3FAE] =	sst s4  }
0xd: {  	[smem:$0x3FAF] =	sst s5  }
0xe: {  	[smem:$0x3FB0] =	sst s6  }
0xf: {  	[smem:$0x3FB1] =	sst s7  }
0x10: {  	[smem:$0x3FB2] =	sst s8  }
0x11: {  	[smem:$0x3FB3] =	sst s9;
	s0 =	simm.s32 @!p0 $0x0  }
0x12: {  	s1 =	sld [smem:$0x3F99];
	s0 =	simm.s32 @p0 $0x1  }
0x13: {  	[smem:$0x3FB4] =	sst s0;
	s0 =	simm.s32 @!p1 $0x0  }
0x14: {  	s2 =	sld [smem:$0x3F98];
	s0 =	simm.s32 @p1 $0x1  }
0x15: {  	[smem:$0x3FB5] =	sst s0;
	s0 =	simm.s32 @!p2 $0x0  }
0x16: {  	s3 =	sld [smem:$0x3FDB];
	s0 =	simm.s32 @p2 $0x1  }
0x17: {  	s4 =	simm.s32 $0x1BF5;
	[smem:$0x3FB7] =	sst s0  }
0x18: {  	s0 =	sld [smem:$0x3F9A];
	_ =	swait.ge [sflag:s4], $0x0  }
0x19: {  	s7 =	sld [smem:$0x3F9B]  }
0x1a: {  	s8 =	sadd.s32 $0xFFFFE003, lr  }
0x1b: {  	s9 =	sadd.s32 $0xFFFFFEF7, lr;
	s5 =	simm.s32 $0xFFFFFFFF;
	p2 =	slt.u32 s8, $0xFFFFF086  }
0x1c: {  	p1 =	slt.u32 s9, $0xF7A;
	s5 =	simm.s32 @!p2 $0x0  }
0x1d: {  	s5 =	simm.s32 @p1 $0x1;
	p0 =	seq.s32 s7, s2  }
0x1e: {  	s7 =	smul.u32 @!p0 $0xF7A, s2;
	p2 =	seq.s32 @!p0 s5, $0x0  }
0x1f: {  	s9 =	smul.u32 $0xF7A, s1;
	s8 =	simm.s32 @!p0 $0x1BF5;
	p2 =	por !p2, p0  }
0x20: {  	[sflag:s8] =	ssyncset.s32 @!p0 $0xFFFFF086;
	s6 =	sadd.s32 @!p0 s3, s7;
	s7 =	simm.s32 @!p0 $0x108  }
0x21: {  	s3 =	sadd.s32 s3, s9;
	s6 =	sadd.s32 @!p0 $0x88, s6;
	s7 =	simm.s32 @p2 $0x1082  }
0x22: {  	[simem:s7], [sflag:s8] =	dma.local @!p0 [hbm:s6], $0xF7A  }
0x23: {  	s9 =	sor.u32 $0xD0000000, s2;
	s6 =	simm.s32 $0x108;
	_ =	swait.ge @!p0 [sflag:s8], $0x0  }
0x24: {  	s3 =	sadd.s32 $0x88, s3;
	s6 =	simm.s32 @!p1 $0x1082;
	[sflag:s4] =	ssyncset.s32 $0xFFFFF086  }
0x25: {  	[simem:s6], [sflag:s4] =	dma.local [hbm:s3], $0xF7A  }
0x26: {  	[smem:$0x3F9B] =	sst s1;
	(tag) =	ssettag s2;
	_ =	strace s9  }
0x27: {  	s1 =	sld [smem:$0x3FAB]  }
0x28: {  	s2 =	sld [smem:$0x3FAC]  }
0x29: {  	s4 =	sld [smem:$0x3FAE]  }
0x2a: {  	p0 =	seq.s32 s5, $0x0;
	s5 =	sld [smem:$0x3FAF]  }
0x2b: {  	s6 =	sld [smem:$0x3FB0]  }
0x2c: {  	s7 =	sld [smem:$0x3FB1]  }
0x2d: {  	s3 =	simm.s32 $0x108;
	s8 =	sld [smem:$0x3FB2]  }
0x2e: {  	s3 =	simm.s32 @!p0 $0x1082;
	s9 =	sld [smem:$0x3FB3]  }
0x2f: {  	lr =	sadd.s32 s0, s3;
	s0 =	sld [smem:$0x3FAA]  }
0x30: {  	s3 =	sld [smem:$0x3FAD]  }
0x31: {  	[smem:$0x3FB6] =	sst s10  }
0x32: {  	s10 =	sld [smem:$0x3FB4];
	_ =	sdelay $0x3  }
0x33: {  	p0 =	seq.s32 s10, $0x1;
	s10 =	sld [smem:$0x3FB6];
	_ =	sdelay $0x3  }
0x34: {  	[smem:$0x3FB6] =	sst s10  }
0x35: {  	s10 =	sld [smem:$0x3FB5];
	_ =	sdelay $0x3  }
0x36: {  	p1 =	seq.s32 s10, $0x1;
	s10 =	sld [smem:$0x3FB6];
	_ =	sdelay $0x3  }
0x37: {  	[smem:$0x3FB6] =	sst s10  }
0x38: {  	s10 =	sld [smem:$0x3FB7]  }
0x39: {  	_ = 	snop;
	(pc) =	sbr.ind lr, $3  }
0x3a: {  	_ = 	snop  }
0x3b: {  	_ = 	snop  }
0x3c: {  	p2 =	seq.s32 s10, $0x1;
	s10 =	sld [smem:$0x3FB6]  }
0x3d: {  	_ =	shalt  }
0x3e: {  	_ =	shalt  }
0x3f: {  	_ =	shalt  }
0x40: {  	_ =	shalt  }
0x41: {  	_ =	shalt  }
0x42: {  	_ =	shalt  }
0x43: {  	_ =	shalt  }
0x44: {  	_ =	shalt  }
0x45: {  	_ =	shalt  }
0x46: {  	_ =	shalt  }
0x47: {  	_ =	shalt  }
0x48: {  	_ =	shalt  }
0x49: {  	_ =	shalt  }
0x4a: {  	_ =	shalt  }
0x4b: {  	_ =	shalt  }
0x4c: {  	_ =	shalt  }
0x4d: {  	_ =	shalt  }
0x4e: {  	_ =	shalt  }
0x4f: {  	_ =	shalt  }
0x50: {  	_ =	shalt  }
0x51: {  	_ =	shalt  }
0x52: {  	_ =	shalt  }
0x53: {  	_ =	shalt  }
0x54: {  	_ =	shalt  }
0x55: {  	_ =	shalt  }
0x56: {  	_ =	shalt  }
0x57: {  	_ =	shalt  }
0x58: {  	_ =	shalt  }
0x59: {  	_ =	shalt  }
0x5a: {  	_ =	shalt  }
0x5b: {  	_ =	shalt  }
0x5c: {  	_ =	shalt  }
0x5d: {  	_ =	shalt  }
0x5e: {  	_ =	shalt  }
0x5f: {  	_ =	shalt  }
0x60: {  	_ =	shalt  }
0x61: {  	_ =	shalt  }
0x62: {  	_ =	shalt  }
0x63: {  	_ =	shalt  }
0x64: {  	_ =	shalt  }
0x65: {  	_ =	shalt  }
0x66: {  	_ =	shalt  }
0x67: {  	_ =	shalt  }
0x68: {  	_ =	shalt  }
0x69: {  	_ =	shalt  }
0x6a: {  	_ =	shalt  }
0x6b: {  	_ =	shalt  }
0x6c: {  	_ =	shalt  }
0x6d: {  	_ =	shalt  }
0x6e: {  	_ =	shalt  }
0x6f: {  	_ =	shalt  }
0x70: {  	_ =	shalt  }
0x71: {  	_ =	shalt  }
0x72: {  	_ =	shalt  }
0x73: {  	_ =	shalt  }
0x74: {  	_ =	shalt  }
0x75: {  	_ =	shalt  }
0x76: {  	_ =	shalt  }
0x77: {  	_ =	shalt  }
0x78: {  	_ =	shalt  }
0x79: {  	_ =	shalt  }
0x7a: {  	_ =	shalt  }
0x7b: {  	_ =	shalt  }
0x7c: {  	_ =	shalt  }
0x7d: {  	_ =	shalt  }
0x7e: {  	_ =	shalt  }
0x7f: {  	_ =	shalt  }
0x80: {  	_ =	shalt  }
0x81: {  	_ =	shalt  }
0x82: {  	_ =	shalt  }
0x83: {  	_ =	shalt  }
0x84: {  	_ =	shalt  }
0x85: {  	_ =	shalt  }
0x86: {  	_ =	shalt  }
0x87: {  	_ =	shalt  }
.Lfunc_end0:
.L_simem_size_0:
called_computation_lowered:
.L_overlay_start_0:
0x88: {  	s2 =	sld [smem:$0x3FD9]  }
0x89: {  	s3 =	sld [smem:$0x3FFE];
	_ =	sdelay $0x1  }
0x8a: {  	s1 =	srdreg.scid  }
0x8b: {  	s0 =	sand.u32 $0x1, s1  }
0x8c: {  	s17 =	sshll.u32 s0, $0xA;
	s2 =	sadd.s32 s3, s2  }
0x8d: {  	s2 =	sadd.s32 s2, s17  }
0x8e: {  	[smem:$0x3FC2] =	sst s2  }
0x8f: {  	_ = 	snop  }
0x90: {  	s2 =	sld [smem:$0x3FD0];
	(tm) =	ssettm $0x1  }
0x91: {  	s18 =	sld [smem:$0x3FFB];
	_ =	sdelay $0x3  }
0x92: {  	_ =	strace s18  }
0x93: {  	s3 =	sld [smem:$0x3FFC];
	_ =	sdelay $0x3  }
0x94: {  	_ =	strace s3  }
0x95: {  	s3 =	sld [smem:$0x3FFD];
	_ =	sdelay $0x3  }
0x96: {  	_ =	strace s3  }
0x97: {  	_ =	strace $0x8FFFFFFF  }
0x98: {  	s19 =	sld [smem:$0x3FDB];
	_ =	sdelay $0x1  }
0x99: {  	s4 =	simm.s32 $_scs_section_size  }
0x9a: {  	s5 =	simm.s32 $_size__tile_overlayer_lowered;
	s6 =	simm.s32 $_tile_overlayer_lowered  }
0x9b: {  	s22 =	simm.s32 $0x1BFF;
	s21 =	sshll.u32 s6, $0x1;
	s3 =	sadd.s32 s4, s19  }
0x9c: {  	s7 =	simm.s32 $0x0;
	s20 =	sshll.u32 s5, $0x1;
	s5 =	sadd.s32 s21, s3  }
0x9d: {  	[timem:s7], [sflag:s22] =	dma.local [hbm:s5], s20  }
0x9e: {  	_ =	swait.ge [sflag:s22], s20  }
0x9f: {  	s4 =	ssub.s32 $0x0, s20;
	[sflag:s22] =	ssyncset.done $0x0  }
0xa0: {  	[sflag:s22] =	ssyncadd.s32 s4;
	_ =	sdelay $0x1  }
0xa1: {  	s23 =	simm.s32 $0x1B8B  }
0xa2: {  	_ =	swait.ge [sflag:s23], $0x1  }
0xa3: {  	[sflag:s23] =	ssyncset.done $0x0  }
0xa4: {  	s25 =	simm.s32 $0x1B8E;
	s24 =	sld [smem:$0x3FFE];
	[sflag:s23] =	ssyncadd.s32 $0xFFFFFFFF  }
0xa5: {  	s26 =	simm.s32 $execute0_lowered;
	[smem:$0x3FD2] =	sst s25  }
0xa6: {  	s5 =	sshll.u32 s26, $0x1;
	_ =	strace $0x80000046;
	[dreg:$0x1] =	wrdreg $0xFFFFFFFF  }
0xa7: {  	s28 =	simm.s32 $_size_execute0_lowered;
	s3 =	sadd.s32 s3, s5;
	[dreg:$0x0] =	wrdreg $0x0  }
0xa8: {  	s5 =	sshll.u32 s28, $0x1;
	[dreg:$0x2] =	wrdreg s3  }
0xa9: {  	[dreg:$0x3] =	wrdreg s5  }
0xaa: {  	[dreg:$0x4] =	wrdreg $0xC0  }
0xab: {  	_ =	task [dreg:s7], $0x5FFFF  }
0xac: {  	[dreg:$0x1] =	wrdreg $0xFFFFFFFF  }
0xad: {  	[dreg:$0x0] =	wrdreg $0x60  }
0xae: {  	[dreg:$0x2] =	wrdreg s24  }
0xaf: {  	[dreg:$0x3] =	wrdreg s2  }
0xb0: {  	[dreg:$0x4] =	wrdreg $0xA8000  }
0xb1: {  	[dreg:$0x5] =	wrdreg $0x9  }
0xb2: {  	_ =	task.clear_ibuf [dreg:s7], $0x6FFFF;
	_ =	strace $0x90000046  }
0xb3: {  	s29 =	simm.s32 $0x9;
	_ =	strace $0x80000048  }
0xb4: {  	_ =	swait.ge [sflag:s29], $0x1  }
0xb5: {  	[sflag:s29] =	ssyncadd.s32 $0xFFFFFFFF  }
0xb6: {  	_ =	strace $0x90000048  }
0xb7: {  	_ =	sfence  }
0xb8: {  	s30 =	sld [smem:$0x0];
	_ =	sdelay $0x2  }
0xb9: {  	s31 =	sshll.u32 s1, $0xD;
	s1 =	sshrl.u32 s1, $0x2  }
0xba: {  	s3 =	sand.u32 $0x4000, s31;
	s1 =	sadd.s32 s1, s30  }
0xbb: {  	s0 =	sor.u32 s3, s0;
	s1 =	sshll.u32 s1, $0x11  }
0xbc: {  	s0 =	sor.u32 s1, s0  }
0xbd: {  	s0 =	sadd.s32 $0x8F2B, s0  }
0xbe: {  	[sflag:s0] =	ssyncadd.remote.s32 $0x1  }
0xbf: {  	_ =	sfence.sel $0xFFFF  }
0xc0: {  	[dreg:$0x0] =	wrdreg $0xFFFFFFFF;
	(pc) =	sbr.abs _section_cstart, $3  }
0xc1: {  	[dreg:$0x1] =	wrdreg $0xFFFFFFFF  }
0xc2: {  	_ =	task.clear_ibuf [dreg:s7], $0x2FFFF;
	_ =	strace $0x9FFFFFFF  }
0xc3: {  	(tm) =	ssettm $0x7FFFFFFF  }
tec
execute0_lowered:
.L_overlay_start_1:
0x0: {  	(tag) =	ssettag $0x1  }
0x1: {  	s0 =	rddreg [dreg:$0x0]  }
0x2: {  	s1 =	rddreg [dreg:$0x1]  }
0x3: {  	s3 =	rddreg [dreg:$0x2]  }
0x4: {  	s2 =	srdreg.scid;
	s13 =	stileid.u32;
	s4 =	simm.s32 $0x0  }
0x5: {  	s28 =	simm.s32 $0x1400;
	s29 =	simm.s32 $0x40;
	s30 =	simm.s32 $0x2800  }
0x6: {  	s31 =	simm.s32 $0x80;
	s2 =	sand.u32 $0x1, s2;
	s7 =	smul.u32 $0x13C00, s13  }
0x7: {  	[smem:$0x7FF] =	sst s4;
	s9 =	sadd.s32 $0x1000, s0;
	s6 =	sshll.u32 s2, $0x4  }
0x8: {  	s5 =	smul.u32 $0x13C000, s2;
	s2 =	ssub.s32 $0x2, s2;
	s6 =	sor.u32 s13, s6  }
0x9: {  	s10 =	sadd.s32 $0x14A00, s0;
	s19 =	sshrl.u32 s2, $0x1;
	s8 =	smul.u32 $0x4C00, s6  }
0xa: {  	s5 =	sadd.s32 s7, s5;
	s2 =	ssub.s32 s2, s19;
	s24 =	smul.u32 $0x5000, s6  }
0xb: {  	s26 =	smul.u32 $0xA00, s6;
	p0 =	sgt.u32 s6, $0x10;
	s6 =	simm.s32 $0x180  }
0xc: {  	s5 =	sshrl.u32 s5, $0x3;
	s8 =	sshrl.u32 s8, $0x3;
	s15 =	sshrl.u32 s24, $0x3  }
0xd: {  	s16 =	sadd.s32 s9, s26;
	s18 =	sadd.s32 s10, s26;
	s24 =	smul.u32 $0x4F000, s13  }
0xe: {  	s5 =	sadd.s32 s5, s0;
	s20 =	sadd.s32 $0x880, s8;
	[dreg:$0xc] =	wrdreg s16  }
0xf: {  	s26 =	sshll.u32 s13, $0x6;
	[dreg:$0xd] =	wrdreg s18;
	s12 =	sadd.s32 s9, s20  }
0x10: {  	s11 =	sadd.s32 $0xB00, s8;
	s7 =	sadd.s32 s10, s20;
	[dreg:$0x4] =	wrdreg s12  }
0x11: {  	s13 =	simm.s32 $0x2680;
	s21 =	sadd.s32 s9, s11;
	[dreg:$0x5] =	wrdreg s7  }
0x12: {  	s23 =	sadd.s32 $0xD80, s8;
	s22 =	sadd.s32 s10, s11;
	[dreg:$0x6] =	wrdreg s21  }
0x13: {  	s8 =	sadd.s32 $0x1000, s8;
	s25 =	sadd.s32 s9, s23;
	[dreg:$0x7] =	wrdreg s22  }
0x14: {  	s17 =	sadd.s32 $0x280, s15;
	s14 =	sadd.s32 s9, s8;
	[dreg:$0x8] =	wrdreg s25  }
0x15: {  	s8 =	sadd.s32 s10, s8;
	s19 =	sadd.s32 s9, s17;
	[dreg:$0xa] =	wrdreg s14  }
0x16: {  	s20 =	sadd.s32 $0x500, s15;
	s11 =	simm.s32 $0x4;
	[dreg:$0xb] =	wrdreg s8  }
0x17: {  	s7 =	sadd.s32 s10, s23;
	[dreg:$0xe] =	wrdreg s19;
	s8 =	sadd.s32 s10, s17  }
0x18: {  	s21 =	sadd.s32 s9, s20;
	s22 =	sadd.s32 s10, s20;
	[dreg:$0x9] =	wrdreg s7  }
0x19: {  	s25 =	sshrl.u32 s24, $0x2;
	s24 =	sadd.s32 $0x2AC00, s5;
	[dreg:$0xf] =	wrdreg s8  }
0x1a: {  	s5 =	simm.s32 $0x6800;
	s12 =	simm.s32 $0x2600;
	[dreg:$0x10] =	wrdreg s21  }
0x1b: {  	s14 =	simm.s32 $0x2700;
	s7 =	sadd.s32 $0x780, s15;
	[dreg:$0x11] =	wrdreg s22  }
0x1c: {  	s21 =	sadd.s32 $0x28400, s0;
	s22 =	sadd.s32 s25, s3;
	s25 =	smax.u32 s2, $0x1  }
.Ltmp0:
0x1d: {  	s0 =	simm.s32 $0x4800;
	s2 =	simm.s32 $0x100;
	(pc) =	sbr.rel .LBB2_1-.Ltmp0, $4  }
0x1e: {  	s8 =	simm.s32 $0x1;
	s15 =	simm.s32 $0x2780;
	s23 =	sadd.s32 s9, s7  }
0x1f: {  	s7 =	sadd.s32 s10, s7;
	s9 =	simm.s32 $0x2;
	[dreg:$0x12] =	wrdreg s23  }
0x20: {  	s10 =	simm.s32 $0x3;
	[dreg:$0x13] =	wrdreg s7;
	s23 =	sor.u32 $0x1C05, s26  }
0x21: {  	s26 =	simm.s32 $0x5;
	s7 =	simm.s32 $0x8800;
	_ =	strace $0x80000047  }
.LBB2_10:
0x22: {  	[tilespmem:s7], [sflag:$0x4] =	stream.indirect.gather [hbm4b:s1+s29], $0x80, s18, s29, $0xb8;
	[tilespmem:$0x1E400] =	vst v63  }
0x23: {  	s17 =	simm.s32 $0x2780  }
0x24: {  	s18 =	simm.s32 $0x2700;
	s19 =	simm.s32 $0x2680;
	s20 =	simm.s32 $0x2600  }
.LBB2_20:
0x25: {  	_ =	swait.ge [sflag:s8], $0x2000  }
0x26: {  	[sflag:s8] =	ssyncset.done $0x0  }
0x27: {  	[sflag:s8] =	ssyncadd.s32 $0xFFFFE000  }
0x28: {  	[spmem:s3] =	stream.indirect.scatter.add.f32 [tilespmem:s30], [sflag:$0x5], $0x80, s20, s29, $0xb8;
	[tilespmem:$0x1E400] =	vst v63  }
0x29: {  	_ =	swait.ge [sflag:s26], $0x2000  }
0x2a: {  	[sflag:s26] =	ssyncset.done $0x0  }
0x2b: {  	[sflag:s26] =	ssyncadd.s32 $0xFFFFE000  }
0x2c: {  	_ =	swait.ge [sflag:s9], $0x2000  }
0x2d: {  	[sflag:s9] =	ssyncset.done $0x0  }
0x2e: {  	[sflag:s9] =	ssyncadd.s32 $0xFFFFE000  }
0x2f: {  	[spmem:s3] =	stream.indirect.scatter.add.f32 [tilespmem:s0], [sflag:$0x5], $0x80, s19, s29, $0xb8;
	[tilespmem:$0x1E400] =	vst v63  }
0x30: {  	_ =	swait.ge [sflag:s26], $0x2000  }
0x31: {  	[sflag:s26] =	ssyncset.done $0x0  }
0x32: {  	[sflag:s26] =	ssyncadd.s32 $0xFFFFE000  }
0x33: {  	_ =	swait.ge [sflag:s10], $0x2000  }
0x34: {  	[sflag:s10] =	ssyncset.done $0x0  }
0x35: {  	[sflag:s10] =	ssyncadd.s32 $0xFFFFE000  }
0x36: {  	[spmem:s3] =	stream.indirect.scatter.add.f32 [tilespmem:s5], [sflag:$0x5], $0x80, s18, s29, $0xb8;
	[tilespmem:$0x1E400] =	vst v63  }
0x37: {  	_ =	swait.ge [sflag:s26], $0x2000  }
0x38: {  	[sflag:s26] =	ssyncset.done $0x0  }
0x39: {  	[sflag:s26] =	ssyncadd.s32 $0xFFFFE000  }
0x3a: {  	_ =	swait.ge [sflag:s11], $0x2000  }
0x3b: {  	[sflag:s11] =	ssyncset.done $0x0  }
0x3c: {  	[sflag:s11] =	ssyncadd.s32 $0xFFFFE000  }
0x3d: {  	[spmem:s3] =	stream.indirect.scatter.add.f32 [tilespmem:s7], [sflag:$0x5], $0x80, s17, s29, $0xb8;
	[tilespmem:$0x1E400] =	vst v63  }
0x3e: {  	_ =	swait.ge [sflag:s26], $0x2000  }
0x3f: {  	s4 =	sadd.s32 $0x1, s4;
	[sflag:s26] =	ssyncset.done $0x0  }
0x40: {  	p1 =	sne.s32 s4, s25;
	[sflag:s26] =	ssyncadd.s32 $0xFFFFE000  }
.Ltmp1:
0x41: {  	[bflag:$0x0] =	sbarrier.arrive $0xFFFF;
	(pc) =	sbr.rel @!p1 .LBB2_21-.Ltmp1, $4  }
0x42: {  	[hbm:s24], [sflag:s23] =	dma.local [spmem:s16], $0x2780  }
0x43: {  	_ =	swait.ge [sflag:s26], $0x2780  }
0x44: {  	[sflag:s26] =	ssyncset.done $0x0  }
0x45: {  	[sflag:s26] =	ssyncadd.s32 $0xFFFFD880  }
.LBB2_1:
.Ltmp2:
0x46: {  	s16 =	sshrl.u32 s22, $0x3;
	(pc) =	sbr.rel @p0 .LBB2_11-.Ltmp2, $4  }
0x47: {  	[spmem:s16], [sflag:s23] =	dma.local [hbm:s21], $0x2780  }
0x48: {  	_ =	swait.ge [sflag:s26], $0x2780  }
0x49: {  	[sflag:s26] =	ssyncset.done $0x0  }
0x4a: {  	s17 =	simm.s32 $0x0;
	[sflag:s26] =	ssyncadd.s32 $0xFFFFD880  }
0x4b: {  	s18 =	rddreg [dreg:$0xc]  }
0x4c: {  	[tilespmem:s17], [sflag:$0x5] =	stream.linear.gather [hbm4b:s18+s17], $0x1400, $0x38;
	[tilespmem:$0x1E400] =	vst v63  }
0x4d: {  	_ =	swait.ge [sflag:s26], $0x1400  }
0x4e: {  	[sflag:s26] =	ssyncset.done $0x0  }
0x4f: {  	s19 =	rddreg [dreg:$0xd];
	[sflag:s26] =	ssyncadd.s32 $0xFFFFEC00  }
0x50: {  	[tilespmem:s28], [sflag:$0x5] =	stream.linear.gather [hbm4b:s19+s17], $0x1400, $0x38;
	[tilespmem:$0x1E400] =	vst v63  }
0x51: {  	_ =	swait.ge [sflag:s26], $0x1400  }
0x52: {  	[sflag:s26] =	ssyncset.done $0x0  }
0x53: {  	[sflag:s26] =	ssyncadd.s32 $0xFFFFEC00  }
0x54: {  	[tilespmem:s30], [sflag:$0x1] =	stream.indirect.gather [hbm4b:s1+s29], $0x80, s17, s29, $0xb8;
	[tilespmem:$0x1E400] =	vst v63  }
0x55: {  	_ = 	snop  }
0x56: {  	[tilespmem:s0], [sflag:$0x2] =	stream.indirect.gather [hbm4b:s1+s29], $0x80, s31, s29, $0xb8;
	[tilespmem:$0x1E400] =	vst v63  }
0x57: {  	_ = 	snop  }
0x58: {  	[tilespmem:s5], [sflag:$0x3] =	stream.indirect.gather [hbm4b:s1+s29], $0x80, s2, s29, $0xb8;
	[tilespmem:$0x1E400] =	vst v63  }
0x59: {  	_ = 	snop  }
0x5a: {  	[tilespmem:s7], [sflag:$0x4] =	stream.indirect.gather [hbm4b:s1+s29], $0x80, s6, s29, $0xb8;
	[tilespmem:$0x1E400] =	vst v63  }
0x5b: {  	_ =	swait.ge [sflag:s8], $0x2000  }
0x5c: {  	[sflag:s8] =	ssyncset.done $0x0  }
0x5d: {  	s20 =	simm.s32 $0x1400;
	[sflag:s8] =	ssyncadd.s32 $0xFFFFE000  }
0x5e: {  	[spmem:s3] =	stream.indirect.scatter.add.f32 [tilespmem:s30], [sflag:$0x5], $0x80, s20, s29, $0xb8;
	[tilespmem:$0x1E400] =	vst v63  }
0x5f: {  	_ =	swait.ge [sflag:s26], $0x2000  }
0x60: {  	[sflag:s26] =	ssyncset.done $0x0  }
0x61: {  	s18 =	simm.s32 $0x200;
	[sflag:s26] =	ssyncadd.s32 $0xFFFFE000  }
0x62: {  	[tilespmem:s30], [sflag:$0x1] =	stream.indirect.gather [hbm4b:s1+s29], $0x80, s18, s29, $0xb8;
	[tilespmem:$0x1E400] =	vst v63  }
0x63: {  	_ =	swait.ge [sflag:s9], $0x2000  }
0x64: {  	[sflag:s9] =	ssyncset.done $0x0  }
0x65: {  	s19 =	simm.s32 $0x1480;
	[sflag:s9] =	ssyncadd.s32 $0xFFFFE000  }
0x66: {  	[spmem:s3] =	stream.indirect.scatter.add.f32 [tilespmem:s0], [sflag:$0x5], $0x80, s19, s29, $0xb8;
	[tilespmem:$0x1E400] =	vst v63  }
0x67: {  	_ =	swait.ge [sflag:s26], $0x2000  }
0x68: {  	[sflag:s26] =	ssyncset.done $0x0  }
0x69: {  	s20 =	simm.s32 $0x280;
	[sflag:s26] =	ssyncadd.s32 $0xFFFFE000  }
0x6a: {  	[tilespmem:s0], [sflag:$0x2] =	stream.indirect.gather [hbm4b:s1+s29], $0x80, s20, s29, $0xb8;
	[tilespmem:$0x1E400] =	vst v63  }
0x6b: {  	_ =	swait.ge [sflag:s10], $0x2000  }
0x6c: {  	[sflag:s10] =	ssyncset.done $0x0  }
0x6d: {  	s18 =	simm.s32 $0x1500;
	[sflag:s10] =	ssyncadd.s32 $0xFFFFE000  }
0x6e: {  	[spmem:s3] =	stream.indirect.scatter.add.f32 [tilespmem:s5], [sflag:$0x5], $0x80, s18, s29, $0xb8;
	[tilespmem:$0x1E400] =	vst v63  }
0x6f: {  	_ =	swait.ge [sflag:s26], $0x2000  }
0x70: {  	[sflag:s26] =	ssyncset.done $0x0  }
0x71: {  	s19 =	simm.s32 $0x300;
	[sflag:s26] =	ssyncadd.s32 $0xFFFFE000  }
0x72: {  	[tilespmem:s5], [sflag:$0x3] =	stream.indirect.gather [hbm4b:s1+s29], $0x80, s19, s29, $0xb8;
	[tilespmem:$0x1E400] =	vst v63  }
0x73: {  	_ =	swait.ge [sflag:s11], $0x2000  }
0x74: {  	[sflag:s11] =	ssyncset.done $0x0  }
0x75: {  	s20 =	simm.s32 $0x1580;
	[sflag:s11] =	ssyncadd.s32 $0xFFFFE000  }
0x76: {  	[spmem:s3] =	stream.indirect.scatter.add.f32 [tilespmem:s7], [sflag:$0x5], $0x80, s20, s29, $0xb8;
	[tilespmem:$0x1E400] =	vst v63  }
0x77: {  	_ =	swait.ge [sflag:s26], $0x2000  }
0x78: {  	[sflag:s26] =	ssyncset.done $0x0  }
0x79: {  	s17 =	simm.s32 $0x800;
	s18 =	simm.s32 $0x380;
	[sflag:s26] =	ssyncadd.s32 $0xFFFFE000  }
.LBB2_3:
0x7a: {  	[tilespmem:s7], [sflag:$0x4] =	stream.indirect.gather [hbm4b:s1+s29], $0x80, s18, s29, $0xb8;
	[tilespmem:$0x1E400] =	vst v63  }
0x7b: {  	s18 =	smov.u32 s17  }
0x7c: {  	p1 =	sne.s32 s17, $0x4000;
	s17 =	sadd.s32 $0x800, s17;
	_ =	swait.ge [sflag:s8], $0x2000  }
0x7d: {  	s18 =	sshra.s32 s18, $0x2;
	[sflag:s8] =	ssyncset.done $0x0  }
0x7e: {  	s19 =	sadd.s32 $0x1400, s18;
	[sflag:s8] =	ssyncadd.s32 $0xFFFFE000  }
0x7f: {  	[spmem:s3] =	stream.indirect.scatter.add.f32 [tilespmem:s30], [sflag:$0x5], $0x80, s19, s29, $0xb8;
	[tilespmem:$0x1E400] =	vst v63  }
0x80: {  	_ =	swait.ge [sflag:s26], $0x2000  }
0x81: {  	[sflag:s26] =	ssyncset.done $0x0  }
0x82: {  	s19 =	sadd.s32 $0x200, s18;
	[sflag:s26] =	ssyncadd.s32 $0xFFFFE000  }
0x83: {  	[tilespmem:s30], [sflag:$0x1] =	stream.indirect.gather [hbm4b:s1+s29], $0x80, s19, s29, $0xb8;
	[tilespmem:$0x1E400] =	vst v63  }
0x84: {  	_ =	swait.ge [sflag:s9], $0x2000  }
0x85: {  	[sflag:s9] =	ssyncset.done $0x0  }
0x86: {  	s19 =	sadd.s32 $0x1480, s18;
	[sflag:s9] =	ssyncadd.s32 $0xFFFFE000  }
0x87: {  	[spmem:s3] =	stream.indirect.scatter.add.f32 [tilespmem:s0], [sflag:$0x5], $0x80, s19, s29, $0xb8;
	[tilespmem:$0x1E400] =	vst v63  }
0x88: {  	_ =	swait.ge [sflag:s26], $0x2000  }
0x89: {  	[sflag:s26] =	ssyncset.done $0x0  }
0x8a: {  	s19 =	sadd.s32 $0x280, s18;
	[sflag:s26] =	ssyncadd.s32 $0xFFFFE000  }
0x8b: {  	[tilespmem:s0], [sflag:$0x2] =	stream.indirect.gather [hbm4b:s1+s29], $0x80, s19, s29, $0xb8;
	[tilespmem:$0x1E400] =	vst v63  }
0x8c: {  	_ =	swait.ge [sflag:s10], $0x2000  }
0x8d: {  	[sflag:s10] =	ssyncset.done $0x0  }
0x8e: {  	s19 =	sadd.s32 $0x1500, s18;
	[sflag:s10] =	ssyncadd.s32 $0xFFFFE000  }
0x8f: {  	[spmem:s3] =	stream.indirect.scatter.add.f32 [tilespmem:s5], [sflag:$0x5], $0x80, s19, s29, $0xb8;
	[tilespmem:$0x1E400] =	vst v63  }
0x90: {  	_ =	swait.ge [sflag:s26], $0x2000  }
0x91: {  	[sflag:s26] =	ssyncset.done $0x0  }
0x92: {  	s19 =	sadd.s32 $0x300, s18;
	[sflag:s26] =	ssyncadd.s32 $0xFFFFE000  }
0x93: {  	[tilespmem:s5], [sflag:$0x3] =	stream.indirect.gather [hbm4b:s1+s29], $0x80, s19, s29, $0xb8;
	[tilespmem:$0x1E400] =	vst v63  }
0x94: {  	_ =	swait.ge [sflag:s11], $0x2000  }
0x95: {  	[sflag:s11] =	ssyncset.done $0x0  }
.Ltmp3:
0x96: {  	s19 =	sadd.s32 $0x1580, s18;
	[sflag:s11] =	ssyncadd.s32 $0xFFFFE000;
	(pc) =	sbr.rel @p1 .LBB2_3-.Ltmp3, $4  }
0x97: {  	[spmem:s3] =	stream.indirect.scatter.add.f32 [tilespmem:s7], [sflag:$0x5], $0x80, s19, s29, $0xb8;
	[tilespmem:$0x1E400] =	vst v63  }
0x98: {  	_ =	swait.ge [sflag:s26], $0x2000  }
0x99: {  	[sflag:s26] =	ssyncset.done $0x0  }
0x9a: {  	s18 =	sadd.s32 $0x380, s18;
	[sflag:s26] =	ssyncadd.s32 $0xFFFFE000  }
0x9b: {  	[tilespmem:s7], [sflag:$0x4] =	stream.indirect.gather [hbm4b:s1+s29], $0x80, s18, s29, $0xb8;
	[tilespmem:$0x1E400] =	vst v63  }
0x9c: {  	_ =	swait.ge [sflag:s8], $0x2000  }
0x9d: {  	[sflag:s8] =	ssyncset.done $0x0  }
0x9e: {  	[sflag:s8] =	ssyncadd.s32 $0xFFFFE000  }
0x9f: {  	[spmem:s3] =	stream.indirect.scatter.add.f32 [tilespmem:s30], [sflag:$0x5], $0x80, s12, s29, $0xb8;
	[tilespmem:$0x1E400] =	vst v63  }
0xa0: {  	_ =	swait.ge [sflag:s26], $0x2000  }
0xa1: {  	[sflag:s26] =	ssyncset.done $0x0  }
0xa2: {  	[sflag:s26] =	ssyncadd.s32 $0xFFFFE000  }
0xa3: {  	_ =	swait.ge [sflag:s9], $0x2000  }
0xa4: {  	[sflag:s9] =	ssyncset.done $0x0  }
0xa5: {  	[sflag:s9] =	ssyncadd.s32 $0xFFFFE000  }
0xa6: {  	[spmem:s3] =	stream.indirect.scatter.add.f32 [tilespmem:s0], [sflag:$0x5], $0x80, s13, s29, $0xb8;
	[tilespmem:$0x1E400] =	vst v63  }
0xa7: {  	_ =	swait.ge [sflag:s26], $0x2000  }
0xa8: {  	[sflag:s26] =	ssyncset.done $0x0  }
0xa9: {  	[sflag:s26] =	ssyncadd.s32 $0xFFFFE000  }
0xaa: {  	_ =	swait.ge [sflag:s10], $0x2000  }
0xab: {  	[sflag:s10] =	ssyncset.done $0x0  }
0xac: {  	[sflag:s10] =	ssyncadd.s32 $0xFFFFE000  }
0xad: {  	[spmem:s3] =	stream.indirect.scatter.add.f32 [tilespmem:s5], [sflag:$0x5], $0x80, s14, s29, $0xb8;
	[tilespmem:$0x1E400] =	vst v63  }
0xae: {  	_ =	swait.ge [sflag:s26], $0x2000  }
0xaf: {  	[sflag:s26] =	ssyncset.done $0x0  }
0xb0: {  	[sflag:s26] =	ssyncadd.s32 $0xFFFFE000  }
0xb1: {  	_ =	swait.ge [sflag:s11], $0x2000  }
0xb2: {  	[sflag:s11] =	ssyncset.done $0x0  }
0xb3: {  	[sflag:s11] =	ssyncadd.s32 $0xFFFFE000  }
0xb4: {  	[spmem:s3] =	stream.indirect.scatter.add.f32 [tilespmem:s7], [sflag:$0x5], $0x80, s15, s29, $0xb8;
	[tilespmem:$0x1E400] =	vst v63  }
0xb5: {  	_ =	swait.ge [sflag:s26], $0x2000  }
0xb6: {  	[sflag:s26] =	ssyncset.done $0x0  }
0xb7: {  	s17 =	simm.s32 $0x0;
	s20 =	rddreg [dreg:$0xe];
	[sflag:s26] =	ssyncadd.s32 $0xFFFFE000  }
0xb8: {  	[tilespmem:s17], [sflag:$0x5] =	stream.linear.gather [hbm4b:s20+s17], $0x1400, $0x38;
	[tilespmem:$0x1E400] =	vst v63  }
0xb9: {  	_ =	swait.ge [sflag:s26], $0x1400  }
0xba: {  	[sflag:s26] =	ssyncset.done $0x0  }
0xbb: {  	s19 =	rddreg [dreg:$0xf];
	[sflag:s26] =	ssyncadd.s32 $0xFFFFEC00  }
0xbc: {  	[tilespmem:s28], [sflag:$0x5] =	stream.linear.gather [hbm4b:s19+s17], $0x1400, $0x38;
	[tilespmem:$0x1E400] =	vst v63  }
0xbd: {  	_ =	swait.ge [sflag:s26], $0x1400  }
0xbe: {  	[sflag:s26] =	ssyncset.done $0x0  }
0xbf: {  	[sflag:s26] =	ssyncadd.s32 $0xFFFFEC00  }
0xc0: {  	[tilespmem:s30], [sflag:$0x1] =	stream.indirect.gather [hbm4b:s1+s29], $0x80, s17, s29, $0xb8;
	[tilespmem:$0x1E400] =	vst v63  }
0xc1: {  	_ = 	snop  }
0xc2: {  	[tilespmem:s0], [sflag:$0x2] =	stream.indirect.gather [hbm4b:s1+s29], $0x80, s31, s29, $0xb8;
	[tilespmem:$0x1E400] =	vst v63  }
0xc3: {  	_ = 	snop  }
0xc4: {  	[tilespmem:s5], [sflag:$0x3] =	stream.indirect.gather [hbm4b:s1+s29], $0x80, s2, s29, $0xb8;
	[tilespmem:$0x1E400] =	vst v63  }
0xc5: {  	_ = 	snop  }
0xc6: {  	[tilespmem:s7], [sflag:$0x4] =	stream.indirect.gather [hbm4b:s1+s29], $0x80, s6, s29, $0xb8;
	[tilespmem:$0x1E400] =	vst v63  }
0xc7: {  	_ =	swait.ge [sflag:s8], $0x2000  }
0xc8: {  	[sflag:s8] =	ssyncset.done $0x0  }
0xc9: {  	s20 =	simm.s32 $0x1400;
	[sflag:s8] =	ssyncadd.s32 $0xFFFFE000  }
0xca: {  	[spmem:s3] =	stream.indirect.scatter.add.f32 [tilespmem:s30], [sflag:$0x5], $0x80, s20, s29, $0xb8;
	[tilespmem:$0x1E400] =	vst v63  }
0xcb: {  	_ =	swait.ge [sflag:s26], $0x2000  }
0xcc: {  	[sflag:s26] =	ssyncset.done $0x0  }
0xcd: {  	s18 =	simm.s32 $0x200;
	[sflag:s26] =	ssyncadd.s32 $0xFFFFE000  }
0xce: {  	[tilespmem:s30], [sflag:$0x1] =	stream.indirect.gather [hbm4b:s1+s29], $0x80, s18, s29, $0xb8;
	[tilespmem:$0x1E400] =	vst v63  }
0xcf: {  	_ =	swait.ge [sflag:s9], $0x2000  }
0xd0: {  	[sflag:s9] =	ssyncset.done $0x0  }
0xd1: {  	s19 =	simm.s32 $0x1480;
	[sflag:s9] =	ssyncadd.s32 $0xFFFFE000  }
0xd2: {  	[spmem:s3] =	stream.indirect.scatter.add.f32 [tilespmem:s0], [sflag:$0x5], $0x80, s19, s29, $0xb8;
	[tilespmem:$0x1E400] =	vst v63  }
0xd3: {  	_ =	swait.ge [sflag:s26], $0x2000  }
0xd4: {  	[sflag:s26] =	ssyncset.done $0x0  }
0xd5: {  	s20 =	simm.s32 $0x280;
	[sflag:s26] =	ssyncadd.s32 $0xFFFFE000  }
0xd6: {  	[tilespmem:s0], [sflag:$0x2] =	stream.indirect.gather [hbm4b:s1+s29], $0x80, s20, s29, $0xb8;
	[tilespmem:$0x1E400] =	vst v63  }
0xd7: {  	_ =	swait.ge [sflag:s10], $0x2000  }
0xd8: {  	[sflag:s10] =	ssyncset.done $0x0  }
0xd9: {  	s18 =	simm.s32 $0x1500;
	[sflag:s10] =	ssyncadd.s32 $0xFFFFE000  }
0xda: {  	[spmem:s3] =	stream.indirect.scatter.add.f32 [tilespmem:s5], [sflag:$0x5], $0x80, s18, s29, $0xb8;
	[tilespmem:$0x1E400] =	vst v63  }
0xdb: {  	_ =	swait.ge [sflag:s26], $0x2000  }
0xdc: {  	[sflag:s26] =	ssyncset.done $0x0  }
0xdd: {  	s19 =	simm.s32 $0x300;
	[sflag:s26] =	ssyncadd.s32 $0xFFFFE000  }
0xde: {  	[tilespmem:s5], [sflag:$0x3] =	stream.indirect.gather [hbm4b:s1+s29], $0x80, s19, s29, $0xb8;
	[tilespmem:$0x1E400] =	vst v63  }
0xdf: {  	_ =	swait.ge [sflag:s11], $0x2000  }
0xe0: {  	[sflag:s11] =	ssyncset.done $0x0  }
0xe1: {  	s20 =	simm.s32 $0x1580;
	[sflag:s11] =	ssyncadd.s32 $0xFFFFE000  }
0xe2: {  	[spmem:s3] =	stream.indirect.scatter.add.f32 [tilespmem:s7], [sflag:$0x5], $0x80, s20, s29, $0xb8;
	[tilespmem:$0x1E400] =	vst v63  }
0xe3: {  	_ =	swait.ge [sflag:s26], $0x2000  }
0xe4: {  	[sflag:s26] =	ssyncset.done $0x0  }
0xe5: {  	s17 =	simm.s32 $0x800;
	s18 =	simm.s32 $0x380;
	[sflag:s26] =	ssyncadd.s32 $0xFFFFE000  }
.LBB2_5:
0xe6: {  	[tilespmem:s7], [sflag:$0x4] =	stream.indirect.gather [hbm4b:s1+s29], $0x80, s18, s29, $0xb8;
	[tilespmem:$0x1E400] =	vst v63  }
0xe7: {  	s18 =	smov.u32 s17  }
0xe8: {  	p1 =	sne.s32 s17, $0x4000;
	s17 =	sadd.s32 $0x800, s17;
	_ =	swait.ge [sflag:s8], $0x2000  }
0xe9: {  	s18 =	sshra.s32 s18, $0x2;
	[sflag:s8] =	ssyncset.done $0x0  }
0xea: {  	s19 =	sadd.s32 $0x1400, s18;
	[sflag:s8] =	ssyncadd.s32 $0xFFFFE000  }
0xeb: {  	[spmem:s3] =	stream.indirect.scatter.add.f32 [tilespmem:s30], [sflag:$0x5], $0x80, s19, s29, $0xb8;
	[tilespmem:$0x1E400] =	vst v63  }
0xec: {  	_ =	swait.ge [sflag:s26], $0x2000  }
0xed: {  	[sflag:s26] =	ssyncset.done $0x0  }
0xee: {  	s19 =	sadd.s32 $0x200, s18;
	[sflag:s26] =	ssyncadd.s32 $0xFFFFE000  }
0xef: {  	[tilespmem:s30], [sflag:$0x1] =	stream.indirect.gather [hbm4b:s1+s29], $0x80, s19, s29, $0xb8;
	[tilespmem:$0x1E400] =	vst v63  }
0xf0: {  	_ =	swait.ge [sflag:s9], $0x2000  }
0xf1: {  	[sflag:s9] =	ssyncset.done $0x0  }
0xf2: {  	s19 =	sadd.s32 $0x1480, s18;
	[sflag:s9] =	ssyncadd.s32 $0xFFFFE000  }
0xf3: {  	[spmem:s3] =	stream.indirect.scatter.add.f32 [tilespmem:s0], [sflag:$0x5], $0x80, s19, s29, $0xb8;
	[tilespmem:$0x1E400] =	vst v63  }
0xf4: {  	_ =	swait.ge [sflag:s26], $0x2000  }
0xf5: {  	[sflag:s26] =	ssyncset.done $0x0  }
0xf6: {  	s19 =	sadd.s32 $0x280, s18;
	[sflag:s26] =	ssyncadd.s32 $0xFFFFE000  }
0xf7: {  	[tilespmem:s0], [sflag:$0x2] =	stream.indirect.gather [hbm4b:s1+s29], $0x80, s19, s29, $0xb8;
	[tilespmem:$0x1E400] =	vst v63  }
0xf8: {  	_ =	swait.ge [sflag:s10], $0x2000  }
0xf9: {  	[sflag:s10] =	ssyncset.done $0x0  }
0xfa: {  	s19 =	sadd.s32 $0x1500, s18;
	[sflag:s10] =	ssyncadd.s32 $0xFFFFE000  }
0xfb: {  	[spmem:s3] =	stream.indirect.scatter.add.f32 [tilespmem:s5], [sflag:$0x5], $0x80, s19, s29, $0xb8;
	[tilespmem:$0x1E400] =	vst v63  }
0xfc: {  	_ =	swait.ge [sflag:s26], $0x2000  }
0xfd: {  	[sflag:s26] =	ssyncset.done $0x0  }
0xfe: {  	s19 =	sadd.s32 $0x300, s18;
	[sflag:s26] =	ssyncadd.s32 $0xFFFFE000  }
0xff: {  	[tilespmem:s5], [sflag:$0x3] =	stream.indirect.gather [hbm4b:s1+s29], $0x80, s19, s29, $0xb8;
	[tilespmem:$0x1E400] =	vst v63  }
0x100: {  	_ =	swait.ge [sflag:s11], $0x2000  }
0x101: {  	[sflag:s11] =	ssyncset.done $0x0  }
.Ltmp4:
0x102: {  	s19 =	sadd.s32 $0x1580, s18;
	[sflag:s11] =	ssyncadd.s32 $0xFFFFE000;
	(pc) =	sbr.rel @p1 .LBB2_5-.Ltmp4, $4  }
0x103: {  	[spmem:s3] =	stream.indirect.scatter.add.f32 [tilespmem:s7], [sflag:$0x5], $0x80, s19, s29, $0xb8;
	[tilespmem:$0x1E400] =	vst v63  }
0x104: {  	_ =	swait.ge [sflag:s26], $0x2000  }
0x105: {  	[sflag:s26] =	ssyncset.done $0x0  }
0x106: {  	s18 =	sadd.s32 $0x380, s18;
	[sflag:s26] =	ssyncadd.s32 $0xFFFFE000  }
0x107: {  	[tilespmem:s7], [sflag:$0x4] =	stream.indirect.gather [hbm4b:s1+s29], $0x80, s18, s29, $0xb8;
	[tilespmem:$0x1E400] =	vst v63  }
0x108: {  	_ =	swait.ge [sflag:s8], $0x2000  }
0x109: {  	[sflag:s8] =	ssyncset.done $0x0  }
0x10a: {  	[sflag:s8] =	ssyncadd.s32 $0xFFFFE000  }
0x10b: {  	[spmem:s3] =	stream.indirect.scatter.add.f32 [tilespmem:s30], [sflag:$0x5], $0x80, s12, s29, $0xb8;
	[tilespmem:$0x1E400] =	vst v63  }
0x10c: {  	_ =	swait.ge [sflag:s26], $0x2000  }
0x10d: {  	[sflag:s26] =	ssyncset.done $0x0  }
0x10e: {  	[sflag:s26] =	ssyncadd.s32 $0xFFFFE000  }
0x10f: {  	_ =	swait.ge [sflag:s9], $0x2000  }
0x110: {  	[sflag:s9] =	ssyncset.done $0x0  }
0x111: {  	[sflag:s9] =	ssyncadd.s32 $0xFFFFE000  }
0x112: {  	[spmem:s3] =	stream.indirect.scatter.add.f32 [tilespmem:s0], [sflag:$0x5], $0x80, s13, s29, $0xb8;
	[tilespmem:$0x1E400] =	vst v63  }
0x113: {  	_ =	swait.ge [sflag:s26], $0x2000  }
0x114: {  	[sflag:s26] =	ssyncset.done $0x0  }
0x115: {  	[sflag:s26] =	ssyncadd.s32 $0xFFFFE000  }
0x116: {  	_ =	swait.ge [sflag:s10], $0x2000  }
0x117: {  	[sflag:s10] =	ssyncset.done $0x0  }
0x118: {  	[sflag:s10] =	ssyncadd.s32 $0xFFFFE000  }
0x119: {  	[spmem:s3] =	stream.indirect.scatter.add.f32 [tilespmem:s5], [sflag:$0x5], $0x80, s14, s29, $0xb8;
	[tilespmem:$0x1E400] =	vst v63  }
0x11a: {  	_ =	swait.ge [sflag:s26], $0x2000  }
0x11b: {  	[sflag:s26] =	ssyncset.done $0x0  }
0x11c: {  	[sflag:s26] =	ssyncadd.s32 $0xFFFFE000  }
0x11d: {  	_ =	swait.ge [sflag:s11], $0x2000  }
0x11e: {  	[sflag:s11] =	ssyncset.done $0x0  }
0x11f: {  	[sflag:s11] =	ssyncadd.s32 $0xFFFFE000  }
0x120: {  	[spmem:s3] =	stream.indirect.scatter.add.f32 [tilespmem:s7], [sflag:$0x5], $0x80, s15, s29, $0xb8;
	[tilespmem:$0x1E400] =	vst v63  }
0x121: {  	_ =	swait.ge [sflag:s26], $0x2000  }
0x122: {  	[sflag:s26] =	ssyncset.done $0x0  }
0x123: {  	s17 =	simm.s32 $0x0;
	s20 =	rddreg [dreg:$0x10];
	[sflag:s26] =	ssyncadd.s32 $0xFFFFE000  }
0x124: {  	[tilespmem:s17], [sflag:$0x5] =	stream.linear.gather [hbm4b:s20+s17], $0x1400, $0x38;
	[tilespmem:$0x1E400] =	vst v63  }
0x125: {  	_ =	swait.ge [sflag:s26], $0x1400  }
0x126: {  	[sflag:s26] =	ssyncset.done $0x0  }
0x127: {  	s19 =	rddreg [dreg:$0x11];
	[sflag:s26] =	ssyncadd.s32 $0xFFFFEC00  }
0x128: {  	[tilespmem:s28], [sflag:$0x5] =	stream.linear.gather [hbm4b:s19+s17], $0x1400, $0x38;
	[tilespmem:$0x1E400] =	vst v63  }
0x129: {  	_ =	swait.ge [sflag:s26], $0x1400  }
0x12a: {  	[sflag:s26] =	ssyncset.done $0x0  }
0x12b: {  	[sflag:s26] =	ssyncadd.s32 $0xFFFFEC00  }
0x12c: {  	[tilespmem:s30], [sflag:$0x1] =	stream.indirect.gather [hbm4b:s1+s29], $0x80, s17, s29, $0xb8;
	[tilespmem:$0x1E400] =	vst v63  }
0x12d: {  	_ = 	snop  }
0x12e: {  	[tilespmem:s0], [sflag:$0x2] =	stream.indirect.gather [hbm4b:s1+s29], $0x80, s31, s29, $0xb8;
	[tilespmem:$0x1E400] =	vst v63  }
0x12f: {  	_ = 	snop  }
0x130: {  	[tilespmem:s5], [sflag:$0x3] =	stream.indirect.gather [hbm4b:s1+s29], $0x80, s2, s29, $0xb8;
	[tilespmem:$0x1E400] =	vst v63  }
0x131: {  	_ = 	snop  }
0x132: {  	[tilespmem:s7], [sflag:$0x4] =	stream.indirect.gather [hbm4b:s1+s29], $0x80, s6, s29, $0xb8;
	[tilespmem:$0x1E400] =	vst v63  }
0x133: {  	_ =	swait.ge [sflag:s8], $0x2000  }
0x134: {  	[sflag:s8] =	ssyncset.done $0x0  }
0x135: {  	s20 =	simm.s32 $0x1400;
	[sflag:s8] =	ssyncadd.s32 $0xFFFFE000  }
0x136: {  	[spmem:s3] =	stream.indirect.scatter.add.f32 [tilespmem:s30], [sflag:$0x5], $0x80, s20, s29, $0xb8;
	[tilespmem:$0x1E400] =	vst v63  }
0x137: {  	_ =	swait.ge [sflag:s26], $0x2000  }
0x138: {  	[sflag:s26] =	ssyncset.done $0x0  }
0x139: {  	s18 =	simm.s32 $0x200;
	[sflag:s26] =	ssyncadd.s32 $0xFFFFE000  }
0x13a: {  	[tilespmem:s30], [sflag:$0x1] =	stream.indirect.gather [hbm4b:s1+s29], $0x80, s18, s29, $0xb8;
	[tilespmem:$0x1E400] =	vst v63  }
0x13b: {  	_ =	swait.ge [sflag:s9], $0x2000  }
0x13c: {  	[sflag:s9] =	ssyncset.done $0x0  }
0x13d: {  	s19 =	simm.s32 $0x1480;
	[sflag:s9] =	ssyncadd.s32 $0xFFFFE000  }
0x13e: {  	[spmem:s3] =	stream.indirect.scatter.add.f32 [tilespmem:s0], [sflag:$0x5], $0x80, s19, s29, $0xb8;
	[tilespmem:$0x1E400] =	vst v63  }
0x13f: {  	_ =	swait.ge [sflag:s26], $0x2000  }
0x140: {  	[sflag:s26] =	ssyncset.done $0x0  }
0x141: {  	s20 =	simm.s32 $0x280;
	[sflag:s26] =	ssyncadd.s32 $0xFFFFE000  }
0x142: {  	[tilespmem:s0], [sflag:$0x2] =	stream.indirect.gather [hbm4b:s1+s29], $0x80, s20, s29, $0xb8;
	[tilespmem:$0x1E400] =	vst v63  }
0x143: {  	_ =	swait.ge [sflag:s10], $0x2000  }
0x144: {  	[sflag:s10] =	ssyncset.done $0x0  }
0x145: {  	s18 =	simm.s32 $0x1500;
	[sflag:s10] =	ssyncadd.s32 $0xFFFFE000  }
0x146: {  	[spmem:s3] =	stream.indirect.scatter.add.f32 [tilespmem:s5], [sflag:$0x5], $0x80, s18, s29, $0xb8;
	[tilespmem:$0x1E400] =	vst v63  }
0x147: {  	_ =	swait.ge [sflag:s26], $0x2000  }
0x148: {  	[sflag:s26] =	ssyncset.done $0x0  }
0x149: {  	s19 =	simm.s32 $0x300;
	[sflag:s26] =	ssyncadd.s32 $0xFFFFE000  }
0x14a: {  	[tilespmem:s5], [sflag:$0x3] =	stream.indirect.gather [hbm4b:s1+s29], $0x80, s19, s29, $0xb8;
	[tilespmem:$0x1E400] =	vst v63  }
0x14b: {  	_ =	swait.ge [sflag:s11], $0x2000  }
0x14c: {  	[sflag:s11] =	ssyncset.done $0x0  }
0x14d: {  	s20 =	simm.s32 $0x1580;
	[sflag:s11] =	ssyncadd.s32 $0xFFFFE000  }
0x14e: {  	[spmem:s3] =	stream.indirect.scatter.add.f32 [tilespmem:s7], [sflag:$0x5], $0x80, s20, s29, $0xb8;
	[tilespmem:$0x1E400] =	vst v63  }
0x14f: {  	_ =	swait.ge [sflag:s26], $0x2000  }
0x150: {  	[sflag:s26] =	ssyncset.done $0x0  }
0x151: {  	s17 =	simm.s32 $0x800;
	s18 =	simm.s32 $0x380;
	[sflag:s26] =	ssyncadd.s32 $0xFFFFE000  }
.LBB2_7:
0x152: {  	[tilespmem:s7], [sflag:$0x4] =	stream.indirect.gather [hbm4b:s1+s29], $0x80, s18, s29, $0xb8;
	[tilespmem:$0x1E400] =	vst v63  }
0x153: {  	s18 =	smov.u32 s17  }
0x154: {  	p1 =	sne.s32 s17, $0x4000;
	s17 =	sadd.s32 $0x800, s17;
	_ =	swait.ge [sflag:s8], $0x2000  }
0x155: {  	s18 =	sshra.s32 s18, $0x2;
	[sflag:s8] =	ssyncset.done $0x0  }
0x156: {  	s19 =	sadd.s32 $0x1400, s18;
	[sflag:s8] =	ssyncadd.s32 $0xFFFFE000  }
0x157: {  	[spmem:s3] =	stream.indirect.scatter.add.f32 [tilespmem:s30], [sflag:$0x5], $0x80, s19, s29, $0xb8;
	[tilespmem:$0x1E400] =	vst v63  }
0x158: {  	_ =	swait.ge [sflag:s26], $0x2000  }
0x159: {  	[sflag:s26] =	ssyncset.done $0x0  }
0x15a: {  	s19 =	sadd.s32 $0x200, s18;
	[sflag:s26] =	ssyncadd.s32 $0xFFFFE000  }
0x15b: {  	[tilespmem:s30], [sflag:$0x1] =	stream.indirect.gather [hbm4b:s1+s29], $0x80, s19, s29, $0xb8;
	[tilespmem:$0x1E400] =	vst v63  }
0x15c: {  	_ =	swait.ge [sflag:s9], $0x2000  }
0x15d: {  	[sflag:s9] =	ssyncset.done $0x0  }
0x15e: {  	s19 =	sadd.s32 $0x1480, s18;
	[sflag:s9] =	ssyncadd.s32 $0xFFFFE000  }
0x15f: {  	[spmem:s3] =	stream.indirect.scatter.add.f32 [tilespmem:s0], [sflag:$0x5], $0x80, s19, s29, $0xb8;
	[tilespmem:$0x1E400] =	vst v63  }
0x160: {  	_ =	swait.ge [sflag:s26], $0x2000  }
0x161: {  	[sflag:s26] =	ssyncset.done $0x0  }
0x162: {  	s19 =	sadd.s32 $0x280, s18;
	[sflag:s26] =	ssyncadd.s32 $0xFFFFE000  }
0x163: {  	[tilespmem:s0], [sflag:$0x2] =	stream.indirect.gather [hbm4b:s1+s29], $0x80, s19, s29, $0xb8;
	[tilespmem:$0x1E400] =	vst v63  }
0x164: {  	_ =	swait.ge [sflag:s10], $0x2000  }
0x165: {  	[sflag:s10] =	ssyncset.done $0x0  }
0x166: {  	s19 =	sadd.s32 $0x1500, s18;
	[sflag:s10] =	ssyncadd.s32 $0xFFFFE000  }
0x167: {  	[spmem:s3] =	stream.indirect.scatter.add.f32 [tilespmem:s5], [sflag:$0x5], $0x80, s19, s29, $0xb8;
	[tilespmem:$0x1E400] =	vst v63  }
0x168: {  	_ =	swait.ge [sflag:s26], $0x2000  }
0x169: {  	[sflag:s26] =	ssyncset.done $0x0  }
0x16a: {  	s19 =	sadd.s32 $0x300, s18;
	[sflag:s26] =	ssyncadd.s32 $0xFFFFE000  }
0x16b: {  	[tilespmem:s5], [sflag:$0x3] =	stream.indirect.gather [hbm4b:s1+s29], $0x80, s19, s29, $0xb8;
	[tilespmem:$0x1E400] =	vst v63  }
0x16c: {  	_ =	swait.ge [sflag:s11], $0x2000  }
0x16d: {  	[sflag:s11] =	ssyncset.done $0x0  }
.Ltmp5:
0x16e: {  	s19 =	sadd.s32 $0x1580, s18;
	[sflag:s11] =	ssyncadd.s32 $0xFFFFE000;
	(pc) =	sbr.rel @p1 .LBB2_7-.Ltmp5, $4  }
0x16f: {  	[spmem:s3] =	stream.indirect.scatter.add.f32 [tilespmem:s7], [sflag:$0x5], $0x80, s19, s29, $0xb8;
	[tilespmem:$0x1E400] =	vst v63  }
0x170: {  	_ =	swait.ge [sflag:s26], $0x2000  }
0x171: {  	[sflag:s26] =	ssyncset.done $0x0  }
0x172: {  	s18 =	sadd.s32 $0x380, s18;
	[sflag:s26] =	ssyncadd.s32 $0xFFFFE000  }
0x173: {  	[tilespmem:s7], [sflag:$0x4] =	stream.indirect.gather [hbm4b:s1+s29], $0x80, s18, s29, $0xb8;
	[tilespmem:$0x1E400] =	vst v63  }
0x174: {  	_ =	swait.ge [sflag:s8], $0x2000  }
0x175: {  	[sflag:s8] =	ssyncset.done $0x0  }
0x176: {  	[sflag:s8] =	ssyncadd.s32 $0xFFFFE000  }
0x177: {  	[spmem:s3] =	stream.indirect.scatter.add.f32 [tilespmem:s30], [sflag:$0x5], $0x80, s12, s29, $0xb8;
	[tilespmem:$0x1E400] =	vst v63  }
0x178: {  	_ =	swait.ge [sflag:s26], $0x2000  }
0x179: {  	[sflag:s26] =	ssyncset.done $0x0  }
0x17a: {  	[sflag:s26] =	ssyncadd.s32 $0xFFFFE000  }
0x17b: {  	_ =	swait.ge [sflag:s9], $0x2000  }
0x17c: {  	[sflag:s9] =	ssyncset.done $0x0  }
0x17d: {  	[sflag:s9] =	ssyncadd.s32 $0xFFFFE000  }
0x17e: {  	[spmem:s3] =	stream.indirect.scatter.add.f32 [tilespmem:s0], [sflag:$0x5], $0x80, s13, s29, $0xb8;
	[tilespmem:$0x1E400] =	vst v63  }
0x17f: {  	_ =	swait.ge [sflag:s26], $0x2000  }
0x180: {  	[sflag:s26] =	ssyncset.done $0x0  }
0x181: {  	[sflag:s26] =	ssyncadd.s32 $0xFFFFE000  }
0x182: {  	_ =	swait.ge [sflag:s10], $0x2000  }
0x183: {  	[sflag:s10] =	ssyncset.done $0x0  }
0x184: {  	[sflag:s10] =	ssyncadd.s32 $0xFFFFE000  }
0x185: {  	[spmem:s3] =	stream.indirect.scatter.add.f32 [tilespmem:s5], [sflag:$0x5], $0x80, s14, s29, $0xb8;
	[tilespmem:$0x1E400] =	vst v63  }
0x186: {  	_ =	swait.ge [sflag:s26], $0x2000  }
0x187: {  	[sflag:s26] =	ssyncset.done $0x0  }
0x188: {  	[sflag:s26] =	ssyncadd.s32 $0xFFFFE000  }
0x189: {  	_ =	swait.ge [sflag:s11], $0x2000  }
0x18a: {  	[sflag:s11] =	ssyncset.done $0x0  }
0x18b: {  	[sflag:s11] =	ssyncadd.s32 $0xFFFFE000  }
0x18c: {  	[spmem:s3] =	stream.indirect.scatter.add.f32 [tilespmem:s7], [sflag:$0x5], $0x80, s15, s29, $0xb8;
	[tilespmem:$0x1E400] =	vst v63  }
0x18d: {  	_ =	swait.ge [sflag:s26], $0x2000  }
0x18e: {  	[sflag:s26] =	ssyncset.done $0x0  }
0x18f: {  	s17 =	simm.s32 $0x0;
	s20 =	rddreg [dreg:$0x12];
	[sflag:s26] =	ssyncadd.s32 $0xFFFFE000  }
0x190: {  	[tilespmem:s17], [sflag:$0x5] =	stream.linear.gather [hbm4b:s20+s17], $0x1400, $0x38;
	[tilespmem:$0x1E400] =	vst v63  }
0x191: {  	_ =	swait.ge [sflag:s26], $0x1400  }
0x192: {  	[sflag:s26] =	ssyncset.done $0x0  }
0x193: {  	s19 =	rddreg [dreg:$0x13];
	[sflag:s26] =	ssyncadd.s32 $0xFFFFEC00  }
0x194: {  	[tilespmem:s28], [sflag:$0x5] =	stream.linear.gather [hbm4b:s19+s17], $0x1400, $0x38;
	[tilespmem:$0x1E400] =	vst v63  }
0x195: {  	_ =	swait.ge [sflag:s26], $0x1400  }
0x196: {  	[sflag:s26] =	ssyncset.done $0x0  }
0x197: {  	[sflag:s26] =	ssyncadd.s32 $0xFFFFEC00  }
0x198: {  	[tilespmem:s30], [sflag:$0x1] =	stream.indirect.gather [hbm4b:s1+s29], $0x80, s17, s29, $0xb8;
	[tilespmem:$0x1E400] =	vst v63  }
0x199: {  	_ = 	snop  }
0x19a: {  	[tilespmem:s0], [sflag:$0x2] =	stream.indirect.gather [hbm4b:s1+s29], $0x80, s31, s29, $0xb8;
	[tilespmem:$0x1E400] =	vst v63  }
0x19b: {  	_ = 	snop  }
0x19c: {  	[tilespmem:s5], [sflag:$0x3] =	stream.indirect.gather [hbm4b:s1+s29], $0x80, s2, s29, $0xb8;
	[tilespmem:$0x1E400] =	vst v63  }
0x19d: {  	_ = 	snop  }
0x19e: {  	[tilespmem:s7], [sflag:$0x4] =	stream.indirect.gather [hbm4b:s1+s29], $0x80, s6, s29, $0xb8;
	[tilespmem:$0x1E400] =	vst v63  }
0x19f: {  	_ =	swait.ge [sflag:s8], $0x2000  }
0x1a0: {  	[sflag:s8] =	ssyncset.done $0x0  }
0x1a1: {  	s20 =	simm.s32 $0x1400;
	[sflag:s8] =	ssyncadd.s32 $0xFFFFE000  }
0x1a2: {  	[spmem:s3] =	stream.indirect.scatter.add.f32 [tilespmem:s30], [sflag:$0x5], $0x80, s20, s29, $0xb8;
	[tilespmem:$0x1E400] =	vst v63  }
0x1a3: {  	_ =	swait.ge [sflag:s26], $0x2000  }
0x1a4: {  	[sflag:s26] =	ssyncset.done $0x0  }
0x1a5: {  	s18 =	simm.s32 $0x200;
	[sflag:s26] =	ssyncadd.s32 $0xFFFFE000  }
0x1a6: {  	[tilespmem:s30], [sflag:$0x1] =	stream.indirect.gather [hbm4b:s1+s29], $0x80, s18, s29, $0xb8;
	[tilespmem:$0x1E400] =	vst v63  }
0x1a7: {  	_ =	swait.ge [sflag:s9], $0x2000  }
0x1a8: {  	[sflag:s9] =	ssyncset.done $0x0  }
0x1a9: {  	s19 =	simm.s32 $0x1480;
	[sflag:s9] =	ssyncadd.s32 $0xFFFFE000  }
0x1aa: {  	[spmem:s3] =	stream.indirect.scatter.add.f32 [tilespmem:s0], [sflag:$0x5], $0x80, s19, s29, $0xb8;
	[tilespmem:$0x1E400] =	vst v63  }
0x1ab: {  	_ =	swait.ge [sflag:s26], $0x2000  }
0x1ac: {  	[sflag:s26] =	ssyncset.done $0x0  }
0x1ad: {  	s20 =	simm.s32 $0x280;
	[sflag:s26] =	ssyncadd.s32 $0xFFFFE000  }
0x1ae: {  	[tilespmem:s0], [sflag:$0x2] =	stream.indirect.gather [hbm4b:s1+s29], $0x80, s20, s29, $0xb8;
	[tilespmem:$0x1E400] =	vst v63  }
0x1af: {  	_ =	swait.ge [sflag:s10], $0x2000  }
0x1b0: {  	[sflag:s10] =	ssyncset.done $0x0  }
0x1b1: {  	s18 =	simm.s32 $0x1500;
	[sflag:s10] =	ssyncadd.s32 $0xFFFFE000  }
0x1b2: {  	[spmem:s3] =	stream.indirect.scatter.add.f32 [tilespmem:s5], [sflag:$0x5], $0x80, s18, s29, $0xb8;
	[tilespmem:$0x1E400] =	vst v63  }
0x1b3: {  	_ =	swait.ge [sflag:s26], $0x2000  }
0x1b4: {  	[sflag:s26] =	ssyncset.done $0x0  }
0x1b5: {  	s19 =	simm.s32 $0x300;
	[sflag:s26] =	ssyncadd.s32 $0xFFFFE000  }
0x1b6: {  	[tilespmem:s5], [sflag:$0x3] =	stream.indirect.gather [hbm4b:s1+s29], $0x80, s19, s29, $0xb8;
	[tilespmem:$0x1E400] =	vst v63  }
0x1b7: {  	_ =	swait.ge [sflag:s11], $0x2000  }
0x1b8: {  	p1 =	por $0x0, $0x0;
	[sflag:s11] =	ssyncset.done $0x0  }
.Ltmp6:
0x1b9: {  	s20 =	simm.s32 $0x1580;
	[sflag:s11] =	ssyncadd.s32 $0xFFFFE000;
	(pc) =	sbr.rel @p1 .LBB2_10-.Ltmp6, $4  }
0x1ba: {  	[spmem:s3] =	stream.indirect.scatter.add.f32 [tilespmem:s7], [sflag:$0x5], $0x80, s20, s29, $0xb8;
	[tilespmem:$0x1E400] =	vst v63  }
0x1bb: {  	_ =	swait.ge [sflag:s26], $0x2000  }
0x1bc: {  	[sflag:s26] =	ssyncset.done $0x0  }
0x1bd: {  	s17 =	simm.s32 $0x800;
	s18 =	simm.s32 $0x380;
	[sflag:s26] =	ssyncadd.s32 $0xFFFFE000  }
.LBB2_9:
0x1be: {  	[tilespmem:s7], [sflag:$0x4] =	stream.indirect.gather [hbm4b:s1+s29], $0x80, s18, s29, $0xb8;
	[tilespmem:$0x1E400] =	vst v63  }
0x1bf: {  	s18 =	smov.u32 s17  }
0x1c0: {  	p1 =	seq.s32 s17, $0x4000;
	s17 =	sadd.s32 $0x800, s17;
	_ =	swait.ge [sflag:s8], $0x2000  }
0x1c1: {  	s18 =	sshra.s32 s18, $0x2;
	[sflag:s8] =	ssyncset.done $0x0  }
0x1c2: {  	s19 =	sadd.s32 $0x1400, s18;
	[sflag:s8] =	ssyncadd.s32 $0xFFFFE000  }
0x1c3: {  	[spmem:s3] =	stream.indirect.scatter.add.f32 [tilespmem:s30], [sflag:$0x5], $0x80, s19, s29, $0xb8;
	[tilespmem:$0x1E400] =	vst v63  }
0x1c4: {  	_ =	swait.ge [sflag:s26], $0x2000  }
0x1c5: {  	[sflag:s26] =	ssyncset.done $0x0  }
0x1c6: {  	s19 =	sadd.s32 $0x200, s18;
	[sflag:s26] =	ssyncadd.s32 $0xFFFFE000  }
0x1c7: {  	[tilespmem:s30], [sflag:$0x1] =	stream.indirect.gather [hbm4b:s1+s29], $0x80, s19, s29, $0xb8;
	[tilespmem:$0x1E400] =	vst v63  }
0x1c8: {  	_ =	swait.ge [sflag:s9], $0x2000  }
0x1c9: {  	[sflag:s9] =	ssyncset.done $0x0  }
0x1ca: {  	s19 =	sadd.s32 $0x1480, s18;
	[sflag:s9] =	ssyncadd.s32 $0xFFFFE000  }
0x1cb: {  	[spmem:s3] =	stream.indirect.scatter.add.f32 [tilespmem:s0], [sflag:$0x5], $0x80, s19, s29, $0xb8;
	[tilespmem:$0x1E400] =	vst v63  }
0x1cc: {  	_ =	swait.ge [sflag:s26], $0x2000  }
0x1cd: {  	[sflag:s26] =	ssyncset.done $0x0  }
0x1ce: {  	s19 =	sadd.s32 $0x280, s18;
	[sflag:s26] =	ssyncadd.s32 $0xFFFFE000  }
0x1cf: {  	[tilespmem:s0], [sflag:$0x2] =	stream.indirect.gather [hbm4b:s1+s29], $0x80, s19, s29, $0xb8;
	[tilespmem:$0x1E400] =	vst v63  }
0x1d0: {  	_ =	swait.ge [sflag:s10], $0x2000  }
0x1d1: {  	[sflag:s10] =	ssyncset.done $0x0  }
0x1d2: {  	s19 =	sadd.s32 $0x1500, s18;
	[sflag:s10] =	ssyncadd.s32 $0xFFFFE000  }
0x1d3: {  	[spmem:s3] =	stream.indirect.scatter.add.f32 [tilespmem:s5], [sflag:$0x5], $0x80, s19, s29, $0xb8;
	[tilespmem:$0x1E400] =	vst v63  }
0x1d4: {  	_ =	swait.ge [sflag:s26], $0x2000  }
0x1d5: {  	[sflag:s26] =	ssyncset.done $0x0  }
0x1d6: {  	s19 =	sadd.s32 $0x300, s18;
	[sflag:s26] =	ssyncadd.s32 $0xFFFFE000  }
0x1d7: {  	[tilespmem:s5], [sflag:$0x3] =	stream.indirect.gather [hbm4b:s1+s29], $0x80, s19, s29, $0xb8;
	[tilespmem:$0x1E400] =	vst v63  }
0x1d8: {  	_ =	swait.ge [sflag:s11], $0x2000  }
0x1d9: {  	[sflag:s11] =	ssyncset.done $0x0  }
.Ltmp7:
0x1da: {  	s19 =	sadd.s32 $0x1580, s18;
	[sflag:s11] =	ssyncadd.s32 $0xFFFFE000;
	(pc) =	sbr.rel @!p1 .LBB2_9-.Ltmp7, $4  }
0x1db: {  	[spmem:s3] =	stream.indirect.scatter.add.f32 [tilespmem:s7], [sflag:$0x5], $0x80, s19, s29, $0xb8;
	[tilespmem:$0x1E400] =	vst v63  }
0x1dc: {  	_ =	swait.ge [sflag:s26], $0x2000  }
0x1dd: {  	[sflag:s26] =	ssyncset.done $0x0  }
0x1de: {  	s18 =	sadd.s32 $0x380, s18;
	[sflag:s26] =	ssyncadd.s32 $0xFFFFE000  }
.Ltmp8:
0x1df: {  	_ = 	snop;
	(pc) =	sbr.rel .LBB2_10-.Ltmp8, $1  }
0x1e0: {  	_ =	sdelay $0x3  }
.LBB2_11:
0x1e1: {  	s18 =	rddreg [dreg:$0x4]  }
0x1e2: {  	[tilespmem:s17], [sflag:$0x5] =	stream.linear.gather [hbm4b:s18+s17], $0x1400, $0x38;
	[tilespmem:$0x1E400] =	vst v63  }
0x1e3: {  	_ =	swait.ge [sflag:s26], $0x1400  }
0x1e4: {  	[sflag:s26] =	ssyncset.done $0x0  }
0x1e5: {  	s19 =	rddreg [dreg:$0x5];
	[sflag:s26] =	ssyncadd.s32 $0xFFFFEC00  }
0x1e6: {  	[tilespmem:s28], [sflag:$0x5] =	stream.linear.gather [hbm4b:s19+s17], $0x1400, $0x38;
	[tilespmem:$0x1E400] =	vst v63  }
0x1e7: {  	_ =	swait.ge [sflag:s26], $0x1400  }
0x1e8: {  	[sflag:s26] =	ssyncset.done $0x0  }
0x1e9: {  	[sflag:s26] =	ssyncadd.s32 $0xFFFFEC00  }
0x1ea: {  	[tilespmem:s30], [sflag:$0x1] =	stream.indirect.gather [hbm4b:s1+s29], $0x80, s17, s29, $0xb8;
	[tilespmem:$0x1E400] =	vst v63  }
0x1eb: {  	_ = 	snop  }
0x1ec: {  	[tilespmem:s0], [sflag:$0x2] =	stream.indirect.gather [hbm4b:s1+s29], $0x80, s31, s29, $0xb8;
	[tilespmem:$0x1E400] =	vst v63  }
0x1ed: {  	_ = 	snop  }
0x1ee: {  	[tilespmem:s5], [sflag:$0x3] =	stream.indirect.gather [hbm4b:s1+s29], $0x80, s2, s29, $0xb8;
	[tilespmem:$0x1E400] =	vst v63  }
0x1ef: {  	_ = 	snop  }
0x1f0: {  	[tilespmem:s7], [sflag:$0x4] =	stream.indirect.gather [hbm4b:s1+s29], $0x80, s6, s29, $0xb8;
	[tilespmem:$0x1E400] =	vst v63  }
0x1f1: {  	_ =	swait.ge [sflag:s8], $0x2000  }
0x1f2: {  	[sflag:s8] =	ssyncset.done $0x0  }
0x1f3: {  	s20 =	simm.s32 $0x1400;
	[sflag:s8] =	ssyncadd.s32 $0xFFFFE000  }
0x1f4: {  	[spmem:s3] =	stream.indirect.scatter.add.f32 [tilespmem:s30], [sflag:$0x5], $0x80, s20, s29, $0xb8;
	[tilespmem:$0x1E400] =	vst v63  }
0x1f5: {  	_ =	swait.ge [sflag:s26], $0x2000  }
0x1f6: {  	[sflag:s26] =	ssyncset.done $0x0  }
0x1f7: {  	s18 =	simm.s32 $0x200;
	[sflag:s26] =	ssyncadd.s32 $0xFFFFE000  }
0x1f8: {  	[tilespmem:s30], [sflag:$0x1] =	stream.indirect.gather [hbm4b:s1+s29], $0x80, s18, s29, $0xb8;
	[tilespmem:$0x1E400] =	vst v63  }
0x1f9: {  	_ =	swait.ge [sflag:s9], $0x2000  }
0x1fa: {  	[sflag:s9] =	ssyncset.done $0x0  }
0x1fb: {  	s19 =	simm.s32 $0x1480;
	[sflag:s9] =	ssyncadd.s32 $0xFFFFE000  }
0x1fc: {  	[spmem:s3] =	stream.indirect.scatter.add.f32 [tilespmem:s0], [sflag:$0x5], $0x80, s19, s29, $0xb8;
	[tilespmem:$0x1E400] =	vst v63  }
0x1fd: {  	_ =	swait.ge [sflag:s26], $0x2000  }
0x1fe: {  	[sflag:s26] =	ssyncset.done $0x0  }
0x1ff: {  	s20 =	simm.s32 $0x280;
	[sflag:s26] =	ssyncadd.s32 $0xFFFFE000  }
0x200: {  	[tilespmem:s0], [sflag:$0x2] =	stream.indirect.gather [hbm4b:s1+s29], $0x80, s20, s29, $0xb8;
	[tilespmem:$0x1E400] =	vst v63  }
0x201: {  	_ =	swait.ge [sflag:s10], $0x2000  }
0x202: {  	[sflag:s10] =	ssyncset.done $0x0  }
0x203: {  	s18 =	simm.s32 $0x1500;
	[sflag:s10] =	ssyncadd.s32 $0xFFFFE000  }
0x204: {  	[spmem:s3] =	stream.indirect.scatter.add.f32 [tilespmem:s5], [sflag:$0x5], $0x80, s18, s29, $0xb8;
	[tilespmem:$0x1E400] =	vst v63  }
0x205: {  	_ =	swait.ge [sflag:s26], $0x2000  }
0x206: {  	[sflag:s26] =	ssyncset.done $0x0  }
0x207: {  	s19 =	simm.s32 $0x300;
	[sflag:s26] =	ssyncadd.s32 $0xFFFFE000  }
0x208: {  	[tilespmem:s5], [sflag:$0x3] =	stream.indirect.gather [hbm4b:s1+s29], $0x80, s19, s29, $0xb8;
	[tilespmem:$0x1E400] =	vst v63  }
0x209: {  	_ =	swait.ge [sflag:s11], $0x2000  }
0x20a: {  	[sflag:s11] =	ssyncset.done $0x0  }
0x20b: {  	s20 =	simm.s32 $0x1580;
	[sflag:s11] =	ssyncadd.s32 $0xFFFFE000  }
0x20c: {  	[spmem:s3] =	stream.indirect.scatter.add.f32 [tilespmem:s7], [sflag:$0x5], $0x80, s20, s29, $0xb8;
	[tilespmem:$0x1E400] =	vst v63  }
0x20d: {  	_ =	swait.ge [sflag:s26], $0x2000  }
0x20e: {  	[sflag:s26] =	ssyncset.done $0x0  }
0x20f: {  	s17 =	simm.s32 $0x800;
	s18 =	simm.s32 $0x380;
	[sflag:s26] =	ssyncadd.s32 $0xFFFFE000  }
.LBB2_12:
0x210: {  	[tilespmem:s7], [sflag:$0x4] =	stream.indirect.gather [hbm4b:s1+s29], $0x80, s18, s29, $0xb8;
	[tilespmem:$0x1E400] =	vst v63  }
0x211: {  	s18 =	smov.u32 s17  }
0x212: {  	p1 =	sne.s32 s17, $0x4000;
	s17 =	sadd.s32 $0x800, s17;
	_ =	swait.ge [sflag:s8], $0x2000  }
0x213: {  	s18 =	sshra.s32 s18, $0x2;
	[sflag:s8] =	ssyncset.done $0x0  }
0x214: {  	s19 =	sadd.s32 $0x1400, s18;
	[sflag:s8] =	ssyncadd.s32 $0xFFFFE000  }
0x215: {  	[spmem:s3] =	stream.indirect.scatter.add.f32 [tilespmem:s30], [sflag:$0x5], $0x80, s19, s29, $0xb8;
	[tilespmem:$0x1E400] =	vst v63  }
0x216: {  	_ =	swait.ge [sflag:s26], $0x2000  }
0x217: {  	[sflag:s26] =	ssyncset.done $0x0  }
0x218: {  	s19 =	sadd.s32 $0x200, s18;
	[sflag:s26] =	ssyncadd.s32 $0xFFFFE000  }
0x219: {  	[tilespmem:s30], [sflag:$0x1] =	stream.indirect.gather [hbm4b:s1+s29], $0x80, s19, s29, $0xb8;
	[tilespmem:$0x1E400] =	vst v63  }
0x21a: {  	_ =	swait.ge [sflag:s9], $0x2000  }
0x21b: {  	[sflag:s9] =	ssyncset.done $0x0  }
0x21c: {  	s19 =	sadd.s32 $0x1480, s18;
	[sflag:s9] =	ssyncadd.s32 $0xFFFFE000  }
0x21d: {  	[spmem:s3] =	stream.indirect.scatter.add.f32 [tilespmem:s0], [sflag:$0x5], $0x80, s19, s29, $0xb8;
	[tilespmem:$0x1E400] =	vst v63  }
0x21e: {  	_ =	swait.ge [sflag:s26], $0x2000  }
0x21f: {  	[sflag:s26] =	ssyncset.done $0x0  }
0x220: {  	s19 =	sadd.s32 $0x280, s18;
	[sflag:s26] =	ssyncadd.s32 $0xFFFFE000  }
0x221: {  	[tilespmem:s0], [sflag:$0x2] =	stream.indirect.gather [hbm4b:s1+s29], $0x80, s19, s29, $0xb8;
	[tilespmem:$0x1E400] =	vst v63  }
0x222: {  	_ =	swait.ge [sflag:s10], $0x2000  }
0x223: {  	[sflag:s10] =	ssyncset.done $0x0  }
0x224: {  	s19 =	sadd.s32 $0x1500, s18;
	[sflag:s10] =	ssyncadd.s32 $0xFFFFE000  }
0x225: {  	[spmem:s3] =	stream.indirect.scatter.add.f32 [tilespmem:s5], [sflag:$0x5], $0x80, s19, s29, $0xb8;
	[tilespmem:$0x1E400] =	vst v63  }
0x226: {  	_ =	swait.ge [sflag:s26], $0x2000  }
0x227: {  	[sflag:s26] =	ssyncset.done $0x0  }
0x228: {  	s19 =	sadd.s32 $0x300, s18;
	[sflag:s26] =	ssyncadd.s32 $0xFFFFE000  }
0x229: {  	[tilespmem:s5], [sflag:$0x3] =	stream.indirect.gather [hbm4b:s1+s29], $0x80, s19, s29, $0xb8;
	[tilespmem:$0x1E400] =	vst v63  }
0x22a: {  	_ =	swait.ge [sflag:s11], $0x2000  }
0x22b: {  	[sflag:s11] =	ssyncset.done $0x0  }
.Ltmp9:
0x22c: {  	s19 =	sadd.s32 $0x1580, s18;
	[sflag:s11] =	ssyncadd.s32 $0xFFFFE000;
	(pc) =	sbr.rel @p1 .LBB2_12-.Ltmp9, $4  }
0x22d: {  	[spmem:s3] =	stream.indirect.scatter.add.f32 [tilespmem:s7], [sflag:$0x5], $0x80, s19, s29, $0xb8;
	[tilespmem:$0x1E400] =	vst v63  }
0x22e: {  	_ =	swait.ge [sflag:s26], $0x2000  }
0x22f: {  	[sflag:s26] =	ssyncset.done $0x0  }
0x230: {  	s18 =	sadd.s32 $0x380, s18;
	[sflag:s26] =	ssyncadd.s32 $0xFFFFE000  }
0x231: {  	[tilespmem:s7], [sflag:$0x4] =	stream.indirect.gather [hbm4b:s1+s29], $0x80, s18, s29, $0xb8;
	[tilespmem:$0x1E400] =	vst v63  }
0x232: {  	_ =	swait.ge [sflag:s8], $0x2000  }
0x233: {  	[sflag:s8] =	ssyncset.done $0x0  }
0x234: {  	[sflag:s8] =	ssyncadd.s32 $0xFFFFE000  }
0x235: {  	[spmem:s3] =	stream.indirect.scatter.add.f32 [tilespmem:s30], [sflag:$0x5], $0x80, s12, s29, $0xb8;
	[tilespmem:$0x1E400] =	vst v63  }
0x236: {  	_ =	swait.ge [sflag:s26], $0x2000  }
0x237: {  	[sflag:s26] =	ssyncset.done $0x0  }
0x238: {  	[sflag:s26] =	ssyncadd.s32 $0xFFFFE000  }
0x239: {  	_ =	swait.ge [sflag:s9], $0x2000  }
0x23a: {  	[sflag:s9] =	ssyncset.done $0x0  }
0x23b: {  	[sflag:s9] =	ssyncadd.s32 $0xFFFFE000  }
0x23c: {  	[spmem:s3] =	stream.indirect.scatter.add.f32 [tilespmem:s0], [sflag:$0x5], $0x80, s13, s29, $0xb8;
	[tilespmem:$0x1E400] =	vst v63  }
0x23d: {  	_ =	swait.ge [sflag:s26], $0x2000  }
0x23e: {  	[sflag:s26] =	ssyncset.done $0x0  }
0x23f: {  	[sflag:s26] =	ssyncadd.s32 $0xFFFFE000  }
0x240: {  	_ =	swait.ge [sflag:s10], $0x2000  }
0x241: {  	[sflag:s10] =	ssyncset.done $0x0  }
0x242: {  	[sflag:s10] =	ssyncadd.s32 $0xFFFFE000  }
0x243: {  	[spmem:s3] =	stream.indirect.scatter.add.f32 [tilespmem:s5], [sflag:$0x5], $0x80, s14, s29, $0xb8;
	[tilespmem:$0x1E400] =	vst v63  }
0x244: {  	_ =	swait.ge [sflag:s26], $0x2000  }
0x245: {  	[sflag:s26] =	ssyncset.done $0x0  }
0x246: {  	[sflag:s26] =	ssyncadd.s32 $0xFFFFE000  }
0x247: {  	_ =	swait.ge [sflag:s11], $0x2000  }
0x248: {  	[sflag:s11] =	ssyncset.done $0x0  }
0x249: {  	[sflag:s11] =	ssyncadd.s32 $0xFFFFE000  }
0x24a: {  	[spmem:s3] =	stream.indirect.scatter.add.f32 [tilespmem:s7], [sflag:$0x5], $0x80, s15, s29, $0xb8;
	[tilespmem:$0x1E400] =	vst v63  }
0x24b: {  	_ =	swait.ge [sflag:s26], $0x2000  }
0x24c: {  	[sflag:s26] =	ssyncset.done $0x0  }
0x24d: {  	s17 =	simm.s32 $0x0;
	s20 =	rddreg [dreg:$0x6];
	[sflag:s26] =	ssyncadd.s32 $0xFFFFE000  }
0x24e: {  	[tilespmem:s17], [sflag:$0x5] =	stream.linear.gather [hbm4b:s20+s17], $0x1400, $0x38;
	[tilespmem:$0x1E400] =	vst v63  }
0x24f: {  	_ =	swait.ge [sflag:s26], $0x1400  }
0x250: {  	[sflag:s26] =	ssyncset.done $0x0  }
0x251: {  	s19 =	rddreg [dreg:$0x7];
	[sflag:s26] =	ssyncadd.s32 $0xFFFFEC00  }
0x252: {  	[tilespmem:s28], [sflag:$0x5] =	stream.linear.gather [hbm4b:s19+s17], $0x1400, $0x38;
	[tilespmem:$0x1E400] =	vst v63  }
0x253: {  	_ =	swait.ge [sflag:s26], $0x1400  }
0x254: {  	[sflag:s26] =	ssyncset.done $0x0  }
0x255: {  	[sflag:s26] =	ssyncadd.s32 $0xFFFFEC00  }
0x256: {  	[tilespmem:s30], [sflag:$0x1] =	stream.indirect.gather [hbm4b:s1+s29], $0x80, s17, s29, $0xb8;
	[tilespmem:$0x1E400] =	vst v63  }
0x257: {  	_ = 	snop  }
0x258: {  	[tilespmem:s0], [sflag:$0x2] =	stream.indirect.gather [hbm4b:s1+s29], $0x80, s31, s29, $0xb8;
	[tilespmem:$0x1E400] =	vst v63  }
0x259: {  	_ = 	snop  }
0x25a: {  	[tilespmem:s5], [sflag:$0x3] =	stream.indirect.gather [hbm4b:s1+s29], $0x80, s2, s29, $0xb8;
	[tilespmem:$0x1E400] =	vst v63  }
0x25b: {  	_ = 	snop  }
0x25c: {  	[tilespmem:s7], [sflag:$0x4] =	stream.indirect.gather [hbm4b:s1+s29], $0x80, s6, s29, $0xb8;
	[tilespmem:$0x1E400] =	vst v63  }
0x25d: {  	_ =	swait.ge [sflag:s8], $0x2000  }
0x25e: {  	[sflag:s8] =	ssyncset.done $0x0  }
0x25f: {  	s20 =	simm.s32 $0x1400;
	[sflag:s8] =	ssyncadd.s32 $0xFFFFE000  }
0x260: {  	[spmem:s3] =	stream.indirect.scatter.add.f32 [tilespmem:s30], [sflag:$0x5], $0x80, s20, s29, $0xb8;
	[tilespmem:$0x1E400] =	vst v63  }
0x261: {  	_ =	swait.ge [sflag:s26], $0x2000  }
0x262: {  	[sflag:s26] =	ssyncset.done $0x0  }
0x263: {  	s18 =	simm.s32 $0x200;
	[sflag:s26] =	ssyncadd.s32 $0xFFFFE000  }
0x264: {  	[tilespmem:s30], [sflag:$0x1] =	stream.indirect.gather [hbm4b:s1+s29], $0x80, s18, s29, $0xb8;
	[tilespmem:$0x1E400] =	vst v63  }
0x265: {  	_ =	swait.ge [sflag:s9], $0x2000  }
0x266: {  	[sflag:s9] =	ssyncset.done $0x0  }
0x267: {  	s19 =	simm.s32 $0x1480;
	[sflag:s9] =	ssyncadd.s32 $0xFFFFE000  }
0x268: {  	[spmem:s3] =	stream.indirect.scatter.add.f32 [tilespmem:s0], [sflag:$0x5], $0x80, s19, s29, $0xb8;
	[tilespmem:$0x1E400] =	vst v63  }
0x269: {  	_ =	swait.ge [sflag:s26], $0x2000  }
0x26a: {  	[sflag:s26] =	ssyncset.done $0x0  }
0x26b: {  	s20 =	simm.s32 $0x280;
	[sflag:s26] =	ssyncadd.s32 $0xFFFFE000  }
0x26c: {  	[tilespmem:s0], [sflag:$0x2] =	stream.indirect.gather [hbm4b:s1+s29], $0x80, s20, s29, $0xb8;
	[tilespmem:$0x1E400] =	vst v63  }
0x26d: {  	_ =	swait.ge [sflag:s10], $0x2000  }
0x26e: {  	[sflag:s10] =	ssyncset.done $0x0  }
0x26f: {  	s18 =	simm.s32 $0x1500;
	[sflag:s10] =	ssyncadd.s32 $0xFFFFE000  }
0x270: {  	[spmem:s3] =	stream.indirect.scatter.add.f32 [tilespmem:s5], [sflag:$0x5], $0x80, s18, s29, $0xb8;
	[tilespmem:$0x1E400] =	vst v63  }
0x271: {  	_ =	swait.ge [sflag:s26], $0x2000  }
0x272: {  	[sflag:s26] =	ssyncset.done $0x0  }
0x273: {  	s19 =	simm.s32 $0x300;
	[sflag:s26] =	ssyncadd.s32 $0xFFFFE000  }
0x274: {  	[tilespmem:s5], [sflag:$0x3] =	stream.indirect.gather [hbm4b:s1+s29], $0x80, s19, s29, $0xb8;
	[tilespmem:$0x1E400] =	vst v63  }
0x275: {  	_ =	swait.ge [sflag:s11], $0x2000  }
0x276: {  	[sflag:s11] =	ssyncset.done $0x0  }
0x277: {  	s20 =	simm.s32 $0x1580;
	[sflag:s11] =	ssyncadd.s32 $0xFFFFE000  }
0x278: {  	[spmem:s3] =	stream.indirect.scatter.add.f32 [tilespmem:s7], [sflag:$0x5], $0x80, s20, s29, $0xb8;
	[tilespmem:$0x1E400] =	vst v63  }
0x279: {  	_ =	swait.ge [sflag:s26], $0x2000  }
0x27a: {  	[sflag:s26] =	ssyncset.done $0x0  }
0x27b: {  	s17 =	simm.s32 $0x800;
	s18 =	simm.s32 $0x380;
	[sflag:s26] =	ssyncadd.s32 $0xFFFFE000  }
.LBB2_14:
0x27c: {  	[tilespmem:s7], [sflag:$0x4] =	stream.indirect.gather [hbm4b:s1+s29], $0x80, s18, s29, $0xb8;
	[tilespmem:$0x1E400] =	vst v63  }
0x27d: {  	s18 =	smov.u32 s17  }
0x27e: {  	p1 =	sne.s32 s17, $0x4000;
	s17 =	sadd.s32 $0x800, s17;
	_ =	swait.ge [sflag:s8], $0x2000  }
0x27f: {  	s18 =	sshra.s32 s18, $0x2;
	[sflag:s8] =	ssyncset.done $0x0  }
0x280: {  	s19 =	sadd.s32 $0x1400, s18;
	[sflag:s8] =	ssyncadd.s32 $0xFFFFE000  }
0x281: {  	[spmem:s3] =	stream.indirect.scatter.add.f32 [tilespmem:s30], [sflag:$0x5], $0x80, s19, s29, $0xb8;
	[tilespmem:$0x1E400] =	vst v63  }
0x282: {  	_ =	swait.ge [sflag:s26], $0x2000  }
0x283: {  	[sflag:s26] =	ssyncset.done $0x0  }
0x284: {  	s19 =	sadd.s32 $0x200, s18;
	[sflag:s26] =	ssyncadd.s32 $0xFFFFE000  }
0x285: {  	[tilespmem:s30], [sflag:$0x1] =	stream.indirect.gather [hbm4b:s1+s29], $0x80, s19, s29, $0xb8;
	[tilespmem:$0x1E400] =	vst v63  }
0x286: {  	_ =	swait.ge [sflag:s9], $0x2000  }
0x287: {  	[sflag:s9] =	ssyncset.done $0x0  }
0x288: {  	s19 =	sadd.s32 $0x1480, s18;
	[sflag:s9] =	ssyncadd.s32 $0xFFFFE000  }
0x289: {  	[spmem:s3] =	stream.indirect.scatter.add.f32 [tilespmem:s0], [sflag:$0x5], $0x80, s19, s29, $0xb8;
	[tilespmem:$0x1E400] =	vst v63  }
0x28a: {  	_ =	swait.ge [sflag:s26], $0x2000  }
0x28b: {  	[sflag:s26] =	ssyncset.done $0x0  }
0x28c: {  	s19 =	sadd.s32 $0x280, s18;
	[sflag:s26] =	ssyncadd.s32 $0xFFFFE000  }
0x28d: {  	[tilespmem:s0], [sflag:$0x2] =	stream.indirect.gather [hbm4b:s1+s29], $0x80, s19, s29, $0xb8;
	[tilespmem:$0x1E400] =	vst v63  }
0x28e: {  	_ =	swait.ge [sflag:s10], $0x2000  }
0x28f: {  	[sflag:s10] =	ssyncset.done $0x0  }
0x290: {  	s19 =	sadd.s32 $0x1500, s18;
	[sflag:s10] =	ssyncadd.s32 $0xFFFFE000  }
0x291: {  	[spmem:s3] =	stream.indirect.scatter.add.f32 [tilespmem:s5], [sflag:$0x5], $0x80, s19, s29, $0xb8;
	[tilespmem:$0x1E400] =	vst v63  }
0x292: {  	_ =	swait.ge [sflag:s26], $0x2000  }
0x293: {  	[sflag:s26] =	ssyncset.done $0x0  }
0x294: {  	s19 =	sadd.s32 $0x300, s18;
	[sflag:s26] =	ssyncadd.s32 $0xFFFFE000  }
0x295: {  	[tilespmem:s5], [sflag:$0x3] =	stream.indirect.gather [hbm4b:s1+s29], $0x80, s19, s29, $0xb8;
	[tilespmem:$0x1E400] =	vst v63  }
0x296: {  	_ =	swait.ge [sflag:s11], $0x2000  }
0x297: {  	[sflag:s11] =	ssyncset.done $0x0  }
.Ltmp10:
0x298: {  	s19 =	sadd.s32 $0x1580, s18;
	[sflag:s11] =	ssyncadd.s32 $0xFFFFE000;
	(pc) =	sbr.rel @p1 .LBB2_14-.Ltmp10, $4  }
0x299: {  	[spmem:s3] =	stream.indirect.scatter.add.f32 [tilespmem:s7], [sflag:$0x5], $0x80, s19, s29, $0xb8;
	[tilespmem:$0x1E400] =	vst v63  }
0x29a: {  	_ =	swait.ge [sflag:s26], $0x2000  }
0x29b: {  	[sflag:s26] =	ssyncset.done $0x0  }
0x29c: {  	s18 =	sadd.s32 $0x380, s18;
	[sflag:s26] =	ssyncadd.s32 $0xFFFFE000  }
0x29d: {  	[tilespmem:s7], [sflag:$0x4] =	stream.indirect.gather [hbm4b:s1+s29], $0x80, s18, s29, $0xb8;
	[tilespmem:$0x1E400] =	vst v63  }
0x29e: {  	_ =	swait.ge [sflag:s8], $0x2000  }
0x29f: {  	[sflag:s8] =	ssyncset.done $0x0  }
0x2a0: {  	[sflag:s8] =	ssyncadd.s32 $0xFFFFE000  }
0x2a1: {  	[spmem:s3] =	stream.indirect.scatter.add.f32 [tilespmem:s30], [sflag:$0x5], $0x80, s12, s29, $0xb8;
	[tilespmem:$0x1E400] =	vst v63  }
0x2a2: {  	_ =	swait.ge [sflag:s26], $0x2000  }
0x2a3: {  	[sflag:s26] =	ssyncset.done $0x0  }
0x2a4: {  	[sflag:s26] =	ssyncadd.s32 $0xFFFFE000  }
0x2a5: {  	_ =	swait.ge [sflag:s9], $0x2000  }
0x2a6: {  	[sflag:s9] =	ssyncset.done $0x0  }
0x2a7: {  	[sflag:s9] =	ssyncadd.s32 $0xFFFFE000  }
0x2a8: {  	[spmem:s3] =	stream.indirect.scatter.add.f32 [tilespmem:s0], [sflag:$0x5], $0x80, s13, s29, $0xb8;
	[tilespmem:$0x1E400] =	vst v63  }
0x2a9: {  	_ =	swait.ge [sflag:s26], $0x2000  }
0x2aa: {  	[sflag:s26] =	ssyncset.done $0x0  }
0x2ab: {  	[sflag:s26] =	ssyncadd.s32 $0xFFFFE000  }
0x2ac: {  	_ =	swait.ge [sflag:s10], $0x2000  }
0x2ad: {  	[sflag:s10] =	ssyncset.done $0x0  }
0x2ae: {  	[sflag:s10] =	ssyncadd.s32 $0xFFFFE000  }
0x2af: {  	[spmem:s3] =	stream.indirect.scatter.add.f32 [tilespmem:s5], [sflag:$0x5], $0x80, s14, s29, $0xb8;
	[tilespmem:$0x1E400] =	vst v63  }
0x2b0: {  	_ =	swait.ge [sflag:s26], $0x2000  }
0x2b1: {  	[sflag:s26] =	ssyncset.done $0x0  }
0x2b2: {  	[sflag:s26] =	ssyncadd.s32 $0xFFFFE000  }
0x2b3: {  	_ =	swait.ge [sflag:s11], $0x2000  }
0x2b4: {  	[sflag:s11] =	ssyncset.done $0x0  }
0x2b5: {  	[sflag:s11] =	ssyncadd.s32 $0xFFFFE000  }
0x2b6: {  	[spmem:s3] =	stream.indirect.scatter.add.f32 [tilespmem:s7], [sflag:$0x5], $0x80, s15, s29, $0xb8;
	[tilespmem:$0x1E400] =	vst v63  }
0x2b7: {  	_ =	swait.ge [sflag:s26], $0x2000  }
0x2b8: {  	[sflag:s26] =	ssyncset.done $0x0  }
0x2b9: {  	s17 =	simm.s32 $0x0;
	s20 =	rddreg [dreg:$0x8];
	[sflag:s26] =	ssyncadd.s32 $0xFFFFE000  }
0x2ba: {  	[tilespmem:s17], [sflag:$0x5] =	stream.linear.gather [hbm4b:s20+s17], $0x1400, $0x38;
	[tilespmem:$0x1E400] =	vst v63  }
0x2bb: {  	_ =	swait.ge [sflag:s26], $0x1400  }
0x2bc: {  	[sflag:s26] =	ssyncset.done $0x0  }
0x2bd: {  	s19 =	rddreg [dreg:$0x9];
	[sflag:s26] =	ssyncadd.s32 $0xFFFFEC00  }
0x2be: {  	[tilespmem:s28], [sflag:$0x5] =	stream.linear.gather [hbm4b:s19+s17], $0x1400, $0x38;
	[tilespmem:$0x1E400] =	vst v63  }
0x2bf: {  	_ =	swait.ge [sflag:s26], $0x1400  }
0x2c0: {  	[sflag:s26] =	ssyncset.done $0x0  }
0x2c1: {  	[sflag:s26] =	ssyncadd.s32 $0xFFFFEC00  }
0x2c2: {  	[tilespmem:s30], [sflag:$0x1] =	stream.indirect.gather [hbm4b:s1+s29], $0x80, s17, s29, $0xb8;
	[tilespmem:$0x1E400] =	vst v63  }
0x2c3: {  	_ = 	snop  }
0x2c4: {  	[tilespmem:s0], [sflag:$0x2] =	stream.indirect.gather [hbm4b:s1+s29], $0x80, s31, s29, $0xb8;
	[tilespmem:$0x1E400] =	vst v63  }
0x2c5: {  	_ = 	snop  }
0x2c6: {  	[tilespmem:s5], [sflag:$0x3] =	stream.indirect.gather [hbm4b:s1+s29], $0x80, s2, s29, $0xb8;
	[tilespmem:$0x1E400] =	vst v63  }
0x2c7: {  	_ = 	snop  }
0x2c8: {  	[tilespmem:s7], [sflag:$0x4] =	stream.indirect.gather [hbm4b:s1+s29], $0x80, s6, s29, $0xb8;
	[tilespmem:$0x1E400] =	vst v63  }
0x2c9: {  	_ =	swait.ge [sflag:s8], $0x2000  }
0x2ca: {  	[sflag:s8] =	ssyncset.done $0x0  }
0x2cb: {  	s20 =	simm.s32 $0x1400;
	[sflag:s8] =	ssyncadd.s32 $0xFFFFE000  }
0x2cc: {  	[spmem:s3] =	stream.indirect.scatter.add.f32 [tilespmem:s30], [sflag:$0x5], $0x80, s20, s29, $0xb8;
	[tilespmem:$0x1E400] =	vst v63  }
0x2cd: {  	_ =	swait.ge [sflag:s26], $0x2000  }
0x2ce: {  	[sflag:s26] =	ssyncset.done $0x0  }
0x2cf: {  	s18 =	simm.s32 $0x200;
	[sflag:s26] =	ssyncadd.s32 $0xFFFFE000  }
0x2d0: {  	[tilespmem:s30], [sflag:$0x1] =	stream.indirect.gather [hbm4b:s1+s29], $0x80, s18, s29, $0xb8;
	[tilespmem:$0x1E400] =	vst v63  }
0x2d1: {  	_ =	swait.ge [sflag:s9], $0x2000  }
0x2d2: {  	[sflag:s9] =	ssyncset.done $0x0  }
0x2d3: {  	s19 =	simm.s32 $0x1480;
	[sflag:s9] =	ssyncadd.s32 $0xFFFFE000  }
0x2d4: {  	[spmem:s3] =	stream.indirect.scatter.add.f32 [tilespmem:s0], [sflag:$0x5], $0x80, s19, s29, $0xb8;
	[tilespmem:$0x1E400] =	vst v63  }
0x2d5: {  	_ =	swait.ge [sflag:s26], $0x2000  }
0x2d6: {  	[sflag:s26] =	ssyncset.done $0x0  }
0x2d7: {  	s20 =	simm.s32 $0x280;
	[sflag:s26] =	ssyncadd.s32 $0xFFFFE000  }
0x2d8: {  	[tilespmem:s0], [sflag:$0x2] =	stream.indirect.gather [hbm4b:s1+s29], $0x80, s20, s29, $0xb8;
	[tilespmem:$0x1E400] =	vst v63  }
0x2d9: {  	_ =	swait.ge [sflag:s10], $0x2000  }
0x2da: {  	[sflag:s10] =	ssyncset.done $0x0  }
0x2db: {  	s18 =	simm.s32 $0x1500;
	[sflag:s10] =	ssyncadd.s32 $0xFFFFE000  }
0x2dc: {  	[spmem:s3] =	stream.indirect.scatter.add.f32 [tilespmem:s5], [sflag:$0x5], $0x80, s18, s29, $0xb8;
	[tilespmem:$0x1E400] =	vst v63  }
0x2dd: {  	_ =	swait.ge [sflag:s26], $0x2000  }
0x2de: {  	[sflag:s26] =	ssyncset.done $0x0  }
0x2df: {  	s19 =	simm.s32 $0x300;
	[sflag:s26] =	ssyncadd.s32 $0xFFFFE000  }
0x2e0: {  	[tilespmem:s5], [sflag:$0x3] =	stream.indirect.gather [hbm4b:s1+s29], $0x80, s19, s29, $0xb8;
	[tilespmem:$0x1E400] =	vst v63  }
0x2e1: {  	_ =	swait.ge [sflag:s11], $0x2000  }
0x2e2: {  	[sflag:s11] =	ssyncset.done $0x0  }
0x2e3: {  	s20 =	simm.s32 $0x1580;
	[sflag:s11] =	ssyncadd.s32 $0xFFFFE000  }
0x2e4: {  	[spmem:s3] =	stream.indirect.scatter.add.f32 [tilespmem:s7], [sflag:$0x5], $0x80, s20, s29, $0xb8;
	[tilespmem:$0x1E400] =	vst v63  }
0x2e5: {  	_ =	swait.ge [sflag:s26], $0x2000  }
0x2e6: {  	[sflag:s26] =	ssyncset.done $0x0  }
0x2e7: {  	s17 =	simm.s32 $0x800;
	s18 =	simm.s32 $0x380;
	[sflag:s26] =	ssyncadd.s32 $0xFFFFE000  }
.LBB2_16:
0x2e8: {  	[tilespmem:s7], [sflag:$0x4] =	stream.indirect.gather [hbm4b:s1+s29], $0x80, s18, s29, $0xb8;
	[tilespmem:$0x1E400] =	vst v63  }
0x2e9: {  	s18 =	smov.u32 s17  }
0x2ea: {  	p1 =	sne.s32 s17, $0x4000;
	s17 =	sadd.s32 $0x800, s17;
	_ =	swait.ge [sflag:s8], $0x2000  }
0x2eb: {  	s18 =	sshra.s32 s18, $0x2;
	[sflag:s8] =	ssyncset.done $0x0  }
0x2ec: {  	s19 =	sadd.s32 $0x1400, s18;
	[sflag:s8] =	ssyncadd.s32 $0xFFFFE000  }
0x2ed: {  	[spmem:s3] =	stream.indirect.scatter.add.f32 [tilespmem:s30], [sflag:$0x5], $0x80, s19, s29, $0xb8;
	[tilespmem:$0x1E400] =	vst v63  }
0x2ee: {  	_ =	swait.ge [sflag:s26], $0x2000  }
0x2ef: {  	[sflag:s26] =	ssyncset.done $0x0  }
0x2f0: {  	s19 =	sadd.s32 $0x200, s18;
	[sflag:s26] =	ssyncadd.s32 $0xFFFFE000  }
0x2f1: {  	[tilespmem:s30], [sflag:$0x1] =	stream.indirect.gather [hbm4b:s1+s29], $0x80, s19, s29, $0xb8;
	[tilespmem:$0x1E400] =	vst v63  }
0x2f2: {  	_ =	swait.ge [sflag:s9], $0x2000  }
0x2f3: {  	[sflag:s9] =	ssyncset.done $0x0  }
0x2f4: {  	s19 =	sadd.s32 $0x1480, s18;
	[sflag:s9] =	ssyncadd.s32 $0xFFFFE000  }
0x2f5: {  	[spmem:s3] =	stream.indirect.scatter.add.f32 [tilespmem:s0], [sflag:$0x5], $0x80, s19, s29, $0xb8;
	[tilespmem:$0x1E400] =	vst v63  }
0x2f6: {  	_ =	swait.ge [sflag:s26], $0x2000  }
0x2f7: {  	[sflag:s26] =	ssyncset.done $0x0  }
0x2f8: {  	s19 =	sadd.s32 $0x280, s18;
	[sflag:s26] =	ssyncadd.s32 $0xFFFFE000  }
0x2f9: {  	[tilespmem:s0], [sflag:$0x2] =	stream.indirect.gather [hbm4b:s1+s29], $0x80, s19, s29, $0xb8;
	[tilespmem:$0x1E400] =	vst v63  }
0x2fa: {  	_ =	swait.ge [sflag:s10], $0x2000  }
0x2fb: {  	[sflag:s10] =	ssyncset.done $0x0  }
0x2fc: {  	s19 =	sadd.s32 $0x1500, s18;
	[sflag:s10] =	ssyncadd.s32 $0xFFFFE000  }
0x2fd: {  	[spmem:s3] =	stream.indirect.scatter.add.f32 [tilespmem:s5], [sflag:$0x5], $0x80, s19, s29, $0xb8;
	[tilespmem:$0x1E400] =	vst v63  }
0x2fe: {  	_ =	swait.ge [sflag:s26], $0x2000  }
0x2ff: {  	[sflag:s26] =	ssyncset.done $0x0  }
0x300: {  	s19 =	sadd.s32 $0x300, s18;
	[sflag:s26] =	ssyncadd.s32 $0xFFFFE000  }
0x301: {  	[tilespmem:s5], [sflag:$0x3] =	stream.indirect.gather [hbm4b:s1+s29], $0x80, s19, s29, $0xb8;
	[tilespmem:$0x1E400] =	vst v63  }
0x302: {  	_ =	swait.ge [sflag:s11], $0x2000  }
0x303: {  	[sflag:s11] =	ssyncset.done $0x0  }
.Ltmp11:
0x304: {  	s19 =	sadd.s32 $0x1580, s18;
	[sflag:s11] =	ssyncadd.s32 $0xFFFFE000;
	(pc) =	sbr.rel @p1 .LBB2_16-.Ltmp11, $4  }
0x305: {  	[spmem:s3] =	stream.indirect.scatter.add.f32 [tilespmem:s7], [sflag:$0x5], $0x80, s19, s29, $0xb8;
	[tilespmem:$0x1E400] =	vst v63  }
0x306: {  	_ =	swait.ge [sflag:s26], $0x2000  }
0x307: {  	[sflag:s26] =	ssyncset.done $0x0  }
0x308: {  	s18 =	sadd.s32 $0x380, s18;
	[sflag:s26] =	ssyncadd.s32 $0xFFFFE000  }
0x309: {  	[tilespmem:s7], [sflag:$0x4] =	stream.indirect.gather [hbm4b:s1+s29], $0x80, s18, s29, $0xb8;
	[tilespmem:$0x1E400] =	vst v63  }
0x30a: {  	_ =	swait.ge [sflag:s8], $0x2000  }
0x30b: {  	[sflag:s8] =	ssyncset.done $0x0  }
0x30c: {  	[sflag:s8] =	ssyncadd.s32 $0xFFFFE000  }
0x30d: {  	[spmem:s3] =	stream.indirect.scatter.add.f32 [tilespmem:s30], [sflag:$0x5], $0x80, s12, s29, $0xb8;
	[tilespmem:$0x1E400] =	vst v63  }
0x30e: {  	_ =	swait.ge [sflag:s26], $0x2000  }
0x30f: {  	[sflag:s26] =	ssyncset.done $0x0  }
0x310: {  	[sflag:s26] =	ssyncadd.s32 $0xFFFFE000  }
0x311: {  	_ =	swait.ge [sflag:s9], $0x2000  }
0x312: {  	[sflag:s9] =	ssyncset.done $0x0  }
0x313: {  	[sflag:s9] =	ssyncadd.s32 $0xFFFFE000  }
0x314: {  	[spmem:s3] =	stream.indirect.scatter.add.f32 [tilespmem:s0], [sflag:$0x5], $0x80, s13, s29, $0xb8;
	[tilespmem:$0x1E400] =	vst v63  }
0x315: {  	_ =	swait.ge [sflag:s26], $0x2000  }
0x316: {  	[sflag:s26] =	ssyncset.done $0x0  }
0x317: {  	[sflag:s26] =	ssyncadd.s32 $0xFFFFE000  }
0x318: {  	_ =	swait.ge [sflag:s10], $0x2000  }
0x319: {  	[sflag:s10] =	ssyncset.done $0x0  }
0x31a: {  	[sflag:s10] =	ssyncadd.s32 $0xFFFFE000  }
0x31b: {  	[spmem:s3] =	stream.indirect.scatter.add.f32 [tilespmem:s5], [sflag:$0x5], $0x80, s14, s29, $0xb8;
	[tilespmem:$0x1E400] =	vst v63  }
0x31c: {  	_ =	swait.ge [sflag:s26], $0x2000  }
0x31d: {  	[sflag:s26] =	ssyncset.done $0x0  }
0x31e: {  	[sflag:s26] =	ssyncadd.s32 $0xFFFFE000  }
0x31f: {  	_ =	swait.ge [sflag:s11], $0x2000  }
0x320: {  	[sflag:s11] =	ssyncset.done $0x0  }
0x321: {  	[sflag:s11] =	ssyncadd.s32 $0xFFFFE000  }
0x322: {  	[spmem:s3] =	stream.indirect.scatter.add.f32 [tilespmem:s7], [sflag:$0x5], $0x80, s15, s29, $0xb8;
	[tilespmem:$0x1E400] =	vst v63  }
0x323: {  	_ =	swait.ge [sflag:s26], $0x2000  }
0x324: {  	[sflag:s26] =	ssyncset.done $0x0  }
0x325: {  	s17 =	simm.s32 $0x0;
	s20 =	rddreg [dreg:$0xa];
	[sflag:s26] =	ssyncadd.s32 $0xFFFFE000  }
0x326: {  	[tilespmem:s17], [sflag:$0x5] =	stream.linear.gather [hbm4b:s20+s17], $0x1000, $0x38;
	[tilespmem:$0x1E400] =	vst v63  }
0x327: {  	_ =	swait.ge [sflag:s26], $0x1000  }
0x328: {  	[sflag:s26] =	ssyncset.done $0x0  }
0x329: {  	s19 =	rddreg [dreg:$0xb];
	[sflag:s26] =	ssyncadd.s32 $0xFFFFF000  }
0x32a: {  	[tilespmem:s28], [sflag:$0x5] =	stream.linear.gather [hbm4b:s19+s17], $0x1000, $0x38;
	[tilespmem:$0x1E400] =	vst v63  }
0x32b: {  	_ =	swait.ge [sflag:s26], $0x1000  }
0x32c: {  	[sflag:s26] =	ssyncset.done $0x0  }
0x32d: {  	[sflag:s26] =	ssyncadd.s32 $0xFFFFF000  }
0x32e: {  	[tilespmem:s30], [sflag:$0x1] =	stream.indirect.gather [hbm4b:s1+s29], $0x80, s17, s29, $0xb8;
	[tilespmem:$0x1E400] =	vst v63  }
0x32f: {  	_ = 	snop  }
0x330: {  	[tilespmem:s0], [sflag:$0x2] =	stream.indirect.gather [hbm4b:s1+s29], $0x80, s31, s29, $0xb8;
	[tilespmem:$0x1E400] =	vst v63  }
0x331: {  	_ = 	snop  }
0x332: {  	[tilespmem:s5], [sflag:$0x3] =	stream.indirect.gather [hbm4b:s1+s29], $0x80, s2, s29, $0xb8;
	[tilespmem:$0x1E400] =	vst v63  }
0x333: {  	_ = 	snop  }
0x334: {  	[tilespmem:s7], [sflag:$0x4] =	stream.indirect.gather [hbm4b:s1+s29], $0x80, s6, s29, $0xb8;
	[tilespmem:$0x1E400] =	vst v63  }
0x335: {  	_ =	swait.ge [sflag:s8], $0x2000  }
0x336: {  	[sflag:s8] =	ssyncset.done $0x0  }
0x337: {  	s20 =	simm.s32 $0x1400;
	[sflag:s8] =	ssyncadd.s32 $0xFFFFE000  }
0x338: {  	[spmem:s3] =	stream.indirect.scatter.add.f32 [tilespmem:s30], [sflag:$0x5], $0x80, s20, s29, $0xb8;
	[tilespmem:$0x1E400] =	vst v63  }
0x339: {  	_ =	swait.ge [sflag:s26], $0x2000  }
0x33a: {  	[sflag:s26] =	ssyncset.done $0x0  }
0x33b: {  	s18 =	simm.s32 $0x200;
	[sflag:s26] =	ssyncadd.s32 $0xFFFFE000  }
0x33c: {  	[tilespmem:s30], [sflag:$0x1] =	stream.indirect.gather [hbm4b:s1+s29], $0x80, s18, s29, $0xb8;
	[tilespmem:$0x1E400] =	vst v63  }
0x33d: {  	_ =	swait.ge [sflag:s9], $0x2000  }
0x33e: {  	[sflag:s9] =	ssyncset.done $0x0  }
0x33f: {  	s19 =	simm.s32 $0x1480;
	[sflag:s9] =	ssyncadd.s32 $0xFFFFE000  }
0x340: {  	[spmem:s3] =	stream.indirect.scatter.add.f32 [tilespmem:s0], [sflag:$0x5], $0x80, s19, s29, $0xb8;
	[tilespmem:$0x1E400] =	vst v63  }
0x341: {  	_ =	swait.ge [sflag:s26], $0x2000  }
0x342: {  	[sflag:s26] =	ssyncset.done $0x0  }
0x343: {  	s20 =	simm.s32 $0x280;
	[sflag:s26] =	ssyncadd.s32 $0xFFFFE000  }
0x344: {  	[tilespmem:s0], [sflag:$0x2] =	stream.indirect.gather [hbm4b:s1+s29], $0x80, s20, s29, $0xb8;
	[tilespmem:$0x1E400] =	vst v63  }
0x345: {  	_ =	swait.ge [sflag:s10], $0x2000  }
0x346: {  	[sflag:s10] =	ssyncset.done $0x0  }
0x347: {  	s18 =	simm.s32 $0x1500;
	[sflag:s10] =	ssyncadd.s32 $0xFFFFE000  }
0x348: {  	[spmem:s3] =	stream.indirect.scatter.add.f32 [tilespmem:s5], [sflag:$0x5], $0x80, s18, s29, $0xb8;
	[tilespmem:$0x1E400] =	vst v63  }
0x349: {  	_ =	swait.ge [sflag:s26], $0x2000  }
0x34a: {  	[sflag:s26] =	ssyncset.done $0x0  }
0x34b: {  	s19 =	simm.s32 $0x300;
	[sflag:s26] =	ssyncadd.s32 $0xFFFFE000  }
0x34c: {  	[tilespmem:s5], [sflag:$0x3] =	stream.indirect.gather [hbm4b:s1+s29], $0x80, s19, s29, $0xb8;
	[tilespmem:$0x1E400] =	vst v63  }
0x34d: {  	_ =	swait.ge [sflag:s11], $0x2000  }
0x34e: {  	[sflag:s11] =	ssyncset.done $0x0  }
0x34f: {  	s20 =	simm.s32 $0x1580;
	[sflag:s11] =	ssyncadd.s32 $0xFFFFE000  }
0x350: {  	[spmem:s3] =	stream.indirect.scatter.add.f32 [tilespmem:s7], [sflag:$0x5], $0x80, s20, s29, $0xb8;
	[tilespmem:$0x1E400] =	vst v63  }
0x351: {  	_ =	swait.ge [sflag:s26], $0x2000  }
0x352: {  	[sflag:s26] =	ssyncset.done $0x0  }
0x353: {  	s17 =	simm.s32 $0x800;
	s18 =	simm.s32 $0x380;
	[sflag:s26] =	ssyncadd.s32 $0xFFFFE000  }
.LBB2_18:
0x354: {  	[tilespmem:s7], [sflag:$0x4] =	stream.indirect.gather [hbm4b:s1+s29], $0x80, s18, s29, $0xb8;
	[tilespmem:$0x1E400] =	vst v63  }
0x355: {  	s18 =	smov.u32 s17  }
0x356: {  	p1 =	sne.s32 s17, $0x3000;
	s17 =	sadd.s32 $0x800, s17;
	_ =	swait.ge [sflag:s8], $0x2000  }
0x357: {  	s18 =	sshra.s32 s18, $0x2;
	[sflag:s8] =	ssyncset.done $0x0  }
0x358: {  	s19 =	sadd.s32 $0x1400, s18;
	[sflag:s8] =	ssyncadd.s32 $0xFFFFE000  }
0x359: {  	[spmem:s3] =	stream.indirect.scatter.add.f32 [tilespmem:s30], [sflag:$0x5], $0x80, s19, s29, $0xb8;
	[tilespmem:$0x1E400] =	vst v63  }
0x35a: {  	_ =	swait.ge [sflag:s26], $0x2000  }
0x35b: {  	[sflag:s26] =	ssyncset.done $0x0  }
0x35c: {  	s19 =	sadd.s32 $0x200, s18;
	[sflag:s26] =	ssyncadd.s32 $0xFFFFE000  }
0x35d: {  	[tilespmem:s30], [sflag:$0x1] =	stream.indirect.gather [hbm4b:s1+s29], $0x80, s19, s29, $0xb8;
	[tilespmem:$0x1E400] =	vst v63  }
0x35e: {  	_ =	swait.ge [sflag:s9], $0x2000  }
0x35f: {  	[sflag:s9] =	ssyncset.done $0x0  }
0x360: {  	s19 =	sadd.s32 $0x1480, s18;
	[sflag:s9] =	ssyncadd.s32 $0xFFFFE000  }
0x361: {  	[spmem:s3] =	stream.indirect.scatter.add.f32 [tilespmem:s0], [sflag:$0x5], $0x80, s19, s29, $0xb8;
	[tilespmem:$0x1E400] =	vst v63  }
0x362: {  	_ =	swait.ge [sflag:s26], $0x2000  }
0x363: {  	[sflag:s26] =	ssyncset.done $0x0  }
0x364: {  	s19 =	sadd.s32 $0x280, s18;
	[sflag:s26] =	ssyncadd.s32 $0xFFFFE000  }
0x365: {  	[tilespmem:s0], [sflag:$0x2] =	stream.indirect.gather [hbm4b:s1+s29], $0x80, s19, s29, $0xb8;
	[tilespmem:$0x1E400] =	vst v63  }
0x366: {  	_ =	swait.ge [sflag:s10], $0x2000  }
0x367: {  	[sflag:s10] =	ssyncset.done $0x0  }
0x368: {  	s19 =	sadd.s32 $0x1500, s18;
	[sflag:s10] =	ssyncadd.s32 $0xFFFFE000  }
0x369: {  	[spmem:s3] =	stream.indirect.scatter.add.f32 [tilespmem:s5], [sflag:$0x5], $0x80, s19, s29, $0xb8;
	[tilespmem:$0x1E400] =	vst v63  }
0x36a: {  	_ =	swait.ge [sflag:s26], $0x2000  }
0x36b: {  	[sflag:s26] =	ssyncset.done $0x0  }
0x36c: {  	s19 =	sadd.s32 $0x300, s18;
	[sflag:s26] =	ssyncadd.s32 $0xFFFFE000  }
0x36d: {  	[tilespmem:s5], [sflag:$0x3] =	stream.indirect.gather [hbm4b:s1+s29], $0x80, s19, s29, $0xb8;
	[tilespmem:$0x1E400] =	vst v63  }
0x36e: {  	_ =	swait.ge [sflag:s11], $0x2000  }
0x36f: {  	[sflag:s11] =	ssyncset.done $0x0  }
.Ltmp12:
0x370: {  	s19 =	sadd.s32 $0x1580, s18;
	[sflag:s11] =	ssyncadd.s32 $0xFFFFE000;
	(pc) =	sbr.rel @p1 .LBB2_18-.Ltmp12, $4  }
0x371: {  	[spmem:s3] =	stream.indirect.scatter.add.f32 [tilespmem:s7], [sflag:$0x5], $0x80, s19, s29, $0xb8;
	[tilespmem:$0x1E400] =	vst v63  }
0x372: {  	_ =	swait.ge [sflag:s26], $0x2000  }
0x373: {  	[sflag:s26] =	ssyncset.done $0x0  }
0x374: {  	s18 =	sadd.s32 $0x380, s18;
	[sflag:s26] =	ssyncadd.s32 $0xFFFFE000  }
.Ltmp13:
0x375: {  	(pc) =	sbr.rel .LBB2_20-.Ltmp13, $4  }
0x376: {  	_ = 	snop  }
0x377: {  	[tilespmem:s7], [sflag:$0x4] =	stream.indirect.gather [hbm4b:s1+s29], $0x80, s18, s29, $0xb8;
	[tilespmem:$0x1E400] =	vst v63  }
0x378: {  	s17 =	simm.s32 $0x2380  }
0x379: {  	s18 =	simm.s32 $0x2300;
	s19 =	simm.s32 $0x2280;
	s20 =	simm.s32 $0x2200  }
.LBB2_21:
0x37a: {  	_ =	sfence.sel $0x180000  }
0x37b: {  	[bflag:$0x0] =	sbarrier.arrive $0xFFFF  }
0x37c: {  	_ =	strace $0x90000047  }
0x37d: {  	s0 =	stileid.u32;
	[bflag:$0x2] =	sbarrier.arrive $0xFFFF  }
0x37e: {  	p0 =	sne.s32 s0, $0x0;
	s0 =	rddreg [dreg:$0x3]  }
0x37f: {  	s0 =	sadd.s32 @!p0 $0x100000, s0  }
0x380: {  	[sflag:s0] =	ssyncadd.tile.s32 @!p0 $0x1;
	_ =	shalt  }
.Lfunc_end2:
_tile_overlayer_lowered:
.L_overlay_start_2:
0x381: {  	(tag) =	ssettag $0x2  }
0x382: {  	s0 =	rddreg [dreg:$0x0];
	s2 =	stileid.u32  }
0x383: {  	s1 =	rddreg [dreg:$0x1];
	p0 =	sne.s32 s2, $0x0  }
0x384: {  	s3 =	rddreg [dreg:$0x2];
	[bflag:$0x3] =	sbarrier.arrive $0xFFFF;
	s2 =	simm.s32 @!p0 $0x1C05  }
0x385: {  	[timem:s3], [sflag:s2] =	dma.local @!p0 [hbm:s0], s1  }
0x386: {  	s0 =	simm.s32 @!p0 $0x5  }
0x387: {  	_ =	swait.ge @!p0 [sflag:s0], s1  }
0x388: {  	s1 =	ssub.s32 @!p0 $0x0, s1;
	[sflag:s0] =	ssyncset.done @!p0 $0x0  }
0x389: {  	[sflag:s0] =	ssyncadd.s32 @!p0 s1  }
0x38a: {  	[bflag:$0x3] =	sbarrier.arrive $0xFFFF  }
0x38b: {  	_ =	shalt  }

</sc_bundles>
